<compile_context>
chip_gen: v7x
topology: tpu7x:2x2x1
jax: 0.10.2.dev20260603
libtpu: 0.0.44.dev20260713+nightly
codegen_flags: <defaults>
</compile_context>

<pallas_src>
import functools

import jax
import jax.numpy as jnp
from jax import lax
from jax.experimental import pallas as pl
from jax.experimental.pallas import tpu as pltpu
from jax.experimental.pallas import tpu_sc as plsc

_N = 10000
_E = 320000
_H = 128
_NCORES = 2
_NSUB = 16
_NW = _NCORES * _NSUB
_CHUNK = 104
_EPW = _E // _NW
_NCHW = 96
_TAILE = _EPW - _NCHW * _CHUNK
_RPT = 624

_mesh = plsc.VectorSubcoreMesh(core_axis_name="c", subcore_axis_name="s")


def _zero_fill(ref, nrows, width):
  z = jnp.zeros((16,), jnp.float32)

  def row(i, carry):
    for jj in range(width // 16):
      ref[i, pl.ds(jj * 16, 16)] = z
    return carry

  lax.fori_loop(jnp.int32(0), jnp.int32(nrows), row, 0)


def _stripe_copy_out(sh_ref, buf_ref, out_ref, c, s, base):
  for k in range(6):
    pltpu.sync_copy(sh_ref.at[pl.ds(base + k * _CHUNK, _CHUNK)], buf_ref)
    pltpu.sync_copy(buf_ref, out_ref.at[c, pl.ds(base + k * _CHUNK, _CHUNK)])

  @pl.when(s == _NSUB - 1)
  def _():
    pltpu.sync_copy(sh_ref.at[pl.ds(_NSUB * _RPT, 16)], buf_ref.at[pl.ds(0, 16)])
    pltpu.sync_copy(buf_ref.at[pl.ds(0, 16)],
                    out_ref.at[c, pl.ds(_NSUB * _RPT, 16)])


def _stripe_zero(sh_ref, zbuf_ref, s, base):
  for k in range(6):
    pltpu.sync_copy(zbuf_ref, sh_ref.at[pl.ds(base + k * _CHUNK, _CHUNK)])

  @pl.when(s == _NSUB - 1)
  def _():
    pltpu.sync_copy(zbuf_ref.at[pl.ds(0, 16)],
                    sh_ref.at[pl.ds(_NSUB * _RPT, 16)])


_NGRP = _NCHW // 2


def _sc_seg_sum_body(h_hbm, src_hbm, dst_hbm, agg_out, agg_sh,
                     rA, rB, src_all, dst_all,
                     gsemA, gsemB, ssemA, ssemB):
  c = lax.axis_index("c")
  s = lax.axis_index("s")
  w = s * _NCORES + c
  base = s * _RPT

  _zero_fill(rA, _CHUNK, _H)
  _stripe_zero(agg_sh, rA, s, base)
  plsc.subcore_barrier()

  e0 = w * _EPW
  pltpu.sync_copy(src_hbm.at[pl.ds(e0, _NCHW * _CHUNK)], src_all)
  pltpu.sync_copy(dst_hbm.at[pl.ds(e0, _NCHW * _CHUNK)], dst_all)

  def gather(rows, k, gsem):
    pltpu.async_copy(h_hbm.at[src_all.at[pl.ds(k * _CHUNK, _CHUNK)]],
                     rows, gsem)

  def scatter(rows, k, ssem):
    pltpu.async_copy(rows, agg_sh.at[dst_all.at[pl.ds(k * _CHUNK, _CHUNK)]],
                     ssem, add=True)

  def drain(rows, sem):
    pltpu.make_async_copy(h_hbm.at[pl.ds(0, _CHUNK)], rows, sem).wait()

  gather(rA, jnp.int32(0), gsemA)

  def step(t, carry):
    k = jnp.int32(2) * t
    drain(rA, gsemA)
    scatter(rA, k, ssemA)

    @pl.when(t > 0)
    def _():
      drain(rB, ssemB)

    gather(rB, k + 1, gsemB)
    drain(rB, gsemB)
    scatter(rB, k + 1, ssemB)
    drain(rA, ssemA)

    @pl.when(t < _NGRP - 1)
    def _():
      gather(rA, k + 2, gsemA)

    return carry

  lax.fori_loop(jnp.int32(0), jnp.int32(_NGRP), step, 0)
  drain(rB, ssemB)

  pltpu.sync_copy(src_hbm.at[pl.ds(e0 + _NCHW * _CHUNK, _TAILE)],
                  src_all.at[pl.ds(0, _TAILE)])
  pltpu.sync_copy(dst_hbm.at[pl.ds(e0 + _NCHW * _CHUNK, _TAILE)],
                  dst_all.at[pl.ds(0, _TAILE)])
  pltpu.async_copy(h_hbm.at[src_all.at[pl.ds(0, _TAILE)]],
                   rA.at[pl.ds(0, _TAILE)], gsemA).wait()
  pltpu.sync_copy(rA.at[pl.ds(0, _TAILE)],
                  agg_sh.at[dst_all.at[pl.ds(0, _TAILE)]], add=True)

  plsc.subcore_barrier()
  _stripe_copy_out(agg_sh, rA, agg_out, c, s, base)


_sc_seg_sum = pl.kernel(
    _sc_seg_sum_body,
    out_type=jax.ShapeDtypeStruct((_NCORES, _N, _H), jnp.float32),
    mesh=_mesh,
    scratch_types=(
        [pltpu.VMEM_SHARED((_N, _H), jnp.float32)]
        + [pltpu.VMEM((_CHUNK, _H), jnp.float32)] * 2
        + [pltpu.VMEM((_NCHW * _CHUNK,), jnp.int32)] * 2
        + [pltpu.SemaphoreType.DMA] * 4
    ),
)


def _sc_deg_body(dst_hbm, deg_out, hist_v, idx_v):
  c = lax.axis_index("c")
  s = lax.axis_index("s")
  w = s * _NCORES + c
  z = jnp.zeros((16,), jnp.float32)

  def zrow(i, carry):
    hist_v[pl.ds(i * 16, 16)] = z
    return carry

  lax.fori_loop(jnp.int32(0), jnp.int32(_N // 16), zrow, 0)
  pltpu.sync_copy(dst_hbm.at[pl.ds(w * _EPW, _EPW)], idx_v)
  ones = jnp.ones((16,), jnp.float32)

  def step(i, carry):
    iv = idx_v[pl.ds(i * 16, 16)]
    plsc.addupdate_scatter(hist_v, [iv], ones)
    return carry

  lax.fori_loop(jnp.int32(0), jnp.int32(_EPW // 16), step, 0)
  pltpu.sync_copy(hist_v, deg_out.at[c, s])


_sc_deg = pl.kernel(
    _sc_deg_body,
    compiler_params=pltpu.CompilerParams(needs_layout_passes=False),
    out_type=jax.ShapeDtypeStruct((_NCORES, _NSUB, _N), jnp.float32),
    mesh=_mesh,
    scratch_types=[
        pltpu.VMEM((_N,), jnp.float32),
        pltpu.VMEM((_EPW,), jnp.int32),
    ],
)


def _dotT(a, b):
  return lax.dot_general(a, b, (((1,), (1,)), ((), ())),
                         preferred_element_type=jnp.float32)


def _mlp_in_body(x_ref, w_ref, b_ref, o_ref):
  o_ref[...] = jnp.maximum(_dotT(x_ref[...], w_ref[...]) + b_ref[...], 0.0)


_mlp_in = pl.pallas_call(
    _mlp_in_body,
    out_shape=jax.ShapeDtypeStruct((_N, _H), jnp.float32),
)


def _layer_body(p_ref, d_ref, h_ref, wl_ref, bl_ref, wr_ref, g_ref, be_ref,
                *rest, resid, head):
  if head:
    w1_ref, b1_ref, w2_ref, b2_ref, o_ref, o8_ref = rest
  else:
    (o_ref,) = rest
  d = jnp.sum(d_ref[...], axis=0, keepdims=True)
  inv = 1.0 / jnp.maximum(d, 1.0)
  invc = lax.transpose(inv, (1, 0))
  mean = (p_ref[0] + p_ref[1]) * invc
  h = h_ref[...]
  z = _dotT(mean, wl_ref[...]) + bl_ref[...] + _dotT(h, wr_ref[...])
  mu = jnp.mean(z, axis=0, keepdims=True)
  zc = z - mu
  var = jnp.mean(zc * zc, axis=0, keepdims=True)
  zn = g_ref[...] * zc * lax.rsqrt(var + 1e-5) + be_ref[...]
  zr = jnp.maximum(zn, 0.0)
  hn = zr + h if resid else zr
  o_ref[...] = hn
  if head:
    a = jnp.maximum(_dotT(hn, w1_ref[...]) + b1_ref[...], 0.0)
    o8_ref[...] = _dotT(a, w2_ref[...]) + b2_ref[...]


_layer_fns = [
    pl.pallas_call(
        functools.partial(_layer_body, resid=(i > 0), head=(i == 2)),
        out_shape=(
            (jax.ShapeDtypeStruct((_N, _H), jnp.float32),
             jax.ShapeDtypeStruct((_N, 8), jnp.float32))
            if i == 2 else jax.ShapeDtypeStruct((_N, _H), jnp.float32)
        ),
    )
    for i in range(3)
]


def kernel(x, edge_index, params):
  src = edge_index[0].astype(jnp.int32)
  dst = edge_index[1].astype(jnp.int32)
  x = x.astype(jnp.float32)

  deg_p = _sc_deg(dst).reshape(_NW, _N)

  in_b = params['in_b'].reshape(1, _H).astype(jnp.float32)
  h = _mlp_in(x, params['in_w'], in_b)
  w2 = jnp.zeros((8, 64), jnp.float32).at[:2].set(params['fc2_w'])
  b2 = jnp.zeros((1, 8), jnp.float32).at[0, :2].set(params['fc2_b'])

  out8 = None
  for i in range(3):
    cp = params['convs'][i]
    bp = params['bns'][i]
    agg_p = _sc_seg_sum(h, src, dst)
    args = [agg_p, deg_p, h,
            cp['lin_l_w'], cp['lin_l_b'].reshape(1, _H),
            cp['lin_r_w'],
            bp['gamma'].reshape(1, _H), bp['beta'].reshape(1, _H)]
    if i == 2:
      args += [params['fc1_w'], params['fc1_b'].reshape(1, 64), w2, b2]
      h, out8 = _layer_fns[i](*args)
    else:
      h = _layer_fns[i](*args)

  return (out8[:, :2], h)

# --- scband reference (transcript-rebuilt; emitter-appended) ---
"""Pipeline reference for scband-graph-sage-31662498906633 (READ-ONLY COPY).

The authoritative reference and input builder live on the scoring server;
editing this copy changes nothing except your own understanding.
"""

import jax
jax.config.update('jax_enable_x64', True)
import jax.numpy as jnp
import numpy as np

N = 10000
E = 320000
D_IN = 128
H = 128
L = 3
NC = 2


def _init_params(key):
    ks = jax.random.split(key, 4 + 4 * L)
    s = 0.02
    params = {
        'in_w': s * jax.random.normal(ks[0], (H, D_IN), dtype=jnp.float32),
        'in_b': jnp.zeros((H,), dtype=jnp.float32),
        'fc1_w': s * jax.random.normal(ks[1], (H // 2, H), dtype=jnp.float32),
        'fc1_b': jnp.zeros((H // 2,), dtype=jnp.float32),
        'fc2_w': s * jax.random.normal(ks[2], (NC, H // 2), dtype=jnp.float32),
        'fc2_b': jnp.zeros((NC,), dtype=jnp.float32),
        'convs': [],
        'bns': [],
    }
    for i in range(L):
        params['convs'].append({
            'lin_l_w': s * jax.random.normal(ks[3 + 4 * i], (H, H), dtype=jnp.float32),
            'lin_l_b': jnp.zeros((H,), dtype=jnp.float32),
            'lin_r_w': s * jax.random.normal(ks[4 + 4 * i], (H, H), dtype=jnp.float32),
        })
        params['bns'].append({
            'gamma': jnp.ones((H,), dtype=jnp.float32),
            'beta': jnp.zeros((H,), dtype=jnp.float32),
        })
    return params


def setup_inputs(seed: int = 0) -> dict:
    key = jax.random.key(seed)
    k_x, k_e, k_p = jax.random.split(key, 3)
    x = jax.random.normal(k_x, (N, D_IN), dtype=jnp.float32)
    edge_index = jax.random.randint(k_e, (2, E), 0, N, dtype=jnp.int64)
    params = _init_params(k_p)
    return {'x': x, 'edge_index': edge_index, 'params': params}


def _sage_conv(h, edge_index, cp):
    src = edge_index[0]
    dst = edge_index[1]
    msg = jnp.take(h, src, axis=0)
    agg = jax.ops.segment_sum(msg, dst, num_segments=N)
    cnt = jax.ops.segment_sum(jnp.ones((E, 1), dtype=h.dtype), dst, num_segments=N)
    mean = agg / jnp.maximum(cnt, 1.0)
    return mean @ cp['lin_l_w'].T + cp['lin_l_b'] + h @ cp['lin_r_w'].T


def _batch_norm(h, bp, eps=1e-5):
    mu = jnp.mean(h, axis=0)
    var = jnp.var(h, axis=0)
    return bp['gamma'] * (h - mu) / jnp.sqrt(var + eps) + bp['beta']


def reference(x, edge_index, params):
    h = jax.nn.relu(x @ params['in_w'].T + params['in_b'])
    # dropout is identity in eval mode
    for i in range(L):
        h_res = h
        h = _sage_conv(h, edge_index, params['convs'][i])
        h = _batch_norm(h, params['bns'][i])
        h = jax.nn.relu(h)
        if i > 0:
            h = h + h_res
    embeddings = h
    out = jax.nn.relu(h @ params['fc1_w'].T + params['fc1_b'])
    out = out @ params['fc2_w'].T + params['fc2_b']
    return (out, embeddings)

if __name__ == "__main__":
    import jax
    _d = setup_inputs()
    print(jax.jit(kernel)(*tuple(_d.values())))

</pallas_src>

<mosaic_0001>
#map = affine_map<(d0, d1) -> (0, 0)>
#map1 = affine_map<(d0, d1) -> (0)>
#map2 = affine_map<(d0, d1) -> (0, 0, 0)>
module attributes {stable_mosaic.version = 14 : i64} {
  func.func @_sc_seg_sum_body(%arg0: i32, %arg1: i32, %arg2: memref<10000x128xf32, #tpu.memory_space<hbm>>, %arg3: memref<320000xi32, #tpu.memory_space<hbm>>, %arg4: memref<320000xi32, #tpu.memory_space<hbm>>, %arg5: memref<2x10000x128xf32, #tpu.memory_space<hbm>>, %arg6: memref<10000x128xf32, #tpu.memory_space<vmem_shared>>, %arg7: memref<104x128xf32, #tpu.memory_space<vmem>>, %arg8: memref<104x128xf32, #tpu.memory_space<vmem>>, %arg9: memref<9984xi32, #tpu.memory_space<vmem>>, %arg10: memref<9984xi32, #tpu.memory_space<vmem>>, %arg11: memref<!tpu.dma_semaphore, #tpu.memory_space<semaphore_mem>>, %arg12: memref<!tpu.dma_semaphore, #tpu.memory_space<semaphore_mem>>, %arg13: memref<!tpu.dma_semaphore, #tpu.memory_space<semaphore_mem>>, %arg14: memref<!tpu.dma_semaphore, #tpu.memory_space<semaphore_mem>>) attributes {dimension_semantics = [#tpu.dimension_semantics<core_parallel>, #tpu.dimension_semantics<subcore_parallel>], iteration_bounds = array<i64: 2, 16>, scalar_prefetch = 0 : i64, scratch_operands = 9 : i64, tpu.core_type = #tpu.core_type<sc_vector_subcore>, window_params = [{transform_indices = #map}, {transform_indices = #map1}, {transform_indices = #map1}, {transform_indices = #map2}]} {
    %mul3A = arith.constant 2 : i32
    %mul3A_0 = arith.muli %arg1, %mul3A : i32
    %add3A = arith.addi %mul3A_0, %arg0 : i32
    %mul3A_1 = arith.constant 624 : i32
    %mul3A_2 = arith.muli %arg1, %mul3A_1 : i32
    %broadcast_in_dim3A = arith.constant 0.000000e+00 : f32
    %broadcast_in_dim3A_3 = vector.broadcast %broadcast_in_dim3A : f32 to vector<16xf32>
    %while3A = arith.constant 0 : i64
    %while3A_4 = arith.constant 0 : i32
    %while3A_5 = arith.constant 104 : i32
    %while3A_6 = arith.subi %while3A_5, %while3A_4 : i32
    %while3A_7 = arith.addi %while3A_4, %while3A_6 : i32
    %while3A_8 = arith.constant 1 : i32
    %while3A_9 = arith.divsi %while3A_6, %while3A_8 : i32
    %while3A_10 = arith.muli %while3A_9, %while3A_8 : i32
    %while3A_11 = arith.addi %while3A_4, %while3A_10 : i32
    %while3A_12 = arith.constant 1 : i32
    scf.for %while3A_102 = %while3A_4 to %while3A_11 step %while3A_12  : i32 {
      %swap3A = arith.index_cast %while3A_102 : i32 to index
      %swap3A_103 = arith.constant 0 : index
      %swap3A_104 = tpu.vector_load %arg7[%swap3A, %swap3A_103] {strides = array<i32>} : memref<104x128xf32, #tpu.memory_space<vmem>>, vector<1x16xf32>,
      %swap3A_105 = vector.shape_cast %swap3A_104 : vector<1x16xf32> to vector<16xf32>
      %swap3A_106 = vector.shape_cast %broadcast_in_dim3A_3 : vector<16xf32> to vector<1x16xf32>
      tpu.vector_store %arg7[%swap3A, %swap3A_103], %swap3A_106 {strides = array<i32>} : memref<104x128xf32, #tpu.memory_space<vmem>>, vector<1x16xf32>,
      %swap3A_107 = arith.index_cast %while3A_102 : i32 to index
      %swap3A_108 = arith.constant 16 : index
      %swap3A_109 = tpu.vector_load %arg7[%swap3A_107, %swap3A_108] {strides = array<i32>} : memref<104x128xf32, #tpu.memory_space<vmem>>, vector<1x16xf32>,
      %swap3A_110 = vector.shape_cast %swap3A_109 : vector<1x16xf32> to vector<16xf32>
      %swap3A_111 = vector.shape_cast %broadcast_in_dim3A_3 : vector<16xf32> to vector<1x16xf32>
      tpu.vector_store %arg7[%swap3A_107, %swap3A_108], %swap3A_111 {strides = array<i32>} : memref<104x128xf32, #tpu.memory_space<vmem>>, vector<1x16xf32>,
      %swap3A_112 = arith.index_cast %while3A_102 : i32 to index
      %swap3A_113 = arith.constant 32 : index
      %swap3A_114 = tpu.vector_load %arg7[%swap3A_112, %swap3A_113] {strides = array<i32>} : memref<104x128xf32, #tpu.memory_space<vmem>>, vector<1x16xf32>,
      %swap3A_115 = vector.shape_cast %swap3A_114 : vector<1x16xf32> to vector<16xf32>
      %swap3A_116 = vector.shape_cast %broadcast_in_dim3A_3 : vector<16xf32> to vector<1x16xf32>
      tpu.vector_store %arg7[%swap3A_112, %swap3A_113], %swap3A_116 {strides = array<i32>} : memref<104x128xf32, #tpu.memory_space<vmem>>, vector<1x16xf32>,
      %swap3A_117 = arith.index_cast %while3A_102 : i32 to index
      %swap3A_118 = arith.constant 48 : index
      %swap3A_119 = tpu.vector_load %arg7[%swap3A_117, %swap3A_118] {strides = array<i32>} : memref<104x128xf32, #tpu.memory_space<vmem>>, vector<1x16xf32>,
      %swap3A_120 = vector.shape_cast %swap3A_119 : vector<1x16xf32> to vector<16xf32>
      %swap3A_121 = vector.shape_cast %broadcast_in_dim3A_3 : vector<16xf32> to vector<1x16xf32>
      tpu.vector_store %arg7[%swap3A_117, %swap3A_118], %swap3A_121 {strides = array<i32>} : memref<104x128xf32, #tpu.memory_space<vmem>>, vector<1x16xf32>,
      %swap3A_122 = arith.index_cast %while3A_102 : i32 to index
      %swap3A_123 = arith.constant 64 : index
      %swap3A_124 = tpu.vector_load %arg7[%swap3A_122, %swap3A_123] {strides = array<i32>} : memref<104x128xf32, #tpu.memory_space<vmem>>, vector<1x16xf32>,
      %swap3A_125 = vector.shape_cast %swap3A_124 : vector<1x16xf32> to vector<16xf32>
      %swap3A_126 = vector.shape_cast %broadcast_in_dim3A_3 : vector<16xf32> to vector<1x16xf32>
      tpu.vector_store %arg7[%swap3A_122, %swap3A_123], %swap3A_126 {strides = array<i32>} : memref<104x128xf32, #tpu.memory_space<vmem>>, vector<1x16xf32>,
      %swap3A_127 = arith.index_cast %while3A_102 : i32 to index
      %swap3A_128 = arith.constant 80 : index
      %swap3A_129 = tpu.vector_load %arg7[%swap3A_127, %swap3A_128] {strides = array<i32>} : memref<104x128xf32, #tpu.memory_space<vmem>>, vector<1x16xf32>,
      %swap3A_130 = vector.shape_cast %swap3A_129 : vector<1x16xf32> to vector<16xf32>
      %swap3A_131 = vector.shape_cast %broadcast_in_dim3A_3 : vector<16xf32> to vector<1x16xf32>
      tpu.vector_store %arg7[%swap3A_127, %swap3A_128], %swap3A_131 {strides = array<i32>} : memref<104x128xf32, #tpu.memory_space<vmem>>, vector<1x16xf32>,
      %swap3A_132 = arith.index_cast %while3A_102 : i32 to index
      %swap3A_133 = arith.constant 96 : index
      %swap3A_134 = tpu.vector_load %arg7[%swap3A_132, %swap3A_133] {strides = array<i32>} : memref<104x128xf32, #tpu.memory_space<vmem>>, vector<1x16xf32>,
      %swap3A_135 = vector.shape_cast %swap3A_134 : vector<1x16xf32> to vector<16xf32>
      %swap3A_136 = vector.shape_cast %broadcast_in_dim3A_3 : vector<16xf32> to vector<1x16xf32>
      tpu.vector_store %arg7[%swap3A_132, %swap3A_133], %swap3A_136 {strides = array<i32>} : memref<104x128xf32, #tpu.memory_space<vmem>>, vector<1x16xf32>,
      %swap3A_137 = arith.index_cast %while3A_102 : i32 to index
      %swap3A_138 = arith.constant 112 : index
      %swap3A_139 = tpu.vector_load %arg7[%swap3A_137, %swap3A_138] {strides = array<i32>} : memref<104x128xf32, #tpu.memory_space<vmem>>, vector<1x16xf32>,
      %swap3A_140 = vector.shape_cast %swap3A_139 : vector<1x16xf32> to vector<16xf32>
      %swap3A_141 = vector.shape_cast %broadcast_in_dim3A_3 : vector<16xf32> to vector<1x16xf32>
      tpu.vector_store %arg7[%swap3A_137, %swap3A_138], %swap3A_141 {strides = array<i32>} : memref<104x128xf32, #tpu.memory_space<vmem>>, vector<1x16xf32>,
    }
    %while3A_13 = arith.constant 1 : i32
    scf.for %while3A_102 = %while3A_11 to %while3A_7 step %while3A_13  : i32 {
      %swap3A = arith.index_cast %while3A_102 : i32 to index
      %swap3A_103 = arith.constant 0 : index
      %swap3A_104 = tpu.vector_load %arg7[%swap3A, %swap3A_103] {strides = array<i32>} : memref<104x128xf32, #tpu.memory_space<vmem>>, vector<1x16xf32>,
      %swap3A_105 = vector.shape_cast %swap3A_104 : vector<1x16xf32> to vector<16xf32>
      %swap3A_106 = vector.shape_cast %broadcast_in_dim3A_3 : vector<16xf32> to vector<1x16xf32>
      tpu.vector_store %arg7[%swap3A, %swap3A_103], %swap3A_106 {strides = array<i32>} : memref<104x128xf32, #tpu.memory_space<vmem>>, vector<1x16xf32>,
      %swap3A_107 = arith.index_cast %while3A_102 : i32 to index
      %swap3A_108 = arith.constant 16 : index
      %swap3A_109 = tpu.vector_load %arg7[%swap3A_107, %swap3A_108] {strides = array<i32>} : memref<104x128xf32, #tpu.memory_space<vmem>>, vector<1x16xf32>,
      %swap3A_110 = vector.shape_cast %swap3A_109 : vector<1x16xf32> to vector<16xf32>
      %swap3A_111 = vector.shape_cast %broadcast_in_dim3A_3 : vector<16xf32> to vector<1x16xf32>
      tpu.vector_store %arg7[%swap3A_107, %swap3A_108], %swap3A_111 {strides = array<i32>} : memref<104x128xf32, #tpu.memory_space<vmem>>, vector<1x16xf32>,
      %swap3A_112 = arith.index_cast %while3A_102 : i32 to index
      %swap3A_113 = arith.constant 32 : index
      %swap3A_114 = tpu.vector_load %arg7[%swap3A_112, %swap3A_113] {strides = array<i32>} : memref<104x128xf32, #tpu.memory_space<vmem>>, vector<1x16xf32>,
      %swap3A_115 = vector.shape_cast %swap3A_114 : vector<1x16xf32> to vector<16xf32>
      %swap3A_116 = vector.shape_cast %broadcast_in_dim3A_3 : vector<16xf32> to vector<1x16xf32>
      tpu.vector_store %arg7[%swap3A_112, %swap3A_113], %swap3A_116 {strides = array<i32>} : memref<104x128xf32, #tpu.memory_space<vmem>>, vector<1x16xf32>,
      %swap3A_117 = arith.index_cast %while3A_102 : i32 to index
      %swap3A_118 = arith.constant 48 : index
      %swap3A_119 = tpu.vector_load %arg7[%swap3A_117, %swap3A_118] {strides = array<i32>} : memref<104x128xf32, #tpu.memory_space<vmem>>, vector<1x16xf32>,
      %swap3A_120 = vector.shape_cast %swap3A_119 : vector<1x16xf32> to vector<16xf32>
      %swap3A_121 = vector.shape_cast %broadcast_in_dim3A_3 : vector<16xf32> to vector<1x16xf32>
      tpu.vector_store %arg7[%swap3A_117, %swap3A_118], %swap3A_121 {strides = array<i32>} : memref<104x128xf32, #tpu.memory_space<vmem>>, vector<1x16xf32>,
      %swap3A_122 = arith.index_cast %while3A_102 : i32 to index
      %swap3A_123 = arith.constant 64 : index
      %swap3A_124 = tpu.vector_load %arg7[%swap3A_122, %swap3A_123] {strides = array<i32>} : memref<104x128xf32, #tpu.memory_space<vmem>>, vector<1x16xf32>,
      %swap3A_125 = vector.shape_cast %swap3A_124 : vector<1x16xf32> to vector<16xf32>
      %swap3A_126 = vector.shape_cast %broadcast_in_dim3A_3 : vector<16xf32> to vector<1x16xf32>
      tpu.vector_store %arg7[%swap3A_122, %swap3A_123], %swap3A_126 {strides = array<i32>} : memref<104x128xf32, #tpu.memory_space<vmem>>, vector<1x16xf32>,
      %swap3A_127 = arith.index_cast %while3A_102 : i32 to index
      %swap3A_128 = arith.constant 80 : index
      %swap3A_129 = tpu.vector_load %arg7[%swap3A_127, %swap3A_128] {strides = array<i32>} : memref<104x128xf32, #tpu.memory_space<vmem>>, vector<1x16xf32>,
      %swap3A_130 = vector.shape_cast %swap3A_129 : vector<1x16xf32> to vector<16xf32>
      %swap3A_131 = vector.shape_cast %broadcast_in_dim3A_3 : vector<16xf32> to vector<1x16xf32>
      tpu.vector_store %arg7[%swap3A_127, %swap3A_128], %swap3A_131 {strides = array<i32>} : memref<104x128xf32, #tpu.memory_space<vmem>>, vector<1x16xf32>,
      %swap3A_132 = arith.index_cast %while3A_102 : i32 to index
      %swap3A_133 = arith.constant 96 : index
      %swap3A_134 = tpu.vector_load %arg7[%swap3A_132, %swap3A_133] {strides = array<i32>} : memref<104x128xf32, #tpu.memory_space<vmem>>, vector<1x16xf32>,
      %swap3A_135 = vector.shape_cast %swap3A_134 : vector<1x16xf32> to vector<16xf32>
      %swap3A_136 = vector.shape_cast %broadcast_in_dim3A_3 : vector<16xf32> to vector<1x16xf32>
      tpu.vector_store %arg7[%swap3A_132, %swap3A_133], %swap3A_136 {strides = array<i32>} : memref<104x128xf32, #tpu.memory_space<vmem>>, vector<1x16xf32>,
      %swap3A_137 = arith.index_cast %while3A_102 : i32 to index
      %swap3A_138 = arith.constant 112 : index
      %swap3A_139 = tpu.vector_load %arg7[%swap3A_137, %swap3A_138] {strides = array<i32>} : memref<104x128xf32, #tpu.memory_space<vmem>>, vector<1x16xf32>,
      %swap3A_140 = vector.shape_cast %swap3A_139 : vector<1x16xf32> to vector<16xf32>
      %swap3A_141 = vector.shape_cast %broadcast_in_dim3A_3 : vector<16xf32> to vector<1x16xf32>
      tpu.vector_store %arg7[%swap3A_137, %swap3A_138], %swap3A_141 {strides = array<i32>} : memref<104x128xf32, #tpu.memory_space<vmem>>, vector<1x16xf32>,
    }
    %add3A_14 = arith.constant 0 : i32
    %add3A_15 = arith.addi %mul3A_2, %add3A_14 : i32
    "tpu.region"() ({
      %run_scoped3A = tpu.sem_alloc : memref<!tpu.dma_semaphore, #tpu.memory_space<semaphore_mem>>
      %dma_start3A_102 = arith.constant 0 : i32
      %dma_start3A_103 = tpu.memref_slice %arg6[%add3A_15, %dma_start3A_102] : memref<10000x128xf32, #tpu.memory_space<vmem_shared>> -> memref<104x128xf32, #tpu.memory_space<vmem_shared>>
      %dma_start3A_104 = arith.constant 0 : i32
      %dma_start3A_105 = tpu.memref_slice %arg6[%add3A_15, %dma_start3A_104] : memref<10000x128xf32, #tpu.memory_space<vmem_shared>> -> memref<104x128xf32, #tpu.memory_space<vmem_shared>>
      tpu.enqueue_dma source(%arg7 : memref<104x128xf32, #tpu.memory_space<vmem>>) target(%dma_start3A_105 : memref<104x128xf32, #tpu.memory_space<vmem_shared>>) target_semaphore(%run_scoped3A : memref<!tpu.dma_semaphore, #tpu.memory_space<semaphore_mem>>)
      %dma_wait3A_106 = arith.constant 0 : i32
      %dma_wait3A_107 = tpu.memref_slice %arg6[%add3A_15, %dma_wait3A_106] : memref<10000x128xf32, #tpu.memory_space<vmem_shared>> -> memref<104x128xf32, #tpu.memory_space<vmem_shared>>
      %dma_wait3A_108 = arith.constant 0 : i32
      %dma_wait3A_109 = tpu.memref_slice %arg6[%add3A_15, %dma_wait3A_108] : memref<10000x128xf32, #tpu.memory_space<vmem_shared>> -> memref<104x128xf32, #tpu.memory_space<vmem_shared>>
      tpu.wait_dma2 semaphore(%run_scoped3A : memref<!tpu.dma_semaphore, #tpu.memory_space<semaphore_mem>>) src(%arg7 : memref<104x128xf32, #tpu.memory_space<vmem>>) dst(%dma_wait3A_109 : memref<104x128xf32, #tpu.memory_space<vmem_shared>>)
      tpu.yield
    }) : () -> ()
    %add3A_16 = arith.constant 104 : i32
    %add3A_17 = arith.addi %mul3A_2, %add3A_16 : i32
    "tpu.region"() ({
      %run_scoped3A = tpu.sem_alloc : memref<!tpu.dma_semaphore, #tpu.memory_space<semaphore_mem>>
      %dma_start3A_102 = arith.constant 0 : i32
      %dma_start3A_103 = tpu.memref_slice %arg6[%add3A_17, %dma_start3A_102] : memref<10000x128xf32, #tpu.memory_space<vmem_shared>> -> memref<104x128xf32, #tpu.memory_space<vmem_shared>>
      %dma_start3A_104 = arith.constant 0 : i32
      %dma_start3A_105 = tpu.memref_slice %arg6[%add3A_17, %dma_start3A_104] : memref<10000x128xf32, #tpu.memory_space<vmem_shared>> -> memref<104x128xf32, #tpu.memory_space<vmem_shared>>
      tpu.enqueue_dma source(%arg7 : memref<104x128xf32, #tpu.memory_space<vmem>>) target(%dma_start3A_105 : memref<104x128xf32, #tpu.memory_space<vmem_shared>>) target_semaphore(%run_scoped3A : memref<!tpu.dma_semaphore, #tpu.memory_space<semaphore_mem>>)
      %dma_wait3A_106 = arith.constant 0 : i32
      %dma_wait3A_107 = tpu.memref_slice %arg6[%add3A_17, %dma_wait3A_106] : memref<10000x128xf32, #tpu.memory_space<vmem_shared>> -> memref<104x128xf32, #tpu.memory_space<vmem_shared>>
      %dma_wait3A_108 = arith.constant 0 : i32
      %dma_wait3A_109 = tpu.memref_slice %arg6[%add3A_17, %dma_wait3A_108] : memref<10000x128xf32, #tpu.memory_space<vmem_shared>> -> memref<104x128xf32, #tpu.memory_space<vmem_shared>>
      tpu.wait_dma2 semaphore(%run_scoped3A : memref<!tpu.dma_semaphore, #tpu.memory_space<semaphore_mem>>) src(%arg7 : memref<104x128xf32, #tpu.memory_space<vmem>>) dst(%dma_wait3A_109 : memref<104x128xf32, #tpu.memory_space<vmem_shared>>)
      tpu.yield
    }) : () -> ()
    %add3A_18 = arith.constant 208 : i32
    %add3A_19 = arith.addi %mul3A_2, %add3A_18 : i32
    "tpu.region"() ({
      %run_scoped3A = tpu.sem_alloc : memref<!tpu.dma_semaphore, #tpu.memory_space<semaphore_mem>>
      %dma_start3A_102 = arith.constant 0 : i32
      %dma_start3A_103 = tpu.memref_slice %arg6[%add3A_19, %dma_start3A_102] : memref<10000x128xf32, #tpu.memory_space<vmem_shared>> -> memref<104x128xf32, #tpu.memory_space<vmem_shared>>
      %dma_start3A_104 = arith.constant 0 : i32
      %dma_start3A_105 = tpu.memref_slice %arg6[%add3A_19, %dma_start3A_104] : memref<10000x128xf32, #tpu.memory_space<vmem_shared>> -> memref<104x128xf32, #tpu.memory_space<vmem_shared>>
      tpu.enqueue_dma source(%arg7 : memref<104x128xf32, #tpu.memory_space<vmem>>) target(%dma_start3A_105 : memref<104x128xf32, #tpu.memory_space<vmem_shared>>) target_semaphore(%run_scoped3A : memref<!tpu.dma_semaphore, #tpu.memory_space<semaphore_mem>>)
      %dma_wait3A_106 = arith.constant 0 : i32
      %dma_wait3A_107 = tpu.memref_slice %arg6[%add3A_19, %dma_wait3A_106] : memref<10000x128xf32, #tpu.memory_space<vmem_shared>> -> memref<104x128xf32, #tpu.memory_space<vmem_shared>>
      %dma_wait3A_108 = arith.constant 0 : i32
      %dma_wait3A_109 = tpu.memref_slice %arg6[%add3A_19, %dma_wait3A_108] : memref<10000x128xf32, #tpu.memory_space<vmem_shared>> -> memref<104x128xf32, #tpu.memory_space<vmem_shared>>
      tpu.wait_dma2 semaphore(%run_scoped3A : memref<!tpu.dma_semaphore, #tpu.memory_space<semaphore_mem>>) src(%arg7 : memref<104x128xf32, #tpu.memory_space<vmem>>) dst(%dma_wait3A_109 : memref<104x128xf32, #tpu.memory_space<vmem_shared>>)
      tpu.yield
    }) : () -> ()
    %add3A_20 = arith.constant 312 : i32
    %add3A_21 = arith.addi %mul3A_2, %add3A_20 : i32
    "tpu.region"() ({
      %run_scoped3A = tpu.sem_alloc : memref<!tpu.dma_semaphore, #tpu.memory_space<semaphore_mem>>
      %dma_start3A_102 = arith.constant 0 : i32
      %dma_start3A_103 = tpu.memref_slice %arg6[%add3A_21, %dma_start3A_102] : memref<10000x128xf32, #tpu.memory_space<vmem_shared>> -> memref<104x128xf32, #tpu.memory_space<vmem_shared>>
      %dma_start3A_104 = arith.constant 0 : i32
      %dma_start3A_105 = tpu.memref_slice %arg6[%add3A_21, %dma_start3A_104] : memref<10000x128xf32, #tpu.memory_space<vmem_shared>> -> memref<104x128xf32, #tpu.memory_space<vmem_shared>>
      tpu.enqueue_dma source(%arg7 : memref<104x128xf32, #tpu.memory_space<vmem>>) target(%dma_start3A_105 : memref<104x128xf32, #tpu.memory_space<vmem_shared>>) target_semaphore(%run_scoped3A : memref<!tpu.dma_semaphore, #tpu.memory_space<semaphore_mem>>)
      %dma_wait3A_106 = arith.constant 0 : i32
      %dma_wait3A_107 = tpu.memref_slice %arg6[%add3A_21, %dma_wait3A_106] : memref<10000x128xf32, #tpu.memory_space<vmem_shared>> -> memref<104x128xf32, #tpu.memory_space<vmem_shared>>
      %dma_wait3A_108 = arith.constant 0 : i32
      %dma_wait3A_109 = tpu.memref_slice %arg6[%add3A_21, %dma_wait3A_108] : memref<10000x128xf32, #tpu.memory_space<vmem_shared>> -> memref<104x128xf32, #tpu.memory_space<vmem_shared>>
      tpu.wait_dma2 semaphore(%run_scoped3A : memref<!tpu.dma_semaphore, #tpu.memory_space<semaphore_mem>>) src(%arg7 : memref<104x128xf32, #tpu.memory_space<vmem>>) dst(%dma_wait3A_109 : memref<104x128xf32, #tpu.memory_space<vmem_shared>>)
      tpu.yield
    }) : () -> ()
    %add3A_22 = arith.constant 416 : i32
    %add3A_23 = arith.addi %mul3A_2, %add3A_22 : i32
    "tpu.region"() ({
      %run_scoped3A = tpu.sem_alloc : memref<!tpu.dma_semaphore, #tpu.memory_space<semaphore_mem>>
      %dma_start3A_102 = arith.constant 0 : i32
      %dma_start3A_103 = tpu.memref_slice %arg6[%add3A_23, %dma_start3A_102] : memref<10000x128xf32, #tpu.memory_space<vmem_shared>> -> memref<104x128xf32, #tpu.memory_space<vmem_shared>>
      %dma_start3A_104 = arith.constant 0 : i32
      %dma_start3A_105 = tpu.memref_slice %arg6[%add3A_23, %dma_start3A_104] : memref<10000x128xf32, #tpu.memory_space<vmem_shared>> -> memref<104x128xf32, #tpu.memory_space<vmem_shared>>
      tpu.enqueue_dma source(%arg7 : memref<104x128xf32, #tpu.memory_space<vmem>>) target(%dma_start3A_105 : memref<104x128xf32, #tpu.memory_space<vmem_shared>>) target_semaphore(%run_scoped3A : memref<!tpu.dma_semaphore, #tpu.memory_space<semaphore_mem>>)
      %dma_wait3A_106 = arith.constant 0 : i32
      %dma_wait3A_107 = tpu.memref_slice %arg6[%add3A_23, %dma_wait3A_106] : memref<10000x128xf32, #tpu.memory_space<vmem_shared>> -> memref<104x128xf32, #tpu.memory_space<vmem_shared>>
      %dma_wait3A_108 = arith.constant 0 : i32
      %dma_wait3A_109 = tpu.memref_slice %arg6[%add3A_23, %dma_wait3A_108] : memref<10000x128xf32, #tpu.memory_space<vmem_shared>> -> memref<104x128xf32, #tpu.memory_space<vmem_shared>>
      tpu.wait_dma2 semaphore(%run_scoped3A : memref<!tpu.dma_semaphore, #tpu.memory_space<semaphore_mem>>) src(%arg7 : memref<104x128xf32, #tpu.memory_space<vmem>>) dst(%dma_wait3A_109 : memref<104x128xf32, #tpu.memory_space<vmem_shared>>)
      tpu.yield
    }) : () -> ()
    %add3A_24 = arith.constant 520 : i32
    %add3A_25 = arith.addi %mul3A_2, %add3A_24 : i32
    "tpu.region"() ({
      %run_scoped3A = tpu.sem_alloc : memref<!tpu.dma_semaphore, #tpu.memory_space<semaphore_mem>>
      %dma_start3A_102 = arith.constant 0 : i32
      %dma_start3A_103 = tpu.memref_slice %arg6[%add3A_25, %dma_start3A_102] : memref<10000x128xf32, #tpu.memory_space<vmem_shared>> -> memref<104x128xf32, #tpu.memory_space<vmem_shared>>
      %dma_start3A_104 = arith.constant 0 : i32
      %dma_start3A_105 = tpu.memref_slice %arg6[%add3A_25, %dma_start3A_104] : memref<10000x128xf32, #tpu.memory_space<vmem_shared>> -> memref<104x128xf32, #tpu.memory_space<vmem_shared>>
      tpu.enqueue_dma source(%arg7 : memref<104x128xf32, #tpu.memory_space<vmem>>) target(%dma_start3A_105 : memref<104x128xf32, #tpu.memory_space<vmem_shared>>) target_semaphore(%run_scoped3A : memref<!tpu.dma_semaphore, #tpu.memory_space<semaphore_mem>>)
      %dma_wait3A_106 = arith.constant 0 : i32
      %dma_wait3A_107 = tpu.memref_slice %arg6[%add3A_25, %dma_wait3A_106] : memref<10000x128xf32, #tpu.memory_space<vmem_shared>> -> memref<104x128xf32, #tpu.memory_space<vmem_shared>>
      %dma_wait3A_108 = arith.constant 0 : i32
      %dma_wait3A_109 = tpu.memref_slice %arg6[%add3A_25, %dma_wait3A_108] : memref<10000x128xf32, #tpu.memory_space<vmem_shared>> -> memref<104x128xf32, #tpu.memory_space<vmem_shared>>
      tpu.wait_dma2 semaphore(%run_scoped3A : memref<!tpu.dma_semaphore, #tpu.memory_space<semaphore_mem>>) src(%arg7 : memref<104x128xf32, #tpu.memory_space<vmem>>) dst(%dma_wait3A_109 : memref<104x128xf32, #tpu.memory_space<vmem_shared>>)
      tpu.yield
    }) : () -> ()
    %eq3A = arith.constant 15 : i32
    %eq3A_26 = arith.cmpi eq, %arg1, %eq3A : i32
    %convert_element_type3A = arith.extui %eq3A_26 : i1 to i32
    %cond3A = arith.constant 0 : i32
    %cond3A_27 = arith.cmpi ne, %convert_element_type3A, %cond3A : i32
    scf.if %cond3A_27 {
      "tpu.region"() ({
        %run_scoped3A = tpu.sem_alloc : memref<!tpu.dma_semaphore, #tpu.memory_space<semaphore_mem>>
        %dma_start3A_102 = arith.constant 0 : i32
        %dma_start3A_103 = arith.constant 0 : i32
        %dma_start3A_104 = tpu.memref_slice %arg7[%dma_start3A_102, %dma_start3A_103] : memref<104x128xf32, #tpu.memory_space<vmem>> -> memref<16x128xf32, #tpu.memory_space<vmem>>
        %dma_start3A_105 = arith.constant 9984 : i32
        %dma_start3A_106 = arith.constant 0 : i32
        %dma_start3A_107 = tpu.memref_slice %arg6[%dma_start3A_105, %dma_start3A_106] : memref<10000x128xf32, #tpu.memory_space<vmem_shared>> -> memref<16x128xf32, #tpu.memory_space<vmem_shared>>
        %dma_start3A_108 = arith.constant 9984 : i32
        %dma_start3A_109 = arith.constant 0 : i32
        %dma_start3A_110 = tpu.memref_slice %arg6[%dma_start3A_108, %dma_start3A_109] : memref<10000x128xf32, #tpu.memory_space<vmem_shared>> -> memref<16x128xf32, #tpu.memory_space<vmem_shared>>
        %dma_start3A_111 = arith.constant 0 : i32
        %dma_start3A_112 = arith.constant 0 : i32
        %dma_start3A_113 = tpu.memref_slice %arg7[%dma_start3A_111, %dma_start3A_112] : memref<104x128xf32, #tpu.memory_space<vmem>> -> memref<16x128xf32, #tpu.memory_space<vmem>>
        tpu.enqueue_dma source(%dma_start3A_113 : memref<16x128xf32, #tpu.memory_space<vmem>>) target(%dma_start3A_110 : memref<16x128xf32, #tpu.memory_space<vmem_shared>>) target_semaphore(%run_scoped3A : memref<!tpu.dma_semaphore, #tpu.memory_space<semaphore_mem>>)
        %dma_wait3A_114 = arith.constant 0 : i32
        %dma_wait3A_115 = arith.constant 0 : i32
        %dma_wait3A_116 = tpu.memref_slice %arg7[%dma_wait3A_114, %dma_wait3A_115] : memref<104x128xf32, #tpu.memory_space<vmem>> -> memref<16x128xf32, #tpu.memory_space<vmem>>
        %dma_wait3A_117 = arith.constant 9984 : i32
        %dma_wait3A_118 = arith.constant 0 : i32
        %dma_wait3A_119 = tpu.memref_slice %arg6[%dma_wait3A_117, %dma_wait3A_118] : memref<10000x128xf32, #tpu.memory_space<vmem_shared>> -> memref<16x128xf32, #tpu.memory_space<vmem_shared>>
        %dma_wait3A_120 = arith.constant 9984 : i32
        %dma_wait3A_121 = arith.constant 0 : i32
        %dma_wait3A_122 = tpu.memref_slice %arg6[%dma_wait3A_120, %dma_wait3A_121] : memref<10000x128xf32, #tpu.memory_space<vmem_shared>> -> memref<16x128xf32, #tpu.memory_space<vmem_shared>>
        %dma_wait3A_123 = arith.constant 0 : i32
        %dma_wait3A_124 = arith.constant 0 : i32
        %dma_wait3A_125 = tpu.memref_slice %arg7[%dma_wait3A_123, %dma_wait3A_124] : memref<104x128xf32, #tpu.memory_space<vmem>> -> memref<16x128xf32, #tpu.memory_space<vmem>>
        tpu.wait_dma2 semaphore(%run_scoped3A : memref<!tpu.dma_semaphore, #tpu.memory_space<semaphore_mem>>) src(%dma_wait3A_125 : memref<16x128xf32, #tpu.memory_space<vmem>>) dst(%dma_wait3A_122 : memref<16x128xf32, #tpu.memory_space<vmem_shared>>)
        tpu.yield
      }) : () -> ()
    } else {
    }
    %barrier3A = arith.constant 0 : index
    tpu.barrier barrier_id(%barrier3A)
    %mul3A_28 = arith.constant 10000 : i32
    %mul3A_29 = arith.muli %add3A, %mul3A_28 : i32
    "tpu.region"() ({
      %run_scoped3A = tpu.sem_alloc : memref<!tpu.dma_semaphore, #tpu.memory_space<semaphore_mem>>
      %dma_start3A_102 = tpu.memref_slice %arg3[%mul3A_29] : memref<320000xi32, #tpu.memory_space<hbm>> -> memref<9984xi32, #tpu.memory_space<hbm>>
      %dma_start3A_103 = tpu.memref_slice %arg3[%mul3A_29] : memref<320000xi32, #tpu.memory_space<hbm>> -> memref<9984xi32, #tpu.memory_space<hbm>>
      tpu.enqueue_dma source(%dma_start3A_103 : memref<9984xi32, #tpu.memory_space<hbm>>) target(%arg9 : memref<9984xi32, #tpu.memory_space<vmem>>) target_semaphore(%run_scoped3A : memref<!tpu.dma_semaphore, #tpu.memory_space<semaphore_mem>>)
      %dma_wait3A_104 = tpu.memref_slice %arg3[%mul3A_29] : memref<320000xi32, #tpu.memory_space<hbm>> -> memref<9984xi32, #tpu.memory_space<hbm>>
      %dma_wait3A_105 = tpu.memref_slice %arg3[%mul3A_29] : memref<320000xi32, #tpu.memory_space<hbm>> -> memref<9984xi32, #tpu.memory_space<hbm>>
      tpu.wait_dma2 semaphore(%run_scoped3A : memref<!tpu.dma_semaphore, #tpu.memory_space<semaphore_mem>>) src(%dma_wait3A_105 : memref<9984xi32, #tpu.memory_space<hbm>>) dst(%arg9 : memref<9984xi32, #tpu.memory_space<vmem>>)
      tpu.yield
    }) : () -> ()
    "tpu.region"() ({
      %run_scoped3A = tpu.sem_alloc : memref<!tpu.dma_semaphore, #tpu.memory_space<semaphore_mem>>
      %dma_start3A_102 = tpu.memref_slice %arg4[%mul3A_29] : memref<320000xi32, #tpu.memory_space<hbm>> -> memref<9984xi32, #tpu.memory_space<hbm>>
      %dma_start3A_103 = tpu.memref_slice %arg4[%mul3A_29] : memref<320000xi32, #tpu.memory_space<hbm>> -> memref<9984xi32, #tpu.memory_space<hbm>>
      tpu.enqueue_dma source(%dma_start3A_103 : memref<9984xi32, #tpu.memory_space<hbm>>) target(%arg10 : memref<9984xi32, #tpu.memory_space<vmem>>) target_semaphore(%run_scoped3A : memref<!tpu.dma_semaphore, #tpu.memory_space<semaphore_mem>>)
      %dma_wait3A_104 = tpu.memref_slice %arg4[%mul3A_29] : memref<320000xi32, #tpu.memory_space<hbm>> -> memref<9984xi32, #tpu.memory_space<hbm>>
      %dma_wait3A_105 = tpu.memref_slice %arg4[%mul3A_29] : memref<320000xi32, #tpu.memory_space<hbm>> -> memref<9984xi32, #tpu.memory_space<hbm>>
      tpu.wait_dma2 semaphore(%run_scoped3A : memref<!tpu.dma_semaphore, #tpu.memory_space<semaphore_mem>>) src(%dma_wait3A_105 : memref<9984xi32, #tpu.memory_space<hbm>>) dst(%arg10 : memref<9984xi32, #tpu.memory_space<vmem>>)
      tpu.yield
    }) : () -> ()
    %mul3A_30 = arith.constant 0 : i32
    %mul3A_31 = arith.constant 104 : i32
    %mul3A_32 = arith.muli %mul3A_30, %mul3A_31 : i32
    %dma_start3A = tpu.memref_slice %arg9[%mul3A_32] : memref<9984xi32, #tpu.memory_space<vmem>> -> memref<104xi32, #tpu.memory_space<vmem>>
    %dma_start3A_33 = arith.constant 0 : i32
    %dma_start3A_34 = arith.constant 0 : i32
    %dma_start3A_35 = tpu.memref_slice %arg2[%dma_start3A_33, %dma_start3A_34] : memref<10000x128xf32, #tpu.memory_space<hbm>> -> memref<10000x128xf32, #tpu.memory_space<hbm>>
    tpu.enqueue_indirect_dma source(%dma_start3A_35 : memref<10000x128xf32, #tpu.memory_space<hbm>>) target(%arg7 : memref<104x128xf32, #tpu.memory_space<vmem>>) offsets(%dma_start3A : memref<104xi32, #tpu.memory_space<vmem>>) semaphore(%arg11 : memref<!tpu.dma_semaphore, #tpu.memory_space<semaphore_mem>>)
    %while3A_36 = arith.constant 0 : i64
    %while3A_37 = arith.constant 0 : i32
    %while3A_38 = arith.constant 48 : i32
    %while3A_39 = arith.subi %while3A_38, %while3A_37 : i32
    %while3A_40 = arith.addi %while3A_37, %while3A_39 : i32
    %while3A_41 = arith.constant 1 : i32
    %while3A_42 = arith.divsi %while3A_39, %while3A_41 : i32
    %while3A_43 = arith.muli %while3A_42, %while3A_41 : i32
    %while3A_44 = arith.addi %while3A_37, %while3A_43 : i32
    %while3A_45 = arith.constant 1 : i32
    scf.for %while3A_102 = %while3A_37 to %while3A_44 step %while3A_45  : i32 {
      %mul3A_103 = arith.constant 2 : i32
      %mul3A_104 = arith.muli %mul3A_103, %while3A_102 : i32
      %dma_wait3A_105 = arith.constant 0 : i32
      %dma_wait3A_106 = arith.constant 0 : i32
      %dma_wait3A_107 = tpu.memref_slice %arg2[%dma_wait3A_105, %dma_wait3A_106] : memref<10000x128xf32, #tpu.memory_space<hbm>> -> memref<104x128xf32, #tpu.memory_space<hbm>>
      %dma_wait3A_108 = arith.constant 0 : i32
      %dma_wait3A_109 = arith.constant 0 : i32
      %dma_wait3A_110 = tpu.memref_slice %arg2[%dma_wait3A_108, %dma_wait3A_109] : memref<10000x128xf32, #tpu.memory_space<hbm>> -> memref<104x128xf32, #tpu.memory_space<hbm>>
      tpu.wait_dma2 semaphore(%arg11 : memref<!tpu.dma_semaphore, #tpu.memory_space<semaphore_mem>>) src(%dma_wait3A_110 : memref<104x128xf32, #tpu.memory_space<hbm>>) dst(%arg7 : memref<104x128xf32, #tpu.memory_space<vmem>>)
      %mul3A_111 = arith.constant 104 : i32
      %mul3A_112 = arith.muli %mul3A_104, %mul3A_111 : i32
      %dma_start3A_113 = tpu.memref_slice %arg10[%mul3A_112] : memref<9984xi32, #tpu.memory_space<vmem>> -> memref<104xi32, #tpu.memory_space<vmem>>
      %dma_start3A_114 = arith.constant 0 : i32
      %dma_start3A_115 = arith.constant 0 : i32
      %dma_start3A_116 = tpu.memref_slice %arg6[%dma_start3A_114, %dma_start3A_115] : memref<10000x128xf32, #tpu.memory_space<vmem_shared>> -> memref<10000x128xf32, #tpu.memory_space<vmem_shared>>
      tpu.enqueue_indirect_dma source(%arg7 : memref<104x128xf32, #tpu.memory_space<vmem>>) target(%dma_start3A_116 : memref<10000x128xf32, #tpu.memory_space<vmem_shared>>) offsets(%dma_start3A_113 : memref<104xi32, #tpu.memory_space<vmem>>) semaphore(%arg13 : memref<!tpu.dma_semaphore, #tpu.memory_space<semaphore_mem>>) {add = true}
      %gt3A = arith.constant 0 : i32
      %gt3A_117 = arith.cmpi sgt, %while3A_102, %gt3A : i32
      %convert_element_type3A_118 = arith.extui %gt3A_117 : i1 to i32
      %cond3A_119 = arith.constant 0 : i32
      %cond3A_120 = arith.cmpi ne, %convert_element_type3A_118, %cond3A_119 : i32
      scf.if %cond3A_120 {
        %dma_wait3A_153 = arith.constant 0 : i32
        %dma_wait3A_154 = arith.constant 0 : i32
        %dma_wait3A_155 = tpu.memref_slice %arg2[%dma_wait3A_153, %dma_wait3A_154] : memref<10000x128xf32, #tpu.memory_space<hbm>> -> memref<104x128xf32, #tpu.memory_space<hbm>>
        %dma_wait3A_156 = arith.constant 0 : i32
        %dma_wait3A_157 = arith.constant 0 : i32
        %dma_wait3A_158 = tpu.memref_slice %arg2[%dma_wait3A_156, %dma_wait3A_157] : memref<10000x128xf32, #tpu.memory_space<hbm>> -> memref<104x128xf32, #tpu.memory_space<hbm>>
        tpu.wait_dma2 semaphore(%arg14 : memref<!tpu.dma_semaphore, #tpu.memory_space<semaphore_mem>>) src(%dma_wait3A_158 : memref<104x128xf32, #tpu.memory_space<hbm>>) dst(%arg8 : memref<104x128xf32, #tpu.memory_space<vmem>>)
      } else {
      }
      %add3A_121 = arith.constant 1 : i32
      %add3A_122 = arith.addi %mul3A_104, %add3A_121 : i32
      %mul3A_123 = arith.constant 104 : i32
      %mul3A_124 = arith.muli %add3A_122, %mul3A_123 : i32
      %dma_start3A_125 = tpu.memref_slice %arg9[%mul3A_124] : memref<9984xi32, #tpu.memory_space<vmem>> -> memref<104xi32, #tpu.memory_space<vmem>>
      %dma_start3A_126 = arith.constant 0 : i32
      %dma_start3A_127 = arith.constant 0 : i32
      %dma_start3A_128 = tpu.memref_slice %arg2[%dma_start3A_126, %dma_start3A_127] : memref<10000x128xf32, #tpu.memory_space<hbm>> -> memref<10000x128xf32, #tpu.memory_space<hbm>>
      tpu.enqueue_indirect_dma source(%dma_start3A_128 : memref<10000x128xf32, #tpu.memory_space<hbm>>) target(%arg8 : memref<104x128xf32, #tpu.memory_space<vmem>>) offsets(%dma_start3A_125 : memref<104xi32, #tpu.memory_space<vmem>>) semaphore(%arg12 : memref<!tpu.dma_semaphore, #tpu.memory_space<semaphore_mem>>)
      %dma_wait3A_129 = arith.constant 0 : i32
      %dma_wait3A_130 = arith.constant 0 : i32
      %dma_wait3A_131 = tpu.memref_slice %arg2[%dma_wait3A_129, %dma_wait3A_130] : memref<10000x128xf32, #tpu.memory_space<hbm>> -> memref<104x128xf32, #tpu.memory_space<hbm>>
      %dma_wait3A_132 = arith.constant 0 : i32
      %dma_wait3A_133 = arith.constant 0 : i32
      %dma_wait3A_134 = tpu.memref_slice %arg2[%dma_wait3A_132, %dma_wait3A_133] : memref<10000x128xf32, #tpu.memory_space<hbm>> -> memref<104x128xf32, #tpu.memory_space<hbm>>
      tpu.wait_dma2 semaphore(%arg12 : memref<!tpu.dma_semaphore, #tpu.memory_space<semaphore_mem>>) src(%dma_wait3A_134 : memref<104x128xf32, #tpu.memory_space<hbm>>) dst(%arg8 : memref<104x128xf32, #tpu.memory_space<vmem>>)
      %add3A_135 = arith.constant 1 : i32
      %add3A_136 = arith.addi %mul3A_104, %add3A_135 : i32
      %mul3A_137 = arith.constant 104 : i32
      %mul3A_138 = arith.muli %add3A_136, %mul3A_137 : i32
      %dma_start3A_139 = tpu.memref_slice %arg10[%mul3A_138] : memref<9984xi32, #tpu.memory_space<vmem>> -> memref<104xi32, #tpu.memory_space<vmem>>
      %dma_start3A_140 = arith.constant 0 : i32
      %dma_start3A_141 = arith.constant 0 : i32
      %dma_start3A_142 = tpu.memref_slice %arg6[%dma_start3A_140, %dma_start3A_141] : memref<10000x128xf32, #tpu.memory_space<vmem_shared>> -> memref<10000x128xf32, #tpu.memory_space<vmem_shared>>
      tpu.enqueue_indirect_dma source(%arg8 : memref<104x128xf32, #tpu.memory_space<vmem>>) target(%dma_start3A_142 : memref<10000x128xf32, #tpu.memory_space<vmem_shared>>) offsets(%dma_start3A_139 : memref<104xi32, #tpu.memory_space<vmem>>) semaphore(%arg14 : memref<!tpu.dma_semaphore, #tpu.memory_space<semaphore_mem>>) {add = true}
      %dma_wait3A_143 = arith.constant 0 : i32
      %dma_wait3A_144 = arith.constant 0 : i32
      %dma_wait3A_145 = tpu.memref_slice %arg2[%dma_wait3A_143, %dma_wait3A_144] : memref<10000x128xf32, #tpu.memory_space<hbm>> -> memref<104x128xf32, #tpu.memory_space<hbm>>
      %dma_wait3A_146 = arith.constant 0 : i32
      %dma_wait3A_147 = arith.constant 0 : i32
      %dma_wait3A_148 = tpu.memref_slice %arg2[%dma_wait3A_146, %dma_wait3A_147] : memref<10000x128xf32, #tpu.memory_space<hbm>> -> memref<104x128xf32, #tpu.memory_space<hbm>>
      tpu.wait_dma2 semaphore(%arg13 : memref<!tpu.dma_semaphore, #tpu.memory_space<semaphore_mem>>) src(%dma_wait3A_148 : memref<104x128xf32, #tpu.memory_space<hbm>>) dst(%arg7 : memref<104x128xf32, #tpu.memory_space<vmem>>)
      %lt3A = arith.constant 47 : i32
      %lt3A_149 = arith.cmpi slt, %while3A_102, %lt3A : i32
      %convert_element_type3A_150 = arith.extui %lt3A_149 : i1 to i32
      %cond3A_151 = arith.constant 0 : i32
      %cond3A_152 = arith.cmpi ne, %convert_element_type3A_150, %cond3A_151 : i32
      scf.if %cond3A_152 {
        %add3A_153 = arith.constant 2 : i32
        %add3A_154 = arith.addi %mul3A_104, %add3A_153 : i32
        %mul3A_155 = arith.constant 104 : i32
        %mul3A_156 = arith.muli %add3A_154, %mul3A_155 : i32
        %dma_start3A_157 = tpu.memref_slice %arg9[%mul3A_156] : memref<9984xi32, #tpu.memory_space<vmem>> -> memref<104xi32, #tpu.memory_space<vmem>>
        %dma_start3A_158 = arith.constant 0 : i32
        %dma_start3A_159 = arith.constant 0 : i32
        %dma_start3A_160 = tpu.memref_slice %arg2[%dma_start3A_158, %dma_start3A_159] : memref<10000x128xf32, #tpu.memory_space<hbm>> -> memref<10000x128xf32, #tpu.memory_space<hbm>>
        tpu.enqueue_indirect_dma source(%dma_start3A_160 : memref<10000x128xf32, #tpu.memory_space<hbm>>) target(%arg7 : memref<104x128xf32, #tpu.memory_space<vmem>>) offsets(%dma_start3A_157 : memref<104xi32, #tpu.memory_space<vmem>>) semaphore(%arg11 : memref<!tpu.dma_semaphore, #tpu.memory_space<semaphore_mem>>)
      } else {
      }
    }
    %while3A_46 = arith.constant 1 : i32
    scf.for %while3A_102 = %while3A_44 to %while3A_40 step %while3A_46  : i32 {
      %mul3A_103 = arith.constant 2 : i32
      %mul3A_104 = arith.muli %mul3A_103, %while3A_102 : i32
      %dma_wait3A_105 = arith.constant 0 : i32
      %dma_wait3A_106 = arith.constant 0 : i32
      %dma_wait3A_107 = tpu.memref_slice %arg2[%dma_wait3A_105, %dma_wait3A_106] : memref<10000x128xf32, #tpu.memory_space<hbm>> -> memref<104x128xf32, #tpu.memory_space<hbm>>
      %dma_wait3A_108 = arith.constant 0 : i32
      %dma_wait3A_109 = arith.constant 0 : i32
      %dma_wait3A_110 = tpu.memref_slice %arg2[%dma_wait3A_108, %dma_wait3A_109] : memref<10000x128xf32, #tpu.memory_space<hbm>> -> memref<104x128xf32, #tpu.memory_space<hbm>>
      tpu.wait_dma2 semaphore(%arg11 : memref<!tpu.dma_semaphore, #tpu.memory_space<semaphore_mem>>) src(%dma_wait3A_110 : memref<104x128xf32, #tpu.memory_space<hbm>>) dst(%arg7 : memref<104x128xf32, #tpu.memory_space<vmem>>)
      %mul3A_111 = arith.constant 104 : i32
      %mul3A_112 = arith.muli %mul3A_104, %mul3A_111 : i32
      %dma_start3A_113 = tpu.memref_slice %arg10[%mul3A_112] : memref<9984xi32, #tpu.memory_space<vmem>> -> memref<104xi32, #tpu.memory_space<vmem>>
      %dma_start3A_114 = arith.constant 0 : i32
      %dma_start3A_115 = arith.constant 0 : i32
      %dma_start3A_116 = tpu.memref_slice %arg6[%dma_start3A_114, %dma_start3A_115] : memref<10000x128xf32, #tpu.memory_space<vmem_shared>> -> memref<10000x128xf32, #tpu.memory_space<vmem_shared>>
      tpu.enqueue_indirect_dma source(%arg7 : memref<104x128xf32, #tpu.memory_space<vmem>>) target(%dma_start3A_116 : memref<10000x128xf32, #tpu.memory_space<vmem_shared>>) offsets(%dma_start3A_113 : memref<104xi32, #tpu.memory_space<vmem>>) semaphore(%arg13 : memref<!tpu.dma_semaphore, #tpu.memory_space<semaphore_mem>>) {add = true}
      %gt3A = arith.constant 0 : i32
      %gt3A_117 = arith.cmpi sgt, %while3A_102, %gt3A : i32
      %convert_element_type3A_118 = arith.extui %gt3A_117 : i1 to i32
      %cond3A_119 = arith.constant 0 : i32
      %cond3A_120 = arith.cmpi ne, %convert_element_type3A_118, %cond3A_119 : i32
      scf.if %cond3A_120 {
        %dma_wait3A_153 = arith.constant 0 : i32
        %dma_wait3A_154 = arith.constant 0 : i32
        %dma_wait3A_155 = tpu.memref_slice %arg2[%dma_wait3A_153, %dma_wait3A_154] : memref<10000x128xf32, #tpu.memory_space<hbm>> -> memref<104x128xf32, #tpu.memory_space<hbm>>
        %dma_wait3A_156 = arith.constant 0 : i32
        %dma_wait3A_157 = arith.constant 0 : i32
        %dma_wait3A_158 = tpu.memref_slice %arg2[%dma_wait3A_156, %dma_wait3A_157] : memref<10000x128xf32, #tpu.memory_space<hbm>> -> memref<104x128xf32, #tpu.memory_space<hbm>>
        tpu.wait_dma2 semaphore(%arg14 : memref<!tpu.dma_semaphore, #tpu.memory_space<semaphore_mem>>) src(%dma_wait3A_158 : memref<104x128xf32, #tpu.memory_space<hbm>>) dst(%arg8 : memref<104x128xf32, #tpu.memory_space<vmem>>)
      } else {
      }
      %add3A_121 = arith.constant 1 : i32
      %add3A_122 = arith.addi %mul3A_104, %add3A_121 : i32
      %mul3A_123 = arith.constant 104 : i32
      %mul3A_124 = arith.muli %add3A_122, %mul3A_123 : i32
      %dma_start3A_125 = tpu.memref_slice %arg9[%mul3A_124] : memref<9984xi32, #tpu.memory_space<vmem>> -> memref<104xi32, #tpu.memory_space<vmem>>
      %dma_start3A_126 = arith.constant 0 : i32
      %dma_start3A_127 = arith.constant 0 : i32
      %dma_start3A_128 = tpu.memref_slice %arg2[%dma_start3A_126, %dma_start3A_127] : memref<10000x128xf32, #tpu.memory_space<hbm>> -> memref<10000x128xf32, #tpu.memory_space<hbm>>
      tpu.enqueue_indirect_dma source(%dma_start3A_128 : memref<10000x128xf32, #tpu.memory_space<hbm>>) target(%arg8 : memref<104x128xf32, #tpu.memory_space<vmem>>) offsets(%dma_start3A_125 : memref<104xi32, #tpu.memory_space<vmem>>) semaphore(%arg12 : memref<!tpu.dma_semaphore, #tpu.memory_space<semaphore_mem>>)
      %dma_wait3A_129 = arith.constant 0 : i32
      %dma_wait3A_130 = arith.constant 0 : i32
      %dma_wait3A_131 = tpu.memref_slice %arg2[%dma_wait3A_129, %dma_wait3A_130] : memref<10000x128xf32, #tpu.memory_space<hbm>> -> memref<104x128xf32, #tpu.memory_space<hbm>>
      %dma_wait3A_132 = arith.constant 0 : i32
      %dma_wait3A_133 = arith.constant 0 : i32
      %dma_wait3A_134 = tpu.memref_slice %arg2[%dma_wait3A_132, %dma_wait3A_133] : memref<10000x128xf32, #tpu.memory_space<hbm>> -> memref<104x128xf32, #tpu.memory_space<hbm>>
      tpu.wait_dma2 semaphore(%arg12 : memref<!tpu.dma_semaphore, #tpu.memory_space<semaphore_mem>>) src(%dma_wait3A_134 : memref<104x128xf32, #tpu.memory_space<hbm>>) dst(%arg8 : memref<104x128xf32, #tpu.memory_space<vmem>>)
      %add3A_135 = arith.constant 1 : i32
      %add3A_136 = arith.addi %mul3A_104, %add3A_135 : i32
      %mul3A_137 = arith.constant 104 : i32
      %mul3A_138 = arith.muli %add3A_136, %mul3A_137 : i32
      %dma_start3A_139 = tpu.memref_slice %arg10[%mul3A_138] : memref<9984xi32, #tpu.memory_space<vmem>> -> memref<104xi32, #tpu.memory_space<vmem>>
      %dma_start3A_140 = arith.constant 0 : i32
      %dma_start3A_141 = arith.constant 0 : i32
      %dma_start3A_142 = tpu.memref_slice %arg6[%dma_start3A_140, %dma_start3A_141] : memref<10000x128xf32, #tpu.memory_space<vmem_shared>> -> memref<10000x128xf32, #tpu.memory_space<vmem_shared>>
      tpu.enqueue_indirect_dma source(%arg8 : memref<104x128xf32, #tpu.memory_space<vmem>>) target(%dma_start3A_142 : memref<10000x128xf32, #tpu.memory_space<vmem_shared>>) offsets(%dma_start3A_139 : memref<104xi32, #tpu.memory_space<vmem>>) semaphore(%arg14 : memref<!tpu.dma_semaphore, #tpu.memory_space<semaphore_mem>>) {add = true}
      %dma_wait3A_143 = arith.constant 0 : i32
      %dma_wait3A_144 = arith.constant 0 : i32
      %dma_wait3A_145 = tpu.memref_slice %arg2[%dma_wait3A_143, %dma_wait3A_144] : memref<10000x128xf32, #tpu.memory_space<hbm>> -> memref<104x128xf32, #tpu.memory_space<hbm>>
      %dma_wait3A_146 = arith.constant 0 : i32
      %dma_wait3A_147 = arith.constant 0 : i32
      %dma_wait3A_148 = tpu.memref_slice %arg2[%dma_wait3A_146, %dma_wait3A_147] : memref<10000x128xf32, #tpu.memory_space<hbm>> -> memref<104x128xf32, #tpu.memory_space<hbm>>
      tpu.wait_dma2 semaphore(%arg13 : memref<!tpu.dma_semaphore, #tpu.memory_space<semaphore_mem>>) src(%dma_wait3A_148 : memref<104x128xf32, #tpu.memory_space<hbm>>) dst(%arg7 : memref<104x128xf32, #tpu.memory_space<vmem>>)
      %lt3A = arith.constant 47 : i32
      %lt3A_149 = arith.cmpi slt, %while3A_102, %lt3A : i32
      %convert_element_type3A_150 = arith.extui %lt3A_149 : i1 to i32
      %cond3A_151 = arith.constant 0 : i32
      %cond3A_152 = arith.cmpi ne, %convert_element_type3A_150, %cond3A_151 : i32
      scf.if %cond3A_152 {
        %add3A_153 = arith.constant 2 : i32
        %add3A_154 = arith.addi %mul3A_104, %add3A_153 : i32
        %mul3A_155 = arith.constant 104 : i32
        %mul3A_156 = arith.muli %add3A_154, %mul3A_155 : i32
        %dma_start3A_157 = tpu.memref_slice %arg9[%mul3A_156] : memref<9984xi32, #tpu.memory_space<vmem>> -> memref<104xi32, #tpu.memory_space<vmem>>
        %dma_start3A_158 = arith.constant 0 : i32
        %dma_start3A_159 = arith.constant 0 : i32
        %dma_start3A_160 = tpu.memref_slice %arg2[%dma_start3A_158, %dma_start3A_159] : memref<10000x128xf32, #tpu.memory_space<hbm>> -> memref<10000x128xf32, #tpu.memory_space<hbm>>
        tpu.enqueue_indirect_dma source(%dma_start3A_160 : memref<10000x128xf32, #tpu.memory_space<hbm>>) target(%arg7 : memref<104x128xf32, #tpu.memory_space<vmem>>) offsets(%dma_start3A_157 : memref<104xi32, #tpu.memory_space<vmem>>) semaphore(%arg11 : memref<!tpu.dma_semaphore, #tpu.memory_space<semaphore_mem>>)
      } else {
      }
    }
    %dma_wait3A = arith.constant 0 : i32
    %dma_wait3A_47 = arith.constant 0 : i32
    %dma_wait3A_48 = tpu.memref_slice %arg2[%dma_wait3A, %dma_wait3A_47] : memref<10000x128xf32, #tpu.memory_space<hbm>> -> memref<104x128xf32, #tpu.memory_space<hbm>>
    %dma_wait3A_49 = arith.constant 0 : i32
    %dma_wait3A_50 = arith.constant 0 : i32
    %dma_wait3A_51 = tpu.memref_slice %arg2[%dma_wait3A_49, %dma_wait3A_50] : memref<10000x128xf32, #tpu.memory_space<hbm>> -> memref<104x128xf32, #tpu.memory_space<hbm>>
    tpu.wait_dma2 semaphore(%arg14 : memref<!tpu.dma_semaphore, #tpu.memory_space<semaphore_mem>>) src(%dma_wait3A_51 : memref<104x128xf32, #tpu.memory_space<hbm>>) dst(%arg8 : memref<104x128xf32, #tpu.memory_space<vmem>>)
    %add3A_52 = arith.constant 9984 : i32
    %add3A_53 = arith.addi %mul3A_29, %add3A_52 : i32
    "tpu.region"() ({
      %run_scoped3A = tpu.sem_alloc : memref<!tpu.dma_semaphore, #tpu.memory_space<semaphore_mem>>
      %dma_start3A_102 = arith.constant 0 : i32
      %dma_start3A_103 = tpu.memref_slice %arg9[%dma_start3A_102] : memref<9984xi32, #tpu.memory_space<vmem>> -> memref<16xi32, #tpu.memory_space<vmem>>
      %dma_start3A_104 = tpu.memref_slice %arg3[%add3A_53] : memref<320000xi32, #tpu.memory_space<hbm>> -> memref<16xi32, #tpu.memory_space<hbm>>
      %dma_start3A_105 = arith.constant 0 : i32
      %dma_start3A_106 = tpu.memref_slice %arg9[%dma_start3A_105] : memref<9984xi32, #tpu.memory_space<vmem>> -> memref<16xi32, #tpu.memory_space<vmem>>
      %dma_start3A_107 = tpu.memref_slice %arg3[%add3A_53] : memref<320000xi32, #tpu.memory_space<hbm>> -> memref<16xi32, #tpu.memory_space<hbm>>
      tpu.enqueue_dma source(%dma_start3A_107 : memref<16xi32, #tpu.memory_space<hbm>>) target(%dma_start3A_106 : memref<16xi32, #tpu.memory_space<vmem>>) target_semaphore(%run_scoped3A : memref<!tpu.dma_semaphore, #tpu.memory_space<semaphore_mem>>)
      %dma_wait3A_108 = arith.constant 0 : i32
      %dma_wait3A_109 = tpu.memref_slice %arg9[%dma_wait3A_108] : memref<9984xi32, #tpu.memory_space<vmem>> -> memref<16xi32, #tpu.memory_space<vmem>>
      %dma_wait3A_110 = tpu.memref_slice %arg3[%add3A_53] : memref<320000xi32, #tpu.memory_space<hbm>> -> memref<16xi32, #tpu.memory_space<hbm>>
      %dma_wait3A_111 = arith.constant 0 : i32
      %dma_wait3A_112 = tpu.memref_slice %arg9[%dma_wait3A_111] : memref<9984xi32, #tpu.memory_space<vmem>> -> memref<16xi32, #tpu.memory_space<vmem>>
      %dma_wait3A_113 = tpu.memref_slice %arg3[%add3A_53] : memref<320000xi32, #tpu.memory_space<hbm>> -> memref<16xi32, #tpu.memory_space<hbm>>
      tpu.wait_dma2 semaphore(%run_scoped3A : memref<!tpu.dma_semaphore, #tpu.memory_space<semaphore_mem>>) src(%dma_wait3A_113 : memref<16xi32, #tpu.memory_space<hbm>>) dst(%dma_wait3A_112 : memref<16xi32, #tpu.memory_space<vmem>>)
      tpu.yield
    }) : () -> ()
    %add3A_54 = arith.constant 9984 : i32
    %add3A_55 = arith.addi %mul3A_29, %add3A_54 : i32
    "tpu.region"() ({
      %run_scoped3A = tpu.sem_alloc : memref<!tpu.dma_semaphore, #tpu.memory_space<semaphore_mem>>
      %dma_start3A_102 = arith.constant 0 : i32
      %dma_start3A_103 = tpu.memref_slice %arg10[%dma_start3A_102] : memref<9984xi32, #tpu.memory_space<vmem>> -> memref<16xi32, #tpu.memory_space<vmem>>
      %dma_start3A_104 = tpu.memref_slice %arg4[%add3A_55] : memref<320000xi32, #tpu.memory_space<hbm>> -> memref<16xi32, #tpu.memory_space<hbm>>
      %dma_start3A_105 = arith.constant 0 : i32
      %dma_start3A_106 = tpu.memref_slice %arg10[%dma_start3A_105] : memref<9984xi32, #tpu.memory_space<vmem>> -> memref<16xi32, #tpu.memory_space<vmem>>
      %dma_start3A_107 = tpu.memref_slice %arg4[%add3A_55] : memref<320000xi32, #tpu.memory_space<hbm>> -> memref<16xi32, #tpu.memory_space<hbm>>
      tpu.enqueue_dma source(%dma_start3A_107 : memref<16xi32, #tpu.memory_space<hbm>>) target(%dma_start3A_106 : memref<16xi32, #tpu.memory_space<vmem>>) target_semaphore(%run_scoped3A : memref<!tpu.dma_semaphore, #tpu.memory_space<semaphore_mem>>)
      %dma_wait3A_108 = arith.constant 0 : i32
      %dma_wait3A_109 = tpu.memref_slice %arg10[%dma_wait3A_108] : memref<9984xi32, #tpu.memory_space<vmem>> -> memref<16xi32, #tpu.memory_space<vmem>>
      %dma_wait3A_110 = tpu.memref_slice %arg4[%add3A_55] : memref<320000xi32, #tpu.memory_space<hbm>> -> memref<16xi32, #tpu.memory_space<hbm>>
      %dma_wait3A_111 = arith.constant 0 : i32
      %dma_wait3A_112 = tpu.memref_slice %arg10[%dma_wait3A_111] : memref<9984xi32, #tpu.memory_space<vmem>> -> memref<16xi32, #tpu.memory_space<vmem>>
      %dma_wait3A_113 = tpu.memref_slice %arg4[%add3A_55] : memref<320000xi32, #tpu.memory_space<hbm>> -> memref<16xi32, #tpu.memory_space<hbm>>
      tpu.wait_dma2 semaphore(%run_scoped3A : memref<!tpu.dma_semaphore, #tpu.memory_space<semaphore_mem>>) src(%dma_wait3A_113 : memref<16xi32, #tpu.memory_space<hbm>>) dst(%dma_wait3A_112 : memref<16xi32, #tpu.memory_space<vmem>>)
      tpu.yield
    }) : () -> ()
    %dma_start3A_56 = arith.constant 0 : i32
    %dma_start3A_57 = arith.constant 0 : i32
    %dma_start3A_58 = tpu.memref_slice %arg7[%dma_start3A_56, %dma_start3A_57] : memref<104x128xf32, #tpu.memory_space<vmem>> -> memref<16x128xf32, #tpu.memory_space<vmem>>
    %dma_start3A_59 = arith.constant 0 : i32
    %dma_start3A_60 = tpu.memref_slice %arg9[%dma_start3A_59] : memref<9984xi32, #tpu.memory_space<vmem>> -> memref<16xi32, #tpu.memory_space<vmem>>
    %dma_start3A_61 = arith.constant 0 : i32
    %dma_start3A_62 = arith.constant 0 : i32
    %dma_start3A_63 = tpu.memref_slice %arg2[%dma_start3A_61, %dma_start3A_62] : memref<10000x128xf32, #tpu.memory_space<hbm>> -> memref<10000x128xf32, #tpu.memory_space<hbm>>
    tpu.enqueue_indirect_dma source(%dma_start3A_63 : memref<10000x128xf32, #tpu.memory_space<hbm>>) target(%dma_start3A_58 : memref<16x128xf32, #tpu.memory_space<vmem>>) offsets(%dma_start3A_60 : memref<16xi32, #tpu.memory_space<vmem>>) semaphore(%arg11 : memref<!tpu.dma_semaphore, #tpu.memory_space<semaphore_mem>>)
    %dma_wait3A_64 = arith.constant 0 : i32
    %dma_wait3A_65 = arith.constant 0 : i32
    %dma_wait3A_66 = tpu.memref_slice %arg7[%dma_wait3A_64, %dma_wait3A_65] : memref<104x128xf32, #tpu.memory_space<vmem>> -> memref<16x128xf32, #tpu.memory_space<vmem>>
    %dma_wait3A_67 = arith.constant 0 : i32
    %dma_wait3A_68 = tpu.memref_slice %arg9[%dma_wait3A_67] : memref<9984xi32, #tpu.memory_space<vmem>> -> memref<16xi32, #tpu.memory_space<vmem>>
    %dma_wait3A_69 = arith.constant 0 : i32
    %dma_wait3A_70 = arith.constant 0 : i32
    %dma_wait3A_71 = tpu.memref_slice %arg2[%dma_wait3A_69, %dma_wait3A_70] : memref<10000x128xf32, #tpu.memory_space<hbm>> -> memref<10000x128xf32, #tpu.memory_space<hbm>>
    tpu.wait_indirect_dma semaphore(%arg11 : memref<!tpu.dma_semaphore, #tpu.memory_space<semaphore_mem>>) src(%dma_wait3A_71 : memref<10000x128xf32, #tpu.memory_space<hbm>>) dst(%dma_wait3A_66 : memref<16x128xf32, #tpu.memory_space<vmem>>)
    "tpu.region"() ({
      %run_scoped3A = tpu.sem_alloc : memref<!tpu.dma_semaphore, #tpu.memory_space<semaphore_mem>>
      %dma_start3A_102 = arith.constant 0 : i32
      %dma_start3A_103 = arith.constant 0 : i32
      %dma_start3A_104 = tpu.memref_slice %arg7[%dma_start3A_102, %dma_start3A_103] : memref<104x128xf32, #tpu.memory_space<vmem>> -> memref<16x128xf32, #tpu.memory_space<vmem>>
      %dma_start3A_105 = arith.constant 0 : i32
      %dma_start3A_106 = tpu.memref_slice %arg10[%dma_start3A_105] : memref<9984xi32, #tpu.memory_space<vmem>> -> memref<16xi32, #tpu.memory_space<vmem>>
      %dma_start3A_107 = arith.constant 0 : i32
      %dma_start3A_108 = arith.constant 0 : i32
      %dma_start3A_109 = tpu.memref_slice %arg6[%dma_start3A_107, %dma_start3A_108] : memref<10000x128xf32, #tpu.memory_space<vmem_shared>> -> memref<10000x128xf32, #tpu.memory_space<vmem_shared>>
      tpu.enqueue_indirect_dma source(%dma_start3A_104 : memref<16x128xf32, #tpu.memory_space<vmem>>) target(%dma_start3A_109 : memref<10000x128xf32, #tpu.memory_space<vmem_shared>>) offsets(%dma_start3A_106 : memref<16xi32, #tpu.memory_space<vmem>>) semaphore(%run_scoped3A : memref<!tpu.dma_semaphore, #tpu.memory_space<semaphore_mem>>) {add = true}
      %dma_wait3A_110 = arith.constant 0 : i32
      %dma_wait3A_111 = arith.constant 0 : i32
      %dma_wait3A_112 = tpu.memref_slice %arg7[%dma_wait3A_110, %dma_wait3A_111] : memref<104x128xf32, #tpu.memory_space<vmem>> -> memref<16x128xf32, #tpu.memory_space<vmem>>
      %dma_wait3A_113 = arith.constant 0 : i32
      %dma_wait3A_114 = tpu.memref_slice %arg10[%dma_wait3A_113] : memref<9984xi32, #tpu.memory_space<vmem>> -> memref<16xi32, #tpu.memory_space<vmem>>
      %dma_wait3A_115 = arith.constant 0 : i32
      %dma_wait3A_116 = arith.constant 0 : i32
      %dma_wait3A_117 = tpu.memref_slice %arg6[%dma_wait3A_115, %dma_wait3A_116] : memref<10000x128xf32, #tpu.memory_space<vmem_shared>> -> memref<10000x128xf32, #tpu.memory_space<vmem_shared>>
      tpu.wait_indirect_dma semaphore(%run_scoped3A : memref<!tpu.dma_semaphore, #tpu.memory_space<semaphore_mem>>) src(%dma_wait3A_112 : memref<16x128xf32, #tpu.memory_space<vmem>>) dst(%dma_wait3A_117 : memref<10000x128xf32, #tpu.memory_space<vmem_shared>>)
      tpu.yield
    }) : () -> ()
    %barrier3A_72 = arith.constant 0 : index
    tpu.barrier barrier_id(%barrier3A_72)
    %add3A_73 = arith.constant 0 : i32
    %add3A_74 = arith.addi %mul3A_2, %add3A_73 : i32
    "tpu.region"() ({
      %run_scoped3A = tpu.sem_alloc : memref<!tpu.dma_semaphore, #tpu.memory_space<semaphore_mem>>
      %dma_start3A_102 = arith.constant 0 : i32
      %dma_start3A_103 = tpu.memref_slice %arg6[%add3A_74, %dma_start3A_102] : memref<10000x128xf32, #tpu.memory_space<vmem_shared>> -> memref<104x128xf32, #tpu.memory_space<vmem_shared>>
      %dma_start3A_104 = arith.constant 0 : i32
      %dma_start3A_105 = tpu.memref_slice %arg6[%add3A_74, %dma_start3A_104] : memref<10000x128xf32, #tpu.memory_space<vmem_shared>> -> memref<104x128xf32, #tpu.memory_space<vmem_shared>>
      tpu.enqueue_dma source(%dma_start3A_105 : memref<104x128xf32, #tpu.memory_space<vmem_shared>>) target(%arg7 : memref<104x128xf32, #tpu.memory_space<vmem>>) target_semaphore(%run_scoped3A : memref<!tpu.dma_semaphore, #tpu.memory_space<semaphore_mem>>)
      %dma_wait3A_106 = arith.constant 0 : i32
      %dma_wait3A_107 = tpu.memref_slice %arg6[%add3A_74, %dma_wait3A_106] : memref<10000x128xf32, #tpu.memory_space<vmem_shared>> -> memref<104x128xf32, #tpu.memory_space<vmem_shared>>
      %dma_wait3A_108 = arith.constant 0 : i32
      %dma_wait3A_109 = tpu.memref_slice %arg6[%add3A_74, %dma_wait3A_108] : memref<10000x128xf32, #tpu.memory_space<vmem_shared>> -> memref<104x128xf32, #tpu.memory_space<vmem_shared>>
      tpu.wait_dma2 semaphore(%run_scoped3A : memref<!tpu.dma_semaphore, #tpu.memory_space<semaphore_mem>>) src(%dma_wait3A_109 : memref<104x128xf32, #tpu.memory_space<vmem_shared>>) dst(%arg7 : memref<104x128xf32, #tpu.memory_space<vmem>>)
      tpu.yield
    }) : () -> ()
    %add3A_75 = arith.constant 0 : i32
    %add3A_76 = arith.addi %mul3A_2, %add3A_75 : i32
    "tpu.region"() ({
      %run_scoped3A = tpu.sem_alloc : memref<!tpu.dma_semaphore, #tpu.memory_space<semaphore_mem>>
      %dma_start3A_102 = arith.constant 0 : i32
      %dma_start3A_103 = tpu.memref_slice %arg5[%arg0, %add3A_76, %dma_start3A_102] : memref<2x10000x128xf32, #tpu.memory_space<hbm>> -> memref<1x104x128xf32, #tpu.memory_space<hbm>>
      %dma_start3A_104 = tpu.memref_squeeze %dma_start3A_103 : memref<1x104x128xf32, #tpu.memory_space<hbm>> -> memref<104x128xf32, #tpu.memory_space<hbm>>
      %dma_start3A_105 = arith.constant 0 : i32
      %dma_start3A_106 = tpu.memref_slice %arg5[%arg0, %add3A_76, %dma_start3A_105] : memref<2x10000x128xf32, #tpu.memory_space<hbm>> -> memref<1x104x128xf32, #tpu.memory_space<hbm>>
      %dma_start3A_107 = tpu.memref_squeeze %dma_start3A_106 : memref<1x104x128xf32, #tpu.memory_space<hbm>> -> memref<104x128xf32, #tpu.memory_space<hbm>>
      tpu.enqueue_dma source(%arg7 : memref<104x128xf32, #tpu.memory_space<vmem>>) target(%dma_start3A_107 : memref<104x128xf32, #tpu.memory_space<hbm>>) target_semaphore(%run_scoped3A : memref<!tpu.dma_semaphore, #tpu.memory_space<semaphore_mem>>)
      %dma_wait3A_108 = arith.constant 0 : i32
      %dma_wait3A_109 = tpu.memref_slice %arg5[%arg0, %add3A_76, %dma_wait3A_108] : memref<2x10000x128xf32, #tpu.memory_space<hbm>> -> memref<1x104x128xf32, #tpu.memory_space<hbm>>
      %dma_wait3A_110 = tpu.memref_squeeze %dma_wait3A_109 : memref<1x104x128xf32, #tpu.memory_space<hbm>> -> memref<104x128xf32, #tpu.memory_space<hbm>>
      %dma_wait3A_111 = arith.constant 0 : i32
      %dma_wait3A_112 = tpu.memref_slice %arg5[%arg0, %add3A_76, %dma_wait3A_111] : memref<2x10000x128xf32, #tpu.memory_space<hbm>> -> memref<1x104x128xf32, #tpu.memory_space<hbm>>
      %dma_wait3A_113 = tpu.memref_squeeze %dma_wait3A_112 : memref<1x104x128xf32, #tpu.memory_space<hbm>> -> memref<104x128xf32, #tpu.memory_space<hbm>>
      tpu.wait_dma2 semaphore(%run_scoped3A : memref<!tpu.dma_semaphore, #tpu.memory_space<semaphore_mem>>) src(%arg7 : memref<104x128xf32, #tpu.memory_space<vmem>>) dst(%dma_wait3A_113 : memref<104x128xf32, #tpu.memory_space<hbm>>)
      tpu.yield
    }) : () -> ()
    %add3A_77 = arith.constant 104 : i32
    %add3A_78 = arith.addi %mul3A_2, %add3A_77 : i32
    "tpu.region"() ({
      %run_scoped3A = tpu.sem_alloc : memref<!tpu.dma_semaphore, #tpu.memory_space<semaphore_mem>>
      %dma_start3A_102 = arith.constant 0 : i32
      %dma_start3A_103 = tpu.memref_slice %arg6[%add3A_78, %dma_start3A_102] : memref<10000x128xf32, #tpu.memory_space<vmem_shared>> -> memref<104x128xf32, #tpu.memory_space<vmem_shared>>
      %dma_start3A_104 = arith.constant 0 : i32
      %dma_start3A_105 = tpu.memref_slice %arg6[%add3A_78, %dma_start3A_104] : memref<10000x128xf32, #tpu.memory_space<vmem_shared>> -> memref<104x128xf32, #tpu.memory_space<vmem_shared>>
      tpu.enqueue_dma source(%dma_start3A_105 : memref<104x128xf32, #tpu.memory_space<vmem_shared>>) target(%arg7 : memref<104x128xf32, #tpu.memory_space<vmem>>) target_semaphore(%run_scoped3A : memref<!tpu.dma_semaphore, #tpu.memory_space<semaphore_mem>>)
      %dma_wait3A_106 = arith.constant 0 : i32
      %dma_wait3A_107 = tpu.memref_slice %arg6[%add3A_78, %dma_wait3A_106] : memref<10000x128xf32, #tpu.memory_space<vmem_shared>> -> memref<104x128xf32, #tpu.memory_space<vmem_shared>>
      %dma_wait3A_108 = arith.constant 0 : i32
      %dma_wait3A_109 = tpu.memref_slice %arg6[%add3A_78, %dma_wait3A_108] : memref<10000x128xf32, #tpu.memory_space<vmem_shared>> -> memref<104x128xf32, #tpu.memory_space<vmem_shared>>
      tpu.wait_dma2 semaphore(%run_scoped3A : memref<!tpu.dma_semaphore, #tpu.memory_space<semaphore_mem>>) src(%dma_wait3A_109 : memref<104x128xf32, #tpu.memory_space<vmem_shared>>) dst(%arg7 : memref<104x128xf32, #tpu.memory_space<vmem>>)
      tpu.yield
    }) : () -> ()
    %add3A_79 = arith.constant 104 : i32
    %add3A_80 = arith.addi %mul3A_2, %add3A_79 : i32
    "tpu.region"() ({
      %run_scoped3A = tpu.sem_alloc : memref<!tpu.dma_semaphore, #tpu.memory_space<semaphore_mem>>
      %dma_start3A_102 = arith.constant 0 : i32
      %dma_start3A_103 = tpu.memref_slice %arg5[%arg0, %add3A_80, %dma_start3A_102] : memref<2x10000x128xf32, #tpu.memory_space<hbm>> -> memref<1x104x128xf32, #tpu.memory_space<hbm>>
      %dma_start3A_104 = tpu.memref_squeeze %dma_start3A_103 : memref<1x104x128xf32, #tpu.memory_space<hbm>> -> memref<104x128xf32, #tpu.memory_space<hbm>>
      %dma_start3A_105 = arith.constant 0 : i32
      %dma_start3A_106 = tpu.memref_slice %arg5[%arg0, %add3A_80, %dma_start3A_105] : memref<2x10000x128xf32, #tpu.memory_space<hbm>> -> memref<1x104x128xf32, #tpu.memory_space<hbm>>
      %dma_start3A_107 = tpu.memref_squeeze %dma_start3A_106 : memref<1x104x128xf32, #tpu.memory_space<hbm>> -> memref<104x128xf32, #tpu.memory_space<hbm>>
      tpu.enqueue_dma source(%arg7 : memref<104x128xf32, #tpu.memory_space<vmem>>) target(%dma_start3A_107 : memref<104x128xf32, #tpu.memory_space<hbm>>) target_semaphore(%run_scoped3A : memref<!tpu.dma_semaphore, #tpu.memory_space<semaphore_mem>>)
      %dma_wait3A_108 = arith.constant 0 : i32
      %dma_wait3A_109 = tpu.memref_slice %arg5[%arg0, %add3A_80, %dma_wait3A_108] : memref<2x10000x128xf32, #tpu.memory_space<hbm>> -> memref<1x104x128xf32, #tpu.memory_space<hbm>>
      %dma_wait3A_110 = tpu.memref_squeeze %dma_wait3A_109 : memref<1x104x128xf32, #tpu.memory_space<hbm>> -> memref<104x128xf32, #tpu.memory_space<hbm>>
      %dma_wait3A_111 = arith.constant 0 : i32
      %dma_wait3A_112 = tpu.memref_slice %arg5[%arg0, %add3A_80, %dma_wait3A_111] : memref<2x10000x128xf32, #tpu.memory_space<hbm>> -> memref<1x104x128xf32, #tpu.memory_space<hbm>>
      %dma_wait3A_113 = tpu.memref_squeeze %dma_wait3A_112 : memref<1x104x128xf32, #tpu.memory_space<hbm>> -> memref<104x128xf32, #tpu.memory_space<hbm>>
      tpu.wait_dma2 semaphore(%run_scoped3A : memref<!tpu.dma_semaphore, #tpu.memory_space<semaphore_mem>>) src(%arg7 : memref<104x128xf32, #tpu.memory_space<vmem>>) dst(%dma_wait3A_113 : memref<104x128xf32, #tpu.memory_space<hbm>>)
      tpu.yield
    }) : () -> ()
    %add3A_81 = arith.constant 208 : i32
    %add3A_82 = arith.addi %mul3A_2, %add3A_81 : i32
    "tpu.region"() ({
      %run_scoped3A = tpu.sem_alloc : memref<!tpu.dma_semaphore, #tpu.memory_space<semaphore_mem>>
      %dma_start3A_102 = arith.constant 0 : i32
      %dma_start3A_103 = tpu.memref_slice %arg6[%add3A_82, %dma_start3A_102] : memref<10000x128xf32, #tpu.memory_space<vmem_shared>> -> memref<104x128xf32, #tpu.memory_space<vmem_shared>>
      %dma_start3A_104 = arith.constant 0 : i32
      %dma_start3A_105 = tpu.memref_slice %arg6[%add3A_82, %dma_start3A_104] : memref<10000x128xf32, #tpu.memory_space<vmem_shared>> -> memref<104x128xf32, #tpu.memory_space<vmem_shared>>
      tpu.enqueue_dma source(%dma_start3A_105 : memref<104x128xf32, #tpu.memory_space<vmem_shared>>) target(%arg7 : memref<104x128xf32, #tpu.memory_space<vmem>>) target_semaphore(%run_scoped3A : memref<!tpu.dma_semaphore, #tpu.memory_space<semaphore_mem>>)
      %dma_wait3A_106 = arith.constant 0 : i32
      %dma_wait3A_107 = tpu.memref_slice %arg6[%add3A_82, %dma_wait3A_106] : memref<10000x128xf32, #tpu.memory_space<vmem_shared>> -> memref<104x128xf32, #tpu.memory_space<vmem_shared>>
      %dma_wait3A_108 = arith.constant 0 : i32
      %dma_wait3A_109 = tpu.memref_slice %arg6[%add3A_82, %dma_wait3A_108] : memref<10000x128xf32, #tpu.memory_space<vmem_shared>> -> memref<104x128xf32, #tpu.memory_space<vmem_shared>>
      tpu.wait_dma2 semaphore(%run_scoped3A : memref<!tpu.dma_semaphore, #tpu.memory_space<semaphore_mem>>) src(%dma_wait3A_109 : memref<104x128xf32, #tpu.memory_space<vmem_shared>>) dst(%arg7 : memref<104x128xf32, #tpu.memory_space<vmem>>)
      tpu.yield
    }) : () -> ()
    %add3A_83 = arith.constant 208 : i32
    %add3A_84 = arith.addi %mul3A_2, %add3A_83 : i32
    "tpu.region"() ({
      %run_scoped3A = tpu.sem_alloc : memref<!tpu.dma_semaphore, #tpu.memory_space<semaphore_mem>>
      %dma_start3A_102 = arith.constant 0 : i32
      %dma_start3A_103 = tpu.memref_slice %arg5[%arg0, %add3A_84, %dma_start3A_102] : memref<2x10000x128xf32, #tpu.memory_space<hbm>> -> memref<1x104x128xf32, #tpu.memory_space<hbm>>
      %dma_start3A_104 = tpu.memref_squeeze %dma_start3A_103 : memref<1x104x128xf32, #tpu.memory_space<hbm>> -> memref<104x128xf32, #tpu.memory_space<hbm>>
      %dma_start3A_105 = arith.constant 0 : i32
      %dma_start3A_106 = tpu.memref_slice %arg5[%arg0, %add3A_84, %dma_start3A_105] : memref<2x10000x128xf32, #tpu.memory_space<hbm>> -> memref<1x104x128xf32, #tpu.memory_space<hbm>>
      %dma_start3A_107 = tpu.memref_squeeze %dma_start3A_106 : memref<1x104x128xf32, #tpu.memory_space<hbm>> -> memref<104x128xf32, #tpu.memory_space<hbm>>
      tpu.enqueue_dma source(%arg7 : memref<104x128xf32, #tpu.memory_space<vmem>>) target(%dma_start3A_107 : memref<104x128xf32, #tpu.memory_space<hbm>>) target_semaphore(%run_scoped3A : memref<!tpu.dma_semaphore, #tpu.memory_space<semaphore_mem>>)
      %dma_wait3A_108 = arith.constant 0 : i32
      %dma_wait3A_109 = tpu.memref_slice %arg5[%arg0, %add3A_84, %dma_wait3A_108] : memref<2x10000x128xf32, #tpu.memory_space<hbm>> -> memref<1x104x128xf32, #tpu.memory_space<hbm>>
      %dma_wait3A_110 = tpu.memref_squeeze %dma_wait3A_109 : memref<1x104x128xf32, #tpu.memory_space<hbm>> -> memref<104x128xf32, #tpu.memory_space<hbm>>
      %dma_wait3A_111 = arith.constant 0 : i32
      %dma_wait3A_112 = tpu.memref_slice %arg5[%arg0, %add3A_84, %dma_wait3A_111] : memref<2x10000x128xf32, #tpu.memory_space<hbm>> -> memref<1x104x128xf32, #tpu.memory_space<hbm>>
      %dma_wait3A_113 = tpu.memref_squeeze %dma_wait3A_112 : memref<1x104x128xf32, #tpu.memory_space<hbm>> -> memref<104x128xf32, #tpu.memory_space<hbm>>
      tpu.wait_dma2 semaphore(%run_scoped3A : memref<!tpu.dma_semaphore, #tpu.memory_space<semaphore_mem>>) src(%arg7 : memref<104x128xf32, #tpu.memory_space<vmem>>) dst(%dma_wait3A_113 : memref<104x128xf32, #tpu.memory_space<hbm>>)
      tpu.yield
    }) : () -> ()
    %add3A_85 = arith.constant 312 : i32
    %add3A_86 = arith.addi %mul3A_2, %add3A_85 : i32
    "tpu.region"() ({
      %run_scoped3A = tpu.sem_alloc : memref<!tpu.dma_semaphore, #tpu.memory_space<semaphore_mem>>
      %dma_start3A_102 = arith.constant 0 : i32
      %dma_start3A_103 = tpu.memref_slice %arg6[%add3A_86, %dma_start3A_102] : memref<10000x128xf32, #tpu.memory_space<vmem_shared>> -> memref<104x128xf32, #tpu.memory_space<vmem_shared>>
      %dma_start3A_104 = arith.constant 0 : i32
      %dma_start3A_105 = tpu.memref_slice %arg6[%add3A_86, %dma_start3A_104] : memref<10000x128xf32, #tpu.memory_space<vmem_shared>> -> memref<104x128xf32, #tpu.memory_space<vmem_shared>>
      tpu.enqueue_dma source(%dma_start3A_105 : memref<104x128xf32, #tpu.memory_space<vmem_shared>>) target(%arg7 : memref<104x128xf32, #tpu.memory_space<vmem>>) target_semaphore(%run_scoped3A : memref<!tpu.dma_semaphore, #tpu.memory_space<semaphore_mem>>)
      %dma_wait3A_106 = arith.constant 0 : i32
      %dma_wait3A_107 = tpu.memref_slice %arg6[%add3A_86, %dma_wait3A_106] : memref<10000x128xf32, #tpu.memory_space<vmem_shared>> -> memref<104x128xf32, #tpu.memory_space<vmem_shared>>
      %dma_wait3A_108 = arith.constant 0 : i32
      %dma_wait3A_109 = tpu.memref_slice %arg6[%add3A_86, %dma_wait3A_108] : memref<10000x128xf32, #tpu.memory_space<vmem_shared>> -> memref<104x128xf32, #tpu.memory_space<vmem_shared>>
      tpu.wait_dma2 semaphore(%run_scoped3A : memref<!tpu.dma_semaphore, #tpu.memory_space<semaphore_mem>>) src(%dma_wait3A_109 : memref<104x128xf32, #tpu.memory_space<vmem_shared>>) dst(%arg7 : memref<104x128xf32, #tpu.memory_space<vmem>>)
      tpu.yield
    }) : () -> ()
    %add3A_87 = arith.constant 312 : i32
    %add3A_88 = arith.addi %mul3A_2, %add3A_87 : i32
    "tpu.region"() ({
      %run_scoped3A = tpu.sem_alloc : memref<!tpu.dma_semaphore, #tpu.memory_space<semaphore_mem>>
      %dma_start3A_102 = arith.constant 0 : i32
      %dma_start3A_103 = tpu.memref_slice %arg5[%arg0, %add3A_88, %dma_start3A_102] : memref<2x10000x128xf32, #tpu.memory_space<hbm>> -> memref<1x104x128xf32, #tpu.memory_space<hbm>>
      %dma_start3A_104 = tpu.memref_squeeze %dma_start3A_103 : memref<1x104x128xf32, #tpu.memory_space<hbm>> -> memref<104x128xf32, #tpu.memory_space<hbm>>
      %dma_start3A_105 = arith.constant 0 : i32
      %dma_start3A_106 = tpu.memref_slice %arg5[%arg0, %add3A_88, %dma_start3A_105] : memref<2x10000x128xf32, #tpu.memory_space<hbm>> -> memref<1x104x128xf32, #tpu.memory_space<hbm>>
      %dma_start3A_107 = tpu.memref_squeeze %dma_start3A_106 : memref<1x104x128xf32, #tpu.memory_space<hbm>> -> memref<104x128xf32, #tpu.memory_space<hbm>>
      tpu.enqueue_dma source(%arg7 : memref<104x128xf32, #tpu.memory_space<vmem>>) target(%dma_start3A_107 : memref<104x128xf32, #tpu.memory_space<hbm>>) target_semaphore(%run_scoped3A : memref<!tpu.dma_semaphore, #tpu.memory_space<semaphore_mem>>)
      %dma_wait3A_108 = arith.constant 0 : i32
      %dma_wait3A_109 = tpu.memref_slice %arg5[%arg0, %add3A_88, %dma_wait3A_108] : memref<2x10000x128xf32, #tpu.memory_space<hbm>> -> memref<1x104x128xf32, #tpu.memory_space<hbm>>
      %dma_wait3A_110 = tpu.memref_squeeze %dma_wait3A_109 : memref<1x104x128xf32, #tpu.memory_space<hbm>> -> memref<104x128xf32, #tpu.memory_space<hbm>>
      %dma_wait3A_111 = arith.constant 0 : i32
      %dma_wait3A_112 = tpu.memref_slice %arg5[%arg0, %add3A_88, %dma_wait3A_111] : memref<2x10000x128xf32, #tpu.memory_space<hbm>> -> memref<1x104x128xf32, #tpu.memory_space<hbm>>
      %dma_wait3A_113 = tpu.memref_squeeze %dma_wait3A_112 : memref<1x104x128xf32, #tpu.memory_space<hbm>> -> memref<104x128xf32, #tpu.memory_space<hbm>>
      tpu.wait_dma2 semaphore(%run_scoped3A : memref<!tpu.dma_semaphore, #tpu.memory_space<semaphore_mem>>) src(%arg7 : memref<104x128xf32, #tpu.memory_space<vmem>>) dst(%dma_wait3A_113 : memref<104x128xf32, #tpu.memory_space<hbm>>)
      tpu.yield
    }) : () -> ()
    %add3A_89 = arith.constant 416 : i32
    %add3A_90 = arith.addi %mul3A_2, %add3A_89 : i32
    "tpu.region"() ({
      %run_scoped3A = tpu.sem_alloc : memref<!tpu.dma_semaphore, #tpu.memory_space<semaphore_mem>>
      %dma_start3A_102 = arith.constant 0 : i32
      %dma_start3A_103 = tpu.memref_slice %arg6[%add3A_90, %dma_start3A_102] : memref<10000x128xf32, #tpu.memory_space<vmem_shared>> -> memref<104x128xf32, #tpu.memory_space<vmem_shared>>
      %dma_start3A_104 = arith.constant 0 : i32
      %dma_start3A_105 = tpu.memref_slice %arg6[%add3A_90, %dma_start3A_104] : memref<10000x128xf32, #tpu.memory_space<vmem_shared>> -> memref<104x128xf32, #tpu.memory_space<vmem_shared>>
      tpu.enqueue_dma source(%dma_start3A_105 : memref<104x128xf32, #tpu.memory_space<vmem_shared>>) target(%arg7 : memref<104x128xf32, #tpu.memory_space<vmem>>) target_semaphore(%run_scoped3A : memref<!tpu.dma_semaphore, #tpu.memory_space<semaphore_mem>>)
      %dma_wait3A_106 = arith.constant 0 : i32
      %dma_wait3A_107 = tpu.memref_slice %arg6[%add3A_90, %dma_wait3A_106] : memref<10000x128xf32, #tpu.memory_space<vmem_shared>> -> memref<104x128xf32, #tpu.memory_space<vmem_shared>>
      %dma_wait3A_108 = arith.constant 0 : i32
      %dma_wait3A_109 = tpu.memref_slice %arg6[%add3A_90, %dma_wait3A_108] : memref<10000x128xf32, #tpu.memory_space<vmem_shared>> -> memref<104x128xf32, #tpu.memory_space<vmem_shared>>
      tpu.wait_dma2 semaphore(%run_scoped3A : memref<!tpu.dma_semaphore, #tpu.memory_space<semaphore_mem>>) src(%dma_wait3A_109 : memref<104x128xf32, #tpu.memory_space<vmem_shared>>) dst(%arg7 : memref<104x128xf32, #tpu.memory_space<vmem>>)
      tpu.yield
    }) : () -> ()
    %add3A_91 = arith.constant 416 : i32
    %add3A_92 = arith.addi %mul3A_2, %add3A_91 : i32
    "tpu.region"() ({
      %run_scoped3A = tpu.sem_alloc : memref<!tpu.dma_semaphore, #tpu.memory_space<semaphore_mem>>
      %dma_start3A_102 = arith.constant 0 : i32
      %dma_start3A_103 = tpu.memref_slice %arg5[%arg0, %add3A_92, %dma_start3A_102] : memref<2x10000x128xf32, #tpu.memory_space<hbm>> -> memref<1x104x128xf32, #tpu.memory_space<hbm>>
      %dma_start3A_104 = tpu.memref_squeeze %dma_start3A_103 : memref<1x104x128xf32, #tpu.memory_space<hbm>> -> memref<104x128xf32, #tpu.memory_space<hbm>>
      %dma_start3A_105 = arith.constant 0 : i32
      %dma_start3A_106 = tpu.memref_slice %arg5[%arg0, %add3A_92, %dma_start3A_105] : memref<2x10000x128xf32, #tpu.memory_space<hbm>> -> memref<1x104x128xf32, #tpu.memory_space<hbm>>
      %dma_start3A_107 = tpu.memref_squeeze %dma_start3A_106 : memref<1x104x128xf32, #tpu.memory_space<hbm>> -> memref<104x128xf32, #tpu.memory_space<hbm>>
      tpu.enqueue_dma source(%arg7 : memref<104x128xf32, #tpu.memory_space<vmem>>) target(%dma_start3A_107 : memref<104x128xf32, #tpu.memory_space<hbm>>) target_semaphore(%run_scoped3A : memref<!tpu.dma_semaphore, #tpu.memory_space<semaphore_mem>>)
      %dma_wait3A_108 = arith.constant 0 : i32
      %dma_wait3A_109 = tpu.memref_slice %arg5[%arg0, %add3A_92, %dma_wait3A_108] : memref<2x10000x128xf32, #tpu.memory_space<hbm>> -> memref<1x104x128xf32, #tpu.memory_space<hbm>>
      %dma_wait3A_110 = tpu.memref_squeeze %dma_wait3A_109 : memref<1x104x128xf32, #tpu.memory_space<hbm>> -> memref<104x128xf32, #tpu.memory_space<hbm>>
      %dma_wait3A_111 = arith.constant 0 : i32
      %dma_wait3A_112 = tpu.memref_slice %arg5[%arg0, %add3A_92, %dma_wait3A_111] : memref<2x10000x128xf32, #tpu.memory_space<hbm>> -> memref<1x104x128xf32, #tpu.memory_space<hbm>>
      %dma_wait3A_113 = tpu.memref_squeeze %dma_wait3A_112 : memref<1x104x128xf32, #tpu.memory_space<hbm>> -> memref<104x128xf32, #tpu.memory_space<hbm>>
      tpu.wait_dma2 semaphore(%run_scoped3A : memref<!tpu.dma_semaphore, #tpu.memory_space<semaphore_mem>>) src(%arg7 : memref<104x128xf32, #tpu.memory_space<vmem>>) dst(%dma_wait3A_113 : memref<104x128xf32, #tpu.memory_space<hbm>>)
      tpu.yield
    }) : () -> ()
    %add3A_93 = arith.constant 520 : i32
    %add3A_94 = arith.addi %mul3A_2, %add3A_93 : i32
    "tpu.region"() ({
      %run_scoped3A = tpu.sem_alloc : memref<!tpu.dma_semaphore, #tpu.memory_space<semaphore_mem>>
      %dma_start3A_102 = arith.constant 0 : i32
      %dma_start3A_103 = tpu.memref_slice %arg6[%add3A_94, %dma_start3A_102] : memref<10000x128xf32, #tpu.memory_space<vmem_shared>> -> memref<104x128xf32, #tpu.memory_space<vmem_shared>>
      %dma_start3A_104 = arith.constant 0 : i32
      %dma_start3A_105 = tpu.memref_slice %arg6[%add3A_94, %dma_start3A_104] : memref<10000x128xf32, #tpu.memory_space<vmem_shared>> -> memref<104x128xf32, #tpu.memory_space<vmem_shared>>
      tpu.enqueue_dma source(%dma_start3A_105 : memref<104x128xf32, #tpu.memory_space<vmem_shared>>) target(%arg7 : memref<104x128xf32, #tpu.memory_space<vmem>>) target_semaphore(%run_scoped3A : memref<!tpu.dma_semaphore, #tpu.memory_space<semaphore_mem>>)
      %dma_wait3A_106 = arith.constant 0 : i32
      %dma_wait3A_107 = tpu.memref_slice %arg6[%add3A_94, %dma_wait3A_106] : memref<10000x128xf32, #tpu.memory_space<vmem_shared>> -> memref<104x128xf32, #tpu.memory_space<vmem_shared>>
      %dma_wait3A_108 = arith.constant 0 : i32
      %dma_wait3A_109 = tpu.memref_slice %arg6[%add3A_94, %dma_wait3A_108] : memref<10000x128xf32, #tpu.memory_space<vmem_shared>> -> memref<104x128xf32, #tpu.memory_space<vmem_shared>>
      tpu.wait_dma2 semaphore(%run_scoped3A : memref<!tpu.dma_semaphore, #tpu.memory_space<semaphore_mem>>) src(%dma_wait3A_109 : memref<104x128xf32, #tpu.memory_space<vmem_shared>>) dst(%arg7 : memref<104x128xf32, #tpu.memory_space<vmem>>)
      tpu.yield
    }) : () -> ()
    %add3A_95 = arith.constant 520 : i32
    %add3A_96 = arith.addi %mul3A_2, %add3A_95 : i32
    "tpu.region"() ({
      %run_scoped3A = tpu.sem_alloc : memref<!tpu.dma_semaphore, #tpu.memory_space<semaphore_mem>>
      %dma_start3A_102 = arith.constant 0 : i32
      %dma_start3A_103 = tpu.memref_slice %arg5[%arg0, %add3A_96, %dma_start3A_102] : memref<2x10000x128xf32, #tpu.memory_space<hbm>> -> memref<1x104x128xf32, #tpu.memory_space<hbm>>
      %dma_start3A_104 = tpu.memref_squeeze %dma_start3A_103 : memref<1x104x128xf32, #tpu.memory_space<hbm>> -> memref<104x128xf32, #tpu.memory_space<hbm>>
      %dma_start3A_105 = arith.constant 0 : i32
      %dma_start3A_106 = tpu.memref_slice %arg5[%arg0, %add3A_96, %dma_start3A_105] : memref<2x10000x128xf32, #tpu.memory_space<hbm>> -> memref<1x104x128xf32, #tpu.memory_space<hbm>>
      %dma_start3A_107 = tpu.memref_squeeze %dma_start3A_106 : memref<1x104x128xf32, #tpu.memory_space<hbm>> -> memref<104x128xf32, #tpu.memory_space<hbm>>
      tpu.enqueue_dma source(%arg7 : memref<104x128xf32, #tpu.memory_space<vmem>>) target(%dma_start3A_107 : memref<104x128xf32, #tpu.memory_space<hbm>>) target_semaphore(%run_scoped3A : memref<!tpu.dma_semaphore, #tpu.memory_space<semaphore_mem>>)
      %dma_wait3A_108 = arith.constant 0 : i32
      %dma_wait3A_109 = tpu.memref_slice %arg5[%arg0, %add3A_96, %dma_wait3A_108] : memref<2x10000x128xf32, #tpu.memory_space<hbm>> -> memref<1x104x128xf32, #tpu.memory_space<hbm>>
      %dma_wait3A_110 = tpu.memref_squeeze %dma_wait3A_109 : memref<1x104x128xf32, #tpu.memory_space<hbm>> -> memref<104x128xf32, #tpu.memory_space<hbm>>
      %dma_wait3A_111 = arith.constant 0 : i32
      %dma_wait3A_112 = tpu.memref_slice %arg5[%arg0, %add3A_96, %dma_wait3A_111] : memref<2x10000x128xf32, #tpu.memory_space<hbm>> -> memref<1x104x128xf32, #tpu.memory_space<hbm>>
      %dma_wait3A_113 = tpu.memref_squeeze %dma_wait3A_112 : memref<1x104x128xf32, #tpu.memory_space<hbm>> -> memref<104x128xf32, #tpu.memory_space<hbm>>
      tpu.wait_dma2 semaphore(%run_scoped3A : memref<!tpu.dma_semaphore, #tpu.memory_space<semaphore_mem>>) src(%arg7 : memref<104x128xf32, #tpu.memory_space<vmem>>) dst(%dma_wait3A_113 : memref<104x128xf32, #tpu.memory_space<hbm>>)
      tpu.yield
    }) : () -> ()
    %eq3A_97 = arith.constant 15 : i32
    %eq3A_98 = arith.cmpi eq, %arg1, %eq3A_97 : i32
    %convert_element_type3A_99 = arith.extui %eq3A_98 : i1 to i32
    %cond3A_100 = arith.constant 0 : i32
    %cond3A_101 = arith.cmpi ne, %convert_element_type3A_99, %cond3A_100 : i32
    scf.if %cond3A_101 {
      "tpu.region"() ({
        %run_scoped3A = tpu.sem_alloc : memref<!tpu.dma_semaphore, #tpu.memory_space<semaphore_mem>>
        %dma_start3A_102 = arith.constant 0 : i32
        %dma_start3A_103 = arith.constant 0 : i32
        %dma_start3A_104 = tpu.memref_slice %arg7[%dma_start3A_102, %dma_start3A_103] : memref<104x128xf32, #tpu.memory_space<vmem>> -> memref<16x128xf32, #tpu.memory_space<vmem>>
        %dma_start3A_105 = arith.constant 9984 : i32
        %dma_start3A_106 = arith.constant 0 : i32
        %dma_start3A_107 = tpu.memref_slice %arg6[%dma_start3A_105, %dma_start3A_106] : memref<10000x128xf32, #tpu.memory_space<vmem_shared>> -> memref<16x128xf32, #tpu.memory_space<vmem_shared>>
        %dma_start3A_108 = arith.constant 0 : i32
        %dma_start3A_109 = arith.constant 0 : i32
        %dma_start3A_110 = tpu.memref_slice %arg7[%dma_start3A_108, %dma_start3A_109] : memref<104x128xf32, #tpu.memory_space<vmem>> -> memref<16x128xf32, #tpu.memory_space<vmem>>
        %dma_start3A_111 = arith.constant 9984 : i32
        %dma_start3A_112 = arith.constant 0 : i32
        %dma_start3A_113 = tpu.memref_slice %arg6[%dma_start3A_111, %dma_start3A_112] : memref<10000x128xf32, #tpu.memory_space<vmem_shared>> -> memref<16x128xf32, #tpu.memory_space<vmem_shared>>
        tpu.enqueue_dma source(%dma_start3A_113 : memref<16x128xf32, #tpu.memory_space<vmem_shared>>) target(%dma_start3A_110 : memref<16x128xf32, #tpu.memory_space<vmem>>) target_semaphore(%run_scoped3A : memref<!tpu.dma_semaphore, #tpu.memory_space<semaphore_mem>>)
        %dma_wait3A_114 = arith.constant 0 : i32
        %dma_wait3A_115 = arith.constant 0 : i32
        %dma_wait3A_116 = tpu.memref_slice %arg7[%dma_wait3A_114, %dma_wait3A_115] : memref<104x128xf32, #tpu.memory_space<vmem>> -> memref<16x128xf32, #tpu.memory_space<vmem>>
        %dma_wait3A_117 = arith.constant 9984 : i32
        %dma_wait3A_118 = arith.constant 0 : i32
        %dma_wait3A_119 = tpu.memref_slice %arg6[%dma_wait3A_117, %dma_wait3A_118] : memref<10000x128xf32, #tpu.memory_space<vmem_shared>> -> memref<16x128xf32, #tpu.memory_space<vmem_shared>>
        %dma_wait3A_120 = arith.constant 0 : i32
        %dma_wait3A_121 = arith.constant 0 : i32
        %dma_wait3A_122 = tpu.memref_slice %arg7[%dma_wait3A_120, %dma_wait3A_121] : memref<104x128xf32, #tpu.memory_space<vmem>> -> memref<16x128xf32, #tpu.memory_space<vmem>>
        %dma_wait3A_123 = arith.constant 9984 : i32
        %dma_wait3A_124 = arith.constant 0 : i32
        %dma_wait3A_125 = tpu.memref_slice %arg6[%dma_wait3A_123, %dma_wait3A_124] : memref<10000x128xf32, #tpu.memory_space<vmem_shared>> -> memref<16x128xf32, #tpu.memory_space<vmem_shared>>
        tpu.wait_dma2 semaphore(%run_scoped3A : memref<!tpu.dma_semaphore, #tpu.memory_space<semaphore_mem>>) src(%dma_wait3A_125 : memref<16x128xf32, #tpu.memory_space<vmem_shared>>) dst(%dma_wait3A_122 : memref<16x128xf32, #tpu.memory_space<vmem>>)
        tpu.yield
      }) : () -> ()
      "tpu.region"() ({
        %run_scoped3A = tpu.sem_alloc : memref<!tpu.dma_semaphore, #tpu.memory_space<semaphore_mem>>
        %dma_start3A_102 = arith.constant 0 : i32
        %dma_start3A_103 = arith.constant 0 : i32
        %dma_start3A_104 = tpu.memref_slice %arg7[%dma_start3A_102, %dma_start3A_103] : memref<104x128xf32, #tpu.memory_space<vmem>> -> memref<16x128xf32, #tpu.memory_space<vmem>>
        %dma_start3A_105 = arith.constant 9984 : i32
        %dma_start3A_106 = arith.constant 0 : i32
        %dma_start3A_107 = tpu.memref_slice %arg5[%arg0, %dma_start3A_105, %dma_start3A_106] : memref<2x10000x128xf32, #tpu.memory_space<hbm>> -> memref<1x16x128xf32, #tpu.memory_space<hbm>>
        %dma_start3A_108 = tpu.memref_squeeze %dma_start3A_107 : memref<1x16x128xf32, #tpu.memory_space<hbm>> -> memref<16x128xf32, #tpu.memory_space<hbm>>
        %dma_start3A_109 = arith.constant 9984 : i32
        %dma_start3A_110 = arith.constant 0 : i32
        %dma_start3A_111 = tpu.memref_slice %arg5[%arg0, %dma_start3A_109, %dma_start3A_110] : memref<2x10000x128xf32, #tpu.memory_space<hbm>> -> memref<1x16x128xf32, #tpu.memory_space<hbm>>
        %dma_start3A_112 = tpu.memref_squeeze %dma_start3A_111 : memref<1x16x128xf32, #tpu.memory_space<hbm>> -> memref<16x128xf32, #tpu.memory_space<hbm>>
        %dma_start3A_113 = arith.constant 0 : i32
        %dma_start3A_114 = arith.constant 0 : i32
        %dma_start3A_115 = tpu.memref_slice %arg7[%dma_start3A_113, %dma_start3A_114] : memref<104x128xf32, #tpu.memory_space<vmem>> -> memref<16x128xf32, #tpu.memory_space<vmem>>
        tpu.enqueue_dma source(%dma_start3A_115 : memref<16x128xf32, #tpu.memory_space<vmem>>) target(%dma_start3A_112 : memref<16x128xf32, #tpu.memory_space<hbm>>) target_semaphore(%run_scoped3A : memref<!tpu.dma_semaphore, #tpu.memory_space<semaphore_mem>>)
        %dma_wait3A_116 = arith.constant 0 : i32
        %dma_wait3A_117 = arith.constant 0 : i32
        %dma_wait3A_118 = tpu.memref_slice %arg7[%dma_wait3A_116, %dma_wait3A_117] : memref<104x128xf32, #tpu.memory_space<vmem>> -> memref<16x128xf32, #tpu.memory_space<vmem>>
        %dma_wait3A_119 = arith.constant 9984 : i32
        %dma_wait3A_120 = arith.constant 0 : i32
        %dma_wait3A_121 = tpu.memref_slice %arg5[%arg0, %dma_wait3A_119, %dma_wait3A_120] : memref<2x10000x128xf32, #tpu.memory_space<hbm>> -> memref<1x16x128xf32, #tpu.memory_space<hbm>>
        %dma_wait3A_122 = tpu.memref_squeeze %dma_wait3A_121 : memref<1x16x128xf32, #tpu.memory_space<hbm>> -> memref<16x128xf32, #tpu.memory_space<hbm>>
        %dma_wait3A_123 = arith.constant 9984 : i32
        %dma_wait3A_124 = arith.constant 0 : i32
        %dma_wait3A_125 = tpu.memref_slice %arg5[%arg0, %dma_wait3A_123, %dma_wait3A_124] : memref<2x10000x128xf32, #tpu.memory_space<hbm>> -> memref<1x16x128xf32, #tpu.memory_space<hbm>>
        %dma_wait3A_126 = tpu.memref_squeeze %dma_wait3A_125 : memref<1x16x128xf32, #tpu.memory_space<hbm>> -> memref<16x128xf32, #tpu.memory_space<hbm>>
        %dma_wait3A_127 = arith.constant 0 : i32
        %dma_wait3A_128 = arith.constant 0 : i32
        %dma_wait3A_129 = tpu.memref_slice %arg7[%dma_wait3A_127, %dma_wait3A_128] : memref<104x128xf32, #tpu.memory_space<vmem>> -> memref<16x128xf32, #tpu.memory_space<vmem>>
        tpu.wait_dma2 semaphore(%run_scoped3A : memref<!tpu.dma_semaphore, #tpu.memory_space<semaphore_mem>>) src(%dma_wait3A_129 : memref<16x128xf32, #tpu.memory_space<vmem>>) dst(%dma_wait3A_126 : memref<16x128xf32, #tpu.memory_space<hbm>>)
        tpu.yield
      }) : () -> ()
    } else {
    }
    return
  }
}

#map = affine_map<(d0, d1) -> (0)>
#map1 = affine_map<(d0, d1) -> (0, 0, 0)>
module attributes {stable_mosaic.version = 14 : i64} {
  func.func @_sc_deg_body(%arg0: i32, %arg1: i32, %arg2: memref<320000xi32, #tpu.memory_space<hbm>>, %arg3: memref<2x16x10000xf32, #tpu.memory_space<hbm>>, %arg4: memref<10000xf32, #tpu.memory_space<vmem>>, %arg5: memref<10000xi32, #tpu.memory_space<vmem>>) attributes {dimension_semantics = [#tpu.dimension_semantics<core_parallel>, #tpu.dimension_semantics<subcore_parallel>], iteration_bounds = array<i64: 2, 16>, scalar_prefetch = 0 : i64, scratch_operands = 2 : i64, tpu.core_type = #tpu.core_type<sc_vector_subcore>, window_params = [{transform_indices = #map}, {transform_indices = #map1}]} {
    %mul3A = arith.constant 2 : i32
    %mul3A_0 = arith.muli %arg1, %mul3A : i32
    %add3A = arith.addi %mul3A_0, %arg0 : i32
    %broadcast_in_dim3A = arith.constant 0.000000e+00 : f32
    %broadcast_in_dim3A_1 = vector.broadcast %broadcast_in_dim3A : f32 to vector<16xf32>
    %while3A = arith.constant 0 : i64
    %while3A_2 = arith.constant 0 : i32
    %while3A_3 = arith.constant 625 : i32
    %while3A_4 = arith.subi %while3A_3, %while3A_2 : i32
    %while3A_5 = arith.addi %while3A_2, %while3A_4 : i32
    %while3A_6 = arith.constant 1 : i32
    %while3A_7 = arith.divsi %while3A_4, %while3A_6 : i32
    %while3A_8 = arith.muli %while3A_7, %while3A_6 : i32
    %while3A_9 = arith.addi %while3A_2, %while3A_8 : i32
    %while3A_10 = arith.constant 1 : i32
    scf.for %while3A_27 = %while3A_2 to %while3A_9 step %while3A_10  : i32 {
      %mul3A_28 = arith.constant 16 : i32
      %mul3A_29 = arith.muli %while3A_27, %mul3A_28 : i32
      %swap3A = arith.index_cast %mul3A_29 : i32 to index
      %swap3A_30 = tpu.vector_load %arg4[%swap3A] {strides = array<i32>} : memref<10000xf32, #tpu.memory_space<vmem>>, vector<16xf32>,
      tpu.vector_store %arg4[%swap3A], %broadcast_in_dim3A_1 {strides = array<i32>} : memref<10000xf32, #tpu.memory_space<vmem>>, vector<16xf32>,
    }
    %while3A_11 = arith.constant 1 : i32
    scf.for %while3A_27 = %while3A_9 to %while3A_5 step %while3A_11  : i32 {
      %mul3A_28 = arith.constant 16 : i32
      %mul3A_29 = arith.muli %while3A_27, %mul3A_28 : i32
      %swap3A = arith.index_cast %mul3A_29 : i32 to index
      %swap3A_30 = tpu.vector_load %arg4[%swap3A] {strides = array<i32>} : memref<10000xf32, #tpu.memory_space<vmem>>, vector<16xf32>,
      tpu.vector_store %arg4[%swap3A], %broadcast_in_dim3A_1 {strides = array<i32>} : memref<10000xf32, #tpu.memory_space<vmem>>, vector<16xf32>,
    }
    %mul3A_12 = arith.constant 10000 : i32
    %mul3A_13 = arith.muli %add3A, %mul3A_12 : i32
    "tpu.region"() ({
      %run_scoped3A = tpu.sem_alloc : memref<!tpu.dma_semaphore, #tpu.memory_space<semaphore_mem>>
      %dma_start3A = tpu.memref_slice %arg2[%mul3A_13] : memref<320000xi32, #tpu.memory_space<hbm>> -> memref<10000xi32, #tpu.memory_space<hbm>>
      %dma_start3A_27 = tpu.memref_slice %arg2[%mul3A_13] : memref<320000xi32, #tpu.memory_space<hbm>> -> memref<10000xi32, #tpu.memory_space<hbm>>
      tpu.enqueue_dma source(%dma_start3A_27 : memref<10000xi32, #tpu.memory_space<hbm>>) target(%arg5 : memref<10000xi32, #tpu.memory_space<vmem>>) target_semaphore(%run_scoped3A : memref<!tpu.dma_semaphore, #tpu.memory_space<semaphore_mem>>)
      %dma_wait3A = tpu.memref_slice %arg2[%mul3A_13] : memref<320000xi32, #tpu.memory_space<hbm>> -> memref<10000xi32, #tpu.memory_space<hbm>>
      %dma_wait3A_28 = tpu.memref_slice %arg2[%mul3A_13] : memref<320000xi32, #tpu.memory_space<hbm>> -> memref<10000xi32, #tpu.memory_space<hbm>>
      tpu.wait_dma2 semaphore(%run_scoped3A : memref<!tpu.dma_semaphore, #tpu.memory_space<semaphore_mem>>) src(%dma_wait3A_28 : memref<10000xi32, #tpu.memory_space<hbm>>) dst(%arg5 : memref<10000xi32, #tpu.memory_space<vmem>>)
      tpu.yield
    }) : () -> ()
    %broadcast_in_dim3A_14 = arith.constant 1.000000e+00 : f32
    %broadcast_in_dim3A_15 = vector.broadcast %broadcast_in_dim3A_14 : f32 to vector<16xf32>
    %while3A_16 = arith.constant 0 : i64
    %while3A_17 = arith.constant 0 : i32
    %while3A_18 = arith.constant 625 : i32
    %while3A_19 = arith.subi %while3A_18, %while3A_17 : i32
    %while3A_20 = arith.addi %while3A_17, %while3A_19 : i32
    %while3A_21 = arith.constant 1 : i32
    %while3A_22 = arith.divsi %while3A_19, %while3A_21 : i32
    %while3A_23 = arith.muli %while3A_22, %while3A_21 : i32
    %while3A_24 = arith.addi %while3A_17, %while3A_23 : i32
    %while3A_25 = arith.constant 1 : i32
    scf.for %while3A_27 = %while3A_17 to %while3A_24 step %while3A_25  : i32 {
      %mul3A_28 = arith.constant 16 : i32
      %mul3A_29 = arith.muli %while3A_27, %mul3A_28 : i32
      %get3A = arith.index_cast %mul3A_29 : i32 to index
      %get3A_30 = tpu.vector_load %arg5[%get3A] {strides = array<i32>} : memref<10000xi32, #tpu.memory_space<vmem>>, vector<16xi32>,
      tpu.vector_store_idx %arg4[%get3A_30], %broadcast_in_dim3A_15 {add = true} : memref<10000xf32, #tpu.memory_space<vmem>>[vector<16xi32>], vector<16xf32>,
    }
    %while3A_26 = arith.constant 1 : i32
    scf.for %while3A_27 = %while3A_24 to %while3A_20 step %while3A_26  : i32 {
      %mul3A_28 = arith.constant 16 : i32
      %mul3A_29 = arith.muli %while3A_27, %mul3A_28 : i32
      %get3A = arith.index_cast %mul3A_29 : i32 to index
      %get3A_30 = tpu.vector_load %arg5[%get3A] {strides = array<i32>} : memref<10000xi32, #tpu.memory_space<vmem>>, vector<16xi32>,
      tpu.vector_store_idx %arg4[%get3A_30], %broadcast_in_dim3A_15 {add = true} : memref<10000xf32, #tpu.memory_space<vmem>>[vector<16xi32>], vector<16xf32>,
    }
    "tpu.region"() ({
      %run_scoped3A = tpu.sem_alloc : memref<!tpu.dma_semaphore, #tpu.memory_space<semaphore_mem>>
      %dma_start3A = arith.constant 0 : i32
      %dma_start3A_27 = tpu.memref_slice %arg3[%arg0, %arg1, %dma_start3A] : memref<2x16x10000xf32, #tpu.memory_space<hbm>> -> memref<1x1x10000xf32, #tpu.memory_space<hbm>>
      %dma_start3A_28 = tpu.memref_squeeze %dma_start3A_27 : memref<1x1x10000xf32, #tpu.memory_space<hbm>> -> memref<10000xf32, #tpu.memory_space<hbm>>
      %dma_start3A_29 = arith.constant 0 : i32
      %dma_start3A_30 = tpu.memref_slice %arg3[%arg0, %arg1, %dma_start3A_29] : memref<2x16x10000xf32, #tpu.memory_space<hbm>> -> memref<1x1x10000xf32, #tpu.memory_space<hbm>>
      %dma_start3A_31 = tpu.memref_squeeze %dma_start3A_30 : memref<1x1x10000xf32, #tpu.memory_space<hbm>> -> memref<10000xf32, #tpu.memory_space<hbm>>
      tpu.enqueue_dma source(%arg4 : memref<10000xf32, #tpu.memory_space<vmem>>) target(%dma_start3A_31 : memref<10000xf32, #tpu.memory_space<hbm>>) target_semaphore(%run_scoped3A : memref<!tpu.dma_semaphore, #tpu.memory_space<semaphore_mem>>)
      %dma_wait3A = arith.constant 0 : i32
      %dma_wait3A_32 = tpu.memref_slice %arg3[%arg0, %arg1, %dma_wait3A] : memref<2x16x10000xf32, #tpu.memory_space<hbm>> -> memref<1x1x10000xf32, #tpu.memory_space<hbm>>
      %dma_wait3A_33 = tpu.memref_squeeze %dma_wait3A_32 : memref<1x1x10000xf32, #tpu.memory_space<hbm>> -> memref<10000xf32, #tpu.memory_space<hbm>>
      %dma_wait3A_34 = arith.constant 0 : i32
      %dma_wait3A_35 = tpu.memref_slice %arg3[%arg0, %arg1, %dma_wait3A_34] : memref<2x16x10000xf32, #tpu.memory_space<hbm>> -> memref<1x1x10000xf32, #tpu.memory_space<hbm>>
      %dma_wait3A_36 = tpu.memref_squeeze %dma_wait3A_35 : memref<1x1x10000xf32, #tpu.memory_space<hbm>> -> memref<10000xf32, #tpu.memory_space<hbm>>
      tpu.wait_dma2 semaphore(%run_scoped3A : memref<!tpu.dma_semaphore, #tpu.memory_space<semaphore_mem>>) src(%arg4 : memref<10000xf32, #tpu.memory_space<vmem>>) dst(%dma_wait3A_36 : memref<10000xf32, #tpu.memory_space<hbm>>)
      tpu.yield
    }) : () -> ()
    return
  }
}

#map = affine_map<(d0, d1) -> (0, 0)>
#map1 = affine_map<(d0, d1) -> (0)>
#map2 = affine_map<(d0, d1) -> (0, 0, 0)>
module attributes {stable_mosaic.version = 14 : i64} {
  func.func @_sc_seg_sum_body(%arg0: i32, %arg1: i32, %arg2: memref<10000x128xf32, #tpu.memory_space<hbm>>, %arg3: memref<320000xi32, #tpu.memory_space<hbm>>, %arg4: memref<320000xi32, #tpu.memory_space<hbm>>, %arg5: memref<2x10000x128xf32, #tpu.memory_space<hbm>>, %arg6: memref<10000x128xf32, #tpu.memory_space<vmem_shared>>, %arg7: memref<104x128xf32, #tpu.memory_space<vmem>>, %arg8: memref<104x128xf32, #tpu.memory_space<vmem>>, %arg9: memref<9984xi32, #tpu.memory_space<vmem>>, %arg10: memref<9984xi32, #tpu.memory_space<vmem>>, %arg11: memref<!tpu.dma_semaphore, #tpu.memory_space<semaphore_mem>>, %arg12: memref<!tpu.dma_semaphore, #tpu.memory_space<semaphore_mem>>, %arg13: memref<!tpu.dma_semaphore, #tpu.memory_space<semaphore_mem>>, %arg14: memref<!tpu.dma_semaphore, #tpu.memory_space<semaphore_mem>>) attributes {dimension_semantics = [#tpu.dimension_semantics<core_parallel>, #tpu.dimension_semantics<subcore_parallel>], iteration_bounds = array<i64: 2, 16>, scalar_prefetch = 0 : i64, scratch_operands = 9 : i64, tpu.core_type = #tpu.core_type<sc_vector_subcore>, window_params = [{transform_indices = #map}, {transform_indices = #map1}, {transform_indices = #map1}, {transform_indices = #map2}]} {
    %mul3A = arith.constant 2 : i32
    %mul3A_0 = arith.muli %arg1, %mul3A : i32
    %add3A = arith.addi %mul3A_0, %arg0 : i32
    %mul3A_1 = arith.constant 624 : i32
    %mul3A_2 = arith.muli %arg1, %mul3A_1 : i32
    %broadcast_in_dim3A = arith.constant 0.000000e+00 : f32
    %broadcast_in_dim3A_3 = vector.broadcast %broadcast_in_dim3A : f32 to vector<16xf32>
    %while3A = arith.constant 0 : i64
    %while3A_4 = arith.constant 0 : i32
    %while3A_5 = arith.constant 104 : i32
    %while3A_6 = arith.subi %while3A_5, %while3A_4 : i32
    %while3A_7 = arith.addi %while3A_4, %while3A_6 : i32
    %while3A_8 = arith.constant 1 : i32
    %while3A_9 = arith.divsi %while3A_6, %while3A_8 : i32
    %while3A_10 = arith.muli %while3A_9, %while3A_8 : i32
    %while3A_11 = arith.addi %while3A_4, %while3A_10 : i32
    %while3A_12 = arith.constant 1 : i32
    scf.for %while3A_102 = %while3A_4 to %while3A_11 step %while3A_12  : i32 {
      %swap3A = arith.index_cast %while3A_102 : i32 to index
      %swap3A_103 = arith.constant 0 : index
      %swap3A_104 = tpu.vector_load %arg7[%swap3A, %swap3A_103] {strides = array<i32>} : memref<104x128xf32, #tpu.memory_space<vmem>>, vector<1x16xf32>,
      %swap3A_105 = vector.shape_cast %swap3A_104 : vector<1x16xf32> to vector<16xf32>
      %swap3A_106 = vector.shape_cast %broadcast_in_dim3A_3 : vector<16xf32> to vector<1x16xf32>
      tpu.vector_store %arg7[%swap3A, %swap3A_103], %swap3A_106 {strides = array<i32>} : memref<104x128xf32, #tpu.memory_space<vmem>>, vector<1x16xf32>,
      %swap3A_107 = arith.index_cast %while3A_102 : i32 to index
      %swap3A_108 = arith.constant 16 : index
      %swap3A_109 = tpu.vector_load %arg7[%swap3A_107, %swap3A_108] {strides = array<i32>} : memref<104x128xf32, #tpu.memory_space<vmem>>, vector<1x16xf32>,
      %swap3A_110 = vector.shape_cast %swap3A_109 : vector<1x16xf32> to vector<16xf32>
      %swap3A_111 = vector.shape_cast %broadcast_in_dim3A_3 : vector<16xf32> to vector<1x16xf32>
      tpu.vector_store %arg7[%swap3A_107, %swap3A_108], %swap3A_111 {strides = array<i32>} : memref<104x128xf32, #tpu.memory_space<vmem>>, vector<1x16xf32>,
      %swap3A_112 = arith.index_cast %while3A_102 : i32 to index
      %swap3A_113 = arith.constant 32 : index
      %swap3A_114 = tpu.vector_load %arg7[%swap3A_112, %swap3A_113] {strides = array<i32>} : memref<104x128xf32, #tpu.memory_space<vmem>>, vector<1x16xf32>,
      %swap3A_115 = vector.shape_cast %swap3A_114 : vector<1x16xf32> to vector<16xf32>
      %swap3A_116 = vector.shape_cast %broadcast_in_dim3A_3 : vector<16xf32> to vector<1x16xf32>
      tpu.vector_store %arg7[%swap3A_112, %swap3A_113], %swap3A_116 {strides = array<i32>} : memref<104x128xf32, #tpu.memory_space<vmem>>, vector<1x16xf32>,
      %swap3A_117 = arith.index_cast %while3A_102 : i32 to index
      %swap3A_118 = arith.constant 48 : index
      %swap3A_119 = tpu.vector_load %arg7[%swap3A_117, %swap3A_118] {strides = array<i32>} : memref<104x128xf32, #tpu.memory_space<vmem>>, vector<1x16xf32>,
      %swap3A_120 = vector.shape_cast %swap3A_119 : vector<1x16xf32> to vector<16xf32>
      %swap3A_121 = vector.shape_cast %broadcast_in_dim3A_3 : vector<16xf32> to vector<1x16xf32>
      tpu.vector_store %arg7[%swap3A_117, %swap3A_118], %swap3A_121 {strides = array<i32>} : memref<104x128xf32, #tpu.memory_space<vmem>>, vector<1x16xf32>,
      %swap3A_122 = arith.index_cast %while3A_102 : i32 to index
      %swap3A_123 = arith.constant 64 : index
      %swap3A_124 = tpu.vector_load %arg7[%swap3A_122, %swap3A_123] {strides = array<i32>} : memref<104x128xf32, #tpu.memory_space<vmem>>, vector<1x16xf32>,
      %swap3A_125 = vector.shape_cast %swap3A_124 : vector<1x16xf32> to vector<16xf32>
      %swap3A_126 = vector.shape_cast %broadcast_in_dim3A_3 : vector<16xf32> to vector<1x16xf32>
      tpu.vector_store %arg7[%swap3A_122, %swap3A_123], %swap3A_126 {strides = array<i32>} : memref<104x128xf32, #tpu.memory_space<vmem>>, vector<1x16xf32>,
      %swap3A_127 = arith.index_cast %while3A_102 : i32 to index
      %swap3A_128 = arith.constant 80 : index
      %swap3A_129 = tpu.vector_load %arg7[%swap3A_127, %swap3A_128] {strides = array<i32>} : memref<104x128xf32, #tpu.memory_space<vmem>>, vector<1x16xf32>,
      %swap3A_130 = vector.shape_cast %swap3A_129 : vector<1x16xf32> to vector<16xf32>
      %swap3A_131 = vector.shape_cast %broadcast_in_dim3A_3 : vector<16xf32> to vector<1x16xf32>
      tpu.vector_store %arg7[%swap3A_127, %swap3A_128], %swap3A_131 {strides = array<i32>} : memref<104x128xf32, #tpu.memory_space<vmem>>, vector<1x16xf32>,
      %swap3A_132 = arith.index_cast %while3A_102 : i32 to index
      %swap3A_133 = arith.constant 96 : index
      %swap3A_134 = tpu.vector_load %arg7[%swap3A_132, %swap3A_133] {strides = array<i32>} : memref<104x128xf32, #tpu.memory_space<vmem>>, vector<1x16xf32>,
      %swap3A_135 = vector.shape_cast %swap3A_134 : vector<1x16xf32> to vector<16xf32>
      %swap3A_136 = vector.shape_cast %broadcast_in_dim3A_3 : vector<16xf32> to vector<1x16xf32>
      tpu.vector_store %arg7[%swap3A_132, %swap3A_133], %swap3A_136 {strides = array<i32>} : memref<104x128xf32, #tpu.memory_space<vmem>>, vector<1x16xf32>,
      %swap3A_137 = arith.index_cast %while3A_102 : i32 to index
      %swap3A_138 = arith.constant 112 : index
      %swap3A_139 = tpu.vector_load %arg7[%swap3A_137, %swap3A_138] {strides = array<i32>} : memref<104x128xf32, #tpu.memory_space<vmem>>, vector<1x16xf32>,
      %swap3A_140 = vector.shape_cast %swap3A_139 : vector<1x16xf32> to vector<16xf32>
      %swap3A_141 = vector.shape_cast %broadcast_in_dim3A_3 : vector<16xf32> to vector<1x16xf32>
      tpu.vector_store %arg7[%swap3A_137, %swap3A_138], %swap3A_141 {strides = array<i32>} : memref<104x128xf32, #tpu.memory_space<vmem>>, vector<1x16xf32>,
    }
    %while3A_13 = arith.constant 1 : i32
    scf.for %while3A_102 = %while3A_11 to %while3A_7 step %while3A_13  : i32 {
      %swap3A = arith.index_cast %while3A_102 : i32 to index
      %swap3A_103 = arith.constant 0 : index
      %swap3A_104 = tpu.vector_load %arg7[%swap3A, %swap3A_103] {strides = array<i32>} : memref<104x128xf32, #tpu.memory_space<vmem>>, vector<1x16xf32>,
      %swap3A_105 = vector.shape_cast %swap3A_104 : vector<1x16xf32> to vector<16xf32>
      %swap3A_106 = vector.shape_cast %broadcast_in_dim3A_3 : vector<16xf32> to vector<1x16xf32>
      tpu.vector_store %arg7[%swap3A, %swap3A_103], %swap3A_106 {strides = array<i32>} : memref<104x128xf32, #tpu.memory_space<vmem>>, vector<1x16xf32>,
      %swap3A_107 = arith.index_cast %while3A_102 : i32 to index
      %swap3A_108 = arith.constant 16 : index
      %swap3A_109 = tpu.vector_load %arg7[%swap3A_107, %swap3A_108] {strides = array<i32>} : memref<104x128xf32, #tpu.memory_space<vmem>>, vector<1x16xf32>,
      %swap3A_110 = vector.shape_cast %swap3A_109 : vector<1x16xf32> to vector<16xf32>
      %swap3A_111 = vector.shape_cast %broadcast_in_dim3A_3 : vector<16xf32> to vector<1x16xf32>
      tpu.vector_store %arg7[%swap3A_107, %swap3A_108], %swap3A_111 {strides = array<i32>} : memref<104x128xf32, #tpu.memory_space<vmem>>, vector<1x16xf32>,
      %swap3A_112 = arith.index_cast %while3A_102 : i32 to index
      %swap3A_113 = arith.constant 32 : index
      %swap3A_114 = tpu.vector_load %arg7[%swap3A_112, %swap3A_113] {strides = array<i32>} : memref<104x128xf32, #tpu.memory_space<vmem>>, vector<1x16xf32>,
      %swap3A_115 = vector.shape_cast %swap3A_114 : vector<1x16xf32> to vector<16xf32>
      %swap3A_116 = vector.shape_cast %broadcast_in_dim3A_3 : vector<16xf32> to vector<1x16xf32>
      tpu.vector_store %arg7[%swap3A_112, %swap3A_113], %swap3A_116 {strides = array<i32>} : memref<104x128xf32, #tpu.memory_space<vmem>>, vector<1x16xf32>,
      %swap3A_117 = arith.index_cast %while3A_102 : i32 to index
      %swap3A_118 = arith.constant 48 : index
      %swap3A_119 = tpu.vector_load %arg7[%swap3A_117, %swap3A_118] {strides = array<i32>} : memref<104x128xf32, #tpu.memory_space<vmem>>, vector<1x16xf32>,
      %swap3A_120 = vector.shape_cast %swap3A_119 : vector<1x16xf32> to vector<16xf32>
      %swap3A_121 = vector.shape_cast %broadcast_in_dim3A_3 : vector<16xf32> to vector<1x16xf32>
      tpu.vector_store %arg7[%swap3A_117, %swap3A_118], %swap3A_121 {strides = array<i32>} : memref<104x128xf32, #tpu.memory_space<vmem>>, vector<1x16xf32>,
      %swap3A_122 = arith.index_cast %while3A_102 : i32 to index
      %swap3A_123 = arith.constant 64 : index
      %swap3A_124 = tpu.vector_load %arg7[%swap3A_122, %swap3A_123] {strides = array<i32>} : memref<104x128xf32, #tpu.memory_space<vmem>>, vector<1x16xf32>,
      %swap3A_125 = vector.shape_cast %swap3A_124 : vector<1x16xf32> to vector<16xf32>
      %swap3A_126 = vector.shape_cast %broadcast_in_dim3A_3 : vector<16xf32> to vector<1x16xf32>
      tpu.vector_store %arg7[%swap3A_122, %swap3A_123], %swap3A_126 {strides = array<i32>} : memref<104x128xf32, #tpu.memory_space<vmem>>, vector<1x16xf32>,
      %swap3A_127 = arith.index_cast %while3A_102 : i32 to index
      %swap3A_128 = arith.constant 80 : index
      %swap3A_129 = tpu.vector_load %arg7[%swap3A_127, %swap3A_128] {strides = array<i32>} : memref<104x128xf32, #tpu.memory_space<vmem>>, vector<1x16xf32>,
      %swap3A_130 = vector.shape_cast %swap3A_129 : vector<1x16xf32> to vector<16xf32>
      %swap3A_131 = vector.shape_cast %broadcast_in_dim3A_3 : vector<16xf32> to vector<1x16xf32>
      tpu.vector_store %arg7[%swap3A_127, %swap3A_128], %swap3A_131 {strides = array<i32>} : memref<104x128xf32, #tpu.memory_space<vmem>>, vector<1x16xf32>,
      %swap3A_132 = arith.index_cast %while3A_102 : i32 to index
      %swap3A_133 = arith.constant 96 : index
      %swap3A_134 = tpu.vector_load %arg7[%swap3A_132, %swap3A_133] {strides = array<i32>} : memref<104x128xf32, #tpu.memory_space<vmem>>, vector<1x16xf32>,
      %swap3A_135 = vector.shape_cast %swap3A_134 : vector<1x16xf32> to vector<16xf32>
      %swap3A_136 = vector.shape_cast %broadcast_in_dim3A_3 : vector<16xf32> to vector<1x16xf32>
      tpu.vector_store %arg7[%swap3A_132, %swap3A_133], %swap3A_136 {strides = array<i32>} : memref<104x128xf32, #tpu.memory_space<vmem>>, vector<1x16xf32>,
      %swap3A_137 = arith.index_cast %while3A_102 : i32 to index
      %swap3A_138 = arith.constant 112 : index
      %swap3A_139 = tpu.vector_load %arg7[%swap3A_137, %swap3A_138] {strides = array<i32>} : memref<104x128xf32, #tpu.memory_space<vmem>>, vector<1x16xf32>,
      %swap3A_140 = vector.shape_cast %swap3A_139 : vector<1x16xf32> to vector<16xf32>
      %swap3A_141 = vector.shape_cast %broadcast_in_dim3A_3 : vector<16xf32> to vector<1x16xf32>
      tpu.vector_store %arg7[%swap3A_137, %swap3A_138], %swap3A_141 {strides = array<i32>} : memref<104x128xf32, #tpu.memory_space<vmem>>, vector<1x16xf32>,
    }
    %add3A_14 = arith.constant 0 : i32
    %add3A_15 = arith.addi %mul3A_2, %add3A_14 : i32
    "tpu.region"() ({
      %run_scoped3A = tpu.sem_alloc : memref<!tpu.dma_semaphore, #tpu.memory_space<semaphore_mem>>
      %dma_start3A_102 = arith.constant 0 : i32
      %dma_start3A_103 = tpu.memref_slice %arg6[%add3A_15, %dma_start3A_102] : memref<10000x128xf32, #tpu.memory_space<vmem_shared>> -> memref<104x128xf32, #tpu.memory_space<vmem_shared>>
      %dma_start3A_104 = arith.constant 0 : i32
      %dma_start3A_105 = tpu.memref_slice %arg6[%add3A_15, %dma_start3A_104] : memref<10000x128xf32, #tpu.memory_space<vmem_shared>> -> memref<104x128xf32, #tpu.memory_space<vmem_shared>>
      tpu.enqueue_dma source(%arg7 : memref<104x128xf32, #tpu.memory_space<vmem>>) target(%dma_start3A_105 : memref<104x128xf32, #tpu.memory_space<vmem_shared>>) target_semaphore(%run_scoped3A : memref<!tpu.dma_semaphore, #tpu.memory_space<semaphore_mem>>)
      %dma_wait3A_106 = arith.constant 0 : i32
      %dma_wait3A_107 = tpu.memref_slice %arg6[%add3A_15, %dma_wait3A_106] : memref<10000x128xf32, #tpu.memory_space<vmem_shared>> -> memref<104x128xf32, #tpu.memory_space<vmem_shared>>
      %dma_wait3A_108 = arith.constant 0 : i32
      %dma_wait3A_109 = tpu.memref_slice %arg6[%add3A_15, %dma_wait3A_108] : memref<10000x128xf32, #tpu.memory_space<vmem_shared>> -> memref<104x128xf32, #tpu.memory_space<vmem_shared>>
      tpu.wait_dma2 semaphore(%run_scoped3A : memref<!tpu.dma_semaphore, #tpu.memory_space<semaphore_mem>>) src(%arg7 : memref<104x128xf32, #tpu.memory_space<vmem>>) dst(%dma_wait3A_109 : memref<104x128xf32, #tpu.memory_space<vmem_shared>>)
      tpu.yield
    }) : () -> ()
    %add3A_16 = arith.constant 104 : i32
    %add3A_17 = arith.addi %mul3A_2, %add3A_16 : i32
    "tpu.region"() ({
      %run_scoped3A = tpu.sem_alloc : memref<!tpu.dma_semaphore, #tpu.memory_space<semaphore_mem>>
      %dma_start3A_102 = arith.constant 0 : i32
      %dma_start3A_103 = tpu.memref_slice %arg6[%add3A_17, %dma_start3A_102] : memref<10000x128xf32, #tpu.memory_space<vmem_shared>> -> memref<104x128xf32, #tpu.memory_space<vmem_shared>>
      %dma_start3A_104 = arith.constant 0 : i32
      %dma_start3A_105 = tpu.memref_slice %arg6[%add3A_17, %dma_start3A_104] : memref<10000x128xf32, #tpu.memory_space<vmem_shared>> -> memref<104x128xf32, #tpu.memory_space<vmem_shared>>
      tpu.enqueue_dma source(%arg7 : memref<104x128xf32, #tpu.memory_space<vmem>>) target(%dma_start3A_105 : memref<104x128xf32, #tpu.memory_space<vmem_shared>>) target_semaphore(%run_scoped3A : memref<!tpu.dma_semaphore, #tpu.memory_space<semaphore_mem>>)
      %dma_wait3A_106 = arith.constant 0 : i32
      %dma_wait3A_107 = tpu.memref_slice %arg6[%add3A_17, %dma_wait3A_106] : memref<10000x128xf32, #tpu.memory_space<vmem_shared>> -> memref<104x128xf32, #tpu.memory_space<vmem_shared>>
      %dma_wait3A_108 = arith.constant 0 : i32
      %dma_wait3A_109 = tpu.memref_slice %arg6[%add3A_17, %dma_wait3A_108] : memref<10000x128xf32, #tpu.memory_space<vmem_shared>> -> memref<104x128xf32, #tpu.memory_space<vmem_shared>>
      tpu.wait_dma2 semaphore(%run_scoped3A : memref<!tpu.dma_semaphore, #tpu.memory_space<semaphore_mem>>) src(%arg7 : memref<104x128xf32, #tpu.memory_space<vmem>>) dst(%dma_wait3A_109 : memref<104x128xf32, #tpu.memory_space<vmem_shared>>)
      tpu.yield
    }) : () -> ()
    %add3A_18 = arith.constant 208 : i32
    %add3A_19 = arith.addi %mul3A_2, %add3A_18 : i32
    "tpu.region"() ({
      %run_scoped3A = tpu.sem_alloc : memref<!tpu.dma_semaphore, #tpu.memory_space<semaphore_mem>>
      %dma_start3A_102 = arith.constant 0 : i32
      %dma_start3A_103 = tpu.memref_slice %arg6[%add3A_19, %dma_start3A_102] : memref<10000x128xf32, #tpu.memory_space<vmem_shared>> -> memref<104x128xf32, #tpu.memory_space<vmem_shared>>
      %dma_start3A_104 = arith.constant 0 : i32
      %dma_start3A_105 = tpu.memref_slice %arg6[%add3A_19, %dma_start3A_104] : memref<10000x128xf32, #tpu.memory_space<vmem_shared>> -> memref<104x128xf32, #tpu.memory_space<vmem_shared>>
      tpu.enqueue_dma source(%arg7 : memref<104x128xf32, #tpu.memory_space<vmem>>) target(%dma_start3A_105 : memref<104x128xf32, #tpu.memory_space<vmem_shared>>) target_semaphore(%run_scoped3A : memref<!tpu.dma_semaphore, #tpu.memory_space<semaphore_mem>>)
      %dma_wait3A_106 = arith.constant 0 : i32
      %dma_wait3A_107 = tpu.memref_slice %arg6[%add3A_19, %dma_wait3A_106] : memref<10000x128xf32, #tpu.memory_space<vmem_shared>> -> memref<104x128xf32, #tpu.memory_space<vmem_shared>>
      %dma_wait3A_108 = arith.constant 0 : i32
      %dma_wait3A_109 = tpu.memref_slice %arg6[%add3A_19, %dma_wait3A_108] : memref<10000x128xf32, #tpu.memory_space<vmem_shared>> -> memref<104x128xf32, #tpu.memory_space<vmem_shared>>
      tpu.wait_dma2 semaphore(%run_scoped3A : memref<!tpu.dma_semaphore, #tpu.memory_space<semaphore_mem>>) src(%arg7 : memref<104x128xf32, #tpu.memory_space<vmem>>) dst(%dma_wait3A_109 : memref<104x128xf32, #tpu.memory_space<vmem_shared>>)
      tpu.yield
    }) : () -> ()
    %add3A_20 = arith.constant 312 : i32
    %add3A_21 = arith.addi %mul3A_2, %add3A_20 : i32
    "tpu.region"() ({
      %run_scoped3A = tpu.sem_alloc : memref<!tpu.dma_semaphore, #tpu.memory_space<semaphore_mem>>
      %dma_start3A_102 = arith.constant 0 : i32
      %dma_start3A_103 = tpu.memref_slice %arg6[%add3A_21, %dma_start3A_102] : memref<10000x128xf32, #tpu.memory_space<vmem_shared>> -> memref<104x128xf32, #tpu.memory_space<vmem_shared>>
      %dma_start3A_104 = arith.constant 0 : i32
      %dma_start3A_105 = tpu.memref_slice %arg6[%add3A_21, %dma_start3A_104] : memref<10000x128xf32, #tpu.memory_space<vmem_shared>> -> memref<104x128xf32, #tpu.memory_space<vmem_shared>>
      tpu.enqueue_dma source(%arg7 : memref<104x128xf32, #tpu.memory_space<vmem>>) target(%dma_start3A_105 : memref<104x128xf32, #tpu.memory_space<vmem_shared>>) target_semaphore(%run_scoped3A : memref<!tpu.dma_semaphore, #tpu.memory_space<semaphore_mem>>)
      %dma_wait3A_106 = arith.constant 0 : i32
      %dma_wait3A_107 = tpu.memref_slice %arg6[%add3A_21, %dma_wait3A_106] : memref<10000x128xf32, #tpu.memory_space<vmem_shared>> -> memref<104x128xf32, #tpu.memory_space<vmem_shared>>
      %dma_wait3A_108 = arith.constant 0 : i32
      %dma_wait3A_109 = tpu.memref_slice %arg6[%add3A_21, %dma_wait3A_108] : memref<10000x128xf32, #tpu.memory_space<vmem_shared>> -> memref<104x128xf32, #tpu.memory_space<vmem_shared>>
      tpu.wait_dma2 semaphore(%run_scoped3A : memref<!tpu.dma_semaphore, #tpu.memory_space<semaphore_mem>>) src(%arg7 : memref<104x128xf32, #tpu.memory_space<vmem>>) dst(%dma_wait3A_109 : memref<104x128xf32, #tpu.memory_space<vmem_shared>>)
      tpu.yield
    }) : () -> ()
    %add3A_22 = arith.constant 416 : i32
    %add3A_23 = arith.addi %mul3A_2, %add3A_22 : i32
    "tpu.region"() ({
      %run_scoped3A = tpu.sem_alloc : memref<!tpu.dma_semaphore, #tpu.memory_space<semaphore_mem>>
      %dma_start3A_102 = arith.constant 0 : i32
      %dma_start3A_103 = tpu.memref_slice %arg6[%add3A_23, %dma_start3A_102] : memref<10000x128xf32, #tpu.memory_space<vmem_shared>> -> memref<104x128xf32, #tpu.memory_space<vmem_shared>>
      %dma_start3A_104 = arith.constant 0 : i32
      %dma_start3A_105 = tpu.memref_slice %arg6[%add3A_23, %dma_start3A_104] : memref<10000x128xf32, #tpu.memory_space<vmem_shared>> -> memref<104x128xf32, #tpu.memory_space<vmem_shared>>
      tpu.enqueue_dma source(%arg7 : memref<104x128xf32, #tpu.memory_space<vmem>>) target(%dma_start3A_105 : memref<104x128xf32, #tpu.memory_space<vmem_shared>>) target_semaphore(%run_scoped3A : memref<!tpu.dma_semaphore, #tpu.memory_space<semaphore_mem>>)
      %dma_wait3A_106 = arith.constant 0 : i32
      %dma_wait3A_107 = tpu.memref_slice %arg6[%add3A_23, %dma_wait3A_106] : memref<10000x128xf32, #tpu.memory_space<vmem_shared>> -> memref<104x128xf32, #tpu.memory_space<vmem_shared>>
      %dma_wait3A_108 = arith.constant 0 : i32
      %dma_wait3A_109 = tpu.memref_slice %arg6[%add3A_23, %dma_wait3A_108] : memref<10000x128xf32, #tpu.memory_space<vmem_shared>> -> memref<104x128xf32, #tpu.memory_space<vmem_shared>>
      tpu.wait_dma2 semaphore(%run_scoped3A : memref<!tpu.dma_semaphore, #tpu.memory_space<semaphore_mem>>) src(%arg7 : memref<104x128xf32, #tpu.memory_space<vmem>>) dst(%dma_wait3A_109 : memref<104x128xf32, #tpu.memory_space<vmem_shared>>)
      tpu.yield
    }) : () -> ()
    %add3A_24 = arith.constant 520 : i32
    %add3A_25 = arith.addi %mul3A_2, %add3A_24 : i32
    "tpu.region"() ({
      %run_scoped3A = tpu.sem_alloc : memref<!tpu.dma_semaphore, #tpu.memory_space<semaphore_mem>>
      %dma_start3A_102 = arith.constant 0 : i32
      %dma_start3A_103 = tpu.memref_slice %arg6[%add3A_25, %dma_start3A_102] : memref<10000x128xf32, #tpu.memory_space<vmem_shared>> -> memref<104x128xf32, #tpu.memory_space<vmem_shared>>
      %dma_start3A_104 = arith.constant 0 : i32
      %dma_start3A_105 = tpu.memref_slice %arg6[%add3A_25, %dma_start3A_104] : memref<10000x128xf32, #tpu.memory_space<vmem_shared>> -> memref<104x128xf32, #tpu.memory_space<vmem_shared>>
      tpu.enqueue_dma source(%arg7 : memref<104x128xf32, #tpu.memory_space<vmem>>) target(%dma_start3A_105 : memref<104x128xf32, #tpu.memory_space<vmem_shared>>) target_semaphore(%run_scoped3A : memref<!tpu.dma_semaphore, #tpu.memory_space<semaphore_mem>>)
      %dma_wait3A_106 = arith.constant 0 : i32
      %dma_wait3A_107 = tpu.memref_slice %arg6[%add3A_25, %dma_wait3A_106] : memref<10000x128xf32, #tpu.memory_space<vmem_shared>> -> memref<104x128xf32, #tpu.memory_space<vmem_shared>>
      %dma_wait3A_108 = arith.constant 0 : i32
      %dma_wait3A_109 = tpu.memref_slice %arg6[%add3A_25, %dma_wait3A_108] : memref<10000x128xf32, #tpu.memory_space<vmem_shared>> -> memref<104x128xf32, #tpu.memory_space<vmem_shared>>
      tpu.wait_dma2 semaphore(%run_scoped3A : memref<!tpu.dma_semaphore, #tpu.memory_space<semaphore_mem>>) src(%arg7 : memref<104x128xf32, #tpu.memory_space<vmem>>) dst(%dma_wait3A_109 : memref<104x128xf32, #tpu.memory_space<vmem_shared>>)
      tpu.yield
    }) : () -> ()
    %eq3A = arith.constant 15 : i32
    %eq3A_26 = arith.cmpi eq, %arg1, %eq3A : i32
    %convert_element_type3A = arith.extui %eq3A_26 : i1 to i32
    %cond3A = arith.constant 0 : i32
    %cond3A_27 = arith.cmpi ne, %convert_element_type3A, %cond3A : i32
    scf.if %cond3A_27 {
      "tpu.region"() ({
        %run_scoped3A = tpu.sem_alloc : memref<!tpu.dma_semaphore, #tpu.memory_space<semaphore_mem>>
        %dma_start3A_102 = arith.constant 0 : i32
        %dma_start3A_103 = arith.constant 0 : i32
        %dma_start3A_104 = tpu.memref_slice %arg7[%dma_start3A_102, %dma_start3A_103] : memref<104x128xf32, #tpu.memory_space<vmem>> -> memref<16x128xf32, #tpu.memory_space<vmem>>
        %dma_start3A_105 = arith.constant 9984 : i32
        %dma_start3A_106 = arith.constant 0 : i32
        %dma_start3A_107 = tpu.memref_slice %arg6[%dma_start3A_105, %dma_start3A_106] : memref<10000x128xf32, #tpu.memory_space<vmem_shared>> -> memref<16x128xf32, #tpu.memory_space<vmem_shared>>
        %dma_start3A_108 = arith.constant 9984 : i32
        %dma_start3A_109 = arith.constant 0 : i32
        %dma_start3A_110 = tpu.memref_slice %arg6[%dma_start3A_108, %dma_start3A_109] : memref<10000x128xf32, #tpu.memory_space<vmem_shared>> -> memref<16x128xf32, #tpu.memory_space<vmem_shared>>
        %dma_start3A_111 = arith.constant 0 : i32
        %dma_start3A_112 = arith.constant 0 : i32
        %dma_start3A_113 = tpu.memref_slice %arg7[%dma_start3A_111, %dma_start3A_112] : memref<104x128xf32, #tpu.memory_space<vmem>> -> memref<16x128xf32, #tpu.memory_space<vmem>>
        tpu.enqueue_dma source(%dma_start3A_113 : memref<16x128xf32, #tpu.memory_space<vmem>>) target(%dma_start3A_110 : memref<16x128xf32, #tpu.memory_space<vmem_shared>>) target_semaphore(%run_scoped3A : memref<!tpu.dma_semaphore, #tpu.memory_space<semaphore_mem>>)
        %dma_wait3A_114 = arith.constant 0 : i32
        %dma_wait3A_115 = arith.constant 0 : i32
        %dma_wait3A_116 = tpu.memref_slice %arg7[%dma_wait3A_114, %dma_wait3A_115] : memref<104x128xf32, #tpu.memory_space<vmem>> -> memref<16x128xf32, #tpu.memory_space<vmem>>
        %dma_wait3A_117 = arith.constant 9984 : i32
        %dma_wait3A_118 = arith.constant 0 : i32
        %dma_wait3A_119 = tpu.memref_slice %arg6[%dma_wait3A_117, %dma_wait3A_118] : memref<10000x128xf32, #tpu.memory_space<vmem_shared>> -> memref<16x128xf32, #tpu.memory_space<vmem_shared>>
        %dma_wait3A_120 = arith.constant 9984 : i32
        %dma_wait3A_121 = arith.constant 0 : i32
        %dma_wait3A_122 = tpu.memref_slice %arg6[%dma_wait3A_120, %dma_wait3A_121] : memref<10000x128xf32, #tpu.memory_space<vmem_shared>> -> memref<16x128xf32, #tpu.memory_space<vmem_shared>>
        %dma_wait3A_123 = arith.constant 0 : i32
        %dma_wait3A_124 = arith.constant 0 : i32
        %dma_wait3A_125 = tpu.memref_slice %arg7[%dma_wait3A_123, %dma_wait3A_124] : memref<104x128xf32, #tpu.memory_space<vmem>> -> memref<16x128xf32, #tpu.memory_space<vmem>>
        tpu.wait_dma2 semaphore(%run_scoped3A : memref<!tpu.dma_semaphore, #tpu.memory_space<semaphore_mem>>) src(%dma_wait3A_125 : memref<16x128xf32, #tpu.memory_space<vmem>>) dst(%dma_wait3A_122 : memref<16x128xf32, #tpu.memory_space<vmem_shared>>)
        tpu.yield
      }) : () -> ()
    } else {
    }
    %barrier3A = arith.constant 0 : index
    tpu.barrier barrier_id(%barrier3A)
    %mul3A_28 = arith.constant 10000 : i32
    %mul3A_29 = arith.muli %add3A, %mul3A_28 : i32
    "tpu.region"() ({
      %run_scoped3A = tpu.sem_alloc : memref<!tpu.dma_semaphore, #tpu.memory_space<semaphore_mem>>
      %dma_start3A_102 = tpu.memref_slice %arg3[%mul3A_29] : memref<320000xi32, #tpu.memory_space<hbm>> -> memref<9984xi32, #tpu.memory_space<hbm>>
      %dma_start3A_103 = tpu.memref_slice %arg3[%mul3A_29] : memref<320000xi32, #tpu.memory_space<hbm>> -> memref<9984xi32, #tpu.memory_space<hbm>>
      tpu.enqueue_dma source(%dma_start3A_103 : memref<9984xi32, #tpu.memory_space<hbm>>) target(%arg9 : memref<9984xi32, #tpu.memory_space<vmem>>) target_semaphore(%run_scoped3A : memref<!tpu.dma_semaphore, #tpu.memory_space<semaphore_mem>>)
      %dma_wait3A_104 = tpu.memref_slice %arg3[%mul3A_29] : memref<320000xi32, #tpu.memory_space<hbm>> -> memref<9984xi32, #tpu.memory_space<hbm>>
      %dma_wait3A_105 = tpu.memref_slice %arg3[%mul3A_29] : memref<320000xi32, #tpu.memory_space<hbm>> -> memref<9984xi32, #tpu.memory_space<hbm>>
      tpu.wait_dma2 semaphore(%run_scoped3A : memref<!tpu.dma_semaphore, #tpu.memory_space<semaphore_mem>>) src(%dma_wait3A_105 : memref<9984xi32, #tpu.memory_space<hbm>>) dst(%arg9 : memref<9984xi32, #tpu.memory_space<vmem>>)
      tpu.yield
    }) : () -> ()
    "tpu.region"() ({
      %run_scoped3A = tpu.sem_alloc : memref<!tpu.dma_semaphore, #tpu.memory_space<semaphore_mem>>
      %dma_start3A_102 = tpu.memref_slice %arg4[%mul3A_29] : memref<320000xi32, #tpu.memory_space<hbm>> -> memref<9984xi32, #tpu.memory_space<hbm>>
      %dma_start3A_103 = tpu.memref_slice %arg4[%mul3A_29] : memref<320000xi32, #tpu.memory_space<hbm>> -> memref<9984xi32, #tpu.memory_space<hbm>>
      tpu.enqueue_dma source(%dma_start3A_103 : memref<9984xi32, #tpu.memory_space<hbm>>) target(%arg10 : memref<9984xi32, #tpu.memory_space<vmem>>) target_semaphore(%run_scoped3A : memref<!tpu.dma_semaphore, #tpu.memory_space<semaphore_mem>>)
      %dma_wait3A_104 = tpu.memref_slice %arg4[%mul3A_29] : memref<320000xi32, #tpu.memory_space<hbm>> -> memref<9984xi32, #tpu.memory_space<hbm>>
      %dma_wait3A_105 = tpu.memref_slice %arg4[%mul3A_29] : memref<320000xi32, #tpu.memory_space<hbm>> -> memref<9984xi32, #tpu.memory_space<hbm>>
      tpu.wait_dma2 semaphore(%run_scoped3A : memref<!tpu.dma_semaphore, #tpu.memory_space<semaphore_mem>>) src(%dma_wait3A_105 : memref<9984xi32, #tpu.memory_space<hbm>>) dst(%arg10 : memref<9984xi32, #tpu.memory_space<vmem>>)
      tpu.yield
    }) : () -> ()
    %mul3A_30 = arith.constant 0 : i32
    %mul3A_31 = arith.constant 104 : i32
    %mul3A_32 = arith.muli %mul3A_30, %mul3A_31 : i32
    %dma_start3A = tpu.memref_slice %arg9[%mul3A_32] : memref<9984xi32, #tpu.memory_space<vmem>> -> memref<104xi32, #tpu.memory_space<vmem>>
    %dma_start3A_33 = arith.constant 0 : i32
    %dma_start3A_34 = arith.constant 0 : i32
    %dma_start3A_35 = tpu.memref_slice %arg2[%dma_start3A_33, %dma_start3A_34] : memref<10000x128xf32, #tpu.memory_space<hbm>> -> memref<10000x128xf32, #tpu.memory_space<hbm>>
    tpu.enqueue_indirect_dma source(%dma_start3A_35 : memref<10000x128xf32, #tpu.memory_space<hbm>>) target(%arg7 : memref<104x128xf32, #tpu.memory_space<vmem>>) offsets(%dma_start3A : memref<104xi32, #tpu.memory_space<vmem>>) semaphore(%arg11 : memref<!tpu.dma_semaphore, #tpu.memory_space<semaphore_mem>>)
    %while3A_36 = arith.constant 0 : i64
    %while3A_37 = arith.constant 0 : i32
    %while3A_38 = arith.constant 48 : i32
    %while3A_39 = arith.subi %while3A_38, %while3A_37 : i32
    %while3A_40 = arith.addi %while3A_37, %while3A_39 : i32
    %while3A_41 = arith.constant 1 : i32
    %while3A_42 = arith.divsi %while3A_39, %while3A_41 : i32
    %while3A_43 = arith.muli %while3A_42, %while3A_41 : i32
    %while3A_44 = arith.addi %while3A_37, %while3A_43 : i32
    %while3A_45 = arith.constant 1 : i32
    scf.for %while3A_102 = %while3A_37 to %while3A_44 step %while3A_45  : i32 {
      %mul3A_103 = arith.constant 2 : i32
      %mul3A_104 = arith.muli %mul3A_103, %while3A_102 : i32
      %dma_wait3A_105 = arith.constant 0 : i32
      %dma_wait3A_106 = arith.constant 0 : i32
      %dma_wait3A_107 = tpu.memref_slice %arg2[%dma_wait3A_105, %dma_wait3A_106] : memref<10000x128xf32, #tpu.memory_space<hbm>> -> memref<104x128xf32, #tpu.memory_space<hbm>>
      %dma_wait3A_108 = arith.constant 0 : i32
      %dma_wait3A_109 = arith.constant 0 : i32
      %dma_wait3A_110 = tpu.memref_slice %arg2[%dma_wait3A_108, %dma_wait3A_109] : memref<10000x128xf32, #tpu.memory_space<hbm>> -> memref<104x128xf32, #tpu.memory_space<hbm>>
      tpu.wait_dma2 semaphore(%arg11 : memref<!tpu.dma_semaphore, #tpu.memory_space<semaphore_mem>>) src(%dma_wait3A_110 : memref<104x128xf32, #tpu.memory_space<hbm>>) dst(%arg7 : memref<104x128xf32, #tpu.memory_space<vmem>>)
      %mul3A_111 = arith.constant 104 : i32
      %mul3A_112 = arith.muli %mul3A_104, %mul3A_111 : i32
      %dma_start3A_113 = tpu.memref_slice %arg10[%mul3A_112] : memref<9984xi32, #tpu.memory_space<vmem>> -> memref<104xi32, #tpu.memory_space<vmem>>
      %dma_start3A_114 = arith.constant 0 : i32
      %dma_start3A_115 = arith.constant 0 : i32
      %dma_start3A_116 = tpu.memref_slice %arg6[%dma_start3A_114, %dma_start3A_115] : memref<10000x128xf32, #tpu.memory_space<vmem_shared>> -> memref<10000x128xf32, #tpu.memory_space<vmem_shared>>
      tpu.enqueue_indirect_dma source(%arg7 : memref<104x128xf32, #tpu.memory_space<vmem>>) target(%dma_start3A_116 : memref<10000x128xf32, #tpu.memory_space<vmem_shared>>) offsets(%dma_start3A_113 : memref<104xi32, #tpu.memory_space<vmem>>) semaphore(%arg13 : memref<!tpu.dma_semaphore, #tpu.memory_space<semaphore_mem>>) {add = true}
      %gt3A = arith.constant 0 : i32
      %gt3A_117 = arith.cmpi sgt, %while3A_102, %gt3A : i32
      %convert_element_type3A_118 = arith.extui %gt3A_117 : i1 to i32
      %cond3A_119 = arith.constant 0 : i32
      %cond3A_120 = arith.cmpi ne, %convert_element_type3A_118, %cond3A_119 : i32
      scf.if %cond3A_120 {
        %dma_wait3A_153 = arith.constant 0 : i32
        %dma_wait3A_154 = arith.constant 0 : i32
        %dma_wait3A_155 = tpu.memref_slice %arg2[%dma_wait3A_153, %dma_wait3A_154] : memref<10000x128xf32, #tpu.memory_space<hbm>> -> memref<104x128xf32, #tpu.memory_space<hbm>>
        %dma_wait3A_156 = arith.constant 0 : i32
        %dma_wait3A_157 = arith.constant 0 : i32
        %dma_wait3A_158 = tpu.memref_slice %arg2[%dma_wait3A_156, %dma_wait3A_157] : memref<10000x128xf32, #tpu.memory_space<hbm>> -> memref<104x128xf32, #tpu.memory_space<hbm>>
        tpu.wait_dma2 semaphore(%arg14 : memref<!tpu.dma_semaphore, #tpu.memory_space<semaphore_mem>>) src(%dma_wait3A_158 : memref<104x128xf32, #tpu.memory_space<hbm>>) dst(%arg8 : memref<104x128xf32, #tpu.memory_space<vmem>>)
      } else {
      }
      %add3A_121 = arith.constant 1 : i32
      %add3A_122 = arith.addi %mul3A_104, %add3A_121 : i32
      %mul3A_123 = arith.constant 104 : i32
      %mul3A_124 = arith.muli %add3A_122, %mul3A_123 : i32
      %dma_start3A_125 = tpu.memref_slice %arg9[%mul3A_124] : memref<9984xi32, #tpu.memory_space<vmem>> -> memref<104xi32, #tpu.memory_space<vmem>>
      %dma_start3A_126 = arith.constant 0 : i32
      %dma_start3A_127 = arith.constant 0 : i32
      %dma_start3A_128 = tpu.memref_slice %arg2[%dma_start3A_126, %dma_start3A_127] : memref<10000x128xf32, #tpu.memory_space<hbm>> -> memref<10000x128xf32, #tpu.memory_space<hbm>>
      tpu.enqueue_indirect_dma source(%dma_start3A_128 : memref<10000x128xf32, #tpu.memory_space<hbm>>) target(%arg8 : memref<104x128xf32, #tpu.memory_space<vmem>>) offsets(%dma_start3A_125 : memref<104xi32, #tpu.memory_space<vmem>>) semaphore(%arg12 : memref<!tpu.dma_semaphore, #tpu.memory_space<semaphore_mem>>)
      %dma_wait3A_129 = arith.constant 0 : i32
      %dma_wait3A_130 = arith.constant 0 : i32
      %dma_wait3A_131 = tpu.memref_slice %arg2[%dma_wait3A_129, %dma_wait3A_130] : memref<10000x128xf32, #tpu.memory_space<hbm>> -> memref<104x128xf32, #tpu.memory_space<hbm>>
      %dma_wait3A_132 = arith.constant 0 : i32
      %dma_wait3A_133 = arith.constant 0 : i32
      %dma_wait3A_134 = tpu.memref_slice %arg2[%dma_wait3A_132, %dma_wait3A_133] : memref<10000x128xf32, #tpu.memory_space<hbm>> -> memref<104x128xf32, #tpu.memory_space<hbm>>
      tpu.wait_dma2 semaphore(%arg12 : memref<!tpu.dma_semaphore, #tpu.memory_space<semaphore_mem>>) src(%dma_wait3A_134 : memref<104x128xf32, #tpu.memory_space<hbm>>) dst(%arg8 : memref<104x128xf32, #tpu.memory_space<vmem>>)
      %add3A_135 = arith.constant 1 : i32
      %add3A_136 = arith.addi %mul3A_104, %add3A_135 : i32
      %mul3A_137 = arith.constant 104 : i32
      %mul3A_138 = arith.muli %add3A_136, %mul3A_137 : i32
      %dma_start3A_139 = tpu.memref_slice %arg10[%mul3A_138] : memref<9984xi32, #tpu.memory_space<vmem>> -> memref<104xi32, #tpu.memory_space<vmem>>
      %dma_start3A_140 = arith.constant 0 : i32
      %dma_start3A_141 = arith.constant 0 : i32
      %dma_start3A_142 = tpu.memref_slice %arg6[%dma_start3A_140, %dma_start3A_141] : memref<10000x128xf32, #tpu.memory_space<vmem_shared>> -> memref<10000x128xf32, #tpu.memory_space<vmem_shared>>
      tpu.enqueue_indirect_dma source(%arg8 : memref<104x128xf32, #tpu.memory_space<vmem>>) target(%dma_start3A_142 : memref<10000x128xf32, #tpu.memory_space<vmem_shared>>) offsets(%dma_start3A_139 : memref<104xi32, #tpu.memory_space<vmem>>) semaphore(%arg14 : memref<!tpu.dma_semaphore, #tpu.memory_space<semaphore_mem>>) {add = true}
      %dma_wait3A_143 = arith.constant 0 : i32
      %dma_wait3A_144 = arith.constant 0 : i32
      %dma_wait3A_145 = tpu.memref_slice %arg2[%dma_wait3A_143, %dma_wait3A_144] : memref<10000x128xf32, #tpu.memory_space<hbm>> -> memref<104x128xf32, #tpu.memory_space<hbm>>
      %dma_wait3A_146 = arith.constant 0 : i32
      %dma_wait3A_147 = arith.constant 0 : i32
      %dma_wait3A_148 = tpu.memref_slice %arg2[%dma_wait3A_146, %dma_wait3A_147] : memref<10000x128xf32, #tpu.memory_space<hbm>> -> memref<104x128xf32, #tpu.memory_space<hbm>>
      tpu.wait_dma2 semaphore(%arg13 : memref<!tpu.dma_semaphore, #tpu.memory_space<semaphore_mem>>) src(%dma_wait3A_148 : memref<104x128xf32, #tpu.memory_space<hbm>>) dst(%arg7 : memref<104x128xf32, #tpu.memory_space<vmem>>)
      %lt3A = arith.constant 47 : i32
      %lt3A_149 = arith.cmpi slt, %while3A_102, %lt3A : i32
      %convert_element_type3A_150 = arith.extui %lt3A_149 : i1 to i32
      %cond3A_151 = arith.constant 0 : i32
      %cond3A_152 = arith.cmpi ne, %convert_element_type3A_150, %cond3A_151 : i32
      scf.if %cond3A_152 {
        %add3A_153 = arith.constant 2 : i32
        %add3A_154 = arith.addi %mul3A_104, %add3A_153 : i32
        %mul3A_155 = arith.constant 104 : i32
        %mul3A_156 = arith.muli %add3A_154, %mul3A_155 : i32
        %dma_start3A_157 = tpu.memref_slice %arg9[%mul3A_156] : memref<9984xi32, #tpu.memory_space<vmem>> -> memref<104xi32, #tpu.memory_space<vmem>>
        %dma_start3A_158 = arith.constant 0 : i32
        %dma_start3A_159 = arith.constant 0 : i32
        %dma_start3A_160 = tpu.memref_slice %arg2[%dma_start3A_158, %dma_start3A_159] : memref<10000x128xf32, #tpu.memory_space<hbm>> -> memref<10000x128xf32, #tpu.memory_space<hbm>>
        tpu.enqueue_indirect_dma source(%dma_start3A_160 : memref<10000x128xf32, #tpu.memory_space<hbm>>) target(%arg7 : memref<104x128xf32, #tpu.memory_space<vmem>>) offsets(%dma_start3A_157 : memref<104xi32, #tpu.memory_space<vmem>>) semaphore(%arg11 : memref<!tpu.dma_semaphore, #tpu.memory_space<semaphore_mem>>)
      } else {
      }
    }
    %while3A_46 = arith.constant 1 : i32
    scf.for %while3A_102 = %while3A_44 to %while3A_40 step %while3A_46  : i32 {
      %mul3A_103 = arith.constant 2 : i32
      %mul3A_104 = arith.muli %mul3A_103, %while3A_102 : i32
      %dma_wait3A_105 = arith.constant 0 : i32
      %dma_wait3A_106 = arith.constant 0 : i32
      %dma_wait3A_107 = tpu.memref_slice %arg2[%dma_wait3A_105, %dma_wait3A_106] : memref<10000x128xf32, #tpu.memory_space<hbm>> -> memref<104x128xf32, #tpu.memory_space<hbm>>
      %dma_wait3A_108 = arith.constant 0 : i32
      %dma_wait3A_109 = arith.constant 0 : i32
      %dma_wait3A_110 = tpu.memref_slice %arg2[%dma_wait3A_108, %dma_wait3A_109] : memref<10000x128xf32, #tpu.memory_space<hbm>> -> memref<104x128xf32, #tpu.memory_space<hbm>>
      tpu.wait_dma2 semaphore(%arg11 : memref<!tpu.dma_semaphore, #tpu.memory_space<semaphore_mem>>) src(%dma_wait3A_110 : memref<104x128xf32, #tpu.memory_space<hbm>>) dst(%arg7 : memref<104x128xf32, #tpu.memory_space<vmem>>)
      %mul3A_111 = arith.constant 104 : i32
      %mul3A_112 = arith.muli %mul3A_104, %mul3A_111 : i32
      %dma_start3A_113 = tpu.memref_slice %arg10[%mul3A_112] : memref<9984xi32, #tpu.memory_space<vmem>> -> memref<104xi32, #tpu.memory_space<vmem>>
      %dma_start3A_114 = arith.constant 0 : i32
      %dma_start3A_115 = arith.constant 0 : i32
      %dma_start3A_116 = tpu.memref_slice %arg6[%dma_start3A_114, %dma_start3A_115] : memref<10000x128xf32, #tpu.memory_space<vmem_shared>> -> memref<10000x128xf32, #tpu.memory_space<vmem_shared>>
      tpu.enqueue_indirect_dma source(%arg7 : memref<104x128xf32, #tpu.memory_space<vmem>>) target(%dma_start3A_116 : memref<10000x128xf32, #tpu.memory_space<vmem_shared>>) offsets(%dma_start3A_113 : memref<104xi32, #tpu.memory_space<vmem>>) semaphore(%arg13 : memref<!tpu.dma_semaphore, #tpu.memory_space<semaphore_mem>>) {add = true}
      %gt3A = arith.constant 0 : i32
      %gt3A_117 = arith.cmpi sgt, %while3A_102, %gt3A : i32
      %convert_element_type3A_118 = arith.extui %gt3A_117 : i1 to i32
      %cond3A_119 = arith.constant 0 : i32
      %cond3A_120 = arith.cmpi ne, %convert_element_type3A_118, %cond3A_119 : i32
      scf.if %cond3A_120 {
        %dma_wait3A_153 = arith.constant 0 : i32
        %dma_wait3A_154 = arith.constant 0 : i32
        %dma_wait3A_155 = tpu.memref_slice %arg2[%dma_wait3A_153, %dma_wait3A_154] : memref<10000x128xf32, #tpu.memory_space<hbm>> -> memref<104x128xf32, #tpu.memory_space<hbm>>
        %dma_wait3A_156 = arith.constant 0 : i32
        %dma_wait3A_157 = arith.constant 0 : i32
        %dma_wait3A_158 = tpu.memref_slice %arg2[%dma_wait3A_156, %dma_wait3A_157] : memref<10000x128xf32, #tpu.memory_space<hbm>> -> memref<104x128xf32, #tpu.memory_space<hbm>>
        tpu.wait_dma2 semaphore(%arg14 : memref<!tpu.dma_semaphore, #tpu.memory_space<semaphore_mem>>) src(%dma_wait3A_158 : memref<104x128xf32, #tpu.memory_space<hbm>>) dst(%arg8 : memref<104x128xf32, #tpu.memory_space<vmem>>)
      } else {
      }
      %add3A_121 = arith.constant 1 : i32
      %add3A_122 = arith.addi %mul3A_104, %add3A_121 : i32
      %mul3A_123 = arith.constant 104 : i32
      %mul3A_124 = arith.muli %add3A_122, %mul3A_123 : i32
      %dma_start3A_125 = tpu.memref_slice %arg9[%mul3A_124] : memref<9984xi32, #tpu.memory_space<vmem>> -> memref<104xi32, #tpu.memory_space<vmem>>
      %dma_start3A_126 = arith.constant 0 : i32
      %dma_start3A_127 = arith.constant 0 : i32
      %dma_start3A_128 = tpu.memref_slice %arg2[%dma_start3A_126, %dma_start3A_127] : memref<10000x128xf32, #tpu.memory_space<hbm>> -> memref<10000x128xf32, #tpu.memory_space<hbm>>
      tpu.enqueue_indirect_dma source(%dma_start3A_128 : memref<10000x128xf32, #tpu.memory_space<hbm>>) target(%arg8 : memref<104x128xf32, #tpu.memory_space<vmem>>) offsets(%dma_start3A_125 : memref<104xi32, #tpu.memory_space<vmem>>) semaphore(%arg12 : memref<!tpu.dma_semaphore, #tpu.memory_space<semaphore_mem>>)
      %dma_wait3A_129 = arith.constant 0 : i32
      %dma_wait3A_130 = arith.constant 0 : i32
      %dma_wait3A_131 = tpu.memref_slice %arg2[%dma_wait3A_129, %dma_wait3A_130] : memref<10000x128xf32, #tpu.memory_space<hbm>> -> memref<104x128xf32, #tpu.memory_space<hbm>>
      %dma_wait3A_132 = arith.constant 0 : i32
      %dma_wait3A_133 = arith.constant 0 : i32
      %dma_wait3A_134 = tpu.memref_slice %arg2[%dma_wait3A_132, %dma_wait3A_133] : memref<10000x128xf32, #tpu.memory_space<hbm>> -> memref<104x128xf32, #tpu.memory_space<hbm>>
      tpu.wait_dma2 semaphore(%arg12 : memref<!tpu.dma_semaphore, #tpu.memory_space<semaphore_mem>>) src(%dma_wait3A_134 : memref<104x128xf32, #tpu.memory_space<hbm>>) dst(%arg8 : memref<104x128xf32, #tpu.memory_space<vmem>>)
      %add3A_135 = arith.constant 1 : i32
      %add3A_136 = arith.addi %mul3A_104, %add3A_135 : i32
      %mul3A_137 = arith.constant 104 : i32
      %mul3A_138 = arith.muli %add3A_136, %mul3A_137 : i32
      %dma_start3A_139 = tpu.memref_slice %arg10[%mul3A_138] : memref<9984xi32, #tpu.memory_space<vmem>> -> memref<104xi32, #tpu.memory_space<vmem>>
      %dma_start3A_140 = arith.constant 0 : i32
      %dma_start3A_141 = arith.constant 0 : i32
      %dma_start3A_142 = tpu.memref_slice %arg6[%dma_start3A_140, %dma_start3A_141] : memref<10000x128xf32, #tpu.memory_space<vmem_shared>> -> memref<10000x128xf32, #tpu.memory_space<vmem_shared>>
      tpu.enqueue_indirect_dma source(%arg8 : memref<104x128xf32, #tpu.memory_space<vmem>>) target(%dma_start3A_142 : memref<10000x128xf32, #tpu.memory_space<vmem_shared>>) offsets(%dma_start3A_139 : memref<104xi32, #tpu.memory_space<vmem>>) semaphore(%arg14 : memref<!tpu.dma_semaphore, #tpu.memory_space<semaphore_mem>>) {add = true}
      %dma_wait3A_143 = arith.constant 0 : i32
      %dma_wait3A_144 = arith.constant 0 : i32
      %dma_wait3A_145 = tpu.memref_slice %arg2[%dma_wait3A_143, %dma_wait3A_144] : memref<10000x128xf32, #tpu.memory_space<hbm>> -> memref<104x128xf32, #tpu.memory_space<hbm>>
      %dma_wait3A_146 = arith.constant 0 : i32
      %dma_wait3A_147 = arith.constant 0 : i32
      %dma_wait3A_148 = tpu.memref_slice %arg2[%dma_wait3A_146, %dma_wait3A_147] : memref<10000x128xf32, #tpu.memory_space<hbm>> -> memref<104x128xf32, #tpu.memory_space<hbm>>
      tpu.wait_dma2 semaphore(%arg13 : memref<!tpu.dma_semaphore, #tpu.memory_space<semaphore_mem>>) src(%dma_wait3A_148 : memref<104x128xf32, #tpu.memory_space<hbm>>) dst(%arg7 : memref<104x128xf32, #tpu.memory_space<vmem>>)
      %lt3A = arith.constant 47 : i32
      %lt3A_149 = arith.cmpi slt, %while3A_102, %lt3A : i32
      %convert_element_type3A_150 = arith.extui %lt3A_149 : i1 to i32
      %cond3A_151 = arith.constant 0 : i32
      %cond3A_152 = arith.cmpi ne, %convert_element_type3A_150, %cond3A_151 : i32
      scf.if %cond3A_152 {
        %add3A_153 = arith.constant 2 : i32
        %add3A_154 = arith.addi %mul3A_104, %add3A_153 : i32
        %mul3A_155 = arith.constant 104 : i32
        %mul3A_156 = arith.muli %add3A_154, %mul3A_155 : i32
        %dma_start3A_157 = tpu.memref_slice %arg9[%mul3A_156] : memref<9984xi32, #tpu.memory_space<vmem>> -> memref<104xi32, #tpu.memory_space<vmem>>
        %dma_start3A_158 = arith.constant 0 : i32
        %dma_start3A_159 = arith.constant 0 : i32
        %dma_start3A_160 = tpu.memref_slice %arg2[%dma_start3A_158, %dma_start3A_159] : memref<10000x128xf32, #tpu.memory_space<hbm>> -> memref<10000x128xf32, #tpu.memory_space<hbm>>
        tpu.enqueue_indirect_dma source(%dma_start3A_160 : memref<10000x128xf32, #tpu.memory_space<hbm>>) target(%arg7 : memref<104x128xf32, #tpu.memory_space<vmem>>) offsets(%dma_start3A_157 : memref<104xi32, #tpu.memory_space<vmem>>) semaphore(%arg11 : memref<!tpu.dma_semaphore, #tpu.memory_space<semaphore_mem>>)
      } else {
      }
    }
    %dma_wait3A = arith.constant 0 : i32
    %dma_wait3A_47 = arith.constant 0 : i32
    %dma_wait3A_48 = tpu.memref_slice %arg2[%dma_wait3A, %dma_wait3A_47] : memref<10000x128xf32, #tpu.memory_space<hbm>> -> memref<104x128xf32, #tpu.memory_space<hbm>>
    %dma_wait3A_49 = arith.constant 0 : i32
    %dma_wait3A_50 = arith.constant 0 : i32
    %dma_wait3A_51 = tpu.memref_slice %arg2[%dma_wait3A_49, %dma_wait3A_50] : memref<10000x128xf32, #tpu.memory_space<hbm>> -> memref<104x128xf32, #tpu.memory_space<hbm>>
    tpu.wait_dma2 semaphore(%arg14 : memref<!tpu.dma_semaphore, #tpu.memory_space<semaphore_mem>>) src(%dma_wait3A_51 : memref<104x128xf32, #tpu.memory_space<hbm>>) dst(%arg8 : memref<104x128xf32, #tpu.memory_space<vmem>>)
    %add3A_52 = arith.constant 9984 : i32
    %add3A_53 = arith.addi %mul3A_29, %add3A_52 : i32
    "tpu.region"() ({
      %run_scoped3A = tpu.sem_alloc : memref<!tpu.dma_semaphore, #tpu.memory_space<semaphore_mem>>
      %dma_start3A_102 = arith.constant 0 : i32
      %dma_start3A_103 = tpu.memref_slice %arg9[%dma_start3A_102] : memref<9984xi32, #tpu.memory_space<vmem>> -> memref<16xi32, #tpu.memory_space<vmem>>
      %dma_start3A_104 = tpu.memref_slice %arg3[%add3A_53] : memref<320000xi32, #tpu.memory_space<hbm>> -> memref<16xi32, #tpu.memory_space<hbm>>
      %dma_start3A_105 = arith.constant 0 : i32
      %dma_start3A_106 = tpu.memref_slice %arg9[%dma_start3A_105] : memref<9984xi32, #tpu.memory_space<vmem>> -> memref<16xi32, #tpu.memory_space<vmem>>
      %dma_start3A_107 = tpu.memref_slice %arg3[%add3A_53] : memref<320000xi32, #tpu.memory_space<hbm>> -> memref<16xi32, #tpu.memory_space<hbm>>
      tpu.enqueue_dma source(%dma_start3A_107 : memref<16xi32, #tpu.memory_space<hbm>>) target(%dma_start3A_106 : memref<16xi32, #tpu.memory_space<vmem>>) target_semaphore(%run_scoped3A : memref<!tpu.dma_semaphore, #tpu.memory_space<semaphore_mem>>)
      %dma_wait3A_108 = arith.constant 0 : i32
      %dma_wait3A_109 = tpu.memref_slice %arg9[%dma_wait3A_108] : memref<9984xi32, #tpu.memory_space<vmem>> -> memref<16xi32, #tpu.memory_space<vmem>>
      %dma_wait3A_110 = tpu.memref_slice %arg3[%add3A_53] : memref<320000xi32, #tpu.memory_space<hbm>> -> memref<16xi32, #tpu.memory_space<hbm>>
      %dma_wait3A_111 = arith.constant 0 : i32
      %dma_wait3A_112 = tpu.memref_slice %arg9[%dma_wait3A_111] : memref<9984xi32, #tpu.memory_space<vmem>> -> memref<16xi32, #tpu.memory_space<vmem>>
      %dma_wait3A_113 = tpu.memref_slice %arg3[%add3A_53] : memref<320000xi32, #tpu.memory_space<hbm>> -> memref<16xi32, #tpu.memory_space<hbm>>
      tpu.wait_dma2 semaphore(%run_scoped3A : memref<!tpu.dma_semaphore, #tpu.memory_space<semaphore_mem>>) src(%dma_wait3A_113 : memref<16xi32, #tpu.memory_space<hbm>>) dst(%dma_wait3A_112 : memref<16xi32, #tpu.memory_space<vmem>>)
      tpu.yield
    }) : () -> ()
    %add3A_54 = arith.constant 9984 : i32
    %add3A_55 = arith.addi %mul3A_29, %add3A_54 : i32
    "tpu.region"() ({
      %run_scoped3A = tpu.sem_alloc : memref<!tpu.dma_semaphore, #tpu.memory_space<semaphore_mem>>
      %dma_start3A_102 = arith.constant 0 : i32
      %dma_start3A_103 = tpu.memref_slice %arg10[%dma_start3A_102] : memref<9984xi32, #tpu.memory_space<vmem>> -> memref<16xi32, #tpu.memory_space<vmem>>
      %dma_start3A_104 = tpu.memref_slice %arg4[%add3A_55] : memref<320000xi32, #tpu.memory_space<hbm>> -> memref<16xi32, #tpu.memory_space<hbm>>
      %dma_start3A_105 = arith.constant 0 : i32
      %dma_start3A_106 = tpu.memref_slice %arg10[%dma_start3A_105] : memref<9984xi32, #tpu.memory_space<vmem>> -> memref<16xi32, #tpu.memory_space<vmem>>
      %dma_start3A_107 = tpu.memref_slice %arg4[%add3A_55] : memref<320000xi32, #tpu.memory_space<hbm>> -> memref<16xi32, #tpu.memory_space<hbm>>
      tpu.enqueue_dma source(%dma_start3A_107 : memref<16xi32, #tpu.memory_space<hbm>>) target(%dma_start3A_106 : memref<16xi32, #tpu.memory_space<vmem>>) target_semaphore(%run_scoped3A : memref<!tpu.dma_semaphore, #tpu.memory_space<semaphore_mem>>)
      %dma_wait3A_108 = arith.constant 0 : i32
      %dma_wait3A_109 = tpu.memref_slice %arg10[%dma_wait3A_108] : memref<9984xi32, #tpu.memory_space<vmem>> -> memref<16xi32, #tpu.memory_space<vmem>>
      %dma_wait3A_110 = tpu.memref_slice %arg4[%add3A_55] : memref<320000xi32, #tpu.memory_space<hbm>> -> memref<16xi32, #tpu.memory_space<hbm>>
      %dma_wait3A_111 = arith.constant 0 : i32
      %dma_wait3A_112 = tpu.memref_slice %arg10[%dma_wait3A_111] : memref<9984xi32, #tpu.memory_space<vmem>> -> memref<16xi32, #tpu.memory_space<vmem>>
      %dma_wait3A_113 = tpu.memref_slice %arg4[%add3A_55] : memref<320000xi32, #tpu.memory_space<hbm>> -> memref<16xi32, #tpu.memory_space<hbm>>
      tpu.wait_dma2 semaphore(%run_scoped3A : memref<!tpu.dma_semaphore, #tpu.memory_space<semaphore_mem>>) src(%dma_wait3A_113 : memref<16xi32, #tpu.memory_space<hbm>>) dst(%dma_wait3A_112 : memref<16xi32, #tpu.memory_space<vmem>>)
      tpu.yield
    }) : () -> ()
    %dma_start3A_56 = arith.constant 0 : i32
    %dma_start3A_57 = arith.constant 0 : i32
    %dma_start3A_58 = tpu.memref_slice %arg7[%dma_start3A_56, %dma_start3A_57] : memref<104x128xf32, #tpu.memory_space<vmem>> -> memref<16x128xf32, #tpu.memory_space<vmem>>
    %dma_start3A_59 = arith.constant 0 : i32
    %dma_start3A_60 = tpu.memref_slice %arg9[%dma_start3A_59] : memref<9984xi32, #tpu.memory_space<vmem>> -> memref<16xi32, #tpu.memory_space<vmem>>
    %dma_start3A_61 = arith.constant 0 : i32
    %dma_start3A_62 = arith.constant 0 : i32
    %dma_start3A_63 = tpu.memref_slice %arg2[%dma_start3A_61, %dma_start3A_62] : memref<10000x128xf32, #tpu.memory_space<hbm>> -> memref<10000x128xf32, #tpu.memory_space<hbm>>
    tpu.enqueue_indirect_dma source(%dma_start3A_63 : memref<10000x128xf32, #tpu.memory_space<hbm>>) target(%dma_start3A_58 : memref<16x128xf32, #tpu.memory_space<vmem>>) offsets(%dma_start3A_60 : memref<16xi32, #tpu.memory_space<vmem>>) semaphore(%arg11 : memref<!tpu.dma_semaphore, #tpu.memory_space<semaphore_mem>>)
    %dma_wait3A_64 = arith.constant 0 : i32
    %dma_wait3A_65 = arith.constant 0 : i32
    %dma_wait3A_66 = tpu.memref_slice %arg7[%dma_wait3A_64, %dma_wait3A_65] : memref<104x128xf32, #tpu.memory_space<vmem>> -> memref<16x128xf32, #tpu.memory_space<vmem>>
    %dma_wait3A_67 = arith.constant 0 : i32
    %dma_wait3A_68 = tpu.memref_slice %arg9[%dma_wait3A_67] : memref<9984xi32, #tpu.memory_space<vmem>> -> memref<16xi32, #tpu.memory_space<vmem>>
    %dma_wait3A_69 = arith.constant 0 : i32
    %dma_wait3A_70 = arith.constant 0 : i32
    %dma_wait3A_71 = tpu.memref_slice %arg2[%dma_wait3A_69, %dma_wait3A_70] : memref<10000x128xf32, #tpu.memory_space<hbm>> -> memref<10000x128xf32, #tpu.memory_space<hbm>>
    tpu.wait_indirect_dma semaphore(%arg11 : memref<!tpu.dma_semaphore, #tpu.memory_space<semaphore_mem>>) src(%dma_wait3A_71 : memref<10000x128xf32, #tpu.memory_space<hbm>>) dst(%dma_wait3A_66 : memref<16x128xf32, #tpu.memory_space<vmem>>)
    "tpu.region"() ({
      %run_scoped3A = tpu.sem_alloc : memref<!tpu.dma_semaphore, #tpu.memory_space<semaphore_mem>>
      %dma_start3A_102 = arith.constant 0 : i32
      %dma_start3A_103 = arith.constant 0 : i32
      %dma_start3A_104 = tpu.memref_slice %arg7[%dma_start3A_102, %dma_start3A_103] : memref<104x128xf32, #tpu.memory_space<vmem>> -> memref<16x128xf32, #tpu.memory_space<vmem>>
      %dma_start3A_105 = arith.constant 0 : i32
      %dma_start3A_106 = tpu.memref_slice %arg10[%dma_start3A_105] : memref<9984xi32, #tpu.memory_space<vmem>> -> memref<16xi32, #tpu.memory_space<vmem>>
      %dma_start3A_107 = arith.constant 0 : i32
      %dma_start3A_108 = arith.constant 0 : i32
      %dma_start3A_109 = tpu.memref_slice %arg6[%dma_start3A_107, %dma_start3A_108] : memref<10000x128xf32, #tpu.memory_space<vmem_shared>> -> memref<10000x128xf32, #tpu.memory_space<vmem_shared>>
      tpu.enqueue_indirect_dma source(%dma_start3A_104 : memref<16x128xf32, #tpu.memory_space<vmem>>) target(%dma_start3A_109 : memref<10000x128xf32, #tpu.memory_space<vmem_shared>>) offsets(%dma_start3A_106 : memref<16xi32, #tpu.memory_space<vmem>>) semaphore(%run_scoped3A : memref<!tpu.dma_semaphore, #tpu.memory_space<semaphore_mem>>) {add = true}
      %dma_wait3A_110 = arith.constant 0 : i32
      %dma_wait3A_111 = arith.constant 0 : i32
      %dma_wait3A_112 = tpu.memref_slice %arg7[%dma_wait3A_110, %dma_wait3A_111] : memref<104x128xf32, #tpu.memory_space<vmem>> -> memref<16x128xf32, #tpu.memory_space<vmem>>
      %dma_wait3A_113 = arith.constant 0 : i32
      %dma_wait3A_114 = tpu.memref_slice %arg10[%dma_wait3A_113] : memref<9984xi32, #tpu.memory_space<vmem>> -> memref<16xi32, #tpu.memory_space<vmem>>
      %dma_wait3A_115 = arith.constant 0 : i32
      %dma_wait3A_116 = arith.constant 0 : i32
      %dma_wait3A_117 = tpu.memref_slice %arg6[%dma_wait3A_115, %dma_wait3A_116] : memref<10000x128xf32, #tpu.memory_space<vmem_shared>> -> memref<10000x128xf32, #tpu.memory_space<vmem_shared>>
      tpu.wait_indirect_dma semaphore(%run_scoped3A : memref<!tpu.dma_semaphore, #tpu.memory_space<semaphore_mem>>) src(%dma_wait3A_112 : memref<16x128xf32, #tpu.memory_space<vmem>>) dst(%dma_wait3A_117 : memref<10000x128xf32, #tpu.memory_space<vmem_shared>>)
      tpu.yield
    }) : () -> ()
    %barrier3A_72 = arith.constant 0 : index
    tpu.barrier barrier_id(%barrier3A_72)
    %add3A_73 = arith.constant 0 : i32
    %add3A_74 = arith.addi %mul3A_2, %add3A_73 : i32
    "tpu.region"() ({
      %run_scoped3A = tpu.sem_alloc : memref<!tpu.dma_semaphore, #tpu.memory_space<semaphore_mem>>
      %dma_start3A_102 = arith.constant 0 : i32
      %dma_start3A_103 = tpu.memref_slice %arg6[%add3A_74, %dma_start3A_102] : memref<10000x128xf32, #tpu.memory_space<vmem_shared>> -> memref<104x128xf32, #tpu.memory_space<vmem_shared>>
      %dma_start3A_104 = arith.constant 0 : i32
      %dma_start3A_105 = tpu.memref_slice %arg6[%add3A_74, %dma_start3A_104] : memref<10000x128xf32, #tpu.memory_space<vmem_shared>> -> memref<104x128xf32, #tpu.memory_space<vmem_shared>>
      tpu.enqueue_dma source(%dma_start3A_105 : memref<104x128xf32, #tpu.memory_space<vmem_shared>>) target(%arg7 : memref<104x128xf32, #tpu.memory_space<vmem>>) target_semaphore(%run_scoped3A : memref<!tpu.dma_semaphore, #tpu.memory_space<semaphore_mem>>)
      %dma_wait3A_106 = arith.constant 0 : i32
      %dma_wait3A_107 = tpu.memref_slice %arg6[%add3A_74, %dma_wait3A_106] : memref<10000x128xf32, #tpu.memory_space<vmem_shared>> -> memref<104x128xf32, #tpu.memory_space<vmem_shared>>
      %dma_wait3A_108 = arith.constant 0 : i32
      %dma_wait3A_109 = tpu.memref_slice %arg6[%add3A_74, %dma_wait3A_108] : memref<10000x128xf32, #tpu.memory_space<vmem_shared>> -> memref<104x128xf32, #tpu.memory_space<vmem_shared>>
      tpu.wait_dma2 semaphore(%run_scoped3A : memref<!tpu.dma_semaphore, #tpu.memory_space<semaphore_mem>>) src(%dma_wait3A_109 : memref<104x128xf32, #tpu.memory_space<vmem_shared>>) dst(%arg7 : memref<104x128xf32, #tpu.memory_space<vmem>>)
      tpu.yield
    }) : () -> ()
    %add3A_75 = arith.constant 0 : i32
    %add3A_76 = arith.addi %mul3A_2, %add3A_75 : i32
    "tpu.region"() ({
      %run_scoped3A = tpu.sem_alloc : memref<!tpu.dma_semaphore, #tpu.memory_space<semaphore_mem>>
      %dma_start3A_102 = arith.constant 0 : i32
      %dma_start3A_103 = tpu.memref_slice %arg5[%arg0, %add3A_76, %dma_start3A_102] : memref<2x10000x128xf32, #tpu.memory_space<hbm>> -> memref<1x104x128xf32, #tpu.memory_space<hbm>>
      %dma_start3A_104 = tpu.memref_squeeze %dma_start3A_103 : memref<1x104x128xf32, #tpu.memory_space<hbm>> -> memref<104x128xf32, #tpu.memory_space<hbm>>
      %dma_start3A_105 = arith.constant 0 : i32
      %dma_start3A_106 = tpu.memref_slice %arg5[%arg0, %add3A_76, %dma_start3A_105] : memref<2x10000x128xf32, #tpu.memory_space<hbm>> -> memref<1x104x128xf32, #tpu.memory_space<hbm>>
      %dma_start3A_107 = tpu.memref_squeeze %dma_start3A_106 : memref<1x104x128xf32, #tpu.memory_space<hbm>> -> memref<104x128xf32, #tpu.memory_space<hbm>>
      tpu.enqueue_dma source(%arg7 : memref<104x128xf32, #tpu.memory_space<vmem>>) target(%dma_start3A_107 : memref<104x128xf32, #tpu.memory_space<hbm>>) target_semaphore(%run_scoped3A : memref<!tpu.dma_semaphore, #tpu.memory_space<semaphore_mem>>)
      %dma_wait3A_108 = arith.constant 0 : i32
      %dma_wait3A_109 = tpu.memref_slice %arg5[%arg0, %add3A_76, %dma_wait3A_108] : memref<2x10000x128xf32, #tpu.memory_space<hbm>> -> memref<1x104x128xf32, #tpu.memory_space<hbm>>
      %dma_wait3A_110 = tpu.memref_squeeze %dma_wait3A_109 : memref<1x104x128xf32, #tpu.memory_space<hbm>> -> memref<104x128xf32, #tpu.memory_space<hbm>>
      %dma_wait3A_111 = arith.constant 0 : i32
      %dma_wait3A_112 = tpu.memref_slice %arg5[%arg0, %add3A_76, %dma_wait3A_111] : memref<2x10000x128xf32, #tpu.memory_space<hbm>> -> memref<1x104x128xf32, #tpu.memory_space<hbm>>
      %dma_wait3A_113 = tpu.memref_squeeze %dma_wait3A_112 : memref<1x104x128xf32, #tpu.memory_space<hbm>> -> memref<104x128xf32, #tpu.memory_space<hbm>>
      tpu.wait_dma2 semaphore(%run_scoped3A : memref<!tpu.dma_semaphore, #tpu.memory_space<semaphore_mem>>) src(%arg7 : memref<104x128xf32, #tpu.memory_space<vmem>>) dst(%dma_wait3A_113 : memref<104x128xf32, #tpu.memory_space<hbm>>)
      tpu.yield
    }) : () -> ()
    %add3A_77 = arith.constant 104 : i32
    %add3A_78 = arith.addi %mul3A_2, %add3A_77 : i32
    "tpu.region"() ({
      %run_scoped3A = tpu.sem_alloc : memref<!tpu.dma_semaphore, #tpu.memory_space<semaphore_mem>>
      %dma_start3A_102 = arith.constant 0 : i32
      %dma_start3A_103 = tpu.memref_slice %arg6[%add3A_78, %dma_start3A_102] : memref<10000x128xf32, #tpu.memory_space<vmem_shared>> -> memref<104x128xf32, #tpu.memory_space<vmem_shared>>
      %dma_start3A_104 = arith.constant 0 : i32
      %dma_start3A_105 = tpu.memref_slice %arg6[%add3A_78, %dma_start3A_104] : memref<10000x128xf32, #tpu.memory_space<vmem_shared>> -> memref<104x128xf32, #tpu.memory_space<vmem_shared>>
      tpu.enqueue_dma source(%dma_start3A_105 : memref<104x128xf32, #tpu.memory_space<vmem_shared>>) target(%arg7 : memref<104x128xf32, #tpu.memory_space<vmem>>) target_semaphore(%run_scoped3A : memref<!tpu.dma_semaphore, #tpu.memory_space<semaphore_mem>>)
      %dma_wait3A_106 = arith.constant 0 : i32
      %dma_wait3A_107 = tpu.memref_slice %arg6[%add3A_78, %dma_wait3A_106] : memref<10000x128xf32, #tpu.memory_space<vmem_shared>> -> memref<104x128xf32, #tpu.memory_space<vmem_shared>>
      %dma_wait3A_108 = arith.constant 0 : i32
      %dma_wait3A_109 = tpu.memref_slice %arg6[%add3A_78, %dma_wait3A_108] : memref<10000x128xf32, #tpu.memory_space<vmem_shared>> -> memref<104x128xf32, #tpu.memory_space<vmem_shared>>
      tpu.wait_dma2 semaphore(%run_scoped3A : memref<!tpu.dma_semaphore, #tpu.memory_space<semaphore_mem>>) src(%dma_wait3A_109 : memref<104x128xf32, #tpu.memory_space<vmem_shared>>) dst(%arg7 : memref<104x128xf32, #tpu.memory_space<vmem>>)
      tpu.yield
    }) : () -> ()
    %add3A_79 = arith.constant 104 : i32
    %add3A_80 = arith.addi %mul3A_2, %add3A_79 : i32
    "tpu.region"() ({
      %run_scoped3A = tpu.sem_alloc : memref<!tpu.dma_semaphore, #tpu.memory_space<semaphore_mem>>
      %dma_start3A_102 = arith.constant 0 : i32
      %dma_start3A_103 = tpu.memref_slice %arg5[%arg0, %add3A_80, %dma_start3A_102] : memref<2x10000x128xf32, #tpu.memory_space<hbm>> -> memref<1x104x128xf32, #tpu.memory_space<hbm>>
      %dma_start3A_104 = tpu.memref_squeeze %dma_start3A_103 : memref<1x104x128xf32, #tpu.memory_space<hbm>> -> memref<104x128xf32, #tpu.memory_space<hbm>>
      %dma_start3A_105 = arith.constant 0 : i32
      %dma_start3A_106 = tpu.memref_slice %arg5[%arg0, %add3A_80, %dma_start3A_105] : memref<2x10000x128xf32, #tpu.memory_space<hbm>> -> memref<1x104x128xf32, #tpu.memory_space<hbm>>
      %dma_start3A_107 = tpu.memref_squeeze %dma_start3A_106 : memref<1x104x128xf32, #tpu.memory_space<hbm>> -> memref<104x128xf32, #tpu.memory_space<hbm>>
      tpu.enqueue_dma source(%arg7 : memref<104x128xf32, #tpu.memory_space<vmem>>) target(%dma_start3A_107 : memref<104x128xf32, #tpu.memory_space<hbm>>) target_semaphore(%run_scoped3A : memref<!tpu.dma_semaphore, #tpu.memory_space<semaphore_mem>>)
      %dma_wait3A_108 = arith.constant 0 : i32
      %dma_wait3A_109 = tpu.memref_slice %arg5[%arg0, %add3A_80, %dma_wait3A_108] : memref<2x10000x128xf32, #tpu.memory_space<hbm>> -> memref<1x104x128xf32, #tpu.memory_space<hbm>>
      %dma_wait3A_110 = tpu.memref_squeeze %dma_wait3A_109 : memref<1x104x128xf32, #tpu.memory_space<hbm>> -> memref<104x128xf32, #tpu.memory_space<hbm>>
      %dma_wait3A_111 = arith.constant 0 : i32
      %dma_wait3A_112 = tpu.memref_slice %arg5[%arg0, %add3A_80, %dma_wait3A_111] : memref<2x10000x128xf32, #tpu.memory_space<hbm>> -> memref<1x104x128xf32, #tpu.memory_space<hbm>>
      %dma_wait3A_113 = tpu.memref_squeeze %dma_wait3A_112 : memref<1x104x128xf32, #tpu.memory_space<hbm>> -> memref<104x128xf32, #tpu.memory_space<hbm>>
      tpu.wait_dma2 semaphore(%run_scoped3A : memref<!tpu.dma_semaphore, #tpu.memory_space<semaphore_mem>>) src(%arg7 : memref<104x128xf32, #tpu.memory_space<vmem>>) dst(%dma_wait3A_113 : memref<104x128xf32, #tpu.memory_space<hbm>>)
      tpu.yield
    }) : () -> ()
    %add3A_81 = arith.constant 208 : i32
    %add3A_82 = arith.addi %mul3A_2, %add3A_81 : i32
    "tpu.region"() ({
      %run_scoped3A = tpu.sem_alloc : memref<!tpu.dma_semaphore, #tpu.memory_space<semaphore_mem>>
      %dma_start3A_102 = arith.constant 0 : i32
      %dma_start3A_103 = tpu.memref_slice %arg6[%add3A_82, %dma_start3A_102] : memref<10000x128xf32, #tpu.memory_space<vmem_shared>> -> memref<104x128xf32, #tpu.memory_space<vmem_shared>>
      %dma_start3A_104 = arith.constant 0 : i32
      %dma_start3A_105 = tpu.memref_slice %arg6[%add3A_82, %dma_start3A_104] : memref<10000x128xf32, #tpu.memory_space<vmem_shared>> -> memref<104x128xf32, #tpu.memory_space<vmem_shared>>
      tpu.enqueue_dma source(%dma_start3A_105 : memref<104x128xf32, #tpu.memory_space<vmem_shared>>) target(%arg7 : memref<104x128xf32, #tpu.memory_space<vmem>>) target_semaphore(%run_scoped3A : memref<!tpu.dma_semaphore, #tpu.memory_space<semaphore_mem>>)
      %dma_wait3A_106 = arith.constant 0 : i32
      %dma_wait3A_107 = tpu.memref_slice %arg6[%add3A_82, %dma_wait3A_106] : memref<10000x128xf32, #tpu.memory_space<vmem_shared>> -> memref<104x128xf32, #tpu.memory_space<vmem_shared>>
      %dma_wait3A_108 = arith.constant 0 : i32
      %dma_wait3A_109 = tpu.memref_slice %arg6[%add3A_82, %dma_wait3A_108] : memref<10000x128xf32, #tpu.memory_space<vmem_shared>> -> memref<104x128xf32, #tpu.memory_space<vmem_shared>>
      tpu.wait_dma2 semaphore(%run_scoped3A : memref<!tpu.dma_semaphore, #tpu.memory_space<semaphore_mem>>) src(%dma_wait3A_109 : memref<104x128xf32, #tpu.memory_space<vmem_shared>>) dst(%arg7 : memref<104x128xf32, #tpu.memory_space<vmem>>)
      tpu.yield
    }) : () -> ()
    %add3A_83 = arith.constant 208 : i32
    %add3A_84 = arith.addi %mul3A_2, %add3A_83 : i32
    "tpu.region"() ({
      %run_scoped3A = tpu.sem_alloc : memref<!tpu.dma_semaphore, #tpu.memory_space<semaphore_mem>>
      %dma_start3A_102 = arith.constant 0 : i32
      %dma_start3A_103 = tpu.memref_slice %arg5[%arg0, %add3A_84, %dma_start3A_102] : memref<2x10000x128xf32, #tpu.memory_space<hbm>> -> memref<1x104x128xf32, #tpu.memory_space<hbm>>
      %dma_start3A_104 = tpu.memref_squeeze %dma_start3A_103 : memref<1x104x128xf32, #tpu.memory_space<hbm>> -> memref<104x128xf32, #tpu.memory_space<hbm>>
      %dma_start3A_105 = arith.constant 0 : i32
      %dma_start3A_106 = tpu.memref_slice %arg5[%arg0, %add3A_84, %dma_start3A_105] : memref<2x10000x128xf32, #tpu.memory_space<hbm>> -> memref<1x104x128xf32, #tpu.memory_space<hbm>>
      %dma_start3A_107 = tpu.memref_squeeze %dma_start3A_106 : memref<1x104x128xf32, #tpu.memory_space<hbm>> -> memref<104x128xf32, #tpu.memory_space<hbm>>
      tpu.enqueue_dma source(%arg7 : memref<104x128xf32, #tpu.memory_space<vmem>>) target(%dma_start3A_107 : memref<104x128xf32, #tpu.memory_space<hbm>>) target_semaphore(%run_scoped3A : memref<!tpu.dma_semaphore, #tpu.memory_space<semaphore_mem>>)
      %dma_wait3A_108 = arith.constant 0 : i32
      %dma_wait3A_109 = tpu.memref_slice %arg5[%arg0, %add3A_84, %dma_wait3A_108] : memref<2x10000x128xf32, #tpu.memory_space<hbm>> -> memref<1x104x128xf32, #tpu.memory_space<hbm>>
      %dma_wait3A_110 = tpu.memref_squeeze %dma_wait3A_109 : memref<1x104x128xf32, #tpu.memory_space<hbm>> -> memref<104x128xf32, #tpu.memory_space<hbm>>
      %dma_wait3A_111 = arith.constant 0 : i32
      %dma_wait3A_112 = tpu.memref_slice %arg5[%arg0, %add3A_84, %dma_wait3A_111] : memref<2x10000x128xf32, #tpu.memory_space<hbm>> -> memref<1x104x128xf32, #tpu.memory_space<hbm>>
      %dma_wait3A_113 = tpu.memref_squeeze %dma_wait3A_112 : memref<1x104x128xf32, #tpu.memory_space<hbm>> -> memref<104x128xf32, #tpu.memory_space<hbm>>
      tpu.wait_dma2 semaphore(%run_scoped3A : memref<!tpu.dma_semaphore, #tpu.memory_space<semaphore_mem>>) src(%arg7 : memref<104x128xf32, #tpu.memory_space<vmem>>) dst(%dma_wait3A_113 : memref<104x128xf32, #tpu.memory_space<hbm>>)
      tpu.yield
    }) : () -> ()
    %add3A_85 = arith.constant 312 : i32
    %add3A_86 = arith.addi %mul3A_2, %add3A_85 : i32
    "tpu.region"() ({
      %run_scoped3A = tpu.sem_alloc : memref<!tpu.dma_semaphore, #tpu.memory_space<semaphore_mem>>
      %dma_start3A_102 = arith.constant 0 : i32
      %dma_start3A_103 = tpu.memref_slice %arg6[%add3A_86, %dma_start3A_102] : memref<10000x128xf32, #tpu.memory_space<vmem_shared>> -> memref<104x128xf32, #tpu.memory_space<vmem_shared>>
      %dma_start3A_104 = arith.constant 0 : i32
      %dma_start3A_105 = tpu.memref_slice %arg6[%add3A_86, %dma_start3A_104] : memref<10000x128xf32, #tpu.memory_space<vmem_shared>> -> memref<104x128xf32, #tpu.memory_space<vmem_shared>>
      tpu.enqueue_dma source(%dma_start3A_105 : memref<104x128xf32, #tpu.memory_space<vmem_shared>>) target(%arg7 : memref<104x128xf32, #tpu.memory_space<vmem>>) target_semaphore(%run_scoped3A : memref<!tpu.dma_semaphore, #tpu.memory_space<semaphore_mem>>)
      %dma_wait3A_106 = arith.constant 0 : i32
      %dma_wait3A_107 = tpu.memref_slice %arg6[%add3A_86, %dma_wait3A_106] : memref<10000x128xf32, #tpu.memory_space<vmem_shared>> -> memref<104x128xf32, #tpu.memory_space<vmem_shared>>
      %dma_wait3A_108 = arith.constant 0 : i32
      %dma_wait3A_109 = tpu.memref_slice %arg6[%add3A_86, %dma_wait3A_108] : memref<10000x128xf32, #tpu.memory_space<vmem_shared>> -> memref<104x128xf32, #tpu.memory_space<vmem_shared>>
      tpu.wait_dma2 semaphore(%run_scoped3A : memref<!tpu.dma_semaphore, #tpu.memory_space<semaphore_mem>>) src(%dma_wait3A_109 : memref<104x128xf32, #tpu.memory_space<vmem_shared>>) dst(%arg7 : memref<104x128xf32, #tpu.memory_space<vmem>>)
      tpu.yield
    }) : () -> ()
    %add3A_87 = arith.constant 312 : i32
    %add3A_88 = arith.addi %mul3A_2, %add3A_87 : i32
    "tpu.region"() ({
      %run_scoped3A = tpu.sem_alloc : memref<!tpu.dma_semaphore, #tpu.memory_space<semaphore_mem>>
      %dma_start3A_102 = arith.constant 0 : i32
      %dma_start3A_103 = tpu.memref_slice %arg5[%arg0, %add3A_88, %dma_start3A_102] : memref<2x10000x128xf32, #tpu.memory_space<hbm>> -> memref<1x104x128xf32, #tpu.memory_space<hbm>>
      %dma_start3A_104 = tpu.memref_squeeze %dma_start3A_103 : memref<1x104x128xf32, #tpu.memory_space<hbm>> -> memref<104x128xf32, #tpu.memory_space<hbm>>
      %dma_start3A_105 = arith.constant 0 : i32
      %dma_start3A_106 = tpu.memref_slice %arg5[%arg0, %add3A_88, %dma_start3A_105] : memref<2x10000x128xf32, #tpu.memory_space<hbm>> -> memref<1x104x128xf32, #tpu.memory_space<hbm>>
      %dma_start3A_107 = tpu.memref_squeeze %dma_start3A_106 : memref<1x104x128xf32, #tpu.memory_space<hbm>> -> memref<104x128xf32, #tpu.memory_space<hbm>>
      tpu.enqueue_dma source(%arg7 : memref<104x128xf32, #tpu.memory_space<vmem>>) target(%dma_start3A_107 : memref<104x128xf32, #tpu.memory_space<hbm>>) target_semaphore(%run_scoped3A : memref<!tpu.dma_semaphore, #tpu.memory_space<semaphore_mem>>)
      %dma_wait3A_108 = arith.constant 0 : i32
      %dma_wait3A_109 = tpu.memref_slice %arg5[%arg0, %add3A_88, %dma_wait3A_108] : memref<2x10000x128xf32, #tpu.memory_space<hbm>> -> memref<1x104x128xf32, #tpu.memory_space<hbm>>
      %dma_wait3A_110 = tpu.memref_squeeze %dma_wait3A_109 : memref<1x104x128xf32, #tpu.memory_space<hbm>> -> memref<104x128xf32, #tpu.memory_space<hbm>>
      %dma_wait3A_111 = arith.constant 0 : i32
      %dma_wait3A_112 = tpu.memref_slice %arg5[%arg0, %add3A_88, %dma_wait3A_111] : memref<2x10000x128xf32, #tpu.memory_space<hbm>> -> memref<1x104x128xf32, #tpu.memory_space<hbm>>
      %dma_wait3A_113 = tpu.memref_squeeze %dma_wait3A_112 : memref<1x104x128xf32, #tpu.memory_space<hbm>> -> memref<104x128xf32, #tpu.memory_space<hbm>>
      tpu.wait_dma2 semaphore(%run_scoped3A : memref<!tpu.dma_semaphore, #tpu.memory_space<semaphore_mem>>) src(%arg7 : memref<104x128xf32, #tpu.memory_space<vmem>>) dst(%dma_wait3A_113 : memref<104x128xf32, #tpu.memory_space<hbm>>)
      tpu.yield
    }) : () -> ()
    %add3A_89 = arith.constant 416 : i32
    %add3A_90 = arith.addi %mul3A_2, %add3A_89 : i32
    "tpu.region"() ({
      %run_scoped3A = tpu.sem_alloc : memref<!tpu.dma_semaphore, #tpu.memory_space<semaphore_mem>>
      %dma_start3A_102 = arith.constant 0 : i32
      %dma_start3A_103 = tpu.memref_slice %arg6[%add3A_90, %dma_start3A_102] : memref<10000x128xf32, #tpu.memory_space<vmem_shared>> -> memref<104x128xf32, #tpu.memory_space<vmem_shared>>
      %dma_start3A_104 = arith.constant 0 : i32
      %dma_start3A_105 = tpu.memref_slice %arg6[%add3A_90, %dma_start3A_104] : memref<10000x128xf32, #tpu.memory_space<vmem_shared>> -> memref<104x128xf32, #tpu.memory_space<vmem_shared>>
      tpu.enqueue_dma source(%dma_start3A_105 : memref<104x128xf32, #tpu.memory_space<vmem_shared>>) target(%arg7 : memref<104x128xf32, #tpu.memory_space<vmem>>) target_semaphore(%run_scoped3A : memref<!tpu.dma_semaphore, #tpu.memory_space<semaphore_mem>>)
      %dma_wait3A_106 = arith.constant 0 : i32
      %dma_wait3A_107 = tpu.memref_slice %arg6[%add3A_90, %dma_wait3A_106] : memref<10000x128xf32, #tpu.memory_space<vmem_shared>> -> memref<104x128xf32, #tpu.memory_space<vmem_shared>>
      %dma_wait3A_108 = arith.constant 0 : i32
      %dma_wait3A_109 = tpu.memref_slice %arg6[%add3A_90, %dma_wait3A_108] : memref<10000x128xf32, #tpu.memory_space<vmem_shared>> -> memref<104x128xf32, #tpu.memory_space<vmem_shared>>
      tpu.wait_dma2 semaphore(%run_scoped3A : memref<!tpu.dma_semaphore, #tpu.memory_space<semaphore_mem>>) src(%dma_wait3A_109 : memref<104x128xf32, #tpu.memory_space<vmem_shared>>) dst(%arg7 : memref<104x128xf32, #tpu.memory_space<vmem>>)
      tpu.yield
    }) : () -> ()
    %add3A_91 = arith.constant 416 : i32
    %add3A_92 = arith.addi %mul3A_2, %add3A_91 : i32
    "tpu.region"() ({
      %run_scoped3A = tpu.sem_alloc : memref<!tpu.dma_semaphore, #tpu.memory_space<semaphore_mem>>
      %dma_start3A_102 = arith.constant 0 : i32
      %dma_start3A_103 = tpu.memref_slice %arg5[%arg0, %add3A_92, %dma_start3A_102] : memref<2x10000x128xf32, #tpu.memory_space<hbm>> -> memref<1x104x128xf32, #tpu.memory_space<hbm>>
      %dma_start3A_104 = tpu.memref_squeeze %dma_start3A_103 : memref<1x104x128xf32, #tpu.memory_space<hbm>> -> memref<104x128xf32, #tpu.memory_space<hbm>>
      %dma_start3A_105 = arith.constant 0 : i32
      %dma_start3A_106 = tpu.memref_slice %arg5[%arg0, %add3A_92, %dma_start3A_105] : memref<2x10000x128xf32, #tpu.memory_space<hbm>> -> memref<1x104x128xf32, #tpu.memory_space<hbm>>
      %dma_start3A_107 = tpu.memref_squeeze %dma_start3A_106 : memref<1x104x128xf32, #tpu.memory_space<hbm>> -> memref<104x128xf32, #tpu.memory_space<hbm>>
      tpu.enqueue_dma source(%arg7 : memref<104x128xf32, #tpu.memory_space<vmem>>) target(%dma_start3A_107 : memref<104x128xf32, #tpu.memory_space<hbm>>) target_semaphore(%run_scoped3A : memref<!tpu.dma_semaphore, #tpu.memory_space<semaphore_mem>>)
      %dma_wait3A_108 = arith.constant 0 : i32
      %dma_wait3A_109 = tpu.memref_slice %arg5[%arg0, %add3A_92, %dma_wait3A_108] : memref<2x10000x128xf32, #tpu.memory_space<hbm>> -> memref<1x104x128xf32, #tpu.memory_space<hbm>>
      %dma_wait3A_110 = tpu.memref_squeeze %dma_wait3A_109 : memref<1x104x128xf32, #tpu.memory_space<hbm>> -> memref<104x128xf32, #tpu.memory_space<hbm>>
      %dma_wait3A_111 = arith.constant 0 : i32
      %dma_wait3A_112 = tpu.memref_slice %arg5[%arg0, %add3A_92, %dma_wait3A_111] : memref<2x10000x128xf32, #tpu.memory_space<hbm>> -> memref<1x104x128xf32, #tpu.memory_space<hbm>>
      %dma_wait3A_113 = tpu.memref_squeeze %dma_wait3A_112 : memref<1x104x128xf32, #tpu.memory_space<hbm>> -> memref<104x128xf32, #tpu.memory_space<hbm>>
      tpu.wait_dma2 semaphore(%run_scoped3A : memref<!tpu.dma_semaphore, #tpu.memory_space<semaphore_mem>>) src(%arg7 : memref<104x128xf32, #tpu.memory_space<vmem>>) dst(%dma_wait3A_113 : memref<104x128xf32, #tpu.memory_space<hbm>>)
      tpu.yield
    }) : () -> ()
    %add3A_93 = arith.constant 520 : i32
    %add3A_94 = arith.addi %mul3A_2, %add3A_93 : i32
    "tpu.region"() ({
      %run_scoped3A = tpu.sem_alloc : memref<!tpu.dma_semaphore, #tpu.memory_space<semaphore_mem>>
      %dma_start3A_102 = arith.constant 0 : i32
      %dma_start3A_103 = tpu.memref_slice %arg6[%add3A_94, %dma_start3A_102] : memref<10000x128xf32, #tpu.memory_space<vmem_shared>> -> memref<104x128xf32, #tpu.memory_space<vmem_shared>>
      %dma_start3A_104 = arith.constant 0 : i32
      %dma_start3A_105 = tpu.memref_slice %arg6[%add3A_94, %dma_start3A_104] : memref<10000x128xf32, #tpu.memory_space<vmem_shared>> -> memref<104x128xf32, #tpu.memory_space<vmem_shared>>
      tpu.enqueue_dma source(%dma_start3A_105 : memref<104x128xf32, #tpu.memory_space<vmem_shared>>) target(%arg7 : memref<104x128xf32, #tpu.memory_space<vmem>>) target_semaphore(%run_scoped3A : memref<!tpu.dma_semaphore, #tpu.memory_space<semaphore_mem>>)
      %dma_wait3A_106 = arith.constant 0 : i32
      %dma_wait3A_107 = tpu.memref_slice %arg6[%add3A_94, %dma_wait3A_106] : memref<10000x128xf32, #tpu.memory_space<vmem_shared>> -> memref<104x128xf32, #tpu.memory_space<vmem_shared>>
      %dma_wait3A_108 = arith.constant 0 : i32
      %dma_wait3A_109 = tpu.memref_slice %arg6[%add3A_94, %dma_wait3A_108] : memref<10000x128xf32, #tpu.memory_space<vmem_shared>> -> memref<104x128xf32, #tpu.memory_space<vmem_shared>>
      tpu.wait_dma2 semaphore(%run_scoped3A : memref<!tpu.dma_semaphore, #tpu.memory_space<semaphore_mem>>) src(%dma_wait3A_109 : memref<104x128xf32, #tpu.memory_space<vmem_shared>>) dst(%arg7 : memref<104x128xf32, #tpu.memory_space<vmem>>)
      tpu.yield
    }) : () -> ()
    %add3A_95 = arith.constant 520 : i32
    %add3A_96 = arith.addi %mul3A_2, %add3A_95 : i32
    "tpu.region"() ({
      %run_scoped3A = tpu.sem_alloc : memref<!tpu.dma_semaphore, #tpu.memory_space<semaphore_mem>>
      %dma_start3A_102 = arith.constant 0 : i32
      %dma_start3A_103 = tpu.memref_slice %arg5[%arg0, %add3A_96, %dma_start3A_102] : memref<2x10000x128xf32, #tpu.memory_space<hbm>> -> memref<1x104x128xf32, #tpu.memory_space<hbm>>
      %dma_start3A_104 = tpu.memref_squeeze %dma_start3A_103 : memref<1x104x128xf32, #tpu.memory_space<hbm>> -> memref<104x128xf32, #tpu.memory_space<hbm>>
      %dma_start3A_105 = arith.constant 0 : i32
      %dma_start3A_106 = tpu.memref_slice %arg5[%arg0, %add3A_96, %dma_start3A_105] : memref<2x10000x128xf32, #tpu.memory_space<hbm>> -> memref<1x104x128xf32, #tpu.memory_space<hbm>>
      %dma_start3A_107 = tpu.memref_squeeze %dma_start3A_106 : memref<1x104x128xf32, #tpu.memory_space<hbm>> -> memref<104x128xf32, #tpu.memory_space<hbm>>
      tpu.enqueue_dma source(%arg7 : memref<104x128xf32, #tpu.memory_space<vmem>>) target(%dma_start3A_107 : memref<104x128xf32, #tpu.memory_space<hbm>>) target_semaphore(%run_scoped3A : memref<!tpu.dma_semaphore, #tpu.memory_space<semaphore_mem>>)
      %dma_wait3A_108 = arith.constant 0 : i32
      %dma_wait3A_109 = tpu.memref_slice %arg5[%arg0, %add3A_96, %dma_wait3A_108] : memref<2x10000x128xf32, #tpu.memory_space<hbm>> -> memref<1x104x128xf32, #tpu.memory_space<hbm>>
      %dma_wait3A_110 = tpu.memref_squeeze %dma_wait3A_109 : memref<1x104x128xf32, #tpu.memory_space<hbm>> -> memref<104x128xf32, #tpu.memory_space<hbm>>
      %dma_wait3A_111 = arith.constant 0 : i32
      %dma_wait3A_112 = tpu.memref_slice %arg5[%arg0, %add3A_96, %dma_wait3A_111] : memref<2x10000x128xf32, #tpu.memory_space<hbm>> -> memref<1x104x128xf32, #tpu.memory_space<hbm>>
      %dma_wait3A_113 = tpu.memref_squeeze %dma_wait3A_112 : memref<1x104x128xf32, #tpu.memory_space<hbm>> -> memref<104x128xf32, #tpu.memory_space<hbm>>
      tpu.wait_dma2 semaphore(%run_scoped3A : memref<!tpu.dma_semaphore, #tpu.memory_space<semaphore_mem>>) src(%arg7 : memref<104x128xf32, #tpu.memory_space<vmem>>) dst(%dma_wait3A_113 : memref<104x128xf32, #tpu.memory_space<hbm>>)
      tpu.yield
    }) : () -> ()
    %eq3A_97 = arith.constant 15 : i32
    %eq3A_98 = arith.cmpi eq, %arg1, %eq3A_97 : i32
    %convert_element_type3A_99 = arith.extui %eq3A_98 : i1 to i32
    %cond3A_100 = arith.constant 0 : i32
    %cond3A_101 = arith.cmpi ne, %convert_element_type3A_99, %cond3A_100 : i32
    scf.if %cond3A_101 {
      "tpu.region"() ({
        %run_scoped3A = tpu.sem_alloc : memref<!tpu.dma_semaphore, #tpu.memory_space<semaphore_mem>>
        %dma_start3A_102 = arith.constant 0 : i32
        %dma_start3A_103 = arith.constant 0 : i32
        %dma_start3A_104 = tpu.memref_slice %arg7[%dma_start3A_102, %dma_start3A_103] : memref<104x128xf32, #tpu.memory_space<vmem>> -> memref<16x128xf32, #tpu.memory_space<vmem>>
        %dma_start3A_105 = arith.constant 9984 : i32
        %dma_start3A_106 = arith.constant 0 : i32
        %dma_start3A_107 = tpu.memref_slice %arg6[%dma_start3A_105, %dma_start3A_106] : memref<10000x128xf32, #tpu.memory_space<vmem_shared>> -> memref<16x128xf32, #tpu.memory_space<vmem_shared>>
        %dma_start3A_108 = arith.constant 0 : i32
        %dma_start3A_109 = arith.constant 0 : i32
        %dma_start3A_110 = tpu.memref_slice %arg7[%dma_start3A_108, %dma_start3A_109] : memref<104x128xf32, #tpu.memory_space<vmem>> -> memref<16x128xf32, #tpu.memory_space<vmem>>
        %dma_start3A_111 = arith.constant 9984 : i32
        %dma_start3A_112 = arith.constant 0 : i32
        %dma_start3A_113 = tpu.memref_slice %arg6[%dma_start3A_111, %dma_start3A_112] : memref<10000x128xf32, #tpu.memory_space<vmem_shared>> -> memref<16x128xf32, #tpu.memory_space<vmem_shared>>
        tpu.enqueue_dma source(%dma_start3A_113 : memref<16x128xf32, #tpu.memory_space<vmem_shared>>) target(%dma_start3A_110 : memref<16x128xf32, #tpu.memory_space<vmem>>) target_semaphore(%run_scoped3A : memref<!tpu.dma_semaphore, #tpu.memory_space<semaphore_mem>>)
        %dma_wait3A_114 = arith.constant 0 : i32
        %dma_wait3A_115 = arith.constant 0 : i32
        %dma_wait3A_116 = tpu.memref_slice %arg7[%dma_wait3A_114, %dma_wait3A_115] : memref<104x128xf32, #tpu.memory_space<vmem>> -> memref<16x128xf32, #tpu.memory_space<vmem>>
        %dma_wait3A_117 = arith.constant 9984 : i32
        %dma_wait3A_118 = arith.constant 0 : i32
        %dma_wait3A_119 = tpu.memref_slice %arg6[%dma_wait3A_117, %dma_wait3A_118] : memref<10000x128xf32, #tpu.memory_space<vmem_shared>> -> memref<16x128xf32, #tpu.memory_space<vmem_shared>>
        %dma_wait3A_120 = arith.constant 0 : i32
        %dma_wait3A_121 = arith.constant 0 : i32
        %dma_wait3A_122 = tpu.memref_slice %arg7[%dma_wait3A_120, %dma_wait3A_121] : memref<104x128xf32, #tpu.memory_space<vmem>> -> memref<16x128xf32, #tpu.memory_space<vmem>>
        %dma_wait3A_123 = arith.constant 9984 : i32
        %dma_wait3A_124 = arith.constant 0 : i32
        %dma_wait3A_125 = tpu.memref_slice %arg6[%dma_wait3A_123, %dma_wait3A_124] : memref<10000x128xf32, #tpu.memory_space<vmem_shared>> -> memref<16x128xf32, #tpu.memory_space<vmem_shared>>
        tpu.wait_dma2 semaphore(%run_scoped3A : memref<!tpu.dma_semaphore, #tpu.memory_space<semaphore_mem>>) src(%dma_wait3A_125 : memref<16x128xf32, #tpu.memory_space<vmem_shared>>) dst(%dma_wait3A_122 : memref<16x128xf32, #tpu.memory_space<vmem>>)
        tpu.yield
      }) : () -> ()
      "tpu.region"() ({
        %run_scoped3A = tpu.sem_alloc : memref<!tpu.dma_semaphore, #tpu.memory_space<semaphore_mem>>
        %dma_start3A_102 = arith.constant 0 : i32
        %dma_start3A_103 = arith.constant 0 : i32
        %dma_start3A_104 = tpu.memref_slice %arg7[%dma_start3A_102, %dma_start3A_103] : memref<104x128xf32, #tpu.memory_space<vmem>> -> memref<16x128xf32, #tpu.memory_space<vmem>>
        %dma_start3A_105 = arith.constant 9984 : i32
        %dma_start3A_106 = arith.constant 0 : i32
        %dma_start3A_107 = tpu.memref_slice %arg5[%arg0, %dma_start3A_105, %dma_start3A_106] : memref<2x10000x128xf32, #tpu.memory_space<hbm>> -> memref<1x16x128xf32, #tpu.memory_space<hbm>>
        %dma_start3A_108 = tpu.memref_squeeze %dma_start3A_107 : memref<1x16x128xf32, #tpu.memory_space<hbm>> -> memref<16x128xf32, #tpu.memory_space<hbm>>
        %dma_start3A_109 = arith.constant 9984 : i32
        %dma_start3A_110 = arith.constant 0 : i32
        %dma_start3A_111 = tpu.memref_slice %arg5[%arg0, %dma_start3A_109, %dma_start3A_110] : memref<2x10000x128xf32, #tpu.memory_space<hbm>> -> memref<1x16x128xf32, #tpu.memory_space<hbm>>
        %dma_start3A_112 = tpu.memref_squeeze %dma_start3A_111 : memref<1x16x128xf32, #tpu.memory_space<hbm>> -> memref<16x128xf32, #tpu.memory_space<hbm>>
        %dma_start3A_113 = arith.constant 0 : i32
        %dma_start3A_114 = arith.constant 0 : i32
        %dma_start3A_115 = tpu.memref_slice %arg7[%dma_start3A_113, %dma_start3A_114] : memref<104x128xf32, #tpu.memory_space<vmem>> -> memref<16x128xf32, #tpu.memory_space<vmem>>
        tpu.enqueue_dma source(%dma_start3A_115 : memref<16x128xf32, #tpu.memory_space<vmem>>) target(%dma_start3A_112 : memref<16x128xf32, #tpu.memory_space<hbm>>) target_semaphore(%run_scoped3A : memref<!tpu.dma_semaphore, #tpu.memory_space<semaphore_mem>>)
        %dma_wait3A_116 = arith.constant 0 : i32
        %dma_wait3A_117 = arith.constant 0 : i32
        %dma_wait3A_118 = tpu.memref_slice %arg7[%dma_wait3A_116, %dma_wait3A_117] : memref<104x128xf32, #tpu.memory_space<vmem>> -> memref<16x128xf32, #tpu.memory_space<vmem>>
        %dma_wait3A_119 = arith.constant 9984 : i32
        %dma_wait3A_120 = arith.constant 0 : i32
        %dma_wait3A_121 = tpu.memref_slice %arg5[%arg0, %dma_wait3A_119, %dma_wait3A_120] : memref<2x10000x128xf32, #tpu.memory_space<hbm>> -> memref<1x16x128xf32, #tpu.memory_space<hbm>>
        %dma_wait3A_122 = tpu.memref_squeeze %dma_wait3A_121 : memref<1x16x128xf32, #tpu.memory_space<hbm>> -> memref<16x128xf32, #tpu.memory_space<hbm>>
        %dma_wait3A_123 = arith.constant 9984 : i32
        %dma_wait3A_124 = arith.constant 0 : i32
        %dma_wait3A_125 = tpu.memref_slice %arg5[%arg0, %dma_wait3A_123, %dma_wait3A_124] : memref<2x10000x128xf32, #tpu.memory_space<hbm>> -> memref<1x16x128xf32, #tpu.memory_space<hbm>>
        %dma_wait3A_126 = tpu.memref_squeeze %dma_wait3A_125 : memref<1x16x128xf32, #tpu.memory_space<hbm>> -> memref<16x128xf32, #tpu.memory_space<hbm>>
        %dma_wait3A_127 = arith.constant 0 : i32
        %dma_wait3A_128 = arith.constant 0 : i32
        %dma_wait3A_129 = tpu.memref_slice %arg7[%dma_wait3A_127, %dma_wait3A_128] : memref<104x128xf32, #tpu.memory_space<vmem>> -> memref<16x128xf32, #tpu.memory_space<vmem>>
        tpu.wait_dma2 semaphore(%run_scoped3A : memref<!tpu.dma_semaphore, #tpu.memory_space<semaphore_mem>>) src(%dma_wait3A_129 : memref<16x128xf32, #tpu.memory_space<vmem>>) dst(%dma_wait3A_126 : memref<16x128xf32, #tpu.memory_space<hbm>>)
        tpu.yield
      }) : () -> ()
    } else {
    }
    return
  }
}

#map = affine_map<(d0, d1) -> (0, 0)>
#map1 = affine_map<(d0, d1) -> (0)>
#map2 = affine_map<(d0, d1) -> (0, 0, 0)>
module attributes {stable_mosaic.version = 14 : i64} {
  func.func @_sc_seg_sum_body(%arg0: i32, %arg1: i32, %arg2: memref<10000x128xf32, #tpu.memory_space<hbm>>, %arg3: memref<320000xi32, #tpu.memory_space<hbm>>, %arg4: memref<320000xi32, #tpu.memory_space<hbm>>, %arg5: memref<2x10000x128xf32, #tpu.memory_space<hbm>>, %arg6: memref<10000x128xf32, #tpu.memory_space<vmem_shared>>, %arg7: memref<104x128xf32, #tpu.memory_space<vmem>>, %arg8: memref<104x128xf32, #tpu.memory_space<vmem>>, %arg9: memref<9984xi32, #tpu.memory_space<vmem>>, %arg10: memref<9984xi32, #tpu.memory_space<vmem>>, %arg11: memref<!tpu.dma_semaphore, #tpu.memory_space<semaphore_mem>>, %arg12: memref<!tpu.dma_semaphore, #tpu.memory_space<semaphore_mem>>, %arg13: memref<!tpu.dma_semaphore, #tpu.memory_space<semaphore_mem>>, %arg14: memref<!tpu.dma_semaphore, #tpu.memory_space<semaphore_mem>>) attributes {dimension_semantics = [#tpu.dimension_semantics<core_parallel>, #tpu.dimension_semantics<subcore_parallel>], iteration_bounds = array<i64: 2, 16>, scalar_prefetch = 0 : i64, scratch_operands = 9 : i64, tpu.core_type = #tpu.core_type<sc_vector_subcore>, window_params = [{transform_indices = #map}, {transform_indices = #map1}, {transform_indices = #map1}, {transform_indices = #map2}]} {
    %mul3A = arith.constant 2 : i32
    %mul3A_0 = arith.muli %arg1, %mul3A : i32
    %add3A = arith.addi %mul3A_0, %arg0 : i32
    %mul3A_1 = arith.constant 624 : i32
    %mul3A_2 = arith.muli %arg1, %mul3A_1 : i32
    %broadcast_in_dim3A = arith.constant 0.000000e+00 : f32
    %broadcast_in_dim3A_3 = vector.broadcast %broadcast_in_dim3A : f32 to vector<16xf32>
    %while3A = arith.constant 0 : i64
    %while3A_4 = arith.constant 0 : i32
    %while3A_5 = arith.constant 104 : i32
    %while3A_6 = arith.subi %while3A_5, %while3A_4 : i32
    %while3A_7 = arith.addi %while3A_4, %while3A_6 : i32
    %while3A_8 = arith.constant 1 : i32
    %while3A_9 = arith.divsi %while3A_6, %while3A_8 : i32
    %while3A_10 = arith.muli %while3A_9, %while3A_8 : i32
    %while3A_11 = arith.addi %while3A_4, %while3A_10 : i32
    %while3A_12 = arith.constant 1 : i32
    scf.for %while3A_102 = %while3A_4 to %while3A_11 step %while3A_12  : i32 {
      %swap3A = arith.index_cast %while3A_102 : i32 to index
      %swap3A_103 = arith.constant 0 : index
      %swap3A_104 = tpu.vector_load %arg7[%swap3A, %swap3A_103] {strides = array<i32>} : memref<104x128xf32, #tpu.memory_space<vmem>>, vector<1x16xf32>,
      %swap3A_105 = vector.shape_cast %swap3A_104 : vector<1x16xf32> to vector<16xf32>
      %swap3A_106 = vector.shape_cast %broadcast_in_dim3A_3 : vector<16xf32> to vector<1x16xf32>
      tpu.vector_store %arg7[%swap3A, %swap3A_103], %swap3A_106 {strides = array<i32>} : memref<104x128xf32, #tpu.memory_space<vmem>>, vector<1x16xf32>,
      %swap3A_107 = arith.index_cast %while3A_102 : i32 to index
      %swap3A_108 = arith.constant 16 : index
      %swap3A_109 = tpu.vector_load %arg7[%swap3A_107, %swap3A_108] {strides = array<i32>} : memref<104x128xf32, #tpu.memory_space<vmem>>, vector<1x16xf32>,
      %swap3A_110 = vector.shape_cast %swap3A_109 : vector<1x16xf32> to vector<16xf32>
      %swap3A_111 = vector.shape_cast %broadcast_in_dim3A_3 : vector<16xf32> to vector<1x16xf32>
      tpu.vector_store %arg7[%swap3A_107, %swap3A_108], %swap3A_111 {strides = array<i32>} : memref<104x128xf32, #tpu.memory_space<vmem>>, vector<1x16xf32>,
      %swap3A_112 = arith.index_cast %while3A_102 : i32 to index
      %swap3A_113 = arith.constant 32 : index
      %swap3A_114 = tpu.vector_load %arg7[%swap3A_112, %swap3A_113] {strides = array<i32>} : memref<104x128xf32, #tpu.memory_space<vmem>>, vector<1x16xf32>,
      %swap3A_115 = vector.shape_cast %swap3A_114 : vector<1x16xf32> to vector<16xf32>
      %swap3A_116 = vector.shape_cast %broadcast_in_dim3A_3 : vector<16xf32> to vector<1x16xf32>
      tpu.vector_store %arg7[%swap3A_112, %swap3A_113], %swap3A_116 {strides = array<i32>} : memref<104x128xf32, #tpu.memory_space<vmem>>, vector<1x16xf32>,
      %swap3A_117 = arith.index_cast %while3A_102 : i32 to index
      %swap3A_118 = arith.constant 48 : index
      %swap3A_119 = tpu.vector_load %arg7[%swap3A_117, %swap3A_118] {strides = array<i32>} : memref<104x128xf32, #tpu.memory_space<vmem>>, vector<1x16xf32>,
      %swap3A_120 = vector.shape_cast %swap3A_119 : vector<1x16xf32> to vector<16xf32>
      %swap3A_121 = vector.shape_cast %broadcast_in_dim3A_3 : vector<16xf32> to vector<1x16xf32>
      tpu.vector_store %arg7[%swap3A_117, %swap3A_118], %swap3A_121 {strides = array<i32>} : memref<104x128xf32, #tpu.memory_space<vmem>>, vector<1x16xf32>,
      %swap3A_122 = arith.index_cast %while3A_102 : i32 to index
      %swap3A_123 = arith.constant 64 : index
      %swap3A_124 = tpu.vector_load %arg7[%swap3A_122, %swap3A_123] {strides = array<i32>} : memref<104x128xf32, #tpu.memory_space<vmem>>, vector<1x16xf32>,
      %swap3A_125 = vector.shape_cast %swap3A_124 : vector<1x16xf32> to vector<16xf32>
      %swap3A_126 = vector.shape_cast %broadcast_in_dim3A_3 : vector<16xf32> to vector<1x16xf32>
      tpu.vector_store %arg7[%swap3A_122, %swap3A_123], %swap3A_126 {strides = array<i32>} : memref<104x128xf32, #tpu.memory_space<vmem>>, vector<1x16xf32>,
      %swap3A_127 = arith.index_cast %while3A_102 : i32 to index
      %swap3A_128 = arith.constant 80 : index
      %swap3A_129 = tpu.vector_load %arg7[%swap3A_127, %swap3A_128] {strides = array<i32>} : memref<104x128xf32, #tpu.memory_space<vmem>>, vector<1x16xf32>,
      %swap3A_130 = vector.shape_cast %swap3A_129 : vector<1x16xf32> to vector<16xf32>
      %swap3A_131 = vector.shape_cast %broadcast_in_dim3A_3 : vector<16xf32> to vector<1x16xf32>
      tpu.vector_store %arg7[%swap3A_127, %swap3A_128], %swap3A_131 {strides = array<i32>} : memref<104x128xf32, #tpu.memory_space<vmem>>, vector<1x16xf32>,
      %swap3A_132 = arith.index_cast %while3A_102 : i32 to index
      %swap3A_133 = arith.constant 96 : index
      %swap3A_134 = tpu.vector_load %arg7[%swap3A_132, %swap3A_133] {strides = array<i32>} : memref<104x128xf32, #tpu.memory_space<vmem>>, vector<1x16xf32>,
      %swap3A_135 = vector.shape_cast %swap3A_134 : vector<1x16xf32> to vector<16xf32>
      %swap3A_136 = vector.shape_cast %broadcast_in_dim3A_3 : vector<16xf32> to vector<1x16xf32>
      tpu.vector_store %arg7[%swap3A_132, %swap3A_133], %swap3A_136 {strides = array<i32>} : memref<104x128xf32, #tpu.memory_space<vmem>>, vector<1x16xf32>,
      %swap3A_137 = arith.index_cast %while3A_102 : i32 to index
      %swap3A_138 = arith.constant 112 : index
      %swap3A_139 = tpu.vector_load %arg7[%swap3A_137, %swap3A_138] {strides = array<i32>} : memref<104x128xf32, #tpu.memory_space<vmem>>, vector<1x16xf32>,
      %swap3A_140 = vector.shape_cast %swap3A_139 : vector<1x16xf32> to vector<16xf32>
      %swap3A_141 = vector.shape_cast %broadcast_in_dim3A_3 : vector<16xf32> to vector<1x16xf32>
      tpu.vector_store %arg7[%swap3A_137, %swap3A_138], %swap3A_141 {strides = array<i32>} : memref<104x128xf32, #tpu.memory_space<vmem>>, vector<1x16xf32>,
    }
    %while3A_13 = arith.constant 1 : i32
    scf.for %while3A_102 = %while3A_11 to %while3A_7 step %while3A_13  : i32 {
      %swap3A = arith.index_cast %while3A_102 : i32 to index
      %swap3A_103 = arith.constant 0 : index
      %swap3A_104 = tpu.vector_load %arg7[%swap3A, %swap3A_103] {strides = array<i32>} : memref<104x128xf32, #tpu.memory_space<vmem>>, vector<1x16xf32>,
      %swap3A_105 = vector.shape_cast %swap3A_104 : vector<1x16xf32> to vector<16xf32>
      %swap3A_106 = vector.shape_cast %broadcast_in_dim3A_3 : vector<16xf32> to vector<1x16xf32>
      tpu.vector_store %arg7[%swap3A, %swap3A_103], %swap3A_106 {strides = array<i32>} : memref<104x128xf32, #tpu.memory_space<vmem>>, vector<1x16xf32>,
      %swap3A_107 = arith.index_cast %while3A_102 : i32 to index
      %swap3A_108 = arith.constant 16 : index
      %swap3A_109 = tpu.vector_load %arg7[%swap3A_107, %swap3A_108] {strides = array<i32>} : memref<104x128xf32, #tpu.memory_space<vmem>>, vector<1x16xf32>,
      %swap3A_110 = vector.shape_cast %swap3A_109 : vector<1x16xf32> to vector<16xf32>
      %swap3A_111 = vector.shape_cast %broadcast_in_dim3A_3 : vector<16xf32> to vector<1x16xf32>
      tpu.vector_store %arg7[%swap3A_107, %swap3A_108], %swap3A_111 {strides = array<i32>} : memref<104x128xf32, #tpu.memory_space<vmem>>, vector<1x16xf32>,
      %swap3A_112 = arith.index_cast %while3A_102 : i32 to index
      %swap3A_113 = arith.constant 32 : index
      %swap3A_114 = tpu.vector_load %arg7[%swap3A_112, %swap3A_113] {strides = array<i32>} : memref<104x128xf32, #tpu.memory_space<vmem>>, vector<1x16xf32>,
      %swap3A_115 = vector.shape_cast %swap3A_114 : vector<1x16xf32> to vector<16xf32>
      %swap3A_116 = vector.shape_cast %broadcast_in_dim3A_3 : vector<16xf32> to vector<1x16xf32>
      tpu.vector_store %arg7[%swap3A_112, %swap3A_113], %swap3A_116 {strides = array<i32>} : memref<104x128xf32, #tpu.memory_space<vmem>>, vector<1x16xf32>,
      %swap3A_117 = arith.index_cast %while3A_102 : i32 to index
      %swap3A_118 = arith.constant 48 : index
      %swap3A_119 = tpu.vector_load %arg7[%swap3A_117, %swap3A_118] {strides = array<i32>} : memref<104x128xf32, #tpu.memory_space<vmem>>, vector<1x16xf32>,
      %swap3A_120 = vector.shape_cast %swap3A_119 : vector<1x16xf32> to vector<16xf32>
      %swap3A_121 = vector.shape_cast %broadcast_in_dim3A_3 : vector<16xf32> to vector<1x16xf32>
      tpu.vector_store %arg7[%swap3A_117, %swap3A_118], %swap3A_121 {strides = array<i32>} : memref<104x128xf32, #tpu.memory_space<vmem>>, vector<1x16xf32>,
      %swap3A_122 = arith.index_cast %while3A_102 : i32 to index
      %swap3A_123 = arith.constant 64 : index
      %swap3A_124 = tpu.vector_load %arg7[%swap3A_122, %swap3A_123] {strides = array<i32>} : memref<104x128xf32, #tpu.memory_space<vmem>>, vector<1x16xf32>,
      %swap3A_125 = vector.shape_cast %swap3A_124 : vector<1x16xf32> to vector<16xf32>
      %swap3A_126 = vector.shape_cast %broadcast_in_dim3A_3 : vector<16xf32> to vector<1x16xf32>
      tpu.vector_store %arg7[%swap3A_122, %swap3A_123], %swap3A_126 {strides = array<i32>} : memref<104x128xf32, #tpu.memory_space<vmem>>, vector<1x16xf32>,
      %swap3A_127 = arith.index_cast %while3A_102 : i32 to index
      %swap3A_128 = arith.constant 80 : index
      %swap3A_129 = tpu.vector_load %arg7[%swap3A_127, %swap3A_128] {strides = array<i32>} : memref<104x128xf32, #tpu.memory_space<vmem>>, vector<1x16xf32>,
      %swap3A_130 = vector.shape_cast %swap3A_129 : vector<1x16xf32> to vector<16xf32>
      %swap3A_131 = vector.shape_cast %broadcast_in_dim3A_3 : vector<16xf32> to vector<1x16xf32>
      tpu.vector_store %arg7[%swap3A_127, %swap3A_128], %swap3A_131 {strides = array<i32>} : memref<104x128xf32, #tpu.memory_space<vmem>>, vector<1x16xf32>,
      %swap3A_132 = arith.index_cast %while3A_102 : i32 to index
      %swap3A_133 = arith.constant 96 : index
      %swap3A_134 = tpu.vector_load %arg7[%swap3A_132, %swap3A_133] {strides = array<i32>} : memref<104x128xf32, #tpu.memory_space<vmem>>, vector<1x16xf32>,
      %swap3A_135 = vector.shape_cast %swap3A_134 : vector<1x16xf32> to vector<16xf32>
      %swap3A_136 = vector.shape_cast %broadcast_in_dim3A_3 : vector<16xf32> to vector<1x16xf32>
      tpu.vector_store %arg7[%swap3A_132, %swap3A_133], %swap3A_136 {strides = array<i32>} : memref<104x128xf32, #tpu.memory_space<vmem>>, vector<1x16xf32>,
      %swap3A_137 = arith.index_cast %while3A_102 : i32 to index
      %swap3A_138 = arith.constant 112 : index
      %swap3A_139 = tpu.vector_load %arg7[%swap3A_137, %swap3A_138] {strides = array<i32>} : memref<104x128xf32, #tpu.memory_space<vmem>>, vector<1x16xf32>,
      %swap3A_140 = vector.shape_cast %swap3A_139 : vector<1x16xf32> to vector<16xf32>
      %swap3A_141 = vector.shape_cast %broadcast_in_dim3A_3 : vector<16xf32> to vector<1x16xf32>
      tpu.vector_store %arg7[%swap3A_137, %swap3A_138], %swap3A_141 {strides = array<i32>} : memref<104x128xf32, #tpu.memory_space<vmem>>, vector<1x16xf32>,
    }
    %add3A_14 = arith.constant 0 : i32
    %add3A_15 = arith.addi %mul3A_2, %add3A_14 : i32
    "tpu.region"() ({
      %run_scoped3A = tpu.sem_alloc : memref<!tpu.dma_semaphore, #tpu.memory_space<semaphore_mem>>
      %dma_start3A_102 = arith.constant 0 : i32
      %dma_start3A_103 = tpu.memref_slice %arg6[%add3A_15, %dma_start3A_102] : memref<10000x128xf32, #tpu.memory_space<vmem_shared>> -> memref<104x128xf32, #tpu.memory_space<vmem_shared>>
      %dma_start3A_104 = arith.constant 0 : i32
      %dma_start3A_105 = tpu.memref_slice %arg6[%add3A_15, %dma_start3A_104] : memref<10000x128xf32, #tpu.memory_space<vmem_shared>> -> memref<104x128xf32, #tpu.memory_space<vmem_shared>>
      tpu.enqueue_dma source(%arg7 : memref<104x128xf32, #tpu.memory_space<vmem>>) target(%dma_start3A_105 : memref<104x128xf32, #tpu.memory_space<vmem_shared>>) target_semaphore(%run_scoped3A : memref<!tpu.dma_semaphore, #tpu.memory_space<semaphore_mem>>)
      %dma_wait3A_106 = arith.constant 0 : i32
      %dma_wait3A_107 = tpu.memref_slice %arg6[%add3A_15, %dma_wait3A_106] : memref<10000x128xf32, #tpu.memory_space<vmem_shared>> -> memref<104x128xf32, #tpu.memory_space<vmem_shared>>
      %dma_wait3A_108 = arith.constant 0 : i32
      %dma_wait3A_109 = tpu.memref_slice %arg6[%add3A_15, %dma_wait3A_108] : memref<10000x128xf32, #tpu.memory_space<vmem_shared>> -> memref<104x128xf32, #tpu.memory_space<vmem_shared>>
      tpu.wait_dma2 semaphore(%run_scoped3A : memref<!tpu.dma_semaphore, #tpu.memory_space<semaphore_mem>>) src(%arg7 : memref<104x128xf32, #tpu.memory_space<vmem>>) dst(%dma_wait3A_109 : memref<104x128xf32, #tpu.memory_space<vmem_shared>>)
      tpu.yield
    }) : () -> ()
    %add3A_16 = arith.constant 104 : i32
    %add3A_17 = arith.addi %mul3A_2, %add3A_16 : i32
    "tpu.region"() ({
      %run_scoped3A = tpu.sem_alloc : memref<!tpu.dma_semaphore, #tpu.memory_space<semaphore_mem>>
      %dma_start3A_102 = arith.constant 0 : i32
      %dma_start3A_103 = tpu.memref_slice %arg6[%add3A_17, %dma_start3A_102] : memref<10000x128xf32, #tpu.memory_space<vmem_shared>> -> memref<104x128xf32, #tpu.memory_space<vmem_shared>>
      %dma_start3A_104 = arith.constant 0 : i32
      %dma_start3A_105 = tpu.memref_slice %arg6[%add3A_17, %dma_start3A_104] : memref<10000x128xf32, #tpu.memory_space<vmem_shared>> -> memref<104x128xf32, #tpu.memory_space<vmem_shared>>
      tpu.enqueue_dma source(%arg7 : memref<104x128xf32, #tpu.memory_space<vmem>>) target(%dma_start3A_105 : memref<104x128xf32, #tpu.memory_space<vmem_shared>>) target_semaphore(%run_scoped3A : memref<!tpu.dma_semaphore, #tpu.memory_space<semaphore_mem>>)
      %dma_wait3A_106 = arith.constant 0 : i32
      %dma_wait3A_107 = tpu.memref_slice %arg6[%add3A_17, %dma_wait3A_106] : memref<10000x128xf32, #tpu.memory_space<vmem_shared>> -> memref<104x128xf32, #tpu.memory_space<vmem_shared>>
      %dma_wait3A_108 = arith.constant 0 : i32
      %dma_wait3A_109 = tpu.memref_slice %arg6[%add3A_17, %dma_wait3A_108] : memref<10000x128xf32, #tpu.memory_space<vmem_shared>> -> memref<104x128xf32, #tpu.memory_space<vmem_shared>>
      tpu.wait_dma2 semaphore(%run_scoped3A : memref<!tpu.dma_semaphore, #tpu.memory_space<semaphore_mem>>) src(%arg7 : memref<104x128xf32, #tpu.memory_space<vmem>>) dst(%dma_wait3A_109 : memref<104x128xf32, #tpu.memory_space<vmem_shared>>)
      tpu.yield
    }) : () -> ()
    %add3A_18 = arith.constant 208 : i32
    %add3A_19 = arith.addi %mul3A_2, %add3A_18 : i32
    "tpu.region"() ({
      %run_scoped3A = tpu.sem_alloc : memref<!tpu.dma_semaphore, #tpu.memory_space<semaphore_mem>>
      %dma_start3A_102 = arith.constant 0 : i32
      %dma_start3A_103 = tpu.memref_slice %arg6[%add3A_19, %dma_start3A_102] : memref<10000x128xf32, #tpu.memory_space<vmem_shared>> -> memref<104x128xf32, #tpu.memory_space<vmem_shared>>
      %dma_start3A_104 = arith.constant 0 : i32
      %dma_start3A_105 = tpu.memref_slice %arg6[%add3A_19, %dma_start3A_104] : memref<10000x128xf32, #tpu.memory_space<vmem_shared>> -> memref<104x128xf32, #tpu.memory_space<vmem_shared>>
      tpu.enqueue_dma source(%arg7 : memref<104x128xf32, #tpu.memory_space<vmem>>) target(%dma_start3A_105 : memref<104x128xf32, #tpu.memory_space<vmem_shared>>) target_semaphore(%run_scoped3A : memref<!tpu.dma_semaphore, #tpu.memory_space<semaphore_mem>>)
      %dma_wait3A_106 = arith.constant 0 : i32
      %dma_wait3A_107 = tpu.memref_slice %arg6[%add3A_19, %dma_wait3A_106] : memref<10000x128xf32, #tpu.memory_space<vmem_shared>> -> memref<104x128xf32, #tpu.memory_space<vmem_shared>>
      %dma_wait3A_108 = arith.constant 0 : i32
      %dma_wait3A_109 = tpu.memref_slice %arg6[%add3A_19, %dma_wait3A_108] : memref<10000x128xf32, #tpu.memory_space<vmem_shared>> -> memref<104x128xf32, #tpu.memory_space<vmem_shared>>
      tpu.wait_dma2 semaphore(%run_scoped3A : memref<!tpu.dma_semaphore, #tpu.memory_space<semaphore_mem>>) src(%arg7 : memref<104x128xf32, #tpu.memory_space<vmem>>) dst(%dma_wait3A_109 : memref<104x128xf32, #tpu.memory_space<vmem_shared>>)
      tpu.yield
    }) : () -> ()
    %add3A_20 = arith.constant 312 : i32
    %add3A_21 = arith.addi %mul3A_2, %add3A_20 : i32
    "tpu.region"() ({
      %run_scoped3A = tpu.sem_alloc : memref<!tpu.dma_semaphore, #tpu.memory_space<semaphore_mem>>
      %dma_start3A_102 = arith.constant 0 : i32
      %dma_start3A_103 = tpu.memref_slice %arg6[%add3A_21, %dma_start3A_102] : memref<10000x128xf32, #tpu.memory_space<vmem_shared>> -> memref<104x128xf32, #tpu.memory_space<vmem_shared>>
      %dma_start3A_104 = arith.constant 0 : i32
      %dma_start3A_105 = tpu.memref_slice %arg6[%add3A_21, %dma_start3A_104] : memref<10000x128xf32, #tpu.memory_space<vmem_shared>> -> memref<104x128xf32, #tpu.memory_space<vmem_shared>>
      tpu.enqueue_dma source(%arg7 : memref<104x128xf32, #tpu.memory_space<vmem>>) target(%dma_start3A_105 : memref<104x128xf32, #tpu.memory_space<vmem_shared>>) target_semaphore(%run_scoped3A : memref<!tpu.dma_semaphore, #tpu.memory_space<semaphore_mem>>)
      %dma_wait3A_106 = arith.constant 0 : i32
      %dma_wait3A_107 = tpu.memref_slice %arg6[%add3A_21, %dma_wait3A_106] : memref<10000x128xf32, #tpu.memory_space<vmem_shared>> -> memref<104x128xf32, #tpu.memory_space<vmem_shared>>
      %dma_wait3A_108 = arith.constant 0 : i32
      %dma_wait3A_109 = tpu.memref_slice %arg6[%add3A_21, %dma_wait3A_108] : memref<10000x128xf32, #tpu.memory_space<vmem_shared>> -> memref<104x128xf32, #tpu.memory_space<vmem_shared>>
      tpu.wait_dma2 semaphore(%run_scoped3A : memref<!tpu.dma_semaphore, #tpu.memory_space<semaphore_mem>>) src(%arg7 : memref<104x128xf32, #tpu.memory_space<vmem>>) dst(%dma_wait3A_109 : memref<104x128xf32, #tpu.memory_space<vmem_shared>>)
      tpu.yield
    }) : () -> ()
    %add3A_22 = arith.constant 416 : i32
    %add3A_23 = arith.addi %mul3A_2, %add3A_22 : i32
    "tpu.region"() ({
      %run_scoped3A = tpu.sem_alloc : memref<!tpu.dma_semaphore, #tpu.memory_space<semaphore_mem>>
      %dma_start3A_102 = arith.constant 0 : i32
      %dma_start3A_103 = tpu.memref_slice %arg6[%add3A_23, %dma_start3A_102] : memref<10000x128xf32, #tpu.memory_space<vmem_shared>> -> memref<104x128xf32, #tpu.memory_space<vmem_shared>>
      %dma_start3A_104 = arith.constant 0 : i32
      %dma_start3A_105 = tpu.memref_slice %arg6[%add3A_23, %dma_start3A_104] : memref<10000x128xf32, #tpu.memory_space<vmem_shared>> -> memref<104x128xf32, #tpu.memory_space<vmem_shared>>
      tpu.enqueue_dma source(%arg7 : memref<104x128xf32, #tpu.memory_space<vmem>>) target(%dma_start3A_105 : memref<104x128xf32, #tpu.memory_space<vmem_shared>>) target_semaphore(%run_scoped3A : memref<!tpu.dma_semaphore, #tpu.memory_space<semaphore_mem>>)
      %dma_wait3A_106 = arith.constant 0 : i32
      %dma_wait3A_107 = tpu.memref_slice %arg6[%add3A_23, %dma_wait3A_106] : memref<10000x128xf32, #tpu.memory_space<vmem_shared>> -> memref<104x128xf32, #tpu.memory_space<vmem_shared>>
      %dma_wait3A_108 = arith.constant 0 : i32
      %dma_wait3A_109 = tpu.memref_slice %arg6[%add3A_23, %dma_wait3A_108] : memref<10000x128xf32, #tpu.memory_space<vmem_shared>> -> memref<104x128xf32, #tpu.memory_space<vmem_shared>>
      tpu.wait_dma2 semaphore(%run_scoped3A : memref<!tpu.dma_semaphore, #tpu.memory_space<semaphore_mem>>) src(%arg7 : memref<104x128xf32, #tpu.memory_space<vmem>>) dst(%dma_wait3A_109 : memref<104x128xf32, #tpu.memory_space<vmem_shared>>)
      tpu.yield
    }) : () -> ()
    %add3A_24 = arith.constant 520 : i32
    %add3A_25 = arith.addi %mul3A_2, %add3A_24 : i32
    "tpu.region"() ({
      %run_scoped3A = tpu.sem_alloc : memref<!tpu.dma_semaphore, #tpu.memory_space<semaphore_mem>>
      %dma_start3A_102 = arith.constant 0 : i32
      %dma_start3A_103 = tpu.memref_slice %arg6[%add3A_25, %dma_start3A_102] : memref<10000x128xf32, #tpu.memory_space<vmem_shared>> -> memref<104x128xf32, #tpu.memory_space<vmem_shared>>
      %dma_start3A_104 = arith.constant 0 : i32
      %dma_start3A_105 = tpu.memref_slice %arg6[%add3A_25, %dma_start3A_104] : memref<10000x128xf32, #tpu.memory_space<vmem_shared>> -> memref<104x128xf32, #tpu.memory_space<vmem_shared>>
      tpu.enqueue_dma source(%arg7 : memref<104x128xf32, #tpu.memory_space<vmem>>) target(%dma_start3A_105 : memref<104x128xf32, #tpu.memory_space<vmem_shared>>) target_semaphore(%run_scoped3A : memref<!tpu.dma_semaphore, #tpu.memory_space<semaphore_mem>>)
      %dma_wait3A_106 = arith.constant 0 : i32
      %dma_wait3A_107 = tpu.memref_slice %arg6[%add3A_25, %dma_wait3A_106] : memref<10000x128xf32, #tpu.memory_space<vmem_shared>> -> memref<104x128xf32, #tpu.memory_space<vmem_shared>>
      %dma_wait3A_108 = arith.constant 0 : i32
      %dma_wait3A_109 = tpu.memref_slice %arg6[%add3A_25, %dma_wait3A_108] : memref<10000x128xf32, #tpu.memory_space<vmem_shared>> -> memref<104x128xf32, #tpu.memory_space<vmem_shared>>
      tpu.wait_dma2 semaphore(%run_scoped3A : memref<!tpu.dma_semaphore, #tpu.memory_space<semaphore_mem>>) src(%arg7 : memref<104x128xf32, #tpu.memory_space<vmem>>) dst(%dma_wait3A_109 : memref<104x128xf32, #tpu.memory_space<vmem_shared>>)
      tpu.yield
    }) : () -> ()
    %eq3A = arith.constant 15 : i32
    %eq3A_26 = arith.cmpi eq, %arg1, %eq3A : i32
    %convert_element_type3A = arith.extui %eq3A_26 : i1 to i32
    %cond3A = arith.constant 0 : i32
    %cond3A_27 = arith.cmpi ne, %convert_element_type3A, %cond3A : i32
    scf.if %cond3A_27 {
      "tpu.region"() ({
        %run_scoped3A = tpu.sem_alloc : memref<!tpu.dma_semaphore, #tpu.memory_space<semaphore_mem>>
        %dma_start3A_102 = arith.constant 0 : i32
        %dma_start3A_103 = arith.constant 0 : i32
        %dma_start3A_104 = tpu.memref_slice %arg7[%dma_start3A_102, %dma_start3A_103] : memref<104x128xf32, #tpu.memory_space<vmem>> -> memref<16x128xf32, #tpu.memory_space<vmem>>
        %dma_start3A_105 = arith.constant 9984 : i32
        %dma_start3A_106 = arith.constant 0 : i32
        %dma_start3A_107 = tpu.memref_slice %arg6[%dma_start3A_105, %dma_start3A_106] : memref<10000x128xf32, #tpu.memory_space<vmem_shared>> -> memref<16x128xf32, #tpu.memory_space<vmem_shared>>
        %dma_start3A_108 = arith.constant 9984 : i32
        %dma_start3A_109 = arith.constant 0 : i32
        %dma_start3A_110 = tpu.memref_slice %arg6[%dma_start3A_108, %dma_start3A_109] : memref<10000x128xf32, #tpu.memory_space<vmem_shared>> -> memref<16x128xf32, #tpu.memory_space<vmem_shared>>
        %dma_start3A_111 = arith.constant 0 : i32
        %dma_start3A_112 = arith.constant 0 : i32
        %dma_start3A_113 = tpu.memref_slice %arg7[%dma_start3A_111, %dma_start3A_112] : memref<104x128xf32, #tpu.memory_space<vmem>> -> memref<16x128xf32, #tpu.memory_space<vmem>>
        tpu.enqueue_dma source(%dma_start3A_113 : memref<16x128xf32, #tpu.memory_space<vmem>>) target(%dma_start3A_110 : memref<16x128xf32, #tpu.memory_space<vmem_shared>>) target_semaphore(%run_scoped3A : memref<!tpu.dma_semaphore, #tpu.memory_space<semaphore_mem>>)
        %dma_wait3A_114 = arith.constant 0 : i32
        %dma_wait3A_115 = arith.constant 0 : i32
        %dma_wait3A_116 = tpu.memref_slice %arg7[%dma_wait3A_114, %dma_wait3A_115] : memref<104x128xf32, #tpu.memory_space<vmem>> -> memref<16x128xf32, #tpu.memory_space<vmem>>
        %dma_wait3A_117 = arith.constant 9984 : i32
        %dma_wait3A_118 = arith.constant 0 : i32
        %dma_wait3A_119 = tpu.memref_slice %arg6[%dma_wait3A_117, %dma_wait3A_118] : memref<10000x128xf32, #tpu.memory_space<vmem_shared>> -> memref<16x128xf32, #tpu.memory_space<vmem_shared>>
        %dma_wait3A_120 = arith.constant 9984 : i32
        %dma_wait3A_121 = arith.constant 0 : i32
        %dma_wait3A_122 = tpu.memref_slice %arg6[%dma_wait3A_120, %dma_wait3A_121] : memref<10000x128xf32, #tpu.memory_space<vmem_shared>> -> memref<16x128xf32, #tpu.memory_space<vmem_shared>>
        %dma_wait3A_123 = arith.constant 0 : i32
        %dma_wait3A_124 = arith.constant 0 : i32
        %dma_wait3A_125 = tpu.memref_slice %arg7[%dma_wait3A_123, %dma_wait3A_124] : memref<104x128xf32, #tpu.memory_space<vmem>> -> memref<16x128xf32, #tpu.memory_space<vmem>>
        tpu.wait_dma2 semaphore(%run_scoped3A : memref<!tpu.dma_semaphore, #tpu.memory_space<semaphore_mem>>) src(%dma_wait3A_125 : memref<16x128xf32, #tpu.memory_space<vmem>>) dst(%dma_wait3A_122 : memref<16x128xf32, #tpu.memory_space<vmem_shared>>)
        tpu.yield
      }) : () -> ()
    } else {
    }
    %barrier3A = arith.constant 0 : index
    tpu.barrier barrier_id(%barrier3A)
    %mul3A_28 = arith.constant 10000 : i32
    %mul3A_29 = arith.muli %add3A, %mul3A_28 : i32
    "tpu.region"() ({
      %run_scoped3A = tpu.sem_alloc : memref<!tpu.dma_semaphore, #tpu.memory_space<semaphore_mem>>
      %dma_start3A_102 = tpu.memref_slice %arg3[%mul3A_29] : memref<320000xi32, #tpu.memory_space<hbm>> -> memref<9984xi32, #tpu.memory_space<hbm>>
      %dma_start3A_103 = tpu.memref_slice %arg3[%mul3A_29] : memref<320000xi32, #tpu.memory_space<hbm>> -> memref<9984xi32, #tpu.memory_space<hbm>>
      tpu.enqueue_dma source(%dma_start3A_103 : memref<9984xi32, #tpu.memory_space<hbm>>) target(%arg9 : memref<9984xi32, #tpu.memory_space<vmem>>) target_semaphore(%run_scoped3A : memref<!tpu.dma_semaphore, #tpu.memory_space<semaphore_mem>>)
      %dma_wait3A_104 = tpu.memref_slice %arg3[%mul3A_29] : memref<320000xi32, #tpu.memory_space<hbm>> -> memref<9984xi32, #tpu.memory_space<hbm>>
      %dma_wait3A_105 = tpu.memref_slice %arg3[%mul3A_29] : memref<320000xi32, #tpu.memory_space<hbm>> -> memref<9984xi32, #tpu.memory_space<hbm>>
      tpu.wait_dma2 semaphore(%run_scoped3A : memref<!tpu.dma_semaphore, #tpu.memory_space<semaphore_mem>>) src(%dma_wait3A_105 : memref<9984xi32, #tpu.memory_space<hbm>>) dst(%arg9 : memref<9984xi32, #tpu.memory_space<vmem>>)
      tpu.yield
    }) : () -> ()
    "tpu.region"() ({
      %run_scoped3A = tpu.sem_alloc : memref<!tpu.dma_semaphore, #tpu.memory_space<semaphore_mem>>
      %dma_start3A_102 = tpu.memref_slice %arg4[%mul3A_29] : memref<320000xi32, #tpu.memory_space<hbm>> -> memref<9984xi32, #tpu.memory_space<hbm>>
      %dma_start3A_103 = tpu.memref_slice %arg4[%mul3A_29] : memref<320000xi32, #tpu.memory_space<hbm>> -> memref<9984xi32, #tpu.memory_space<hbm>>
      tpu.enqueue_dma source(%dma_start3A_103 : memref<9984xi32, #tpu.memory_space<hbm>>) target(%arg10 : memref<9984xi32, #tpu.memory_space<vmem>>) target_semaphore(%run_scoped3A : memref<!tpu.dma_semaphore, #tpu.memory_space<semaphore_mem>>)
      %dma_wait3A_104 = tpu.memref_slice %arg4[%mul3A_29] : memref<320000xi32, #tpu.memory_space<hbm>> -> memref<9984xi32, #tpu.memory_space<hbm>>
      %dma_wait3A_105 = tpu.memref_slice %arg4[%mul3A_29] : memref<320000xi32, #tpu.memory_space<hbm>> -> memref<9984xi32, #tpu.memory_space<hbm>>
      tpu.wait_dma2 semaphore(%run_scoped3A : memref<!tpu.dma_semaphore, #tpu.memory_space<semaphore_mem>>) src(%dma_wait3A_105 : memref<9984xi32, #tpu.memory_space<hbm>>) dst(%arg10 : memref<9984xi32, #tpu.memory_space<vmem>>)
      tpu.yield
    }) : () -> ()
    %mul3A_30 = arith.constant 0 : i32
    %mul3A_31 = arith.constant 104 : i32
    %mul3A_32 = arith.muli %mul3A_30, %mul3A_31 : i32
    %dma_start3A = tpu.memref_slice %arg9[%mul3A_32] : memref<9984xi32, #tpu.memory_space<vmem>> -> memref<104xi32, #tpu.memory_space<vmem>>
    %dma_start3A_33 = arith.constant 0 : i32
    %dma_start3A_34 = arith.constant 0 : i32
    %dma_start3A_35 = tpu.memref_slice %arg2[%dma_start3A_33, %dma_start3A_34] : memref<10000x128xf32, #tpu.memory_space<hbm>> -> memref<10000x128xf32, #tpu.memory_space<hbm>>
    tpu.enqueue_indirect_dma source(%dma_start3A_35 : memref<10000x128xf32, #tpu.memory_space<hbm>>) target(%arg7 : memref<104x128xf32, #tpu.memory_space<vmem>>) offsets(%dma_start3A : memref<104xi32, #tpu.memory_space<vmem>>) semaphore(%arg11 : memref<!tpu.dma_semaphore, #tpu.memory_space<semaphore_mem>>)
    %while3A_36 = arith.constant 0 : i64
    %while3A_37 = arith.constant 0 : i32
    %while3A_38 = arith.constant 48 : i32
    %while3A_39 = arith.subi %while3A_38, %while3A_37 : i32
    %while3A_40 = arith.addi %while3A_37, %while3A_39 : i32
    %while3A_41 = arith.constant 1 : i32
    %while3A_42 = arith.divsi %while3A_39, %while3A_41 : i32
    %while3A_43 = arith.muli %while3A_42, %while3A_41 : i32
    %while3A_44 = arith.addi %while3A_37, %while3A_43 : i32
    %while3A_45 = arith.constant 1 : i32
    scf.for %while3A_102 = %while3A_37 to %while3A_44 step %while3A_45  : i32 {
      %mul3A_103 = arith.constant 2 : i32
      %mul3A_104 = arith.muli %mul3A_103, %while3A_102 : i32
      %dma_wait3A_105 = arith.constant 0 : i32
      %dma_wait3A_106 = arith.constant 0 : i32
      %dma_wait3A_107 = tpu.memref_slice %arg2[%dma_wait3A_105, %dma_wait3A_106] : memref<10000x128xf32, #tpu.memory_space<hbm>> -> memref<104x128xf32, #tpu.memory_space<hbm>>
      %dma_wait3A_108 = arith.constant 0 : i32
      %dma_wait3A_109 = arith.constant 0 : i32
      %dma_wait3A_110 = tpu.memref_slice %arg2[%dma_wait3A_108, %dma_wait3A_109] : memref<10000x128xf32, #tpu.memory_space<hbm>> -> memref<104x128xf32, #tpu.memory_space<hbm>>
      tpu.wait_dma2 semaphore(%arg11 : memref<!tpu.dma_semaphore, #tpu.memory_space<semaphore_mem>>) src(%dma_wait3A_110 : memref<104x128xf32, #tpu.memory_space<hbm>>) dst(%arg7 : memref<104x128xf32, #tpu.memory_space<vmem>>)
      %mul3A_111 = arith.constant 104 : i32
      %mul3A_112 = arith.muli %mul3A_104, %mul3A_111 : i32
      %dma_start3A_113 = tpu.memref_slice %arg10[%mul3A_112] : memref<9984xi32, #tpu.memory_space<vmem>> -> memref<104xi32, #tpu.memory_space<vmem>>
      %dma_start3A_114 = arith.constant 0 : i32
      %dma_start3A_115 = arith.constant 0 : i32
      %dma_start3A_116 = tpu.memref_slice %arg6[%dma_start3A_114, %dma_start3A_115] : memref<10000x128xf32, #tpu.memory_space<vmem_shared>> -> memref<10000x128xf32, #tpu.memory_space<vmem_shared>>
      tpu.enqueue_indirect_dma source(%arg7 : memref<104x128xf32, #tpu.memory_space<vmem>>) target(%dma_start3A_116 : memref<10000x128xf32, #tpu.memory_space<vmem_shared>>) offsets(%dma_start3A_113 : memref<104xi32, #tpu.memory_space<vmem>>) semaphore(%arg13 : memref<!tpu.dma_semaphore, #tpu.memory_space<semaphore_mem>>) {add = true}
      %gt3A = arith.constant 0 : i32
      %gt3A_117 = arith.cmpi sgt, %while3A_102, %gt3A : i32
      %convert_element_type3A_118 = arith.extui %gt3A_117 : i1 to i32
      %cond3A_119 = arith.constant 0 : i32
      %cond3A_120 = arith.cmpi ne, %convert_element_type3A_118, %cond3A_119 : i32
      scf.if %cond3A_120 {
        %dma_wait3A_153 = arith.constant 0 : i32
        %dma_wait3A_154 = arith.constant 0 : i32
        %dma_wait3A_155 = tpu.memref_slice %arg2[%dma_wait3A_153, %dma_wait3A_154] : memref<10000x128xf32, #tpu.memory_space<hbm>> -> memref<104x128xf32, #tpu.memory_space<hbm>>
        %dma_wait3A_156 = arith.constant 0 : i32
        %dma_wait3A_157 = arith.constant 0 : i32
        %dma_wait3A_158 = tpu.memref_slice %arg2[%dma_wait3A_156, %dma_wait3A_157] : memref<10000x128xf32, #tpu.memory_space<hbm>> -> memref<104x128xf32, #tpu.memory_space<hbm>>
        tpu.wait_dma2 semaphore(%arg14 : memref<!tpu.dma_semaphore, #tpu.memory_space<semaphore_mem>>) src(%dma_wait3A_158 : memref<104x128xf32, #tpu.memory_space<hbm>>) dst(%arg8 : memref<104x128xf32, #tpu.memory_space<vmem>>)
      } else {
      }
      %add3A_121 = arith.constant 1 : i32
      %add3A_122 = arith.addi %mul3A_104, %add3A_121 : i32
      %mul3A_123 = arith.constant 104 : i32
      %mul3A_124 = arith.muli %add3A_122, %mul3A_123 : i32
      %dma_start3A_125 = tpu.memref_slice %arg9[%mul3A_124] : memref<9984xi32, #tpu.memory_space<vmem>> -> memref<104xi32, #tpu.memory_space<vmem>>
      %dma_start3A_126 = arith.constant 0 : i32
      %dma_start3A_127 = arith.constant 0 : i32
      %dma_start3A_128 = tpu.memref_slice %arg2[%dma_start3A_126, %dma_start3A_127] : memref<10000x128xf32, #tpu.memory_space<hbm>> -> memref<10000x128xf32, #tpu.memory_space<hbm>>
      tpu.enqueue_indirect_dma source(%dma_start3A_128 : memref<10000x128xf32, #tpu.memory_space<hbm>>) target(%arg8 : memref<104x128xf32, #tpu.memory_space<vmem>>) offsets(%dma_start3A_125 : memref<104xi32, #tpu.memory_space<vmem>>) semaphore(%arg12 : memref<!tpu.dma_semaphore, #tpu.memory_space<semaphore_mem>>)
      %dma_wait3A_129 = arith.constant 0 : i32
      %dma_wait3A_130 = arith.constant 0 : i32
      %dma_wait3A_131 = tpu.memref_slice %arg2[%dma_wait3A_129, %dma_wait3A_130] : memref<10000x128xf32, #tpu.memory_space<hbm>> -> memref<104x128xf32, #tpu.memory_space<hbm>>
      %dma_wait3A_132 = arith.constant 0 : i32
      %dma_wait3A_133 = arith.constant 0 : i32
      %dma_wait3A_134 = tpu.memref_slice %arg2[%dma_wait3A_132, %dma_wait3A_133] : memref<10000x128xf32, #tpu.memory_space<hbm>> -> memref<104x128xf32, #tpu.memory_space<hbm>>
      tpu.wait_dma2 semaphore(%arg12 : memref<!tpu.dma_semaphore, #tpu.memory_space<semaphore_mem>>) src(%dma_wait3A_134 : memref<104x128xf32, #tpu.memory_space<hbm>>) dst(%arg8 : memref<104x128xf32, #tpu.memory_space<vmem>>)
      %add3A_135 = arith.constant 1 : i32
      %add3A_136 = arith.addi %mul3A_104, %add3A_135 : i32
      %mul3A_137 = arith.constant 104 : i32
      %mul3A_138 = arith.muli %add3A_136, %mul3A_137 : i32
      %dma_start3A_139 = tpu.memref_slice %arg10[%mul3A_138] : memref<9984xi32, #tpu.memory_space<vmem>> -> memref<104xi32, #tpu.memory_space<vmem>>
      %dma_start3A_140 = arith.constant 0 : i32
      %dma_start3A_141 = arith.constant 0 : i32
      %dma_start3A_142 = tpu.memref_slice %arg6[%dma_start3A_140, %dma_start3A_141] : memref<10000x128xf32, #tpu.memory_space<vmem_shared>> -> memref<10000x128xf32, #tpu.memory_space<vmem_shared>>
      tpu.enqueue_indirect_dma source(%arg8 : memref<104x128xf32, #tpu.memory_space<vmem>>) target(%dma_start3A_142 : memref<10000x128xf32, #tpu.memory_space<vmem_shared>>) offsets(%dma_start3A_139 : memref<104xi32, #tpu.memory_space<vmem>>) semaphore(%arg14 : memref<!tpu.dma_semaphore, #tpu.memory_space<semaphore_mem>>) {add = true}
      %dma_wait3A_143 = arith.constant 0 : i32
      %dma_wait3A_144 = arith.constant 0 : i32
      %dma_wait3A_145 = tpu.memref_slice %arg2[%dma_wait3A_143, %dma_wait3A_144] : memref<10000x128xf32, #tpu.memory_space<hbm>> -> memref<104x128xf32, #tpu.memory_space<hbm>>
      %dma_wait3A_146 = arith.constant 0 : i32
      %dma_wait3A_147 = arith.constant 0 : i32
      %dma_wait3A_148 = tpu.memref_slice %arg2[%dma_wait3A_146, %dma_wait3A_147] : memref<10000x128xf32, #tpu.memory_space<hbm>> -> memref<104x128xf32, #tpu.memory_space<hbm>>
      tpu.wait_dma2 semaphore(%arg13 : memref<!tpu.dma_semaphore, #tpu.memory_space<semaphore_mem>>) src(%dma_wait3A_148 : memref<104x128xf32, #tpu.memory_space<hbm>>) dst(%arg7 : memref<104x128xf32, #tpu.memory_space<vmem>>)
      %lt3A = arith.constant 47 : i32
      %lt3A_149 = arith.cmpi slt, %while3A_102, %lt3A : i32
      %convert_element_type3A_150 = arith.extui %lt3A_149 : i1 to i32
      %cond3A_151 = arith.constant 0 : i32
      %cond3A_152 = arith.cmpi ne, %convert_element_type3A_150, %cond3A_151 : i32
      scf.if %cond3A_152 {
        %add3A_153 = arith.constant 2 : i32
        %add3A_154 = arith.addi %mul3A_104, %add3A_153 : i32
        %mul3A_155 = arith.constant 104 : i32
        %mul3A_156 = arith.muli %add3A_154, %mul3A_155 : i32
        %dma_start3A_157 = tpu.memref_slice %arg9[%mul3A_156] : memref<9984xi32, #tpu.memory_space<vmem>> -> memref<104xi32, #tpu.memory_space<vmem>>
        %dma_start3A_158 = arith.constant 0 : i32
        %dma_start3A_159 = arith.constant 0 : i32
        %dma_start3A_160 = tpu.memref_slice %arg2[%dma_start3A_158, %dma_start3A_159] : memref<10000x128xf32, #tpu.memory_space<hbm>> -> memref<10000x128xf32, #tpu.memory_space<hbm>>
        tpu.enqueue_indirect_dma source(%dma_start3A_160 : memref<10000x128xf32, #tpu.memory_space<hbm>>) target(%arg7 : memref<104x128xf32, #tpu.memory_space<vmem>>) offsets(%dma_start3A_157 : memref<104xi32, #tpu.memory_space<vmem>>) semaphore(%arg11 : memref<!tpu.dma_semaphore, #tpu.memory_space<semaphore_mem>>)
      } else {
      }
    }
    %while3A_46 = arith.constant 1 : i32
    scf.for %while3A_102 = %while3A_44 to %while3A_40 step %while3A_46  : i32 {
      %mul3A_103 = arith.constant 2 : i32
      %mul3A_104 = arith.muli %mul3A_103, %while3A_102 : i32
      %dma_wait3A_105 = arith.constant 0 : i32
      %dma_wait3A_106 = arith.constant 0 : i32
      %dma_wait3A_107 = tpu.memref_slice %arg2[%dma_wait3A_105, %dma_wait3A_106] : memref<10000x128xf32, #tpu.memory_space<hbm>> -> memref<104x128xf32, #tpu.memory_space<hbm>>
      %dma_wait3A_108 = arith.constant 0 : i32
      %dma_wait3A_109 = arith.constant 0 : i32
      %dma_wait3A_110 = tpu.memref_slice %arg2[%dma_wait3A_108, %dma_wait3A_109] : memref<10000x128xf32, #tpu.memory_space<hbm>> -> memref<104x128xf32, #tpu.memory_space<hbm>>
      tpu.wait_dma2 semaphore(%arg11 : memref<!tpu.dma_semaphore, #tpu.memory_space<semaphore_mem>>) src(%dma_wait3A_110 : memref<104x128xf32, #tpu.memory_space<hbm>>) dst(%arg7 : memref<104x128xf32, #tpu.memory_space<vmem>>)
      %mul3A_111 = arith.constant 104 : i32
      %mul3A_112 = arith.muli %mul3A_104, %mul3A_111 : i32
      %dma_start3A_113 = tpu.memref_slice %arg10[%mul3A_112] : memref<9984xi32, #tpu.memory_space<vmem>> -> memref<104xi32, #tpu.memory_space<vmem>>
      %dma_start3A_114 = arith.constant 0 : i32
      %dma_start3A_115 = arith.constant 0 : i32
      %dma_start3A_116 = tpu.memref_slice %arg6[%dma_start3A_114, %dma_start3A_115] : memref<10000x128xf32, #tpu.memory_space<vmem_shared>> -> memref<10000x128xf32, #tpu.memory_space<vmem_shared>>
      tpu.enqueue_indirect_dma source(%arg7 : memref<104x128xf32, #tpu.memory_space<vmem>>) target(%dma_start3A_116 : memref<10000x128xf32, #tpu.memory_space<vmem_shared>>) offsets(%dma_start3A_113 : memref<104xi32, #tpu.memory_space<vmem>>) semaphore(%arg13 : memref<!tpu.dma_semaphore, #tpu.memory_space<semaphore_mem>>) {add = true}
      %gt3A = arith.constant 0 : i32
      %gt3A_117 = arith.cmpi sgt, %while3A_102, %gt3A : i32
      %convert_element_type3A_118 = arith.extui %gt3A_117 : i1 to i32
      %cond3A_119 = arith.constant 0 : i32
      %cond3A_120 = arith.cmpi ne, %convert_element_type3A_118, %cond3A_119 : i32
      scf.if %cond3A_120 {
        %dma_wait3A_153 = arith.constant 0 : i32
        %dma_wait3A_154 = arith.constant 0 : i32
        %dma_wait3A_155 = tpu.memref_slice %arg2[%dma_wait3A_153, %dma_wait3A_154] : memref<10000x128xf32, #tpu.memory_space<hbm>> -> memref<104x128xf32, #tpu.memory_space<hbm>>
        %dma_wait3A_156 = arith.constant 0 : i32
        %dma_wait3A_157 = arith.constant 0 : i32
        %dma_wait3A_158 = tpu.memref_slice %arg2[%dma_wait3A_156, %dma_wait3A_157] : memref<10000x128xf32, #tpu.memory_space<hbm>> -> memref<104x128xf32, #tpu.memory_space<hbm>>
        tpu.wait_dma2 semaphore(%arg14 : memref<!tpu.dma_semaphore, #tpu.memory_space<semaphore_mem>>) src(%dma_wait3A_158 : memref<104x128xf32, #tpu.memory_space<hbm>>) dst(%arg8 : memref<104x128xf32, #tpu.memory_space<vmem>>)
      } else {
      }
      %add3A_121 = arith.constant 1 : i32
      %add3A_122 = arith.addi %mul3A_104, %add3A_121 : i32
      %mul3A_123 = arith.constant 104 : i32
      %mul3A_124 = arith.muli %add3A_122, %mul3A_123 : i32
      %dma_start3A_125 = tpu.memref_slice %arg9[%mul3A_124] : memref<9984xi32, #tpu.memory_space<vmem>> -> memref<104xi32, #tpu.memory_space<vmem>>
      %dma_start3A_126 = arith.constant 0 : i32
      %dma_start3A_127 = arith.constant 0 : i32
      %dma_start3A_128 = tpu.memref_slice %arg2[%dma_start3A_126, %dma_start3A_127] : memref<10000x128xf32, #tpu.memory_space<hbm>> -> memref<10000x128xf32, #tpu.memory_space<hbm>>
      tpu.enqueue_indirect_dma source(%dma_start3A_128 : memref<10000x128xf32, #tpu.memory_space<hbm>>) target(%arg8 : memref<104x128xf32, #tpu.memory_space<vmem>>) offsets(%dma_start3A_125 : memref<104xi32, #tpu.memory_space<vmem>>) semaphore(%arg12 : memref<!tpu.dma_semaphore, #tpu.memory_space<semaphore_mem>>)
      %dma_wait3A_129 = arith.constant 0 : i32
      %dma_wait3A_130 = arith.constant 0 : i32
      %dma_wait3A_131 = tpu.memref_slice %arg2[%dma_wait3A_129, %dma_wait3A_130] : memref<10000x128xf32, #tpu.memory_space<hbm>> -> memref<104x128xf32, #tpu.memory_space<hbm>>
      %dma_wait3A_132 = arith.constant 0 : i32
      %dma_wait3A_133 = arith.constant 0 : i32
      %dma_wait3A_134 = tpu.memref_slice %arg2[%dma_wait3A_132, %dma_wait3A_133] : memref<10000x128xf32, #tpu.memory_space<hbm>> -> memref<104x128xf32, #tpu.memory_space<hbm>>
      tpu.wait_dma2 semaphore(%arg12 : memref<!tpu.dma_semaphore, #tpu.memory_space<semaphore_mem>>) src(%dma_wait3A_134 : memref<104x128xf32, #tpu.memory_space<hbm>>) dst(%arg8 : memref<104x128xf32, #tpu.memory_space<vmem>>)
      %add3A_135 = arith.constant 1 : i32
      %add3A_136 = arith.addi %mul3A_104, %add3A_135 : i32
      %mul3A_137 = arith.constant 104 : i32
      %mul3A_138 = arith.muli %add3A_136, %mul3A_137 : i32
      %dma_start3A_139 = tpu.memref_slice %arg10[%mul3A_138] : memref<9984xi32, #tpu.memory_space<vmem>> -> memref<104xi32, #tpu.memory_space<vmem>>
      %dma_start3A_140 = arith.constant 0 : i32
      %dma_start3A_141 = arith.constant 0 : i32
      %dma_start3A_142 = tpu.memref_slice %arg6[%dma_start3A_140, %dma_start3A_141] : memref<10000x128xf32, #tpu.memory_space<vmem_shared>> -> memref<10000x128xf32, #tpu.memory_space<vmem_shared>>
      tpu.enqueue_indirect_dma source(%arg8 : memref<104x128xf32, #tpu.memory_space<vmem>>) target(%dma_start3A_142 : memref<10000x128xf32, #tpu.memory_space<vmem_shared>>) offsets(%dma_start3A_139 : memref<104xi32, #tpu.memory_space<vmem>>) semaphore(%arg14 : memref<!tpu.dma_semaphore, #tpu.memory_space<semaphore_mem>>) {add = true}
      %dma_wait3A_143 = arith.constant 0 : i32
      %dma_wait3A_144 = arith.constant 0 : i32
      %dma_wait3A_145 = tpu.memref_slice %arg2[%dma_wait3A_143, %dma_wait3A_144] : memref<10000x128xf32, #tpu.memory_space<hbm>> -> memref<104x128xf32, #tpu.memory_space<hbm>>
      %dma_wait3A_146 = arith.constant 0 : i32
      %dma_wait3A_147 = arith.constant 0 : i32
      %dma_wait3A_148 = tpu.memref_slice %arg2[%dma_wait3A_146, %dma_wait3A_147] : memref<10000x128xf32, #tpu.memory_space<hbm>> -> memref<104x128xf32, #tpu.memory_space<hbm>>
      tpu.wait_dma2 semaphore(%arg13 : memref<!tpu.dma_semaphore, #tpu.memory_space<semaphore_mem>>) src(%dma_wait3A_148 : memref<104x128xf32, #tpu.memory_space<hbm>>) dst(%arg7 : memref<104x128xf32, #tpu.memory_space<vmem>>)
      %lt3A = arith.constant 47 : i32
      %lt3A_149 = arith.cmpi slt, %while3A_102, %lt3A : i32
      %convert_element_type3A_150 = arith.extui %lt3A_149 : i1 to i32
      %cond3A_151 = arith.constant 0 : i32
      %cond3A_152 = arith.cmpi ne, %convert_element_type3A_150, %cond3A_151 : i32
      scf.if %cond3A_152 {
        %add3A_153 = arith.constant 2 : i32
        %add3A_154 = arith.addi %mul3A_104, %add3A_153 : i32
        %mul3A_155 = arith.constant 104 : i32
        %mul3A_156 = arith.muli %add3A_154, %mul3A_155 : i32
        %dma_start3A_157 = tpu.memref_slice %arg9[%mul3A_156] : memref<9984xi32, #tpu.memory_space<vmem>> -> memref<104xi32, #tpu.memory_space<vmem>>
        %dma_start3A_158 = arith.constant 0 : i32
        %dma_start3A_159 = arith.constant 0 : i32
        %dma_start3A_160 = tpu.memref_slice %arg2[%dma_start3A_158, %dma_start3A_159] : memref<10000x128xf32, #tpu.memory_space<hbm>> -> memref<10000x128xf32, #tpu.memory_space<hbm>>
        tpu.enqueue_indirect_dma source(%dma_start3A_160 : memref<10000x128xf32, #tpu.memory_space<hbm>>) target(%arg7 : memref<104x128xf32, #tpu.memory_space<vmem>>) offsets(%dma_start3A_157 : memref<104xi32, #tpu.memory_space<vmem>>) semaphore(%arg11 : memref<!tpu.dma_semaphore, #tpu.memory_space<semaphore_mem>>)
      } else {
      }
    }
    %dma_wait3A = arith.constant 0 : i32
    %dma_wait3A_47 = arith.constant 0 : i32
    %dma_wait3A_48 = tpu.memref_slice %arg2[%dma_wait3A, %dma_wait3A_47] : memref<10000x128xf32, #tpu.memory_space<hbm>> -> memref<104x128xf32, #tpu.memory_space<hbm>>
    %dma_wait3A_49 = arith.constant 0 : i32
    %dma_wait3A_50 = arith.constant 0 : i32
    %dma_wait3A_51 = tpu.memref_slice %arg2[%dma_wait3A_49, %dma_wait3A_50] : memref<10000x128xf32, #tpu.memory_space<hbm>> -> memref<104x128xf32, #tpu.memory_space<hbm>>
    tpu.wait_dma2 semaphore(%arg14 : memref<!tpu.dma_semaphore, #tpu.memory_space<semaphore_mem>>) src(%dma_wait3A_51 : memref<104x128xf32, #tpu.memory_space<hbm>>) dst(%arg8 : memref<104x128xf32, #tpu.memory_space<vmem>>)
    %add3A_52 = arith.constant 9984 : i32
    %add3A_53 = arith.addi %mul3A_29, %add3A_52 : i32
    "tpu.region"() ({
      %run_scoped3A = tpu.sem_alloc : memref<!tpu.dma_semaphore, #tpu.memory_space<semaphore_mem>>
      %dma_start3A_102 = arith.constant 0 : i32
      %dma_start3A_103 = tpu.memref_slice %arg9[%dma_start3A_102] : memref<9984xi32, #tpu.memory_space<vmem>> -> memref<16xi32, #tpu.memory_space<vmem>>
      %dma_start3A_104 = tpu.memref_slice %arg3[%add3A_53] : memref<320000xi32, #tpu.memory_space<hbm>> -> memref<16xi32, #tpu.memory_space<hbm>>
      %dma_start3A_105 = arith.constant 0 : i32
      %dma_start3A_106 = tpu.memref_slice %arg9[%dma_start3A_105] : memref<9984xi32, #tpu.memory_space<vmem>> -> memref<16xi32, #tpu.memory_space<vmem>>
      %dma_start3A_107 = tpu.memref_slice %arg3[%add3A_53] : memref<320000xi32, #tpu.memory_space<hbm>> -> memref<16xi32, #tpu.memory_space<hbm>>
      tpu.enqueue_dma source(%dma_start3A_107 : memref<16xi32, #tpu.memory_space<hbm>>) target(%dma_start3A_106 : memref<16xi32, #tpu.memory_space<vmem>>) target_semaphore(%run_scoped3A : memref<!tpu.dma_semaphore, #tpu.memory_space<semaphore_mem>>)
      %dma_wait3A_108 = arith.constant 0 : i32
      %dma_wait3A_109 = tpu.memref_slice %arg9[%dma_wait3A_108] : memref<9984xi32, #tpu.memory_space<vmem>> -> memref<16xi32, #tpu.memory_space<vmem>>
      %dma_wait3A_110 = tpu.memref_slice %arg3[%add3A_53] : memref<320000xi32, #tpu.memory_space<hbm>> -> memref<16xi32, #tpu.memory_space<hbm>>
      %dma_wait3A_111 = arith.constant 0 : i32
      %dma_wait3A_112 = tpu.memref_slice %arg9[%dma_wait3A_111] : memref<9984xi32, #tpu.memory_space<vmem>> -> memref<16xi32, #tpu.memory_space<vmem>>
      %dma_wait3A_113 = tpu.memref_slice %arg3[%add3A_53] : memref<320000xi32, #tpu.memory_space<hbm>> -> memref<16xi32, #tpu.memory_space<hbm>>
      tpu.wait_dma2 semaphore(%run_scoped3A : memref<!tpu.dma_semaphore, #tpu.memory_space<semaphore_mem>>) src(%dma_wait3A_113 : memref<16xi32, #tpu.memory_space<hbm>>) dst(%dma_wait3A_112 : memref<16xi32, #tpu.memory_space<vmem>>)
      tpu.yield
    }) : () -> ()
    %add3A_54 = arith.constant 9984 : i32
    %add3A_55 = arith.addi %mul3A_29, %add3A_54 : i32
    "tpu.region"() ({
      %run_scoped3A = tpu.sem_alloc : memref<!tpu.dma_semaphore, #tpu.memory_space<semaphore_mem>>
      %dma_start3A_102 = arith.constant 0 : i32
      %dma_start3A_103 = tpu.memref_slice %arg10[%dma_start3A_102] : memref<9984xi32, #tpu.memory_space<vmem>> -> memref<16xi32, #tpu.memory_space<vmem>>
      %dma_start3A_104 = tpu.memref_slice %arg4[%add3A_55] : memref<320000xi32, #tpu.memory_space<hbm>> -> memref<16xi32, #tpu.memory_space<hbm>>
      %dma_start3A_105 = arith.constant 0 : i32
      %dma_start3A_106 = tpu.memref_slice %arg10[%dma_start3A_105] : memref<9984xi32, #tpu.memory_space<vmem>> -> memref<16xi32, #tpu.memory_space<vmem>>
      %dma_start3A_107 = tpu.memref_slice %arg4[%add3A_55] : memref<320000xi32, #tpu.memory_space<hbm>> -> memref<16xi32, #tpu.memory_space<hbm>>
      tpu.enqueue_dma source(%dma_start3A_107 : memref<16xi32, #tpu.memory_space<hbm>>) target(%dma_start3A_106 : memref<16xi32, #tpu.memory_space<vmem>>) target_semaphore(%run_scoped3A : memref<!tpu.dma_semaphore, #tpu.memory_space<semaphore_mem>>)
      %dma_wait3A_108 = arith.constant 0 : i32
      %dma_wait3A_109 = tpu.memref_slice %arg10[%dma_wait3A_108] : memref<9984xi32, #tpu.memory_space<vmem>> -> memref<16xi32, #tpu.memory_space<vmem>>
      %dma_wait3A_110 = tpu.memref_slice %arg4[%add3A_55] : memref<320000xi32, #tpu.memory_space<hbm>> -> memref<16xi32, #tpu.memory_space<hbm>>
      %dma_wait3A_111 = arith.constant 0 : i32
      %dma_wait3A_112 = tpu.memref_slice %arg10[%dma_wait3A_111] : memref<9984xi32, #tpu.memory_space<vmem>> -> memref<16xi32, #tpu.memory_space<vmem>>
      %dma_wait3A_113 = tpu.memref_slice %arg4[%add3A_55] : memref<320000xi32, #tpu.memory_space<hbm>> -> memref<16xi32, #tpu.memory_space<hbm>>
      tpu.wait_dma2 semaphore(%run_scoped3A : memref<!tpu.dma_semaphore, #tpu.memory_space<semaphore_mem>>) src(%dma_wait3A_113 : memref<16xi32, #tpu.memory_space<hbm>>) dst(%dma_wait3A_112 : memref<16xi32, #tpu.memory_space<vmem>>)
      tpu.yield
    }) : () -> ()
    %dma_start3A_56 = arith.constant 0 : i32
    %dma_start3A_57 = arith.constant 0 : i32
    %dma_start3A_58 = tpu.memref_slice %arg7[%dma_start3A_56, %dma_start3A_57] : memref<104x128xf32, #tpu.memory_space<vmem>> -> memref<16x128xf32, #tpu.memory_space<vmem>>
    %dma_start3A_59 = arith.constant 0 : i32
    %dma_start3A_60 = tpu.memref_slice %arg9[%dma_start3A_59] : memref<9984xi32, #tpu.memory_space<vmem>> -> memref<16xi32, #tpu.memory_space<vmem>>
    %dma_start3A_61 = arith.constant 0 : i32
    %dma_start3A_62 = arith.constant 0 : i32
    %dma_start3A_63 = tpu.memref_slice %arg2[%dma_start3A_61, %dma_start3A_62] : memref<10000x128xf32, #tpu.memory_space<hbm>> -> memref<10000x128xf32, #tpu.memory_space<hbm>>
    tpu.enqueue_indirect_dma source(%dma_start3A_63 : memref<10000x128xf32, #tpu.memory_space<hbm>>) target(%dma_start3A_58 : memref<16x128xf32, #tpu.memory_space<vmem>>) offsets(%dma_start3A_60 : memref<16xi32, #tpu.memory_space<vmem>>) semaphore(%arg11 : memref<!tpu.dma_semaphore, #tpu.memory_space<semaphore_mem>>)
    %dma_wait3A_64 = arith.constant 0 : i32
    %dma_wait3A_65 = arith.constant 0 : i32
    %dma_wait3A_66 = tpu.memref_slice %arg7[%dma_wait3A_64, %dma_wait3A_65] : memref<104x128xf32, #tpu.memory_space<vmem>> -> memref<16x128xf32, #tpu.memory_space<vmem>>
    %dma_wait3A_67 = arith.constant 0 : i32
    %dma_wait3A_68 = tpu.memref_slice %arg9[%dma_wait3A_67] : memref<9984xi32, #tpu.memory_space<vmem>> -> memref<16xi32, #tpu.memory_space<vmem>>
    %dma_wait3A_69 = arith.constant 0 : i32
    %dma_wait3A_70 = arith.constant 0 : i32
    %dma_wait3A_71 = tpu.memref_slice %arg2[%dma_wait3A_69, %dma_wait3A_70] : memref<10000x128xf32, #tpu.memory_space<hbm>> -> memref<10000x128xf32, #tpu.memory_space<hbm>>
    tpu.wait_indirect_dma semaphore(%arg11 : memref<!tpu.dma_semaphore, #tpu.memory_space<semaphore_mem>>) src(%dma_wait3A_71 : memref<10000x128xf32, #tpu.memory_space<hbm>>) dst(%dma_wait3A_66 : memref<16x128xf32, #tpu.memory_space<vmem>>)
    "tpu.region"() ({
      %run_scoped3A = tpu.sem_alloc : memref<!tpu.dma_semaphore, #tpu.memory_space<semaphore_mem>>
      %dma_start3A_102 = arith.constant 0 : i32
      %dma_start3A_103 = arith.constant 0 : i32
      %dma_start3A_104 = tpu.memref_slice %arg7[%dma_start3A_102, %dma_start3A_103] : memref<104x128xf32, #tpu.memory_space<vmem>> -> memref<16x128xf32, #tpu.memory_space<vmem>>
      %dma_start3A_105 = arith.constant 0 : i32
      %dma_start3A_106 = tpu.memref_slice %arg10[%dma_start3A_105] : memref<9984xi32, #tpu.memory_space<vmem>> -> memref<16xi32, #tpu.memory_space<vmem>>
      %dma_start3A_107 = arith.constant 0 : i32
      %dma_start3A_108 = arith.constant 0 : i32
      %dma_start3A_109 = tpu.memref_slice %arg6[%dma_start3A_107, %dma_start3A_108] : memref<10000x128xf32, #tpu.memory_space<vmem_shared>> -> memref<10000x128xf32, #tpu.memory_space<vmem_shared>>
      tpu.enqueue_indirect_dma source(%dma_start3A_104 : memref<16x128xf32, #tpu.memory_space<vmem>>) target(%dma_start3A_109 : memref<10000x128xf32, #tpu.memory_space<vmem_shared>>) offsets(%dma_start3A_106 : memref<16xi32, #tpu.memory_space<vmem>>) semaphore(%run_scoped3A : memref<!tpu.dma_semaphore, #tpu.memory_space<semaphore_mem>>) {add = true}
      %dma_wait3A_110 = arith.constant 0 : i32
      %dma_wait3A_111 = arith.constant 0 : i32
      %dma_wait3A_112 = tpu.memref_slice %arg7[%dma_wait3A_110, %dma_wait3A_111] : memref<104x128xf32, #tpu.memory_space<vmem>> -> memref<16x128xf32, #tpu.memory_space<vmem>>
      %dma_wait3A_113 = arith.constant 0 : i32
      %dma_wait3A_114 = tpu.memref_slice %arg10[%dma_wait3A_113] : memref<9984xi32, #tpu.memory_space<vmem>> -> memref<16xi32, #tpu.memory_space<vmem>>
      %dma_wait3A_115 = arith.constant 0 : i32
      %dma_wait3A_116 = arith.constant 0 : i32
      %dma_wait3A_117 = tpu.memref_slice %arg6[%dma_wait3A_115, %dma_wait3A_116] : memref<10000x128xf32, #tpu.memory_space<vmem_shared>> -> memref<10000x128xf32, #tpu.memory_space<vmem_shared>>
      tpu.wait_indirect_dma semaphore(%run_scoped3A : memref<!tpu.dma_semaphore, #tpu.memory_space<semaphore_mem>>) src(%dma_wait3A_112 : memref<16x128xf32, #tpu.memory_space<vmem>>) dst(%dma_wait3A_117 : memref<10000x128xf32, #tpu.memory_space<vmem_shared>>)
      tpu.yield
    }) : () -> ()
    %barrier3A_72 = arith.constant 0 : index
    tpu.barrier barrier_id(%barrier3A_72)
    %add3A_73 = arith.constant 0 : i32
    %add3A_74 = arith.addi %mul3A_2, %add3A_73 : i32
    "tpu.region"() ({
      %run_scoped3A = tpu.sem_alloc : memref<!tpu.dma_semaphore, #tpu.memory_space<semaphore_mem>>
      %dma_start3A_102 = arith.constant 0 : i32
      %dma_start3A_103 = tpu.memref_slice %arg6[%add3A_74, %dma_start3A_102] : memref<10000x128xf32, #tpu.memory_space<vmem_shared>> -> memref<104x128xf32, #tpu.memory_space<vmem_shared>>
      %dma_start3A_104 = arith.constant 0 : i32
      %dma_start3A_105 = tpu.memref_slice %arg6[%add3A_74, %dma_start3A_104] : memref<10000x128xf32, #tpu.memory_space<vmem_shared>> -> memref<104x128xf32, #tpu.memory_space<vmem_shared>>
      tpu.enqueue_dma source(%dma_start3A_105 : memref<104x128xf32, #tpu.memory_space<vmem_shared>>) target(%arg7 : memref<104x128xf32, #tpu.memory_space<vmem>>) target_semaphore(%run_scoped3A : memref<!tpu.dma_semaphore, #tpu.memory_space<semaphore_mem>>)
      %dma_wait3A_106 = arith.constant 0 : i32
      %dma_wait3A_107 = tpu.memref_slice %arg6[%add3A_74, %dma_wait3A_106] : memref<10000x128xf32, #tpu.memory_space<vmem_shared>> -> memref<104x128xf32, #tpu.memory_space<vmem_shared>>
      %dma_wait3A_108 = arith.constant 0 : i32
      %dma_wait3A_109 = tpu.memref_slice %arg6[%add3A_74, %dma_wait3A_108] : memref<10000x128xf32, #tpu.memory_space<vmem_shared>> -> memref<104x128xf32, #tpu.memory_space<vmem_shared>>
      tpu.wait_dma2 semaphore(%run_scoped3A : memref<!tpu.dma_semaphore, #tpu.memory_space<semaphore_mem>>) src(%dma_wait3A_109 : memref<104x128xf32, #tpu.memory_space<vmem_shared>>) dst(%arg7 : memref<104x128xf32, #tpu.memory_space<vmem>>)
      tpu.yield
    }) : () -> ()
    %add3A_75 = arith.constant 0 : i32
    %add3A_76 = arith.addi %mul3A_2, %add3A_75 : i32
    "tpu.region"() ({
      %run_scoped3A = tpu.sem_alloc : memref<!tpu.dma_semaphore, #tpu.memory_space<semaphore_mem>>
      %dma_start3A_102 = arith.constant 0 : i32
      %dma_start3A_103 = tpu.memref_slice %arg5[%arg0, %add3A_76, %dma_start3A_102] : memref<2x10000x128xf32, #tpu.memory_space<hbm>> -> memref<1x104x128xf32, #tpu.memory_space<hbm>>
      %dma_start3A_104 = tpu.memref_squeeze %dma_start3A_103 : memref<1x104x128xf32, #tpu.memory_space<hbm>> -> memref<104x128xf32, #tpu.memory_space<hbm>>
      %dma_start3A_105 = arith.constant 0 : i32
      %dma_start3A_106 = tpu.memref_slice %arg5[%arg0, %add3A_76, %dma_start3A_105] : memref<2x10000x128xf32, #tpu.memory_space<hbm>> -> memref<1x104x128xf32, #tpu.memory_space<hbm>>
      %dma_start3A_107 = tpu.memref_squeeze %dma_start3A_106 : memref<1x104x128xf32, #tpu.memory_space<hbm>> -> memref<104x128xf32, #tpu.memory_space<hbm>>
      tpu.enqueue_dma source(%arg7 : memref<104x128xf32, #tpu.memory_space<vmem>>) target(%dma_start3A_107 : memref<104x128xf32, #tpu.memory_space<hbm>>) target_semaphore(%run_scoped3A : memref<!tpu.dma_semaphore, #tpu.memory_space<semaphore_mem>>)
      %dma_wait3A_108 = arith.constant 0 : i32
      %dma_wait3A_109 = tpu.memref_slice %arg5[%arg0, %add3A_76, %dma_wait3A_108] : memref<2x10000x128xf32, #tpu.memory_space<hbm>> -> memref<1x104x128xf32, #tpu.memory_space<hbm>>
      %dma_wait3A_110 = tpu.memref_squeeze %dma_wait3A_109 : memref<1x104x128xf32, #tpu.memory_space<hbm>> -> memref<104x128xf32, #tpu.memory_space<hbm>>
      %dma_wait3A_111 = arith.constant 0 : i32
      %dma_wait3A_112 = tpu.memref_slice %arg5[%arg0, %add3A_76, %dma_wait3A_111] : memref<2x10000x128xf32, #tpu.memory_space<hbm>> -> memref<1x104x128xf32, #tpu.memory_space<hbm>>
      %dma_wait3A_113 = tpu.memref_squeeze %dma_wait3A_112 : memref<1x104x128xf32, #tpu.memory_space<hbm>> -> memref<104x128xf32, #tpu.memory_space<hbm>>
      tpu.wait_dma2 semaphore(%run_scoped3A : memref<!tpu.dma_semaphore, #tpu.memory_space<semaphore_mem>>) src(%arg7 : memref<104x128xf32, #tpu.memory_space<vmem>>) dst(%dma_wait3A_113 : memref<104x128xf32, #tpu.memory_space<hbm>>)
      tpu.yield
    }) : () -> ()
    %add3A_77 = arith.constant 104 : i32
    %add3A_78 = arith.addi %mul3A_2, %add3A_77 : i32
    "tpu.region"() ({
      %run_scoped3A = tpu.sem_alloc : memref<!tpu.dma_semaphore, #tpu.memory_space<semaphore_mem>>
      %dma_start3A_102 = arith.constant 0 : i32
      %dma_start3A_103 = tpu.memref_slice %arg6[%add3A_78, %dma_start3A_102] : memref<10000x128xf32, #tpu.memory_space<vmem_shared>> -> memref<104x128xf32, #tpu.memory_space<vmem_shared>>
      %dma_start3A_104 = arith.constant 0 : i32
      %dma_start3A_105 = tpu.memref_slice %arg6[%add3A_78, %dma_start3A_104] : memref<10000x128xf32, #tpu.memory_space<vmem_shared>> -> memref<104x128xf32, #tpu.memory_space<vmem_shared>>
      tpu.enqueue_dma source(%dma_start3A_105 : memref<104x128xf32, #tpu.memory_space<vmem_shared>>) target(%arg7 : memref<104x128xf32, #tpu.memory_space<vmem>>) target_semaphore(%run_scoped3A : memref<!tpu.dma_semaphore, #tpu.memory_space<semaphore_mem>>)
      %dma_wait3A_106 = arith.constant 0 : i32
      %dma_wait3A_107 = tpu.memref_slice %arg6[%add3A_78, %dma_wait3A_106] : memref<10000x128xf32, #tpu.memory_space<vmem_shared>> -> memref<104x128xf32, #tpu.memory_space<vmem_shared>>
      %dma_wait3A_108 = arith.constant 0 : i32
      %dma_wait3A_109 = tpu.memref_slice %arg6[%add3A_78, %dma_wait3A_108] : memref<10000x128xf32, #tpu.memory_space<vmem_shared>> -> memref<104x128xf32, #tpu.memory_space<vmem_shared>>
      tpu.wait_dma2 semaphore(%run_scoped3A : memref<!tpu.dma_semaphore, #tpu.memory_space<semaphore_mem>>) src(%dma_wait3A_109 : memref<104x128xf32, #tpu.memory_space<vmem_shared>>) dst(%arg7 : memref<104x128xf32, #tpu.memory_space<vmem>>)
      tpu.yield
    }) : () -> ()
    %add3A_79 = arith.constant 104 : i32
    %add3A_80 = arith.addi %mul3A_2, %add3A_79 : i32
    "tpu.region"() ({
      %run_scoped3A = tpu.sem_alloc : memref<!tpu.dma_semaphore, #tpu.memory_space<semaphore_mem>>
      %dma_start3A_102 = arith.constant 0 : i32
      %dma_start3A_103 = tpu.memref_slice %arg5[%arg0, %add3A_80, %dma_start3A_102] : memref<2x10000x128xf32, #tpu.memory_space<hbm>> -> memref<1x104x128xf32, #tpu.memory_space<hbm>>
      %dma_start3A_104 = tpu.memref_squeeze %dma_start3A_103 : memref<1x104x128xf32, #tpu.memory_space<hbm>> -> memref<104x128xf32, #tpu.memory_space<hbm>>
      %dma_start3A_105 = arith.constant 0 : i32
      %dma_start3A_106 = tpu.memref_slice %arg5[%arg0, %add3A_80, %dma_start3A_105] : memref<2x10000x128xf32, #tpu.memory_space<hbm>> -> memref<1x104x128xf32, #tpu.memory_space<hbm>>
      %dma_start3A_107 = tpu.memref_squeeze %dma_start3A_106 : memref<1x104x128xf32, #tpu.memory_space<hbm>> -> memref<104x128xf32, #tpu.memory_space<hbm>>
      tpu.enqueue_dma source(%arg7 : memref<104x128xf32, #tpu.memory_space<vmem>>) target(%dma_start3A_107 : memref<104x128xf32, #tpu.memory_space<hbm>>) target_semaphore(%run_scoped3A : memref<!tpu.dma_semaphore, #tpu.memory_space<semaphore_mem>>)
      %dma_wait3A_108 = arith.constant 0 : i32
      %dma_wait3A_109 = tpu.memref_slice %arg5[%arg0, %add3A_80, %dma_wait3A_108] : memref<2x10000x128xf32, #tpu.memory_space<hbm>> -> memref<1x104x128xf32, #tpu.memory_space<hbm>>
      %dma_wait3A_110 = tpu.memref_squeeze %dma_wait3A_109 : memref<1x104x128xf32, #tpu.memory_space<hbm>> -> memref<104x128xf32, #tpu.memory_space<hbm>>
      %dma_wait3A_111 = arith.constant 0 : i32
      %dma_wait3A_112 = tpu.memref_slice %arg5[%arg0, %add3A_80, %dma_wait3A_111] : memref<2x10000x128xf32, #tpu.memory_space<hbm>> -> memref<1x104x128xf32, #tpu.memory_space<hbm>>
      %dma_wait3A_113 = tpu.memref_squeeze %dma_wait3A_112 : memref<1x104x128xf32, #tpu.memory_space<hbm>> -> memref<104x128xf32, #tpu.memory_space<hbm>>
      tpu.wait_dma2 semaphore(%run_scoped3A : memref<!tpu.dma_semaphore, #tpu.memory_space<semaphore_mem>>) src(%arg7 : memref<104x128xf32, #tpu.memory_space<vmem>>) dst(%dma_wait3A_113 : memref<104x128xf32, #tpu.memory_space<hbm>>)
      tpu.yield
    }) : () -> ()
    %add3A_81 = arith.constant 208 : i32
    %add3A_82 = arith.addi %mul3A_2, %add3A_81 : i32
    "tpu.region"() ({
      %run_scoped3A = tpu.sem_alloc : memref<!tpu.dma_semaphore, #tpu.memory_space<semaphore_mem>>
      %dma_start3A_102 = arith.constant 0 : i32
      %dma_start3A_103 = tpu.memref_slice %arg6[%add3A_82, %dma_start3A_102] : memref<10000x128xf32, #tpu.memory_space<vmem_shared>> -> memref<104x128xf32, #tpu.memory_space<vmem_shared>>
      %dma_start3A_104 = arith.constant 0 : i32
      %dma_start3A_105 = tpu.memref_slice %arg6[%add3A_82, %dma_start3A_104] : memref<10000x128xf32, #tpu.memory_space<vmem_shared>> -> memref<104x128xf32, #tpu.memory_space<vmem_shared>>
      tpu.enqueue_dma source(%dma_start3A_105 : memref<104x128xf32, #tpu.memory_space<vmem_shared>>) target(%arg7 : memref<104x128xf32, #tpu.memory_space<vmem>>) target_semaphore(%run_scoped3A : memref<!tpu.dma_semaphore, #tpu.memory_space<semaphore_mem>>)
      %dma_wait3A_106 = arith.constant 0 : i32
      %dma_wait3A_107 = tpu.memref_slice %arg6[%add3A_82, %dma_wait3A_106] : memref<10000x128xf32, #tpu.memory_space<vmem_shared>> -> memref<104x128xf32, #tpu.memory_space<vmem_shared>>
      %dma_wait3A_108 = arith.constant 0 : i32
      %dma_wait3A_109 = tpu.memref_slice %arg6[%add3A_82, %dma_wait3A_108] : memref<10000x128xf32, #tpu.memory_space<vmem_shared>> -> memref<104x128xf32, #tpu.memory_space<vmem_shared>>
      tpu.wait_dma2 semaphore(%run_scoped3A : memref<!tpu.dma_semaphore, #tpu.memory_space<semaphore_mem>>) src(%dma_wait3A_109 : memref<104x128xf32, #tpu.memory_space<vmem_shared>>) dst(%arg7 : memref<104x128xf32, #tpu.memory_space<vmem>>)
      tpu.yield
    }) : () -> ()
    %add3A_83 = arith.constant 208 : i32
    %add3A_84 = arith.addi %mul3A_2, %add3A_83 : i32
    "tpu.region"() ({
      %run_scoped3A = tpu.sem_alloc : memref<!tpu.dma_semaphore, #tpu.memory_space<semaphore_mem>>
      %dma_start3A_102 = arith.constant 0 : i32
      %dma_start3A_103 = tpu.memref_slice %arg5[%arg0, %add3A_84, %dma_start3A_102] : memref<2x10000x128xf32, #tpu.memory_space<hbm>> -> memref<1x104x128xf32, #tpu.memory_space<hbm>>
      %dma_start3A_104 = tpu.memref_squeeze %dma_start3A_103 : memref<1x104x128xf32, #tpu.memory_space<hbm>> -> memref<104x128xf32, #tpu.memory_space<hbm>>
      %dma_start3A_105 = arith.constant 0 : i32
      %dma_start3A_106 = tpu.memref_slice %arg5[%arg0, %add3A_84, %dma_start3A_105] : memref<2x10000x128xf32, #tpu.memory_space<hbm>> -> memref<1x104x128xf32, #tpu.memory_space<hbm>>
      %dma_start3A_107 = tpu.memref_squeeze %dma_start3A_106 : memref<1x104x128xf32, #tpu.memory_space<hbm>> -> memref<104x128xf32, #tpu.memory_space<hbm>>
      tpu.enqueue_dma source(%arg7 : memref<104x128xf32, #tpu.memory_space<vmem>>) target(%dma_start3A_107 : memref<104x128xf32, #tpu.memory_space<hbm>>) target_semaphore(%run_scoped3A : memref<!tpu.dma_semaphore, #tpu.memory_space<semaphore_mem>>)
      %dma_wait3A_108 = arith.constant 0 : i32
      %dma_wait3A_109 = tpu.memref_slice %arg5[%arg0, %add3A_84, %dma_wait3A_108] : memref<2x10000x128xf32, #tpu.memory_space<hbm>> -> memref<1x104x128xf32, #tpu.memory_space<hbm>>
      %dma_wait3A_110 = tpu.memref_squeeze %dma_wait3A_109 : memref<1x104x128xf32, #tpu.memory_space<hbm>> -> memref<104x128xf32, #tpu.memory_space<hbm>>
      %dma_wait3A_111 = arith.constant 0 : i32
      %dma_wait3A_112 = tpu.memref_slice %arg5[%arg0, %add3A_84, %dma_wait3A_111] : memref<2x10000x128xf32, #tpu.memory_space<hbm>> -> memref<1x104x128xf32, #tpu.memory_space<hbm>>
      %dma_wait3A_113 = tpu.memref_squeeze %dma_wait3A_112 : memref<1x104x128xf32, #tpu.memory_space<hbm>> -> memref<104x128xf32, #tpu.memory_space<hbm>>
      tpu.wait_dma2 semaphore(%run_scoped3A : memref<!tpu.dma_semaphore, #tpu.memory_space<semaphore_mem>>) src(%arg7 : memref<104x128xf32, #tpu.memory_space<vmem>>) dst(%dma_wait3A_113 : memref<104x128xf32, #tpu.memory_space<hbm>>)
      tpu.yield
    }) : () -> ()
    %add3A_85 = arith.constant 312 : i32
    %add3A_86 = arith.addi %mul3A_2, %add3A_85 : i32
    "tpu.region"() ({
      %run_scoped3A = tpu.sem_alloc : memref<!tpu.dma_semaphore, #tpu.memory_space<semaphore_mem>>
      %dma_start3A_102 = arith.constant 0 : i32
      %dma_start3A_103 = tpu.memref_slice %arg6[%add3A_86, %dma_start3A_102] : memref<10000x128xf32, #tpu.memory_space<vmem_shared>> -> memref<104x128xf32, #tpu.memory_space<vmem_shared>>
      %dma_start3A_104 = arith.constant 0 : i32
      %dma_start3A_105 = tpu.memref_slice %arg6[%add3A_86, %dma_start3A_104] : memref<10000x128xf32, #tpu.memory_space<vmem_shared>> -> memref<104x128xf32, #tpu.memory_space<vmem_shared>>
      tpu.enqueue_dma source(%dma_start3A_105 : memref<104x128xf32, #tpu.memory_space<vmem_shared>>) target(%arg7 : memref<104x128xf32, #tpu.memory_space<vmem>>) target_semaphore(%run_scoped3A : memref<!tpu.dma_semaphore, #tpu.memory_space<semaphore_mem>>)
      %dma_wait3A_106 = arith.constant 0 : i32
      %dma_wait3A_107 = tpu.memref_slice %arg6[%add3A_86, %dma_wait3A_106] : memref<10000x128xf32, #tpu.memory_space<vmem_shared>> -> memref<104x128xf32, #tpu.memory_space<vmem_shared>>
      %dma_wait3A_108 = arith.constant 0 : i32
      %dma_wait3A_109 = tpu.memref_slice %arg6[%add3A_86, %dma_wait3A_108] : memref<10000x128xf32, #tpu.memory_space<vmem_shared>> -> memref<104x128xf32, #tpu.memory_space<vmem_shared>>
      tpu.wait_dma2 semaphore(%run_scoped3A : memref<!tpu.dma_semaphore, #tpu.memory_space<semaphore_mem>>) src(%dma_wait3A_109 : memref<104x128xf32, #tpu.memory_space<vmem_shared>>) dst(%arg7 : memref<104x128xf32, #tpu.memory_space<vmem>>)
      tpu.yield
    }) : () -> ()
    %add3A_87 = arith.constant 312 : i32
    %add3A_88 = arith.addi %mul3A_2, %add3A_87 : i32
    "tpu.region"() ({
      %run_scoped3A = tpu.sem_alloc : memref<!tpu.dma_semaphore, #tpu.memory_space<semaphore_mem>>
      %dma_start3A_102 = arith.constant 0 : i32
      %dma_start3A_103 = tpu.memref_slice %arg5[%arg0, %add3A_88, %dma_start3A_102] : memref<2x10000x128xf32, #tpu.memory_space<hbm>> -> memref<1x104x128xf32, #tpu.memory_space<hbm>>
      %dma_start3A_104 = tpu.memref_squeeze %dma_start3A_103 : memref<1x104x128xf32, #tpu.memory_space<hbm>> -> memref<104x128xf32, #tpu.memory_space<hbm>>
      %dma_start3A_105 = arith.constant 0 : i32
      %dma_start3A_106 = tpu.memref_slice %arg5[%arg0, %add3A_88, %dma_start3A_105] : memref<2x10000x128xf32, #tpu.memory_space<hbm>> -> memref<1x104x128xf32, #tpu.memory_space<hbm>>
      %dma_start3A_107 = tpu.memref_squeeze %dma_start3A_106 : memref<1x104x128xf32, #tpu.memory_space<hbm>> -> memref<104x128xf32, #tpu.memory_space<hbm>>
      tpu.enqueue_dma source(%arg7 : memref<104x128xf32, #tpu.memory_space<vmem>>) target(%dma_start3A_107 : memref<104x128xf32, #tpu.memory_space<hbm>>) target_semaphore(%run_scoped3A : memref<!tpu.dma_semaphore, #tpu.memory_space<semaphore_mem>>)
      %dma_wait3A_108 = arith.constant 0 : i32
      %dma_wait3A_109 = tpu.memref_slice %arg5[%arg0, %add3A_88, %dma_wait3A_108] : memref<2x10000x128xf32, #tpu.memory_space<hbm>> -> memref<1x104x128xf32, #tpu.memory_space<hbm>>
      %dma_wait3A_110 = tpu.memref_squeeze %dma_wait3A_109 : memref<1x104x128xf32, #tpu.memory_space<hbm>> -> memref<104x128xf32, #tpu.memory_space<hbm>>
      %dma_wait3A_111 = arith.constant 0 : i32
      %dma_wait3A_112 = tpu.memref_slice %arg5[%arg0, %add3A_88, %dma_wait3A_111] : memref<2x10000x128xf32, #tpu.memory_space<hbm>> -> memref<1x104x128xf32, #tpu.memory_space<hbm>>
      %dma_wait3A_113 = tpu.memref_squeeze %dma_wait3A_112 : memref<1x104x128xf32, #tpu.memory_space<hbm>> -> memref<104x128xf32, #tpu.memory_space<hbm>>
      tpu.wait_dma2 semaphore(%run_scoped3A : memref<!tpu.dma_semaphore, #tpu.memory_space<semaphore_mem>>) src(%arg7 : memref<104x128xf32, #tpu.memory_space<vmem>>) dst(%dma_wait3A_113 : memref<104x128xf32, #tpu.memory_space<hbm>>)
      tpu.yield
    }) : () -> ()
    %add3A_89 = arith.constant 416 : i32
    %add3A_90 = arith.addi %mul3A_2, %add3A_89 : i32
    "tpu.region"() ({
      %run_scoped3A = tpu.sem_alloc : memref<!tpu.dma_semaphore, #tpu.memory_space<semaphore_mem>>
      %dma_start3A_102 = arith.constant 0 : i32
      %dma_start3A_103 = tpu.memref_slice %arg6[%add3A_90, %dma_start3A_102] : memref<10000x128xf32, #tpu.memory_space<vmem_shared>> -> memref<104x128xf32, #tpu.memory_space<vmem_shared>>
      %dma_start3A_104 = arith.constant 0 : i32
      %dma_start3A_105 = tpu.memref_slice %arg6[%add3A_90, %dma_start3A_104] : memref<10000x128xf32, #tpu.memory_space<vmem_shared>> -> memref<104x128xf32, #tpu.memory_space<vmem_shared>>
      tpu.enqueue_dma source(%dma_start3A_105 : memref<104x128xf32, #tpu.memory_space<vmem_shared>>) target(%arg7 : memref<104x128xf32, #tpu.memory_space<vmem>>) target_semaphore(%run_scoped3A : memref<!tpu.dma_semaphore, #tpu.memory_space<semaphore_mem>>)
      %dma_wait3A_106 = arith.constant 0 : i32
      %dma_wait3A_107 = tpu.memref_slice %arg6[%add3A_90, %dma_wait3A_106] : memref<10000x128xf32, #tpu.memory_space<vmem_shared>> -> memref<104x128xf32, #tpu.memory_space<vmem_shared>>
      %dma_wait3A_108 = arith.constant 0 : i32
      %dma_wait3A_109 = tpu.memref_slice %arg6[%add3A_90, %dma_wait3A_108] : memref<10000x128xf32, #tpu.memory_space<vmem_shared>> -> memref<104x128xf32, #tpu.memory_space<vmem_shared>>
      tpu.wait_dma2 semaphore(%run_scoped3A : memref<!tpu.dma_semaphore, #tpu.memory_space<semaphore_mem>>) src(%dma_wait3A_109 : memref<104x128xf32, #tpu.memory_space<vmem_shared>>) dst(%arg7 : memref<104x128xf32, #tpu.memory_space<vmem>>)
      tpu.yield
    }) : () -> ()
    %add3A_91 = arith.constant 416 : i32
    %add3A_92 = arith.addi %mul3A_2, %add3A_91 : i32
    "tpu.region"() ({
      %run_scoped3A = tpu.sem_alloc : memref<!tpu.dma_semaphore, #tpu.memory_space<semaphore_mem>>
      %dma_start3A_102 = arith.constant 0 : i32
      %dma_start3A_103 = tpu.memref_slice %arg5[%arg0, %add3A_92, %dma_start3A_102] : memref<2x10000x128xf32, #tpu.memory_space<hbm>> -> memref<1x104x128xf32, #tpu.memory_space<hbm>>
      %dma_start3A_104 = tpu.memref_squeeze %dma_start3A_103 : memref<1x104x128xf32, #tpu.memory_space<hbm>> -> memref<104x128xf32, #tpu.memory_space<hbm>>
      %dma_start3A_105 = arith.constant 0 : i32
      %dma_start3A_106 = tpu.memref_slice %arg5[%arg0, %add3A_92, %dma_start3A_105] : memref<2x10000x128xf32, #tpu.memory_space<hbm>> -> memref<1x104x128xf32, #tpu.memory_space<hbm>>
      %dma_start3A_107 = tpu.memref_squeeze %dma_start3A_106 : memref<1x104x128xf32, #tpu.memory_space<hbm>> -> memref<104x128xf32, #tpu.memory_space<hbm>>
      tpu.enqueue_dma source(%arg7 : memref<104x128xf32, #tpu.memory_space<vmem>>) target(%dma_start3A_107 : memref<104x128xf32, #tpu.memory_space<hbm>>) target_semaphore(%run_scoped3A : memref<!tpu.dma_semaphore, #tpu.memory_space<semaphore_mem>>)
      %dma_wait3A_108 = arith.constant 0 : i32
      %dma_wait3A_109 = tpu.memref_slice %arg5[%arg0, %add3A_92, %dma_wait3A_108] : memref<2x10000x128xf32, #tpu.memory_space<hbm>> -> memref<1x104x128xf32, #tpu.memory_space<hbm>>
      %dma_wait3A_110 = tpu.memref_squeeze %dma_wait3A_109 : memref<1x104x128xf32, #tpu.memory_space<hbm>> -> memref<104x128xf32, #tpu.memory_space<hbm>>
      %dma_wait3A_111 = arith.constant 0 : i32
      %dma_wait3A_112 = tpu.memref_slice %arg5[%arg0, %add3A_92, %dma_wait3A_111] : memref<2x10000x128xf32, #tpu.memory_space<hbm>> -> memref<1x104x128xf32, #tpu.memory_space<hbm>>
      %dma_wait3A_113 = tpu.memref_squeeze %dma_wait3A_112 : memref<1x104x128xf32, #tpu.memory_space<hbm>> -> memref<104x128xf32, #tpu.memory_space<hbm>>
      tpu.wait_dma2 semaphore(%run_scoped3A : memref<!tpu.dma_semaphore, #tpu.memory_space<semaphore_mem>>) src(%arg7 : memref<104x128xf32, #tpu.memory_space<vmem>>) dst(%dma_wait3A_113 : memref<104x128xf32, #tpu.memory_space<hbm>>)
      tpu.yield
    }) : () -> ()
    %add3A_93 = arith.constant 520 : i32
    %add3A_94 = arith.addi %mul3A_2, %add3A_93 : i32
    "tpu.region"() ({
      %run_scoped3A = tpu.sem_alloc : memref<!tpu.dma_semaphore, #tpu.memory_space<semaphore_mem>>
      %dma_start3A_102 = arith.constant 0 : i32
      %dma_start3A_103 = tpu.memref_slice %arg6[%add3A_94, %dma_start3A_102] : memref<10000x128xf32, #tpu.memory_space<vmem_shared>> -> memref<104x128xf32, #tpu.memory_space<vmem_shared>>
      %dma_start3A_104 = arith.constant 0 : i32
      %dma_start3A_105 = tpu.memref_slice %arg6[%add3A_94, %dma_start3A_104] : memref<10000x128xf32, #tpu.memory_space<vmem_shared>> -> memref<104x128xf32, #tpu.memory_space<vmem_shared>>
      tpu.enqueue_dma source(%dma_start3A_105 : memref<104x128xf32, #tpu.memory_space<vmem_shared>>) target(%arg7 : memref<104x128xf32, #tpu.memory_space<vmem>>) target_semaphore(%run_scoped3A : memref<!tpu.dma_semaphore, #tpu.memory_space<semaphore_mem>>)
      %dma_wait3A_106 = arith.constant 0 : i32
      %dma_wait3A_107 = tpu.memref_slice %arg6[%add3A_94, %dma_wait3A_106] : memref<10000x128xf32, #tpu.memory_space<vmem_shared>> -> memref<104x128xf32, #tpu.memory_space<vmem_shared>>
      %dma_wait3A_108 = arith.constant 0 : i32
      %dma_wait3A_109 = tpu.memref_slice %arg6[%add3A_94, %dma_wait3A_108] : memref<10000x128xf32, #tpu.memory_space<vmem_shared>> -> memref<104x128xf32, #tpu.memory_space<vmem_shared>>
      tpu.wait_dma2 semaphore(%run_scoped3A : memref<!tpu.dma_semaphore, #tpu.memory_space<semaphore_mem>>) src(%dma_wait3A_109 : memref<104x128xf32, #tpu.memory_space<vmem_shared>>) dst(%arg7 : memref<104x128xf32, #tpu.memory_space<vmem>>)
      tpu.yield
    }) : () -> ()
    %add3A_95 = arith.constant 520 : i32
    %add3A_96 = arith.addi %mul3A_2, %add3A_95 : i32
    "tpu.region"() ({
      %run_scoped3A = tpu.sem_alloc : memref<!tpu.dma_semaphore, #tpu.memory_space<semaphore_mem>>
      %dma_start3A_102 = arith.constant 0 : i32
      %dma_start3A_103 = tpu.memref_slice %arg5[%arg0, %add3A_96, %dma_start3A_102] : memref<2x10000x128xf32, #tpu.memory_space<hbm>> -> memref<1x104x128xf32, #tpu.memory_space<hbm>>
      %dma_start3A_104 = tpu.memref_squeeze %dma_start3A_103 : memref<1x104x128xf32, #tpu.memory_space<hbm>> -> memref<104x128xf32, #tpu.memory_space<hbm>>
      %dma_start3A_105 = arith.constant 0 : i32
      %dma_start3A_106 = tpu.memref_slice %arg5[%arg0, %add3A_96, %dma_start3A_105] : memref<2x10000x128xf32, #tpu.memory_space<hbm>> -> memref<1x104x128xf32, #tpu.memory_space<hbm>>
      %dma_start3A_107 = tpu.memref_squeeze %dma_start3A_106 : memref<1x104x128xf32, #tpu.memory_space<hbm>> -> memref<104x128xf32, #tpu.memory_space<hbm>>
      tpu.enqueue_dma source(%arg7 : memref<104x128xf32, #tpu.memory_space<vmem>>) target(%dma_start3A_107 : memref<104x128xf32, #tpu.memory_space<hbm>>) target_semaphore(%run_scoped3A : memref<!tpu.dma_semaphore, #tpu.memory_space<semaphore_mem>>)
      %dma_wait3A_108 = arith.constant 0 : i32
      %dma_wait3A_109 = tpu.memref_slice %arg5[%arg0, %add3A_96, %dma_wait3A_108] : memref<2x10000x128xf32, #tpu.memory_space<hbm>> -> memref<1x104x128xf32, #tpu.memory_space<hbm>>
      %dma_wait3A_110 = tpu.memref_squeeze %dma_wait3A_109 : memref<1x104x128xf32, #tpu.memory_space<hbm>> -> memref<104x128xf32, #tpu.memory_space<hbm>>
      %dma_wait3A_111 = arith.constant 0 : i32
      %dma_wait3A_112 = tpu.memref_slice %arg5[%arg0, %add3A_96, %dma_wait3A_111] : memref<2x10000x128xf32, #tpu.memory_space<hbm>> -> memref<1x104x128xf32, #tpu.memory_space<hbm>>
      %dma_wait3A_113 = tpu.memref_squeeze %dma_wait3A_112 : memref<1x104x128xf32, #tpu.memory_space<hbm>> -> memref<104x128xf32, #tpu.memory_space<hbm>>
      tpu.wait_dma2 semaphore(%run_scoped3A : memref<!tpu.dma_semaphore, #tpu.memory_space<semaphore_mem>>) src(%arg7 : memref<104x128xf32, #tpu.memory_space<vmem>>) dst(%dma_wait3A_113 : memref<104x128xf32, #tpu.memory_space<hbm>>)
      tpu.yield
    }) : () -> ()
    %eq3A_97 = arith.constant 15 : i32
    %eq3A_98 = arith.cmpi eq, %arg1, %eq3A_97 : i32
    %convert_element_type3A_99 = arith.extui %eq3A_98 : i1 to i32
    %cond3A_100 = arith.constant 0 : i32
    %cond3A_101 = arith.cmpi ne, %convert_element_type3A_99, %cond3A_100 : i32
    scf.if %cond3A_101 {
      "tpu.region"() ({
        %run_scoped3A = tpu.sem_alloc : memref<!tpu.dma_semaphore, #tpu.memory_space<semaphore_mem>>
        %dma_start3A_102 = arith.constant 0 : i32
        %dma_start3A_103 = arith.constant 0 : i32
        %dma_start3A_104 = tpu.memref_slice %arg7[%dma_start3A_102, %dma_start3A_103] : memref<104x128xf32, #tpu.memory_space<vmem>> -> memref<16x128xf32, #tpu.memory_space<vmem>>
        %dma_start3A_105 = arith.constant 9984 : i32
        %dma_start3A_106 = arith.constant 0 : i32
        %dma_start3A_107 = tpu.memref_slice %arg6[%dma_start3A_105, %dma_start3A_106] : memref<10000x128xf32, #tpu.memory_space<vmem_shared>> -> memref<16x128xf32, #tpu.memory_space<vmem_shared>>
        %dma_start3A_108 = arith.constant 0 : i32
        %dma_start3A_109 = arith.constant 0 : i32
        %dma_start3A_110 = tpu.memref_slice %arg7[%dma_start3A_108, %dma_start3A_109] : memref<104x128xf32, #tpu.memory_space<vmem>> -> memref<16x128xf32, #tpu.memory_space<vmem>>
        %dma_start3A_111 = arith.constant 9984 : i32
        %dma_start3A_112 = arith.constant 0 : i32
        %dma_start3A_113 = tpu.memref_slice %arg6[%dma_start3A_111, %dma_start3A_112] : memref<10000x128xf32, #tpu.memory_space<vmem_shared>> -> memref<16x128xf32, #tpu.memory_space<vmem_shared>>
        tpu.enqueue_dma source(%dma_start3A_113 : memref<16x128xf32, #tpu.memory_space<vmem_shared>>) target(%dma_start3A_110 : memref<16x128xf32, #tpu.memory_space<vmem>>) target_semaphore(%run_scoped3A : memref<!tpu.dma_semaphore, #tpu.memory_space<semaphore_mem>>)
        %dma_wait3A_114 = arith.constant 0 : i32
        %dma_wait3A_115 = arith.constant 0 : i32
        %dma_wait3A_116 = tpu.memref_slice %arg7[%dma_wait3A_114, %dma_wait3A_115] : memref<104x128xf32, #tpu.memory_space<vmem>> -> memref<16x128xf32, #tpu.memory_space<vmem>>
        %dma_wait3A_117 = arith.constant 9984 : i32
        %dma_wait3A_118 = arith.constant 0 : i32
        %dma_wait3A_119 = tpu.memref_slice %arg6[%dma_wait3A_117, %dma_wait3A_118] : memref<10000x128xf32, #tpu.memory_space<vmem_shared>> -> memref<16x128xf32, #tpu.memory_space<vmem_shared>>
        %dma_wait3A_120 = arith.constant 0 : i32
        %dma_wait3A_121 = arith.constant 0 : i32
        %dma_wait3A_122 = tpu.memref_slice %arg7[%dma_wait3A_120, %dma_wait3A_121] : memref<104x128xf32, #tpu.memory_space<vmem>> -> memref<16x128xf32, #tpu.memory_space<vmem>>
        %dma_wait3A_123 = arith.constant 9984 : i32
        %dma_wait3A_124 = arith.constant 0 : i32
        %dma_wait3A_125 = tpu.memref_slice %arg6[%dma_wait3A_123, %dma_wait3A_124] : memref<10000x128xf32, #tpu.memory_space<vmem_shared>> -> memref<16x128xf32, #tpu.memory_space<vmem_shared>>
        tpu.wait_dma2 semaphore(%run_scoped3A : memref<!tpu.dma_semaphore, #tpu.memory_space<semaphore_mem>>) src(%dma_wait3A_125 : memref<16x128xf32, #tpu.memory_space<vmem_shared>>) dst(%dma_wait3A_122 : memref<16x128xf32, #tpu.memory_space<vmem>>)
        tpu.yield
      }) : () -> ()
      "tpu.region"() ({
        %run_scoped3A = tpu.sem_alloc : memref<!tpu.dma_semaphore, #tpu.memory_space<semaphore_mem>>
        %dma_start3A_102 = arith.constant 0 : i32
        %dma_start3A_103 = arith.constant 0 : i32
        %dma_start3A_104 = tpu.memref_slice %arg7[%dma_start3A_102, %dma_start3A_103] : memref<104x128xf32, #tpu.memory_space<vmem>> -> memref<16x128xf32, #tpu.memory_space<vmem>>
        %dma_start3A_105 = arith.constant 9984 : i32
        %dma_start3A_106 = arith.constant 0 : i32
        %dma_start3A_107 = tpu.memref_slice %arg5[%arg0, %dma_start3A_105, %dma_start3A_106] : memref<2x10000x128xf32, #tpu.memory_space<hbm>> -> memref<1x16x128xf32, #tpu.memory_space<hbm>>
        %dma_start3A_108 = tpu.memref_squeeze %dma_start3A_107 : memref<1x16x128xf32, #tpu.memory_space<hbm>> -> memref<16x128xf32, #tpu.memory_space<hbm>>
        %dma_start3A_109 = arith.constant 9984 : i32
        %dma_start3A_110 = arith.constant 0 : i32
        %dma_start3A_111 = tpu.memref_slice %arg5[%arg0, %dma_start3A_109, %dma_start3A_110] : memref<2x10000x128xf32, #tpu.memory_space<hbm>> -> memref<1x16x128xf32, #tpu.memory_space<hbm>>
        %dma_start3A_112 = tpu.memref_squeeze %dma_start3A_111 : memref<1x16x128xf32, #tpu.memory_space<hbm>> -> memref<16x128xf32, #tpu.memory_space<hbm>>
        %dma_start3A_113 = arith.constant 0 : i32
        %dma_start3A_114 = arith.constant 0 : i32
        %dma_start3A_115 = tpu.memref_slice %arg7[%dma_start3A_113, %dma_start3A_114] : memref<104x128xf32, #tpu.memory_space<vmem>> -> memref<16x128xf32, #tpu.memory_space<vmem>>
        tpu.enqueue_dma source(%dma_start3A_115 : memref<16x128xf32, #tpu.memory_space<vmem>>) target(%dma_start3A_112 : memref<16x128xf32, #tpu.memory_space<hbm>>) target_semaphore(%run_scoped3A : memref<!tpu.dma_semaphore, #tpu.memory_space<semaphore_mem>>)
        %dma_wait3A_116 = arith.constant 0 : i32
        %dma_wait3A_117 = arith.constant 0 : i32
        %dma_wait3A_118 = tpu.memref_slice %arg7[%dma_wait3A_116, %dma_wait3A_117] : memref<104x128xf32, #tpu.memory_space<vmem>> -> memref<16x128xf32, #tpu.memory_space<vmem>>
        %dma_wait3A_119 = arith.constant 9984 : i32
        %dma_wait3A_120 = arith.constant 0 : i32
        %dma_wait3A_121 = tpu.memref_slice %arg5[%arg0, %dma_wait3A_119, %dma_wait3A_120] : memref<2x10000x128xf32, #tpu.memory_space<hbm>> -> memref<1x16x128xf32, #tpu.memory_space<hbm>>
        %dma_wait3A_122 = tpu.memref_squeeze %dma_wait3A_121 : memref<1x16x128xf32, #tpu.memory_space<hbm>> -> memref<16x128xf32, #tpu.memory_space<hbm>>
        %dma_wait3A_123 = arith.constant 9984 : i32
        %dma_wait3A_124 = arith.constant 0 : i32
        %dma_wait3A_125 = tpu.memref_slice %arg5[%arg0, %dma_wait3A_123, %dma_wait3A_124] : memref<2x10000x128xf32, #tpu.memory_space<hbm>> -> memref<1x16x128xf32, #tpu.memory_space<hbm>>
        %dma_wait3A_126 = tpu.memref_squeeze %dma_wait3A_125 : memref<1x16x128xf32, #tpu.memory_space<hbm>> -> memref<16x128xf32, #tpu.memory_space<hbm>>
        %dma_wait3A_127 = arith.constant 0 : i32
        %dma_wait3A_128 = arith.constant 0 : i32
        %dma_wait3A_129 = tpu.memref_slice %arg7[%dma_wait3A_127, %dma_wait3A_128] : memref<104x128xf32, #tpu.memory_space<vmem>> -> memref<16x128xf32, #tpu.memory_space<vmem>>
        tpu.wait_dma2 semaphore(%run_scoped3A : memref<!tpu.dma_semaphore, #tpu.memory_space<semaphore_mem>>) src(%dma_wait3A_129 : memref<16x128xf32, #tpu.memory_space<vmem>>) dst(%dma_wait3A_126 : memref<16x128xf32, #tpu.memory_space<hbm>>)
        tpu.yield
      }) : () -> ()
    } else {
    }
    return
  }
}

module attributes {stable_mosaic.version = 14 : i64} {
  func.func @_layer_body(%arg0: memref<2x10000x128xf32, #tpu.memory_space<vmem>>, %arg1: memref<32x10000xf32, #tpu.memory_space<vmem>>, %arg2: memref<10000x128xf32, #tpu.memory_space<vmem>>, %arg3: memref<128x128xf32, #tpu.memory_space<vmem>>, %arg4: memref<1x128xf32, #tpu.memory_space<vmem>>, %arg5: memref<128x128xf32, #tpu.memory_space<vmem>>, %arg6: memref<1x128xf32, #tpu.memory_space<vmem>>, %arg7: memref<1x128xf32, #tpu.memory_space<vmem>>, %arg8: memref<10000x128xf32, #tpu.memory_space<vmem>>) attributes {dimension_semantics = [], scalar_prefetch = 0 : i64, scratch_operands = 0 : i64, tpu.core_type = #tpu.core_type<tc>} {
    %get3A = arith.constant 0 : index
    %get3A_0 = arith.constant 0 : index
    %get3A_1 = vector.load %arg1[%get3A, %get3A_0] : memref<32x10000xf32, #tpu.memory_space<vmem>>, vector<32x10000xf32>
    %reduce_sum3A = arith.constant dense<0.000000e+00> : vector<10000xf32>
    %reduce_sum3A_2 = vector.multi_reduction <add>, %get3A_1, %reduce_sum3A [0] : vector<32x10000xf32> to vector<10000xf32>
    %broadcast_in_dim3A = vector.shape_cast %reduce_sum3A_2 : vector<10000xf32> to vector<1x10000xf32>
    %max3A = arith.constant 1.000000e+00 : f32
    %max3A_3 = vector.broadcast %max3A : f32 to vector<1x10000xf32>
    %max3A_4 = arith.maximumf %broadcast_in_dim3A, %max3A_3 : vector<1x10000xf32>
    %div3A = arith.constant 1.000000e+00 : f32
    %div3A_5 = vector.broadcast %div3A : f32 to vector<1x10000xf32>
    %div3A_6 = arith.divf %div3A_5, %max3A_4 : vector<1x10000xf32>
    %transpose3A = tpu.transpose %div3A_6, [1, 0] : vector<1x10000xf32> -> vector<10000x1xf32>
    %get3A_7 = arith.constant 0 : index
    %get3A_8 = arith.constant 0 : index
    %get3A_9 = arith.constant 0 : index
    %get3A_10 = vector.load %arg0[%get3A_7, %get3A_8, %get3A_9] : memref<2x10000x128xf32, #tpu.memory_space<vmem>>, vector<1x10000x128xf32>
    %get3A_11 = vector.shape_cast %get3A_10 : vector<1x10000x128xf32> to vector<10000x128xf32>
    %get3A_12 = arith.constant 1 : index
    %get3A_13 = arith.constant 0 : index
    %get3A_14 = arith.constant 0 : index
    %get3A_15 = vector.load %arg0[%get3A_12, %get3A_13, %get3A_14] : memref<2x10000x128xf32, #tpu.memory_space<vmem>>, vector<1x10000x128xf32>
    %get3A_16 = vector.shape_cast %get3A_15 : vector<1x10000x128xf32> to vector<10000x128xf32>
    %add3A = arith.addf %get3A_11, %get3A_16 : vector<10000x128xf32>
    %mul3A = vector.broadcast %transpose3A : vector<10000x1xf32> to vector<10000x128xf32>
    %mul3A_17 = arith.mulf %add3A, %mul3A : vector<10000x128xf32>
    %get3A_18 = arith.constant 0 : index
    %get3A_19 = arith.constant 0 : index
    %get3A_20 = vector.load %arg2[%get3A_18, %get3A_19] : memref<10000x128xf32, #tpu.memory_space<vmem>>, vector<10000x128xf32>
    %get3A_21 = arith.constant 0 : index
    %get3A_22 = arith.constant 0 : index
    %get3A_23 = vector.load %arg3[%get3A_21, %get3A_22] : memref<128x128xf32, #tpu.memory_space<vmem>>, vector<128x128xf32>
    %dot_general3A = arith.constant dense<0.000000e+00> : vector<10000x128xf32>
    %dot_general3A_24 = tpu.matmul %mul3A_17, %get3A_23, %dot_general3A {dimension_numbers = #tpu.dot_dimension_numbers<[1], [1], [0], [0], [0, 0, 1, 0], [], []>, transpose_lhs_hint = false} : vector<10000x128xf32>, vector<128x128xf32>, vector<10000x128xf32> -> vector<10000x128xf32>
    %get3A_25 = arith.constant 0 : index
    %get3A_26 = arith.constant 0 : index
    %get3A_27 = vector.load %arg4[%get3A_25, %get3A_26] : memref<1x128xf32, #tpu.memory_space<vmem>>, vector<1x128xf32>
    %add3A_28 = vector.broadcast %get3A_27 : vector<1x128xf32> to vector<10000x128xf32>
    %add3A_29 = arith.addf %dot_general3A_24, %add3A_28 : vector<10000x128xf32>
    %get3A_30 = arith.constant 0 : index
    %get3A_31 = arith.constant 0 : index
    %get3A_32 = vector.load %arg5[%get3A_30, %get3A_31] : memref<128x128xf32, #tpu.memory_space<vmem>>, vector<128x128xf32>
    %dot_general3A_33 = arith.constant dense<0.000000e+00> : vector<10000x128xf32>
    %dot_general3A_34 = tpu.matmul %get3A_20, %get3A_32, %dot_general3A_33 {dimension_numbers = #tpu.dot_dimension_numbers<[1], [1], [0], [0], [0, 0, 1, 0], [], []>, transpose_lhs_hint = false} : vector<10000x128xf32>, vector<128x128xf32>, vector<10000x128xf32> -> vector<10000x128xf32>
    %add3A_35 = arith.addf %add3A_29, %dot_general3A_34 : vector<10000x128xf32>
    %reduce_sum3A_36 = arith.constant dense<0.000000e+00> : vector<128xf32>
    %reduce_sum3A_37 = vector.multi_reduction <add>, %add3A_35, %reduce_sum3A_36 [0] : vector<10000x128xf32> to vector<128xf32>
    %broadcast_in_dim3A_38 = vector.shape_cast %reduce_sum3A_37 : vector<128xf32> to vector<1x128xf32>
    %div3A_39 = arith.constant 1.000000e+04 : f32
    %div3A_40 = vector.broadcast %div3A_39 : f32 to vector<1x128xf32>
    %div3A_41 = arith.divf %broadcast_in_dim3A_38, %div3A_40 : vector<1x128xf32>
    %sub3A = vector.broadcast %div3A_41 : vector<1x128xf32> to vector<10000x128xf32>
    %sub3A_42 = arith.subf %add3A_35, %sub3A : vector<10000x128xf32>
    %mul3A_43 = arith.mulf %sub3A_42, %sub3A_42 : vector<10000x128xf32>
    %reduce_sum3A_44 = arith.constant dense<0.000000e+00> : vector<128xf32>
    %reduce_sum3A_45 = vector.multi_reduction <add>, %mul3A_43, %reduce_sum3A_44 [0] : vector<10000x128xf32> to vector<128xf32>
    %broadcast_in_dim3A_46 = vector.shape_cast %reduce_sum3A_45 : vector<128xf32> to vector<1x128xf32>
    %div3A_47 = arith.constant 1.000000e+04 : f32
    %div3A_48 = vector.broadcast %div3A_47 : f32 to vector<1x128xf32>
    %div3A_49 = arith.divf %broadcast_in_dim3A_46, %div3A_48 : vector<1x128xf32>
    %get3A_50 = arith.constant 0 : index
    %get3A_51 = arith.constant 0 : index
    %get3A_52 = vector.load %arg6[%get3A_50, %get3A_51] : memref<1x128xf32, #tpu.memory_space<vmem>>, vector<1x128xf32>
    %mul3A_53 = vector.broadcast %get3A_52 : vector<1x128xf32> to vector<10000x128xf32>
    %mul3A_54 = arith.mulf %mul3A_53, %sub3A_42 : vector<10000x128xf32>
    %add3A_55 = arith.constant 9.99999974E-6 : f32
    %add3A_56 = vector.broadcast %add3A_55 : f32 to vector<1x128xf32>
    %add3A_57 = arith.addf %div3A_49, %add3A_56 : vector<1x128xf32>
    %rsqrt3A = math.rsqrt %add3A_57 : vector<1x128xf32>
    %mul3A_58 = vector.broadcast %rsqrt3A : vector<1x128xf32> to vector<10000x128xf32>
    %mul3A_59 = arith.mulf %mul3A_54, %mul3A_58 : vector<10000x128xf32>
    %get3A_60 = arith.constant 0 : index
    %get3A_61 = arith.constant 0 : index
    %get3A_62 = vector.load %arg7[%get3A_60, %get3A_61] : memref<1x128xf32, #tpu.memory_space<vmem>>, vector<1x128xf32>
    %add3A_63 = vector.broadcast %get3A_62 : vector<1x128xf32> to vector<10000x128xf32>
    %add3A_64 = arith.addf %mul3A_59, %add3A_63 : vector<10000x128xf32>
    %max3A_65 = arith.constant 0.000000e+00 : f32
    %max3A_66 = vector.broadcast %max3A_65 : f32 to vector<10000x128xf32>
    %max3A_67 = arith.maximumf %add3A_64, %max3A_66 : vector<10000x128xf32>
    %swap3A = arith.constant 0 : index
    %swap3A_68 = arith.constant 0 : index
    %swap3A_69 = vector.load %arg8[%swap3A, %swap3A_68] : memref<10000x128xf32, #tpu.memory_space<vmem>>, vector<10000x128xf32>
    tpu.vector_store %arg8[%swap3A, %swap3A_68], %max3A_67 {strides = array<i32>} : memref<10000x128xf32, #tpu.memory_space<vmem>>, vector<10000x128xf32>,
    return
  }
}

module attributes {stable_mosaic.version = 14 : i64} {
  func.func @_mlp_in_body(%arg0: memref<10000x128xf32, #tpu.memory_space<vmem>>, %arg1: memref<128x128xf32, #tpu.memory_space<vmem>>, %arg2: memref<1x128xf32, #tpu.memory_space<vmem>>, %arg3: memref<10000x128xf32, #tpu.memory_space<vmem>>) attributes {dimension_semantics = [], scalar_prefetch = 0 : i64, scratch_operands = 0 : i64, tpu.core_type = #tpu.core_type<tc>} {
    %get3A = arith.constant 0 : index
    %get3A_0 = arith.constant 0 : index
    %get3A_1 = vector.load %arg0[%get3A, %get3A_0] : memref<10000x128xf32, #tpu.memory_space<vmem>>, vector<10000x128xf32>
    %get3A_2 = arith.constant 0 : index
    %get3A_3 = arith.constant 0 : index
    %get3A_4 = vector.load %arg1[%get3A_2, %get3A_3] : memref<128x128xf32, #tpu.memory_space<vmem>>, vector<128x128xf32>
    %dot_general3A = arith.constant dense<0.000000e+00> : vector<10000x128xf32>
    %dot_general3A_5 = tpu.matmul %get3A_1, %get3A_4, %dot_general3A {dimension_numbers = #tpu.dot_dimension_numbers<[1], [1], [0], [0], [0, 0, 1, 0], [], []>, transpose_lhs_hint = false} : vector<10000x128xf32>, vector<128x128xf32>, vector<10000x128xf32> -> vector<10000x128xf32>
    %get3A_6 = arith.constant 0 : index
    %get3A_7 = arith.constant 0 : index
    %get3A_8 = vector.load %arg2[%get3A_6, %get3A_7] : memref<1x128xf32, #tpu.memory_space<vmem>>, vector<1x128xf32>
    %add3A = vector.broadcast %get3A_8 : vector<1x128xf32> to vector<10000x128xf32>
    %add3A_9 = arith.addf %dot_general3A_5, %add3A : vector<10000x128xf32>
    %max3A = arith.constant 0.000000e+00 : f32
    %max3A_10 = vector.broadcast %max3A : f32 to vector<10000x128xf32>
    %max3A_11 = arith.maximumf %add3A_9, %max3A_10 : vector<10000x128xf32>
    %swap3A = arith.constant 0 : index
    %swap3A_12 = arith.constant 0 : index
    %swap3A_13 = vector.load %arg3[%swap3A, %swap3A_12] : memref<10000x128xf32, #tpu.memory_space<vmem>>, vector<10000x128xf32>
    tpu.vector_store %arg3[%swap3A, %swap3A_12], %max3A_11 {strides = array<i32>} : memref<10000x128xf32, #tpu.memory_space<vmem>>, vector<10000x128xf32>,
    return
  }
}

module attributes {stable_mosaic.version = 14 : i64} {
  func.func @_layer_body(%arg0: memref<2x10000x128xf32, #tpu.memory_space<vmem>>, %arg1: memref<32x10000xf32, #tpu.memory_space<vmem>>, %arg2: memref<10000x128xf32, #tpu.memory_space<vmem>>, %arg3: memref<128x128xf32, #tpu.memory_space<vmem>>, %arg4: memref<1x128xf32, #tpu.memory_space<vmem>>, %arg5: memref<128x128xf32, #tpu.memory_space<vmem>>, %arg6: memref<1x128xf32, #tpu.memory_space<vmem>>, %arg7: memref<1x128xf32, #tpu.memory_space<vmem>>, %arg8: memref<10000x128xf32, #tpu.memory_space<vmem>>) attributes {dimension_semantics = [], scalar_prefetch = 0 : i64, scratch_operands = 0 : i64, tpu.core_type = #tpu.core_type<tc>} {
    %get3A = arith.constant 0 : index
    %get3A_0 = arith.constant 0 : index
    %get3A_1 = vector.load %arg1[%get3A, %get3A_0] : memref<32x10000xf32, #tpu.memory_space<vmem>>, vector<32x10000xf32>
    %reduce_sum3A = arith.constant dense<0.000000e+00> : vector<10000xf32>
    %reduce_sum3A_2 = vector.multi_reduction <add>, %get3A_1, %reduce_sum3A [0] : vector<32x10000xf32> to vector<10000xf32>
    %broadcast_in_dim3A = vector.shape_cast %reduce_sum3A_2 : vector<10000xf32> to vector<1x10000xf32>
    %max3A = arith.constant 1.000000e+00 : f32
    %max3A_3 = vector.broadcast %max3A : f32 to vector<1x10000xf32>
    %max3A_4 = arith.maximumf %broadcast_in_dim3A, %max3A_3 : vector<1x10000xf32>
    %div3A = arith.constant 1.000000e+00 : f32
    %div3A_5 = vector.broadcast %div3A : f32 to vector<1x10000xf32>
    %div3A_6 = arith.divf %div3A_5, %max3A_4 : vector<1x10000xf32>
    %transpose3A = tpu.transpose %div3A_6, [1, 0] : vector<1x10000xf32> -> vector<10000x1xf32>
    %get3A_7 = arith.constant 0 : index
    %get3A_8 = arith.constant 0 : index
    %get3A_9 = arith.constant 0 : index
    %get3A_10 = vector.load %arg0[%get3A_7, %get3A_8, %get3A_9] : memref<2x10000x128xf32, #tpu.memory_space<vmem>>, vector<1x10000x128xf32>
    %get3A_11 = vector.shape_cast %get3A_10 : vector<1x10000x128xf32> to vector<10000x128xf32>
    %get3A_12 = arith.constant 1 : index
    %get3A_13 = arith.constant 0 : index
    %get3A_14 = arith.constant 0 : index
    %get3A_15 = vector.load %arg0[%get3A_12, %get3A_13, %get3A_14] : memref<2x10000x128xf32, #tpu.memory_space<vmem>>, vector<1x10000x128xf32>
    %get3A_16 = vector.shape_cast %get3A_15 : vector<1x10000x128xf32> to vector<10000x128xf32>
    %add3A = arith.addf %get3A_11, %get3A_16 : vector<10000x128xf32>
    %mul3A = vector.broadcast %transpose3A : vector<10000x1xf32> to vector<10000x128xf32>
    %mul3A_17 = arith.mulf %add3A, %mul3A : vector<10000x128xf32>
    %get3A_18 = arith.constant 0 : index
    %get3A_19 = arith.constant 0 : index
    %get3A_20 = vector.load %arg2[%get3A_18, %get3A_19] : memref<10000x128xf32, #tpu.memory_space<vmem>>, vector<10000x128xf32>
    %get3A_21 = arith.constant 0 : index
    %get3A_22 = arith.constant 0 : index
    %get3A_23 = vector.load %arg3[%get3A_21, %get3A_22] : memref<128x128xf32, #tpu.memory_space<vmem>>, vector<128x128xf32>
    %dot_general3A = arith.constant dense<0.000000e+00> : vector<10000x128xf32>
    %dot_general3A_24 = tpu.matmul %mul3A_17, %get3A_23, %dot_general3A {dimension_numbers = #tpu.dot_dimension_numbers<[1], [1], [0], [0], [0, 0, 1, 0], [], []>, transpose_lhs_hint = false} : vector<10000x128xf32>, vector<128x128xf32>, vector<10000x128xf32> -> vector<10000x128xf32>
    %get3A_25 = arith.constant 0 : index
    %get3A_26 = arith.constant 0 : index
    %get3A_27 = vector.load %arg4[%get3A_25, %get3A_26] : memref<1x128xf32, #tpu.memory_space<vmem>>, vector<1x128xf32>
    %add3A_28 = vector.broadcast %get3A_27 : vector<1x128xf32> to vector<10000x128xf32>
    %add3A_29 = arith.addf %dot_general3A_24, %add3A_28 : vector<10000x128xf32>
    %get3A_30 = arith.constant 0 : index
    %get3A_31 = arith.constant 0 : index
    %get3A_32 = vector.load %arg5[%get3A_30, %get3A_31] : memref<128x128xf32, #tpu.memory_space<vmem>>, vector<128x128xf32>
    %dot_general3A_33 = arith.constant dense<0.000000e+00> : vector<10000x128xf32>
    %dot_general3A_34 = tpu.matmul %get3A_20, %get3A_32, %dot_general3A_33 {dimension_numbers = #tpu.dot_dimension_numbers<[1], [1], [0], [0], [0, 0, 1, 0], [], []>, transpose_lhs_hint = false} : vector<10000x128xf32>, vector<128x128xf32>, vector<10000x128xf32> -> vector<10000x128xf32>
    %add3A_35 = arith.addf %add3A_29, %dot_general3A_34 : vector<10000x128xf32>
    %reduce_sum3A_36 = arith.constant dense<0.000000e+00> : vector<128xf32>
    %reduce_sum3A_37 = vector.multi_reduction <add>, %add3A_35, %reduce_sum3A_36 [0] : vector<10000x128xf32> to vector<128xf32>
    %broadcast_in_dim3A_38 = vector.shape_cast %reduce_sum3A_37 : vector<128xf32> to vector<1x128xf32>
    %div3A_39 = arith.constant 1.000000e+04 : f32
    %div3A_40 = vector.broadcast %div3A_39 : f32 to vector<1x128xf32>
    %div3A_41 = arith.divf %broadcast_in_dim3A_38, %div3A_40 : vector<1x128xf32>
    %sub3A = vector.broadcast %div3A_41 : vector<1x128xf32> to vector<10000x128xf32>
    %sub3A_42 = arith.subf %add3A_35, %sub3A : vector<10000x128xf32>
    %mul3A_43 = arith.mulf %sub3A_42, %sub3A_42 : vector<10000x128xf32>
    %reduce_sum3A_44 = arith.constant dense<0.000000e+00> : vector<128xf32>
    %reduce_sum3A_45 = vector.multi_reduction <add>, %mul3A_43, %reduce_sum3A_44 [0] : vector<10000x128xf32> to vector<128xf32>
    %broadcast_in_dim3A_46 = vector.shape_cast %reduce_sum3A_45 : vector<128xf32> to vector<1x128xf32>
    %div3A_47 = arith.constant 1.000000e+04 : f32
    %div3A_48 = vector.broadcast %div3A_47 : f32 to vector<1x128xf32>
    %div3A_49 = arith.divf %broadcast_in_dim3A_46, %div3A_48 : vector<1x128xf32>
    %get3A_50 = arith.constant 0 : index
    %get3A_51 = arith.constant 0 : index
    %get3A_52 = vector.load %arg6[%get3A_50, %get3A_51] : memref<1x128xf32, #tpu.memory_space<vmem>>, vector<1x128xf32>
    %mul3A_53 = vector.broadcast %get3A_52 : vector<1x128xf32> to vector<10000x128xf32>
    %mul3A_54 = arith.mulf %mul3A_53, %sub3A_42 : vector<10000x128xf32>
    %add3A_55 = arith.constant 9.99999974E-6 : f32
    %add3A_56 = vector.broadcast %add3A_55 : f32 to vector<1x128xf32>
    %add3A_57 = arith.addf %div3A_49, %add3A_56 : vector<1x128xf32>
    %rsqrt3A = math.rsqrt %add3A_57 : vector<1x128xf32>
    %mul3A_58 = vector.broadcast %rsqrt3A : vector<1x128xf32> to vector<10000x128xf32>
    %mul3A_59 = arith.mulf %mul3A_54, %mul3A_58 : vector<10000x128xf32>
    %get3A_60 = arith.constant 0 : index
    %get3A_61 = arith.constant 0 : index
    %get3A_62 = vector.load %arg7[%get3A_60, %get3A_61] : memref<1x128xf32, #tpu.memory_space<vmem>>, vector<1x128xf32>
    %add3A_63 = vector.broadcast %get3A_62 : vector<1x128xf32> to vector<10000x128xf32>
    %add3A_64 = arith.addf %mul3A_59, %add3A_63 : vector<10000x128xf32>
    %max3A_65 = arith.constant 0.000000e+00 : f32
    %max3A_66 = vector.broadcast %max3A_65 : f32 to vector<10000x128xf32>
    %max3A_67 = arith.maximumf %add3A_64, %max3A_66 : vector<10000x128xf32>
    %add3A_68 = arith.addf %max3A_67, %get3A_20 : vector<10000x128xf32>
    %swap3A = arith.constant 0 : index
    %swap3A_69 = arith.constant 0 : index
    %swap3A_70 = vector.load %arg8[%swap3A, %swap3A_69] : memref<10000x128xf32, #tpu.memory_space<vmem>>, vector<10000x128xf32>
    tpu.vector_store %arg8[%swap3A, %swap3A_69], %add3A_68 {strides = array<i32>} : memref<10000x128xf32, #tpu.memory_space<vmem>>, vector<10000x128xf32>,
    return
  }
}

module attributes {stable_mosaic.version = 14 : i64} {
  func.func @_layer_body(%arg0: memref<2x10000x128xf32, #tpu.memory_space<vmem>>, %arg1: memref<32x10000xf32, #tpu.memory_space<vmem>>, %arg2: memref<10000x128xf32, #tpu.memory_space<vmem>>, %arg3: memref<128x128xf32, #tpu.memory_space<vmem>>, %arg4: memref<1x128xf32, #tpu.memory_space<vmem>>, %arg5: memref<128x128xf32, #tpu.memory_space<vmem>>, %arg6: memref<1x128xf32, #tpu.memory_space<vmem>>, %arg7: memref<1x128xf32, #tpu.memory_space<vmem>>, %arg8: memref<64x128xf32, #tpu.memory_space<vmem>>, %arg9: memref<1x64xf32, #tpu.memory_space<vmem>>, %arg10: memref<8x64xf32, #tpu.memory_space<vmem>>, %arg11: memref<1x8xf32, #tpu.memory_space<vmem>>, %arg12: memref<10000x128xf32, #tpu.memory_space<vmem>>, %arg13: memref<10000x8xf32, #tpu.memory_space<vmem>>) attributes {dimension_semantics = [], scalar_prefetch = 0 : i64, scratch_operands = 0 : i64, tpu.core_type = #tpu.core_type<tc>} {
    %get3A = arith.constant 0 : index
    %get3A_0 = arith.constant 0 : index
    %get3A_1 = vector.load %arg1[%get3A, %get3A_0] : memref<32x10000xf32, #tpu.memory_space<vmem>>, vector<32x10000xf32>
    %reduce_sum3A = arith.constant dense<0.000000e+00> : vector<10000xf32>
    %reduce_sum3A_2 = vector.multi_reduction <add>, %get3A_1, %reduce_sum3A [0] : vector<32x10000xf32> to vector<10000xf32>
    %broadcast_in_dim3A = vector.shape_cast %reduce_sum3A_2 : vector<10000xf32> to vector<1x10000xf32>
    %max3A = arith.constant 1.000000e+00 : f32
    %max3A_3 = vector.broadcast %max3A : f32 to vector<1x10000xf32>
    %max3A_4 = arith.maximumf %broadcast_in_dim3A, %max3A_3 : vector<1x10000xf32>
    %div3A = arith.constant 1.000000e+00 : f32
    %div3A_5 = vector.broadcast %div3A : f32 to vector<1x10000xf32>
    %div3A_6 = arith.divf %div3A_5, %max3A_4 : vector<1x10000xf32>
    %transpose3A = tpu.transpose %div3A_6, [1, 0] : vector<1x10000xf32> -> vector<10000x1xf32>
    %get3A_7 = arith.constant 0 : index
    %get3A_8 = arith.constant 0 : index
    %get3A_9 = arith.constant 0 : index
    %get3A_10 = vector.load %arg0[%get3A_7, %get3A_8, %get3A_9] : memref<2x10000x128xf32, #tpu.memory_space<vmem>>, vector<1x10000x128xf32>
    %get3A_11 = vector.shape_cast %get3A_10 : vector<1x10000x128xf32> to vector<10000x128xf32>
    %get3A_12 = arith.constant 1 : index
    %get3A_13 = arith.constant 0 : index
    %get3A_14 = arith.constant 0 : index
    %get3A_15 = vector.load %arg0[%get3A_12, %get3A_13, %get3A_14] : memref<2x10000x128xf32, #tpu.memory_space<vmem>>, vector<1x10000x128xf32>
    %get3A_16 = vector.shape_cast %get3A_15 : vector<1x10000x128xf32> to vector<10000x128xf32>
    %add3A = arith.addf %get3A_11, %get3A_16 : vector<10000x128xf32>
    %mul3A = vector.broadcast %transpose3A : vector<10000x1xf32> to vector<10000x128xf32>
    %mul3A_17 = arith.mulf %add3A, %mul3A : vector<10000x128xf32>
    %get3A_18 = arith.constant 0 : index
    %get3A_19 = arith.constant 0 : index
    %get3A_20 = vector.load %arg2[%get3A_18, %get3A_19] : memref<10000x128xf32, #tpu.memory_space<vmem>>, vector<10000x128xf32>
    %get3A_21 = arith.constant 0 : index
    %get3A_22 = arith.constant 0 : index
    %get3A_23 = vector.load %arg3[%get3A_21, %get3A_22] : memref<128x128xf32, #tpu.memory_space<vmem>>, vector<128x128xf32>
    %dot_general3A = arith.constant dense<0.000000e+00> : vector<10000x128xf32>
    %dot_general3A_24 = tpu.matmul %mul3A_17, %get3A_23, %dot_general3A {dimension_numbers = #tpu.dot_dimension_numbers<[1], [1], [0], [0], [0, 0, 1, 0], [], []>, transpose_lhs_hint = false} : vector<10000x128xf32>, vector<128x128xf32>, vector<10000x128xf32> -> vector<10000x128xf32>
    %get3A_25 = arith.constant 0 : index
    %get3A_26 = arith.constant 0 : index
    %get3A_27 = vector.load %arg4[%get3A_25, %get3A_26] : memref<1x128xf32, #tpu.memory_space<vmem>>, vector<1x128xf32>
    %add3A_28 = vector.broadcast %get3A_27 : vector<1x128xf32> to vector<10000x128xf32>
    %add3A_29 = arith.addf %dot_general3A_24, %add3A_28 : vector<10000x128xf32>
    %get3A_30 = arith.constant 0 : index
    %get3A_31 = arith.constant 0 : index
    %get3A_32 = vector.load %arg5[%get3A_30, %get3A_31] : memref<128x128xf32, #tpu.memory_space<vmem>>, vector<128x128xf32>
    %dot_general3A_33 = arith.constant dense<0.000000e+00> : vector<10000x128xf32>
    %dot_general3A_34 = tpu.matmul %get3A_20, %get3A_32, %dot_general3A_33 {dimension_numbers = #tpu.dot_dimension_numbers<[1], [1], [0], [0], [0, 0, 1, 0], [], []>, transpose_lhs_hint = false} : vector<10000x128xf32>, vector<128x128xf32>, vector<10000x128xf32> -> vector<10000x128xf32>
    %add3A_35 = arith.addf %add3A_29, %dot_general3A_34 : vector<10000x128xf32>
    %reduce_sum3A_36 = arith.constant dense<0.000000e+00> : vector<128xf32>
    %reduce_sum3A_37 = vector.multi_reduction <add>, %add3A_35, %reduce_sum3A_36 [0] : vector<10000x128xf32> to vector<128xf32>
    %broadcast_in_dim3A_38 = vector.shape_cast %reduce_sum3A_37 : vector<128xf32> to vector<1x128xf32>
    %div3A_39 = arith.constant 1.000000e+04 : f32
    %div3A_40 = vector.broadcast %div3A_39 : f32 to vector<1x128xf32>
    %div3A_41 = arith.divf %broadcast_in_dim3A_38, %div3A_40 : vector<1x128xf32>
    %sub3A = vector.broadcast %div3A_41 : vector<1x128xf32> to vector<10000x128xf32>
    %sub3A_42 = arith.subf %add3A_35, %sub3A : vector<10000x128xf32>
    %mul3A_43 = arith.mulf %sub3A_42, %sub3A_42 : vector<10000x128xf32>
    %reduce_sum3A_44 = arith.constant dense<0.000000e+00> : vector<128xf32>
    %reduce_sum3A_45 = vector.multi_reduction <add>, %mul3A_43, %reduce_sum3A_44 [0] : vector<10000x128xf32> to vector<128xf32>
    %broadcast_in_dim3A_46 = vector.shape_cast %reduce_sum3A_45 : vector<128xf32> to vector<1x128xf32>
    %div3A_47 = arith.constant 1.000000e+04 : f32
    %div3A_48 = vector.broadcast %div3A_47 : f32 to vector<1x128xf32>
    %div3A_49 = arith.divf %broadcast_in_dim3A_46, %div3A_48 : vector<1x128xf32>
    %get3A_50 = arith.constant 0 : index
    %get3A_51 = arith.constant 0 : index
    %get3A_52 = vector.load %arg6[%get3A_50, %get3A_51] : memref<1x128xf32, #tpu.memory_space<vmem>>, vector<1x128xf32>
    %mul3A_53 = vector.broadcast %get3A_52 : vector<1x128xf32> to vector<10000x128xf32>
    %mul3A_54 = arith.mulf %mul3A_53, %sub3A_42 : vector<10000x128xf32>
    %add3A_55 = arith.constant 9.99999974E-6 : f32
    %add3A_56 = vector.broadcast %add3A_55 : f32 to vector<1x128xf32>
    %add3A_57 = arith.addf %div3A_49, %add3A_56 : vector<1x128xf32>
    %rsqrt3A = math.rsqrt %add3A_57 : vector<1x128xf32>
    %mul3A_58 = vector.broadcast %rsqrt3A : vector<1x128xf32> to vector<10000x128xf32>
    %mul3A_59 = arith.mulf %mul3A_54, %mul3A_58 : vector<10000x128xf32>
    %get3A_60 = arith.constant 0 : index
    %get3A_61 = arith.constant 0 : index
    %get3A_62 = vector.load %arg7[%get3A_60, %get3A_61] : memref<1x128xf32, #tpu.memory_space<vmem>>, vector<1x128xf32>
    %add3A_63 = vector.broadcast %get3A_62 : vector<1x128xf32> to vector<10000x128xf32>
    %add3A_64 = arith.addf %mul3A_59, %add3A_63 : vector<10000x128xf32>
    %max3A_65 = arith.constant 0.000000e+00 : f32
    %max3A_66 = vector.broadcast %max3A_65 : f32 to vector<10000x128xf32>
    %max3A_67 = arith.maximumf %add3A_64, %max3A_66 : vector<10000x128xf32>
    %add3A_68 = arith.addf %max3A_67, %get3A_20 : vector<10000x128xf32>
    %swap3A = arith.constant 0 : index
    %swap3A_69 = arith.constant 0 : index
    %swap3A_70 = vector.load %arg12[%swap3A, %swap3A_69] : memref<10000x128xf32, #tpu.memory_space<vmem>>, vector<10000x128xf32>
    tpu.vector_store %arg12[%swap3A, %swap3A_69], %add3A_68 {strides = array<i32>} : memref<10000x128xf32, #tpu.memory_space<vmem>>, vector<10000x128xf32>,
    %get3A_71 = arith.constant 0 : index
    %get3A_72 = arith.constant 0 : index
    %get3A_73 = vector.load %arg8[%get3A_71, %get3A_72] : memref<64x128xf32, #tpu.memory_space<vmem>>, vector<64x128xf32>
    %dot_general3A_74 = arith.constant dense<0.000000e+00> : vector<10000x64xf32>
    %dot_general3A_75 = tpu.matmul %add3A_68, %get3A_73, %dot_general3A_74 {dimension_numbers = #tpu.dot_dimension_numbers<[1], [1], [0], [0], [0, 0, 1, 0], [], []>, transpose_lhs_hint = false} : vector<10000x128xf32>, vector<64x128xf32>, vector<10000x64xf32> -> vector<10000x64xf32>
    %get3A_76 = arith.constant 0 : index
    %get3A_77 = arith.constant 0 : index
    %get3A_78 = vector.load %arg9[%get3A_76, %get3A_77] : memref<1x64xf32, #tpu.memory_space<vmem>>, vector<1x64xf32>
    %add3A_79 = vector.broadcast %get3A_78 : vector<1x64xf32> to vector<10000x64xf32>
    %add3A_80 = arith.addf %dot_general3A_75, %add3A_79 : vector<10000x64xf32>
    %max3A_81 = arith.constant 0.000000e+00 : f32
    %max3A_82 = vector.broadcast %max3A_81 : f32 to vector<10000x64xf32>
    %max3A_83 = arith.maximumf %add3A_80, %max3A_82 : vector<10000x64xf32>
    %get3A_84 = arith.constant 0 : index
    %get3A_85 = arith.constant 0 : index
    %get3A_86 = vector.load %arg10[%get3A_84, %get3A_85] : memref<8x64xf32, #tpu.memory_space<vmem>>, vector<8x64xf32>
    %dot_general3A_87 = arith.constant dense<0.000000e+00> : vector<10000x8xf32>
    %dot_general3A_88 = tpu.matmul %max3A_83, %get3A_86, %dot_general3A_87 {dimension_numbers = #tpu.dot_dimension_numbers<[1], [1], [0], [0], [0, 0, 1, 0], [], []>, transpose_lhs_hint = false} : vector<10000x64xf32>, vector<8x64xf32>, vector<10000x8xf32> -> vector<10000x8xf32>
    %get3A_89 = arith.constant 0 : index
    %get3A_90 = arith.constant 0 : index
    %get3A_91 = vector.load %arg11[%get3A_89, %get3A_90] : memref<1x8xf32, #tpu.memory_space<vmem>>, vector<1x8xf32>
    %add3A_92 = vector.broadcast %get3A_91 : vector<1x8xf32> to vector<10000x8xf32>
    %add3A_93 = arith.addf %dot_general3A_88, %add3A_92 : vector<10000x8xf32>
    %swap3A_94 = arith.constant 0 : index
    %swap3A_95 = arith.constant 0 : index
    %swap3A_96 = vector.load %arg13[%swap3A_94, %swap3A_95] : memref<10000x8xf32, #tpu.memory_space<vmem>>, vector<10000x8xf32>
    tpu.vector_store %arg13[%swap3A_94, %swap3A_95], %add3A_93 {strides = array<i32>} : memref<10000x8xf32, #tpu.memory_space<vmem>>, vector<10000x8xf32>,
    return
  }
}

</mosaic_0001>

<sc_bundles>
// kernel: kernel.10.cloned.1.call-start
scs
__scs_entry_jumppad:
0x0: {  	(pc) =	sbr.rel $0x88, $3  }
0x1: {  	(tag) =	ssettag $0x0;
	lr =	simm.s32 $0x1  }
0x2: {  	[smem:$0x3F8A] =	sst lr;
	_ =	strace $0xD0000000  }
0x3: {  	_ = 	snop  }
0x4: {  	_ = 	snop  }
0x5: {  	_ = 	snop  }
0x6: {  	_ = 	snop  }
0x7: {  	_ = 	snop  }
__scs_overlays_trampoline_lowered:
0x8: {  	[smem:$0x3F99] =	sst s0  }
0x9: {  	[smem:$0x3F9A] =	sst s1  }
0xa: {  	[smem:$0x3F9B] =	sst s2  }
0xb: {  	[smem:$0x3F9C] =	sst s3  }
0xc: {  	[smem:$0x3F9D] =	sst s4  }
0xd: {  	[smem:$0x3F9E] =	sst s5  }
0xe: {  	[smem:$0x3F9F] =	sst s6  }
0xf: {  	[smem:$0x3FA0] =	sst s7  }
0x10: {  	[smem:$0x3FA1] =	sst s8  }
0x11: {  	[smem:$0x3FA2] =	sst s9;
	s0 =	simm.s32 @!p0 $0x0  }
0x12: {  	s1 =	sld [smem:$0x3F88];
	s0 =	simm.s32 @p0 $0x1  }
0x13: {  	[smem:$0x3FA3] =	sst s0;
	s0 =	simm.s32 @!p1 $0x0  }
0x14: {  	s2 =	sld [smem:$0x3F87];
	s0 =	simm.s32 @p1 $0x1  }
0x15: {  	[smem:$0x3FA4] =	sst s0;
	s0 =	simm.s32 @!p2 $0x0  }
0x16: {  	s3 =	sld [smem:$0x3FDB];
	s0 =	simm.s32 @p2 $0x1  }
0x17: {  	s4 =	simm.s32 $0x1BF5;
	[smem:$0x3FA6] =	sst s0  }
0x18: {  	s0 =	sld [smem:$0x3F89];
	_ =	swait.ge [sflag:s4], $0x0  }
0x19: {  	s7 =	sld [smem:$0x3F8A]  }
0x1a: {  	s8 =	sadd.s32 $0xFFFFE003, lr  }
0x1b: {  	s9 =	sadd.s32 $0xFFFFFEF7, lr;
	s5 =	simm.s32 $0xFFFFFFFF;
	p2 =	slt.u32 s8, $0xFFFFF086  }
0x1c: {  	p1 =	slt.u32 s9, $0xF7A;
	s5 =	simm.s32 @!p2 $0x0  }
0x1d: {  	s5 =	simm.s32 @p1 $0x1;
	p0 =	seq.s32 s7, s2  }
0x1e: {  	s7 =	smul.u32 @!p0 $0xF7A, s2;
	p2 =	seq.s32 @!p0 s5, $0x0  }
0x1f: {  	s9 =	smul.u32 $0xF7A, s1;
	s8 =	simm.s32 @!p0 $0x1BF5;
	p2 =	por !p2, p0  }
0x20: {  	[sflag:s8] =	ssyncset.s32 @!p0 $0xFFFFF086;
	s6 =	sadd.s32 @!p0 s3, s7;
	s7 =	simm.s32 @!p0 $0x108  }
0x21: {  	s3 =	sadd.s32 s3, s9;
	s6 =	sadd.s32 @!p0 $0x88, s6;
	s7 =	simm.s32 @p2 $0x1082  }
0x22: {  	[simem:s7], [sflag:s8] =	dma.local @!p0 [hbm:s6], $0xF7A  }
0x23: {  	s9 =	sor.u32 $0xD0000000, s2;
	s6 =	simm.s32 $0x108;
	_ =	swait.ge @!p0 [sflag:s8], $0x0  }
0x24: {  	s3 =	sadd.s32 $0x88, s3;
	s6 =	simm.s32 @!p1 $0x1082;
	[sflag:s4] =	ssyncset.s32 $0xFFFFF086  }
0x25: {  	[simem:s6], [sflag:s4] =	dma.local [hbm:s3], $0xF7A  }
0x26: {  	[smem:$0x3F8A] =	sst s1;
	(tag) =	ssettag s2;
	_ =	strace s9  }
0x27: {  	s1 =	sld [smem:$0x3F9A]  }
0x28: {  	s2 =	sld [smem:$0x3F9B]  }
0x29: {  	s4 =	sld [smem:$0x3F9D]  }
0x2a: {  	p0 =	seq.s32 s5, $0x0;
	s5 =	sld [smem:$0x3F9E]  }
0x2b: {  	s6 =	sld [smem:$0x3F9F]  }
0x2c: {  	s7 =	sld [smem:$0x3FA0]  }
0x2d: {  	s3 =	simm.s32 $0x108;
	s8 =	sld [smem:$0x3FA1]  }
0x2e: {  	s3 =	simm.s32 @!p0 $0x1082;
	s9 =	sld [smem:$0x3FA2]  }
0x2f: {  	lr =	sadd.s32 s0, s3;
	s0 =	sld [smem:$0x3F99]  }
0x30: {  	s3 =	sld [smem:$0x3F9C]  }
0x31: {  	[smem:$0x3FA5] =	sst s10  }
0x32: {  	s10 =	sld [smem:$0x3FA3];
	_ =	sdelay $0x3  }
0x33: {  	p0 =	seq.s32 s10, $0x1;
	s10 =	sld [smem:$0x3FA5];
	_ =	sdelay $0x3  }
0x34: {  	[smem:$0x3FA5] =	sst s10  }
0x35: {  	s10 =	sld [smem:$0x3FA4];
	_ =	sdelay $0x3  }
0x36: {  	p1 =	seq.s32 s10, $0x1;
	s10 =	sld [smem:$0x3FA5];
	_ =	sdelay $0x3  }
0x37: {  	[smem:$0x3FA5] =	sst s10  }
0x38: {  	s10 =	sld [smem:$0x3FA6]  }
0x39: {  	_ = 	snop;
	(pc) =	sbr.ind lr, $3  }
0x3a: {  	_ = 	snop  }
0x3b: {  	_ = 	snop  }
0x3c: {  	p2 =	seq.s32 s10, $0x1;
	s10 =	sld [smem:$0x3FA5]  }
0x3d: {  	_ =	shalt  }
0x3e: {  	_ =	shalt  }
0x3f: {  	_ =	shalt  }
0x40: {  	_ =	shalt  }
0x41: {  	_ =	shalt  }
0x42: {  	_ =	shalt  }
0x43: {  	_ =	shalt  }
0x44: {  	_ =	shalt  }
0x45: {  	_ =	shalt  }
0x46: {  	_ =	shalt  }
0x47: {  	_ =	shalt  }
0x48: {  	_ =	shalt  }
0x49: {  	_ =	shalt  }
0x4a: {  	_ =	shalt  }
0x4b: {  	_ =	shalt  }
0x4c: {  	_ =	shalt  }
0x4d: {  	_ =	shalt  }
0x4e: {  	_ =	shalt  }
0x4f: {  	_ =	shalt  }
0x50: {  	_ =	shalt  }
0x51: {  	_ =	shalt  }
0x52: {  	_ =	shalt  }
0x53: {  	_ =	shalt  }
0x54: {  	_ =	shalt  }
0x55: {  	_ =	shalt  }
0x56: {  	_ =	shalt  }
0x57: {  	_ =	shalt  }
0x58: {  	_ =	shalt  }
0x59: {  	_ =	shalt  }
0x5a: {  	_ =	shalt  }
0x5b: {  	_ =	shalt  }
0x5c: {  	_ =	shalt  }
0x5d: {  	_ =	shalt  }
0x5e: {  	_ =	shalt  }
0x5f: {  	_ =	shalt  }
0x60: {  	_ =	shalt  }
0x61: {  	_ =	shalt  }
0x62: {  	_ =	shalt  }
0x63: {  	_ =	shalt  }
0x64: {  	_ =	shalt  }
0x65: {  	_ =	shalt  }
0x66: {  	_ =	shalt  }
0x67: {  	_ =	shalt  }
0x68: {  	_ =	shalt  }
0x69: {  	_ =	shalt  }
0x6a: {  	_ =	shalt  }
0x6b: {  	_ =	shalt  }
0x6c: {  	_ =	shalt  }
0x6d: {  	_ =	shalt  }
0x6e: {  	_ =	shalt  }
0x6f: {  	_ =	shalt  }
0x70: {  	_ =	shalt  }
0x71: {  	_ =	shalt  }
0x72: {  	_ =	shalt  }
0x73: {  	_ =	shalt  }
0x74: {  	_ =	shalt  }
0x75: {  	_ =	shalt  }
0x76: {  	_ =	shalt  }
0x77: {  	_ =	shalt  }
0x78: {  	_ =	shalt  }
0x79: {  	_ =	shalt  }
0x7a: {  	_ =	shalt  }
0x7b: {  	_ =	shalt  }
0x7c: {  	_ =	shalt  }
0x7d: {  	_ =	shalt  }
0x7e: {  	_ =	shalt  }
0x7f: {  	_ =	shalt  }
0x80: {  	_ =	shalt  }
0x81: {  	_ =	shalt  }
0x82: {  	_ =	shalt  }
0x83: {  	_ =	shalt  }
0x84: {  	_ =	shalt  }
0x85: {  	_ =	shalt  }
0x86: {  	_ =	shalt  }
0x87: {  	_ =	shalt  }
.Lfunc_end0:
.L_simem_size_0:
called_computation_lowered:
.L_overlay_start_0:
0x88: {  	s2 =	sld [smem:$0x3FD9]  }
0x89: {  	s3 =	sld [smem:$0x3FFE];
	_ =	sdelay $0x1  }
0x8a: {  	s1 =	srdreg.scid  }
0x8b: {  	s0 =	sand.u32 $0x1, s1  }
0x8c: {  	s15 =	sshll.u32 s0, $0xA;
	s2 =	sadd.s32 s3, s2  }
0x8d: {  	s2 =	sadd.s32 s2, s15  }
0x8e: {  	[smem:$0x3FB1] =	sst s2  }
0x8f: {  	_ = 	snop  }
0x90: {  	s2 =	sld [smem:$0x3FD0];
	_ =	sdelay $0x2  }
0x91: {  	s16 =	simm.s32 $0xB;
	s4 =	simm.s32 $0x10  }
0x92: {  	[smem:s4], [sflag:s16] =	dma.local [hbm:s2], $0x1  }
0x93: {  	_ =	swait.eq [sflag:s16], $0x1  }
0x94: {  	[sflag:s16] =	ssyncset.done $0x0  }
0x95: {  	[sflag:s16] =	ssyncadd.s32 $0xFFFFFFFF  }
0x96: {  	s17 =	sld [smem:$0x11];
	(tm) =	ssettm $0x1  }
0x97: {  	s18 =	sld [smem:$0x3FFB];
	_ =	sdelay $0x3  }
0x98: {  	_ =	strace s18  }
0x99: {  	s2 =	sld [smem:$0x3FFC];
	_ =	sdelay $0x3  }
0x9a: {  	_ =	strace s2  }
0x9b: {  	s2 =	sld [smem:$0x3FFD];
	_ =	sdelay $0x3  }
0x9c: {  	_ =	strace s2  }
0x9d: {  	_ =	strace $0x8FFFFFFF  }
0x9e: {  	s19 =	sld [smem:$0x3FDB];
	_ =	sdelay $0x1  }
0x9f: {  	s20 =	simm.s32 $_scs_section_size  }
0xa0: {  	s5 =	simm.s32 $_size__tile_overlayer_lowered;
	s6 =	simm.s32 $_tile_overlayer_lowered  }
0xa1: {  	s7 =	simm.s32 $0x1BFF;
	s21 =	sshll.u32 s6, $0x1;
	s4 =	sadd.s32 s20, s19  }
0xa2: {  	s22 =	simm.s32 $0x0;
	s5 =	sshll.u32 s5, $0x1;
	s6 =	sadd.s32 s21, s4  }
0xa3: {  	[timem:s22], [sflag:s7] =	dma.local [hbm:s6], s5  }
0xa4: {  	_ =	swait.ge [sflag:s7], s5  }
0xa5: {  	s5 =	ssub.s32 $0x0, s5;
	[sflag:s7] =	ssyncset.done $0x0  }
0xa6: {  	[sflag:s7] =	ssyncadd.s32 s5;
	_ =	sdelay $0x1  }
0xa7: {  	s23 =	simm.s32 $0x1B8B  }
0xa8: {  	_ =	swait.ge [sflag:s23], $0x1  }
0xa9: {  	[sflag:s23] =	ssyncset.done $0x0  }
0xaa: {  	[sflag:s23] =	ssyncadd.s32 $0xFFFFFFFF  }
0xab: {  	s5 =	sld [smem:$0x0]  }
0xac: {  	s6 =	sand.u32 $0xFFFFFFFE, s1  }
0xad: {  	p0 =	sne.s32 s1, s6  }
0xae: {  	s6 =	sshll.u32 @p0 s6, $0xE  }
0xaf: {  	s6 =	sadd.s32 @p0 $0x11B8D, s6;
	s7 =	sshll.u32 @p0 s5, $0x11  }
0xb0: {  	s6 =	sor.u32 @p0 s7, s6  }
0xb1: {  	[sflag:s6] =	ssyncadd.remote.s32 @p0 $0x1;
	_ =	sdelay $0x1  }
0xb2: {  	s6 =	simm.s32 @p0 $0x1B8D  }
0xb3: {  	_ =	swait.eq @p0 [sflag:s6], $0x1  }
0xb4: {  	[sflag:s6] =	ssyncadd.s32 @p0 $0xFFFFFFFF  }
0xb5: {  	s7 =	sshll.u32 @!p0 s1, $0xE  }
0xb6: {  	s7 =	sor.u32 @!p0 $0x4000, s7;
	s6 =	simm.s32 @!p0 $0x1B8D  }
0xb7: {  	s5 =	sshll.u32 @!p0 s5, $0x11;
	s7 =	sadd.s32 @!p0 $0x11B8D, s7;
	_ =	swait.eq @!p0 [sflag:s6], $0x1  }
0xb8: {  	s5 =	sor.u32 @!p0 s5, s7;
	[sflag:s6] =	ssyncadd.s32 @!p0 $0xFFFFFFFF  }
0xb9: {  	s25 =	simm.s32 $0x1B8E;
	s24 =	sld [smem:$0x3FFE];
	[sflag:s5] =	ssyncadd.remote.s32 @!p0 $0x1  }
0xba: {  	s26 =	simm.s32 $execute0_lowered;
	[smem:$0x3FD2] =	sst s25  }
0xbb: {  	s6 =	sshll.u32 s26, $0x1;
	_ =	strace $0x80000049;
	[dreg:$0x1] =	wrdreg $0xFFFFFFFF  }
0xbc: {  	s28 =	simm.s32 $_size_execute0_lowered;
	s4 =	sadd.s32 s4, s6;
	[dreg:$0x0] =	wrdreg $0x0  }
0xbd: {  	s6 =	sshll.u32 s28, $0x1;
	[dreg:$0x2] =	wrdreg s4  }
0xbe: {  	[dreg:$0x3] =	wrdreg s6  }
0xbf: {  	[dreg:$0x4] =	wrdreg $0xC0  }
0xc0: {  	_ =	task [dreg:s22], $0x5FFFF  }
0xc1: {  	[dreg:$0x1] =	wrdreg $0xFFFFFFFF  }
0xc2: {  	[dreg:$0x0] =	wrdreg $0x60  }
0xc3: {  	[dreg:$0x2] =	wrdreg s17  }
0xc4: {  	[dreg:$0x3] =	wrdreg s24  }
0xc5: {  	[dreg:$0x4] =	wrdreg $0x0  }
0xc6: {  	[dreg:$0x5] =	wrdreg $0x9  }
0xc7: {  	_ =	task.clear_ibuf [dreg:s22], $0x6FFFF;
	_ =	strace $0x90000049  }
0xc8: {  	s29 =	simm.s32 $0x9;
	_ =	strace $0x8000004B  }
0xc9: {  	_ =	swait.ge [sflag:s29], $0x1  }
0xca: {  	[sflag:s29] =	ssyncadd.s32 $0xFFFFFFFF  }
0xcb: {  	_ =	strace $0x9000004B  }
0xcc: {  	_ =	sfence  }
0xcd: {  	s30 =	sld [smem:$0x0];
	_ =	sdelay $0x2  }
0xce: {  	s31 =	sshll.u32 s1, $0xD;
	s1 =	sshrl.u32 s1, $0x2  }
0xcf: {  	s4 =	sand.u32 $0x4000, s31;
	s1 =	sadd.s32 s1, s30  }
0xd0: {  	s0 =	sor.u32 s4, s0;
	s1 =	sshll.u32 s1, $0x11  }
0xd1: {  	s0 =	sor.u32 s1, s0  }
0xd2: {  	s0 =	sadd.s32 $0x8F2B, s0  }
0xd3: {  	[sflag:s0] =	ssyncadd.remote.s32 $0x1  }
0xd4: {  	_ =	sfence.sel $0xFFFF  }
0xd5: {  	[dreg:$0x0] =	wrdreg $0xFFFFFFFF;
	(pc) =	sbr.abs _section_cstart, $3  }
0xd6: {  	[dreg:$0x1] =	wrdreg $0xFFFFFFFF  }
0xd7: {  	_ =	task.clear_ibuf [dreg:s22], $0x2FFFF;
	_ =	strace $0x9FFFFFFF  }
0xd8: {  	(tm) =	ssettm $0x7FFFFFFF  }
0xd9: {  	_ =	shalt  }
tec
execute0_lowered:
.L_overlay_start_1:
0x0: {  	(tag) =	ssettag $0x1  }
0x1: {  	s1 =	rddreg [dreg:$0x0]  }
0x2: {  	s0 =	rddreg [dreg:$0x1]  }
0x3: {  	s2 =	rddreg [dreg:$0x2];
	s4 =	simm.s32 $0x0  }
0x4: {  	s3 =	srdreg.scid;
	s24 =	stileid.u32;
	s28 =	simm.s32 $0x1C780  }
0x5: {  	s29 =	simm.s32 $0x68;
	s30 =	simm.s32 $0x1;
	s31 =	simm.s32 $0x3  }
0x6: {  	[smem:$0x7FF] =	sst s4;
	s3 =	sand.u32 $0x1, s3;
	s6 =	smul.u32 $0x4E000, s24  }
0x7: {  	s12 =	sadd.s32 $0xF000, s0;
	s13 =	sadd.s32 $0x5200, s0;
	s14 =	smul.u32 $0x13800, s24  }
0x8: {  	s0 =	sadd.s32 $0x22C00, s0;
	s22 =	sshll.u32 s24, $0x1;
	s11 =	sadd.s32 $0x138000, s2  }
0x9: {  	p0 =	sne.s32 s24, $0xF;
	s24 =	simm.s32 $0x13880;
	_ =	strace $0x8000004A  }
0xa: {  	s5 =	ssub.s32 $0x2, s3;
	s23 =	sor.u32 s3, s22;
	s3 =	smul.u32 $0x138800, s3  }
0xb: {  	s7 =	sshrl.u32 s5, $0x1;
	s25 =	sshrl.u32 s6, $0x2;
	s16 =	sadd.s32 $0x3400, s14  }
0xc: {  	s17 =	sadd.s32 $0x6800, s14;
	s18 =	sadd.s32 $0x9C00, s14;
	s20 =	sadd.s32 $0xD000, s14  }
0xd: {  	s10 =	smul.u32 $0x2710, s23;
	s21 =	sadd.s32 $0x10400, s14;
	s15 =	ssub.s32 s5, s7  }
0xe: {  	s5 =	sadd.s32 s25, s2;
	s6 =	sadd.s32 s16, s2;
	s7 =	sadd.s32 s17, s2  }
0xf: {  	s8 =	sadd.s32 s18, s2;
	s9 =	sadd.s32 s20, s2;
	s14 =	sadd.s32 s14, s3  }
0x10: {  	s16 =	sadd.s32 s3, s16;
	s25 =	sadd.s32 s3, s20;
	s19 =	sshrl.u32 s10, $0x3  }
0x11: {  	s10 =	sadd.s32 s21, s2;
	s14 =	sshrl.u32 s14, $0x3;
	s22 =	sadd.s32 s12, s19  }
0x12: {  	s26 =	sadd.s32 s13, s19;
	s19 =	sadd.s32 $0x4E0, s19;
	[dreg:$0x4] =	wrdreg s22  }
0x13: {  	[dreg:$0x5] =	wrdreg s26;
	s12 =	sadd.s32 s12, s19;
	s13 =	sadd.s32 s13, s19  }
0x14: {  	s19 =	sadd.s32 s3, s17;
	s22 =	sadd.s32 s3, s18;
	[dreg:$0x6] =	wrdreg s12  }
0x15: {  	s26 =	sadd.s32 s3, s21;
	s3 =	sshrl.u32 s3, $0x3;
	[dreg:$0x7] =	wrdreg s13  }
0x16: {  	s12 =	sadd.s32 s0, s14;
	s13 =	sshrl.u32 s19, $0x3;
	s23 =	sshrl.u32 s22, $0x3  }
0x17: {  	s14 =	simm.s32 $0x0;
	[dreg:$0x8] =	wrdreg s12;
	s12 =	sshrl.u32 s16, $0x3  }
0x18: {  	s18 =	sadd.s32 s0, s13;
	s19 =	sadd.s32 s0, s23;
	s13 =	sshrl.u32 s26, $0x3  }
.Ltmp0:
0x19: {  	s23 =	smax.u32 s15, $0x1;
	s26 =	simm.s32 $0x1A080;
	(pc) =	sbr.rel .LBB2_1-.Ltmp0, $4  }
0x1a: {  	s12 =	sadd.s32 s0, s12;
	s21 =	sadd.s32 s0, s13;
	s13 =	simm.s32 $0x10  }
0x1b: {  	[dreg:$0x9] =	wrdreg s12;
	s12 =	sshrl.u32 s25, $0x3;
	s25 =	simm.s32 $0x5  }
0x1c: {  	s20 =	sadd.s32 s0, s12;
	s0 =	sadd.s32 s0, s3;
	s3 =	simm.s32 $0x2  }
0x1d: {  	v0 =	vimm.f32 $0.0e+00;
	s12 =	simm.s32 $0x4;
	s22 =	sadd.s32 $0x27000, s0;
	s0 =	simm.s32 $0x16C80  }
.LBB2_6:
0x1e: {  	_ =	swait.ge [sflag:s12], $0x3400  }
0x1f: {  	[sflag:s12] =	ssyncset.done $0x0  }
0x20: {  	s15 =	rddreg [dreg:$0x6];
	[sflag:s12] =	ssyncadd.s32 $0xFFFFCC00  }
0x21: {  	[tilespmem:s26], [sflag:$0x5] =	stream.linear.gather [hbm4b:s15+s4], $0x10, $0x38;
	[tilespmem:$0x1EE80] =	vst v63  }
0x22: {  	_ =	swait.ge [sflag:s25], $0x10  }
0x23: {  	[sflag:s25] =	ssyncset.done $0x0  }
0x24: {  	s17 =	rddreg [dreg:$0x7];
	[sflag:s25] =	ssyncadd.s32 $0xFFFFFFF0  }
0x25: {  	[tilespmem:s28], [sflag:$0x5] =	stream.linear.gather [hbm4b:s17+s4], $0x10, $0x38;
	[tilespmem:$0x1EE80] =	vst v63  }
0x26: {  	_ =	swait.ge [sflag:s25], $0x10  }
0x27: {  	[sflag:s25] =	ssyncset.done $0x0  }
0x28: {  	[sflag:s25] =	ssyncadd.s32 $0xFFFFFFF0  }
0x29: {  	[tilespmem:s24], [sflag:$0x1] =	stream.indirect.gather [hbm4b:s1+s13], $0x80, s26, s13, $0xb8;
	[tilespmem:$0x1EE80] =	vst v63  }
0x2a: {  	_ =	swait.ge [sflag:s30], $0x800  }
0x2b: {  	[sflag:s30] =	ssyncset.done $0x0  }
0x2c: {  	[sflag:s30] =	ssyncadd.s32 $0xFFFFF800  }
0x2d: {  	[spmem:s2] =	stream.indirect.scatter.add.f32 [tilespmem:s24], [sflag:$0x5], $0x80, s28, s13, $0xb8;
	[tilespmem:$0x1EE80] =	vst v63  }
0x2e: {  	_ =	swait.ge [sflag:s25], $0x800  }
0x2f: {  	[sflag:s25] =	ssyncset.done $0x0  }
0x30: {  	[sflag:s25] =	ssyncadd.s32 $0xFFFFF800  }
0x31: {  	[bflag:$0x0] =	sbarrier.arrive $0xFFFF  }
0x32: {  	[tilespmem:s24], [sflag:$0x5] =	stream.linear.gather [spmem:s5], $0x3400, $0x38;
	[tilespmem:$0x1EE80] =	vst v63  }
0x33: {  	_ =	swait.ge [sflag:s25], $0x3400  }
0x34: {  	[sflag:s25] =	ssyncset.done $0x0  }
0x35: {  	s16 =	rddreg [dreg:$0x8];
	[sflag:s25] =	ssyncadd.s32 $0xFFFFCC00  }
0x36: {  	[hbm4b:s16+s4] =	stream.linear.scatter [tilespmem:s24], [sflag:$0x5], $0x3400, $0x38;
	[tilespmem:$0x1EE80] =	vst v63  }
0x37: {  	_ =	swait.ge [sflag:s25], $0x3400  }
0x38: {  	[sflag:s25] =	ssyncset.done $0x0  }
0x39: {  	[sflag:s25] =	ssyncadd.s32 $0xFFFFCC00  }
0x3a: {  	[tilespmem:s24], [sflag:$0x5] =	stream.linear.gather [spmem:s6], $0x3400, $0x38;
	[tilespmem:$0x1EE80] =	vst v63  }
0x3b: {  	_ =	swait.ge [sflag:s25], $0x3400  }
0x3c: {  	[sflag:s25] =	ssyncset.done $0x0  }
0x3d: {  	s17 =	rddreg [dreg:$0x9];
	[sflag:s25] =	ssyncadd.s32 $0xFFFFCC00  }
0x3e: {  	[hbm4b:s17+s4] =	stream.linear.scatter [tilespmem:s24], [sflag:$0x5], $0x3400, $0x38;
	[tilespmem:$0x1EE80] =	vst v63  }
0x3f: {  	_ =	swait.ge [sflag:s25], $0x3400  }
0x40: {  	[sflag:s25] =	ssyncset.done $0x0  }
0x41: {  	[sflag:s25] =	ssyncadd.s32 $0xFFFFCC00  }
0x42: {  	[tilespmem:s24], [sflag:$0x5] =	stream.linear.gather [spmem:s7], $0x3400, $0x38;
	[tilespmem:$0x1EE80] =	vst v63  }
0x43: {  	_ =	swait.ge [sflag:s25], $0x3400  }
0x44: {  	[sflag:s25] =	ssyncset.done $0x0  }
0x45: {  	[sflag:s25] =	ssyncadd.s32 $0xFFFFCC00  }
0x46: {  	[hbm4b:s18+s4] =	stream.linear.scatter [tilespmem:s24], [sflag:$0x5], $0x3400, $0x38;
	[tilespmem:$0x1EE80] =	vst v63  }
0x47: {  	_ =	swait.ge [sflag:s25], $0x3400  }
0x48: {  	[sflag:s25] =	ssyncset.done $0x0  }
0x49: {  	[sflag:s25] =	ssyncadd.s32 $0xFFFFCC00  }
0x4a: {  	[tilespmem:s24], [sflag:$0x5] =	stream.linear.gather [spmem:s8], $0x3400, $0x38;
	[tilespmem:$0x1EE80] =	vst v63  }
0x4b: {  	_ =	swait.ge [sflag:s25], $0x3400  }
0x4c: {  	[sflag:s25] =	ssyncset.done $0x0  }
0x4d: {  	[sflag:s25] =	ssyncadd.s32 $0xFFFFCC00  }
0x4e: {  	[hbm4b:s19+s4] =	stream.linear.scatter [tilespmem:s24], [sflag:$0x5], $0x3400, $0x38;
	[tilespmem:$0x1EE80] =	vst v63  }
0x4f: {  	_ =	swait.ge [sflag:s25], $0x3400  }
0x50: {  	[sflag:s25] =	ssyncset.done $0x0  }
0x51: {  	[sflag:s25] =	ssyncadd.s32 $0xFFFFCC00  }
0x52: {  	[tilespmem:s24], [sflag:$0x5] =	stream.linear.gather [spmem:s9], $0x3400, $0x38;
	[tilespmem:$0x1EE80] =	vst v63  }
0x53: {  	_ =	swait.ge [sflag:s25], $0x3400  }
0x54: {  	[sflag:s25] =	ssyncset.done $0x0  }
0x55: {  	[sflag:s25] =	ssyncadd.s32 $0xFFFFCC00  }
0x56: {  	[hbm4b:s20+s4] =	stream.linear.scatter [tilespmem:s24], [sflag:$0x5], $0x3400, $0x38;
	[tilespmem:$0x1EE80] =	vst v63  }
0x57: {  	_ =	swait.ge [sflag:s25], $0x3400  }
0x58: {  	[sflag:s25] =	ssyncset.done $0x0  }
0x59: {  	[sflag:s25] =	ssyncadd.s32 $0xFFFFCC00  }
0x5a: {  	[tilespmem:s24], [sflag:$0x5] =	stream.linear.gather [spmem:s10], $0x3400, $0x38;
	[tilespmem:$0x1EE80] =	vst v63  }
0x5b: {  	_ =	swait.ge [sflag:s25], $0x3400  }
0x5c: {  	[sflag:s25] =	ssyncset.done $0x0  }
0x5d: {  	[sflag:s25] =	ssyncadd.s32 $0xFFFFCC00  }
0x5e: {  	[hbm4b:s21+s4] =	stream.linear.scatter [tilespmem:s24], [sflag:$0x5], $0x3400, $0x38;
	[tilespmem:$0x1EE80] =	vst v63  }
0x5f: {  	_ =	swait.ge [sflag:s25], $0x3400  }
0x60: {  	[sflag:s25] =	ssyncset.done $0x0  }
0x61: {  	s15 =	simm.s32 @!p0 $0x13880;
	s16 =	simm.s32 @!p0 $0x5;
	[sflag:s25] =	ssyncadd.s32 $0xFFFFCC00  }
0x62: {  	[tilespmem:s15], [sflag:$0x5] =	stream.linear.gather @!p0 [spmem:s11], $0x800, $0x38;
	[tilespmem:$0x1EE80] =	vst v63  }
0x63: {  	s14 =	sadd.s32 $0x1, s14;
	_ =	swait.ge @!p0 [sflag:s16], $0x800  }
0x64: {  	p1 =	sne.s32 s14, s23;
	[sflag:s16] =	ssyncset.done @!p0 $0x0  }
.Ltmp1:
0x65: {  	s17 =	simm.s32 @!p0 $0x0;
	[sflag:s16] =	ssyncadd.s32 @!p0 $0xFFFFF800;
	(pc) =	sbr.rel @!p1 .LBB2_7-.Ltmp1, $4  }
0x66: {  	[hbm4b:s22+s17] =	stream.linear.scatter @!p0 [tilespmem:s15], [sflag:$0x5], $0x800, $0x38;
	[tilespmem:$0x1EE80] =	vst v63  }
0x67: {  	_ =	swait.ge @!p0 [sflag:s16], $0x800  }
0x68: {  	[sflag:s16] =	ssyncset.done @!p0 $0x0  }
0x69: {  	[sflag:s16] =	ssyncadd.s32 @!p0 $0xFFFFF800  }
.LBB2_1:
0x6a: {  	s15 =	simm.s32 $0x0;
	s16 =	simm.s32 $0x200  }
.LBB2_2:
0x6b: {  	p1 =	sne.s32 s16, $0xCE00;
	[tilespmem:s15+$0x138F0] =	vst v0  }
0x6c: {  	[tilespmem:s15+$0x13880] =	vst v0  }
0x6d: {  	[tilespmem:s15+$0x13890] =	vst v0  }
.Ltmp2:
0x6e: {  	[tilespmem:s15+$0x138A0] =	vst v0;
	(pc) =	sbr.rel @p1 .LBB2_2-.Ltmp2, $4  }
0x6f: {  	[tilespmem:s15+$0x138B0] =	vst v0  }
0x70: {  	[tilespmem:s15+$0x138C0] =	vst v0  }
0x71: {  	[tilespmem:s15+$0x138D0] =	vst v0  }
0x72: {  	[tilespmem:s15+$0x138E0] =	vst v0;
	s15 =	sshra.s32 s16, $0x2;
	s16 =	sadd.s32 $0x200, s16  }
0x73: {  	[tilespmem:s15+$0x138F0] =	vst v0  }
0x74: {  	[tilespmem:s15+$0x13880] =	vst v0  }
0x75: {  	[tilespmem:s15+$0x13890] =	vst v0  }
0x76: {  	[tilespmem:s15+$0x138A0] =	vst v0  }
0x77: {  	[tilespmem:s15+$0x138B0] =	vst v0  }
0x78: {  	[tilespmem:s15+$0x138C0] =	vst v0  }
0x79: {  	[tilespmem:s15+$0x138D0] =	vst v0  }
0x7a: {  	[tilespmem:s15+$0x138E0] =	vst v0  }
0x7b: {  	[spmem:s5] =	stream.linear.scatter [tilespmem:s24], [sflag:$0x5], $0x3400, $0x38;
	[tilespmem:$0x1EE80] =	vst v63  }
0x7c: {  	_ =	swait.ge [sflag:s25], $0x3400  }
0x7d: {  	[sflag:s25] =	ssyncset.done $0x0  }
0x7e: {  	[sflag:s25] =	ssyncadd.s32 $0xFFFFCC00  }
0x7f: {  	[spmem:s6] =	stream.linear.scatter [tilespmem:s24], [sflag:$0x5], $0x3400, $0x38;
	[tilespmem:$0x1EE80] =	vst v63  }
0x80: {  	_ =	swait.ge [sflag:s25], $0x3400  }
0x81: {  	[sflag:s25] =	ssyncset.done $0x0  }
0x82: {  	[sflag:s25] =	ssyncadd.s32 $0xFFFFCC00  }
0x83: {  	[spmem:s7] =	stream.linear.scatter [tilespmem:s24], [sflag:$0x5], $0x3400, $0x38;
	[tilespmem:$0x1EE80] =	vst v63  }
0x84: {  	_ =	swait.ge [sflag:s25], $0x3400  }
0x85: {  	[sflag:s25] =	ssyncset.done $0x0  }
0x86: {  	[sflag:s25] =	ssyncadd.s32 $0xFFFFCC00  }
0x87: {  	[spmem:s8] =	stream.linear.scatter [tilespmem:s24], [sflag:$0x5], $0x3400, $0x38;
	[tilespmem:$0x1EE80] =	vst v63  }
0x88: {  	_ =	swait.ge [sflag:s25], $0x3400  }
0x89: {  	[sflag:s25] =	ssyncset.done $0x0  }
0x8a: {  	[sflag:s25] =	ssyncadd.s32 $0xFFFFCC00  }
0x8b: {  	[spmem:s9] =	stream.linear.scatter [tilespmem:s24], [sflag:$0x5], $0x3400, $0x38;
	[tilespmem:$0x1EE80] =	vst v63  }
0x8c: {  	_ =	swait.ge [sflag:s25], $0x3400  }
0x8d: {  	[sflag:s25] =	ssyncset.done $0x0  }
0x8e: {  	[sflag:s25] =	ssyncadd.s32 $0xFFFFCC00  }
0x8f: {  	[spmem:s10] =	stream.linear.scatter [tilespmem:s24], [sflag:$0x5], $0x3400, $0x38;
	[tilespmem:$0x1EE80] =	vst v63  }
0x90: {  	_ =	swait.ge [sflag:s25], $0x3400  }
0x91: {  	[sflag:s25] =	ssyncset.done $0x0  }
0x92: {  	s15 =	simm.s32 @!p0 $0x13880;
	[sflag:s25] =	ssyncadd.s32 $0xFFFFCC00  }
0x93: {  	[spmem:s11] =	stream.linear.scatter @!p0 [tilespmem:s15], [sflag:$0x5], $0x800, $0x38;
	[tilespmem:$0x1EE80] =	vst v63  }
0x94: {  	s15 =	simm.s32 @!p0 $0x5  }
0x95: {  	_ =	swait.ge @!p0 [sflag:s15], $0x800  }
0x96: {  	[sflag:s15] =	ssyncset.done @!p0 $0x0  }
0x97: {  	[sflag:s15] =	ssyncadd.s32 @!p0 $0xFFFFF800  }
0x98: {  	[bflag:$0x0] =	sbarrier.arrive $0xFFFF  }
0x99: {  	s17 =	rddreg [dreg:$0x4]  }
0x9a: {  	[tilespmem:s26], [sflag:$0x5] =	stream.linear.gather [hbm4b:s17+s4], $0x2700, $0x38;
	[tilespmem:$0x1EE80] =	vst v63  }
0x9b: {  	_ =	swait.ge [sflag:s25], $0x2700  }
0x9c: {  	[sflag:s25] =	ssyncset.done $0x0  }
0x9d: {  	s16 =	rddreg [dreg:$0x5];
	[sflag:s25] =	ssyncadd.s32 $0xFFFFD900  }
0x9e: {  	[tilespmem:s28], [sflag:$0x5] =	stream.linear.gather [hbm4b:s16+s4], $0x2700, $0x38;
	[tilespmem:$0x1EE80] =	vst v63  }
0x9f: {  	_ =	swait.ge [sflag:s25], $0x2700  }
0xa0: {  	[sflag:s25] =	ssyncset.done $0x0  }
0xa1: {  	[sflag:s25] =	ssyncadd.s32 $0xFFFFD900  }
0xa2: {  	[tilespmem:s24], [sflag:$0x1] =	stream.indirect.gather [hbm4b:s1+s29], $0x80, s26, s29, $0xb8;
	[tilespmem:$0x1EE80] =	vst v63  }
0xa3: {  	_ =	swait.ge [sflag:s30], $0x3400  }
0xa4: {  	[sflag:s30] =	ssyncset.done $0x0  }
0xa5: {  	[sflag:s30] =	ssyncadd.s32 $0xFFFFCC00  }
0xa6: {  	[spmem:s2] =	stream.indirect.scatter.add.f32 [tilespmem:s24], [sflag:$0x3], $0x80, s28, s29, $0xb8;
	[tilespmem:$0x1EE80] =	vst v63  }
0xa7: {  	s17 =	simm.s32 $0x1A0E8  }
0xa8: {  	[tilespmem:s0], [sflag:$0x2] =	stream.indirect.gather [hbm4b:s1+s29], $0x80, s17, s29, $0xb8;
	[tilespmem:$0x1EE80] =	vst v63  }
0xa9: {  	_ =	swait.ge [sflag:s3], $0x3400  }
0xaa: {  	[sflag:s3] =	ssyncset.done $0x0  }
0xab: {  	s16 =	simm.s32 $0x1C7E8;
	[sflag:s3] =	ssyncadd.s32 $0xFFFFCC00  }
0xac: {  	[spmem:s2] =	stream.indirect.scatter.add.f32 [tilespmem:s0], [sflag:$0x4], $0x80, s16, s29, $0xb8;
	[tilespmem:$0x1EE80] =	vst v63  }
0xad: {  	_ =	swait.ge [sflag:s31], $0x3400  }
0xae: {  	[sflag:s31] =	ssyncset.done $0x0  }
0xaf: {  	s15 =	simm.s32 $0xFFFF6A80;
	s17 =	simm.s32 $0x1A150;
	[sflag:s31] =	ssyncadd.s32 $0xFFFFCC00  }
0xb0: {  	[tilespmem:s24], [sflag:$0x1] =	stream.indirect.gather [hbm4b:s1+s29], $0x80, s17, s29, $0xb8;
	[tilespmem:$0x1EE80] =	vst v63  }
.LBB2_4:
0xb1: {  	_ =	swait.ge [sflag:s30], $0x3400  }
0xb2: {  	s16 =	sshra.s32 s15, $0x2;
	[sflag:s30] =	ssyncset.done $0x0  }
0xb3: {  	s17 =	sadd.s32 $0x1EDB0, s16;
	[sflag:s30] =	ssyncadd.s32 $0xFFFFCC00  }
0xb4: {  	[spmem:s2] =	stream.indirect.scatter.add.f32 [tilespmem:s24], [sflag:$0x3], $0x80, s17, s29, $0xb8;
	[tilespmem:$0x1EE80] =	vst v63  }
0xb5: {  	_ =	swait.ge [sflag:s12], $0x3400  }
0xb6: {  	[sflag:s12] =	ssyncset.done $0x0  }
0xb7: {  	s17 =	sadd.s32 $0x1C718, s16;
	[sflag:s12] =	ssyncadd.s32 $0xFFFFCC00  }
0xb8: {  	[tilespmem:s0], [sflag:$0x2] =	stream.indirect.gather [hbm4b:s1+s29], $0x80, s17, s29, $0xb8;
	[tilespmem:$0x1EE80] =	vst v63  }
0xb9: {  	_ =	swait.ge [sflag:s3], $0x3400  }
0xba: {  	p1 =	seq.s32 s15, $0x0;
	[sflag:s3] =	ssyncset.done $0x0  }
.Ltmp3:
0xbb: {  	s17 =	sadd.s32 $0x1EE18, s16;
	[sflag:s3] =	ssyncadd.s32 $0xFFFFCC00;
	(pc) =	sbr.rel @p1 .LBB2_6-.Ltmp3, $4  }
0xbc: {  	[spmem:s2] =	stream.indirect.scatter.add.f32 [tilespmem:s0], [sflag:$0x4], $0x80, s17, s29, $0xb8;
	[tilespmem:$0x1EE80] =	vst v63  }
0xbd: {  	_ =	swait.ge [sflag:s31], $0x3400  }
0xbe: {  	[sflag:s31] =	ssyncset.done $0x0  }
0xbf: {  	[sflag:s31] =	ssyncadd.s32 $0xFFFFCC00  }
.Ltmp4:
0xc0: {  	(pc) =	sbr.rel .LBB2_4-.Ltmp4, $3  }
0xc1: {  	_ =	sdelay $0x1  }
0xc2: {  	s16 =	sadd.s32 $0x1C780, s16;
	s15 =	sadd.s32 $0x340, s15  }
0xc3: {  	[tilespmem:s24], [sflag:$0x1] =	stream.indirect.gather [hbm4b:s1+s29], $0x80, s16, s29, $0xb8;
	[tilespmem:$0x1EE80] =	vst v63  }
.LBB2_7:
0xc4: {  	_ =	sfence.sel $0x180000  }
0xc5: {  	[bflag:$0x0] =	sbarrier.arrive $0xFFFF  }
0xc6: {  	_ =	strace $0x9000004A  }
0xc7: {  	s0 =	stileid.u32;
	[bflag:$0x2] =	sbarrier.arrive $0xFFFF  }
0xc8: {  	p0 =	sne.s32 s0, $0x0;
	s0 =	rddreg [dreg:$0x3]  }
0xc9: {  	s0 =	sadd.s32 @!p0 $0x100000, s0  }
0xca: {  	[sflag:s0] =	ssyncadd.tile.s32 @!p0 $0x1;
	_ =	shalt  }
.Lfunc_end2:
_tile_overlayer_lowered:
.L_overlay_start_2:
0xcb: {  	(tag) =	ssettag $0x2  }
0xcc: {  	s0 =	rddreg [dreg:$0x0];
	s2 =	stileid.u32  }
0xcd: {  	s1 =	rddreg [dreg:$0x1];
	p0 =	sne.s32 s2, $0x0  }
0xce: {  	s3 =	rddreg [dreg:$0x2];
	[bflag:$0x3] =	sbarrier.arrive $0xFFFF;
	s2 =	simm.s32 @!p0 $0x1C05  }
0xcf: {  	[timem:s3], [sflag:s2] =	dma.local @!p0 [hbm:s0], s1  }
0xd0: {  	s0 =	simm.s32 @!p0 $0x5  }
0xd1: {  	_ =	swait.ge @!p0 [sflag:s0], s1  }
0xd2: {  	s1 =	ssub.s32 @!p0 $0x0, s1;
	[sflag:s0] =	ssyncset.done @!p0 $0x0  }
0xd3: {  	[sflag:s0] =	ssyncadd.s32 @!p0 s1  }
0xd4: {  	[bflag:$0x3] =	sbarrier.arrive $0xFFFF  }
0xd5: {  	_ =	shalt  }

// kernel: kernel.13.cloned.1.call-start
scs
__scs_entry_jumppad:
0x0: {  	(pc) =	sbr.rel $0x88, $3  }
0x1: {  	(tag) =	ssettag $0x0;
	lr =	simm.s32 $0x1  }
0x2: {  	[smem:$0x3F8A] =	sst lr;
	_ =	strace $0xD0000000  }
0x3: {  	_ = 	snop  }
0x4: {  	_ = 	snop  }
0x5: {  	_ = 	snop  }
0x6: {  	_ = 	snop  }
0x7: {  	_ = 	snop  }
__scs_overlays_trampoline_lowered:
0x8: {  	[smem:$0x3F99] =	sst s0  }
0x9: {  	[smem:$0x3F9A] =	sst s1  }
0xa: {  	[smem:$0x3F9B] =	sst s2  }
0xb: {  	[smem:$0x3F9C] =	sst s3  }
0xc: {  	[smem:$0x3F9D] =	sst s4  }
0xd: {  	[smem:$0x3F9E] =	sst s5  }
0xe: {  	[smem:$0x3F9F] =	sst s6  }
0xf: {  	[smem:$0x3FA0] =	sst s7  }
0x10: {  	[smem:$0x3FA1] =	sst s8  }
0x11: {  	[smem:$0x3FA2] =	sst s9;
	s0 =	simm.s32 @!p0 $0x0  }
0x12: {  	s1 =	sld [smem:$0x3F88];
	s0 =	simm.s32 @p0 $0x1  }
0x13: {  	[smem:$0x3FA3] =	sst s0;
	s0 =	simm.s32 @!p1 $0x0  }
0x14: {  	s2 =	sld [smem:$0x3F87];
	s0 =	simm.s32 @p1 $0x1  }
0x15: {  	[smem:$0x3FA4] =	sst s0;
	s0 =	simm.s32 @!p2 $0x0  }
0x16: {  	s3 =	sld [smem:$0x3FDB];
	s0 =	simm.s32 @p2 $0x1  }
0x17: {  	s4 =	simm.s32 $0x1BF5;
	[smem:$0x3FA6] =	sst s0  }
0x18: {  	s0 =	sld [smem:$0x3F89];
	_ =	swait.ge [sflag:s4], $0x0  }
0x19: {  	s7 =	sld [smem:$0x3F8A]  }
0x1a: {  	s8 =	sadd.s32 $0xFFFFE003, lr  }
0x1b: {  	s9 =	sadd.s32 $0xFFFFFEF7, lr;
	s5 =	simm.s32 $0xFFFFFFFF;
	p2 =	slt.u32 s8, $0xFFFFF086  }
0x1c: {  	p1 =	slt.u32 s9, $0xF7A;
	s5 =	simm.s32 @!p2 $0x0  }
0x1d: {  	s5 =	simm.s32 @p1 $0x1;
	p0 =	seq.s32 s7, s2  }
0x1e: {  	s7 =	smul.u32 @!p0 $0xF7A, s2;
	p2 =	seq.s32 @!p0 s5, $0x0  }
0x1f: {  	s9 =	smul.u32 $0xF7A, s1;
	s8 =	simm.s32 @!p0 $0x1BF5;
	p2 =	por !p2, p0  }
0x20: {  	[sflag:s8] =	ssyncset.s32 @!p0 $0xFFFFF086;
	s6 =	sadd.s32 @!p0 s3, s7;
	s7 =	simm.s32 @!p0 $0x108  }
0x21: {  	s3 =	sadd.s32 s3, s9;
	s6 =	sadd.s32 @!p0 $0x88, s6;
	s7 =	simm.s32 @p2 $0x1082  }
0x22: {  	[simem:s7], [sflag:s8] =	dma.local @!p0 [hbm:s6], $0xF7A  }
0x23: {  	s9 =	sor.u32 $0xD0000000, s2;
	s6 =	simm.s32 $0x108;
	_ =	swait.ge @!p0 [sflag:s8], $0x0  }
0x24: {  	s3 =	sadd.s32 $0x88, s3;
	s6 =	simm.s32 @!p1 $0x1082;
	[sflag:s4] =	ssyncset.s32 $0xFFFFF086  }
0x25: {  	[simem:s6], [sflag:s4] =	dma.local [hbm:s3], $0xF7A  }
0x26: {  	[smem:$0x3F8A] =	sst s1;
	(tag) =	ssettag s2;
	_ =	strace s9  }
0x27: {  	s1 =	sld [smem:$0x3F9A]  }
0x28: {  	s2 =	sld [smem:$0x3F9B]  }
0x29: {  	s4 =	sld [smem:$0x3F9D]  }
0x2a: {  	p0 =	seq.s32 s5, $0x0;
	s5 =	sld [smem:$0x3F9E]  }
0x2b: {  	s6 =	sld [smem:$0x3F9F]  }
0x2c: {  	s7 =	sld [smem:$0x3FA0]  }
0x2d: {  	s3 =	simm.s32 $0x108;
	s8 =	sld [smem:$0x3FA1]  }
0x2e: {  	s3 =	simm.s32 @!p0 $0x1082;
	s9 =	sld [smem:$0x3FA2]  }
0x2f: {  	lr =	sadd.s32 s0, s3;
	s0 =	sld [smem:$0x3F99]  }
0x30: {  	s3 =	sld [smem:$0x3F9C]  }
0x31: {  	[smem:$0x3FA5] =	sst s10  }
0x32: {  	s10 =	sld [smem:$0x3FA3];
	_ =	sdelay $0x3  }
0x33: {  	p0 =	seq.s32 s10, $0x1;
	s10 =	sld [smem:$0x3FA5];
	_ =	sdelay $0x3  }
0x34: {  	[smem:$0x3FA5] =	sst s10  }
0x35: {  	s10 =	sld [smem:$0x3FA4];
	_ =	sdelay $0x3  }
0x36: {  	p1 =	seq.s32 s10, $0x1;
	s10 =	sld [smem:$0x3FA5];
	_ =	sdelay $0x3  }
0x37: {  	[smem:$0x3FA5] =	sst s10  }
0x38: {  	s10 =	sld [smem:$0x3FA6]  }
0x39: {  	_ = 	snop;
	(pc) =	sbr.ind lr, $3  }
0x3a: {  	_ = 	snop  }
0x3b: {  	_ = 	snop  }
0x3c: {  	p2 =	seq.s32 s10, $0x1;
	s10 =	sld [smem:$0x3FA5]  }
0x3d: {  	_ =	shalt  }
0x3e: {  	_ =	shalt  }
0x3f: {  	_ =	shalt  }
0x40: {  	_ =	shalt  }
0x41: {  	_ =	shalt  }
0x42: {  	_ =	shalt  }
0x43: {  	_ =	shalt  }
0x44: {  	_ =	shalt  }
0x45: {  	_ =	shalt  }
0x46: {  	_ =	shalt  }
0x47: {  	_ =	shalt  }
0x48: {  	_ =	shalt  }
0x49: {  	_ =	shalt  }
0x4a: {  	_ =	shalt  }
0x4b: {  	_ =	shalt  }
0x4c: {  	_ =	shalt  }
0x4d: {  	_ =	shalt  }
0x4e: {  	_ =	shalt  }
0x4f: {  	_ =	shalt  }
0x50: {  	_ =	shalt  }
0x51: {  	_ =	shalt  }
0x52: {  	_ =	shalt  }
0x53: {  	_ =	shalt  }
0x54: {  	_ =	shalt  }
0x55: {  	_ =	shalt  }
0x56: {  	_ =	shalt  }
0x57: {  	_ =	shalt  }
0x58: {  	_ =	shalt  }
0x59: {  	_ =	shalt  }
0x5a: {  	_ =	shalt  }
0x5b: {  	_ =	shalt  }
0x5c: {  	_ =	shalt  }
0x5d: {  	_ =	shalt  }
0x5e: {  	_ =	shalt  }
0x5f: {  	_ =	shalt  }
0x60: {  	_ =	shalt  }
0x61: {  	_ =	shalt  }
0x62: {  	_ =	shalt  }
0x63: {  	_ =	shalt  }
0x64: {  	_ =	shalt  }
0x65: {  	_ =	shalt  }
0x66: {  	_ =	shalt  }
0x67: {  	_ =	shalt  }
0x68: {  	_ =	shalt  }
0x69: {  	_ =	shalt  }
0x6a: {  	_ =	shalt  }
0x6b: {  	_ =	shalt  }
0x6c: {  	_ =	shalt  }
0x6d: {  	_ =	shalt  }
0x6e: {  	_ =	shalt  }
0x6f: {  	_ =	shalt  }
0x70: {  	_ =	shalt  }
0x71: {  	_ =	shalt  }
0x72: {  	_ =	shalt  }
0x73: {  	_ =	shalt  }
0x74: {  	_ =	shalt  }
0x75: {  	_ =	shalt  }
0x76: {  	_ =	shalt  }
0x77: {  	_ =	shalt  }
0x78: {  	_ =	shalt  }
0x79: {  	_ =	shalt  }
0x7a: {  	_ =	shalt  }
0x7b: {  	_ =	shalt  }
0x7c: {  	_ =	shalt  }
0x7d: {  	_ =	shalt  }
0x7e: {  	_ =	shalt  }
0x7f: {  	_ =	shalt  }
0x80: {  	_ =	shalt  }
0x81: {  	_ =	shalt  }
0x82: {  	_ =	shalt  }
0x83: {  	_ =	shalt  }
0x84: {  	_ =	shalt  }
0x85: {  	_ =	shalt  }
0x86: {  	_ =	shalt  }
0x87: {  	_ =	shalt  }
.Lfunc_end0:
.L_simem_size_0:
called_computation.1_lowered:
.L_overlay_start_0:
0x88: {  	s2 =	sld [smem:$0x3FD9]  }
0x89: {  	s3 =	sld [smem:$0x3FFE];
	_ =	sdelay $0x1  }
0x8a: {  	s1 =	srdreg.scid  }
0x8b: {  	s0 =	sand.u32 $0x1, s1  }
0x8c: {  	s16 =	sshll.u32 s0, $0xA;
	s2 =	sadd.s32 s3, s2  }
0x8d: {  	s2 =	sadd.s32 s2, s16  }
0x8e: {  	[smem:$0x3FB1] =	sst s2  }
0x8f: {  	_ = 	snop  }
0x90: {  	(tm) =	ssettm $0x1  }
0x91: {  	s17 =	sld [smem:$0x3FFB];
	_ =	sdelay $0x3  }
0x92: {  	_ =	strace s17  }
0x93: {  	s2 =	sld [smem:$0x3FFC];
	_ =	sdelay $0x3  }
0x94: {  	_ =	strace s2  }
0x95: {  	s2 =	sld [smem:$0x3FFD];
	_ =	sdelay $0x3  }
0x96: {  	_ =	strace s2  }
0x97: {  	_ =	strace $0x8FFFFFFF  }
0x98: {  	s18 =	sld [smem:$0x3FDB];
	_ =	sdelay $0x1  }
0x99: {  	s19 =	simm.s32 $_scs_section_size  }
0x9a: {  	s4 =	simm.s32 $_size__tile_overlayer_lowered;
	s5 =	simm.s32 $_tile_overlayer_lowered  }
0x9b: {  	s22 =	simm.s32 $0x1BFF;
	s21 =	sshll.u32 s5, $0x1;
	s2 =	sadd.s32 s19, s18  }
0x9c: {  	s6 =	simm.s32 $0x0;
	s20 =	sshll.u32 s4, $0x1;
	s4 =	sadd.s32 s21, s2  }
0x9d: {  	[timem:s6], [sflag:s22] =	dma.local [hbm:s4], s20  }
0x9e: {  	_ =	swait.ge [sflag:s22], s20  }
0x9f: {  	s3 =	ssub.s32 $0x0, s20;
	[sflag:s22] =	ssyncset.done $0x0  }
0xa0: {  	[sflag:s22] =	ssyncadd.s32 s3;
	_ =	sdelay $0x1  }
0xa1: {  	s23 =	simm.s32 $0x1B8B  }
0xa2: {  	_ =	swait.ge [sflag:s23], $0x1  }
0xa3: {  	[sflag:s23] =	ssyncset.done $0x0  }
0xa4: {  	s25 =	simm.s32 $0x1B8E;
	s24 =	sld [smem:$0x3FFE];
	[sflag:s23] =	ssyncadd.s32 $0xFFFFFFFF  }
0xa5: {  	s26 =	simm.s32 $execute0_lowered;
	[smem:$0x3FD2] =	sst s25  }
0xa6: {  	s4 =	sshll.u32 s26, $0x1;
	_ =	strace $0x80000046;
	[dreg:$0x1] =	wrdreg $0xFFFFFFFF  }
0xa7: {  	s28 =	simm.s32 $_size_execute0_lowered;
	s2 =	sadd.s32 s2, s4;
	[dreg:$0x0] =	wrdreg $0x0  }
0xa8: {  	s4 =	sshll.u32 s28, $0x1;
	[dreg:$0x2] =	wrdreg s2  }
0xa9: {  	[dreg:$0x3] =	wrdreg s4  }
0xaa: {  	[dreg:$0x4] =	wrdreg $0xC0  }
0xab: {  	_ =	task [dreg:s6], $0x5FFFF  }
0xac: {  	[dreg:$0x1] =	wrdreg $0xFFFFFFFF  }
0xad: {  	[dreg:$0x0] =	wrdreg $0x60  }
0xae: {  	[dreg:$0x2] =	wrdreg s24  }
0xaf: {  	[dreg:$0x3] =	wrdreg $0xA  }
0xb0: {  	_ =	task.clear_ibuf [dreg:s6], $0x4FFFF;
	_ =	strace $0x90000046  }
0xb1: {  	s29 =	simm.s32 $0xA;
	_ =	strace $0x80000048  }
0xb2: {  	_ =	swait.ge [sflag:s29], $0x1  }
0xb3: {  	[sflag:s29] =	ssyncadd.s32 $0xFFFFFFFF  }
0xb4: {  	_ =	strace $0x90000048  }
0xb5: {  	_ =	sfence  }
0xb6: {  	s30 =	sld [smem:$0x0];
	_ =	sdelay $0x2  }
0xb7: {  	s31 =	sshll.u32 s1, $0xD;
	s1 =	sshrl.u32 s1, $0x2  }
0xb8: {  	s3 =	sand.u32 $0x4000, s31;
	s1 =	sadd.s32 s1, s30  }
0xb9: {  	s0 =	sor.u32 s3, s0;
	s1 =	sshll.u32 s1, $0x11  }
0xba: {  	s0 =	sor.u32 s1, s0  }
0xbb: {  	s0 =	sadd.s32 $0x8F2B, s0  }
0xbc: {  	[sflag:s0] =	ssyncadd.remote.s32 $0x1  }
0xbd: {  	_ =	sfence.sel $0xFFFF  }
0xbe: {  	[dreg:$0x0] =	wrdreg $0xFFFFFFFF;
	(pc) =	sbr.abs _section_cstart, $3  }
0xbf: {  	[dreg:$0x1] =	wrdreg $0xFFFFFFFF  }
0xc0: {  	_ =	task.clear_ibuf [dreg:s6], $0x2FFFF;
	_ =	strace $0x9FFFFFFF  }
0xc1: {  	(tm) =	ssettm $0x7FFFFFFF  }
tec
execute0_lowered:
.L_overlay_start_1:
0x0: {  	(tag) =	ssettag $0x1  }
0x1: {  	s1 =	srdreg.scid;
	s0 =	stileid.u32  }
0x2: {  	s4 =	rddreg [dreg:$0x0];
	s9 =	simm.s32 $0x400;
	s10 =	simm.s32 $0x0  }
0x3: {  	s3 =	sand.u32 $0x1, s1;
	s2 =	sshrl.u32 s0, $0x3;
	s1 =	rddreg [dreg:$0x1]  }
0x4: {  	s7 =	sshll.u32 s0, $0x1;
	s8 =	sshll.u32 s0, $0x7;
	s5 =	smul.u32 $0x27800, s3  }
0x5: {  	s6 =	smul.u32 $0x13C00, s2;
	s2 =	simm.s32 $0x0;
	s7 =	sor.u32 s3, s7  }
0x6: {  	s29 =	sand.u32 $0x380, s8;
	s3 =	ssub.s32 $0x2, s3;
	s8 =	simm.s32 $0x80  }
0x7: {  	[smem:$0x7FF] =	sst s2;
	s7 =	smul.u32 $0x4E2, s7;
	s5 =	sadd.s32 s5, s6  }
0x8: {  	s31 =	sshrl.u32 s3, $0x1;
	_ =	strace $0x80000047;
	s5 =	sor.u32 s29, s5  }
0x9: {  	s6 =	simm.s32 $0x2780;
	s30 =	sadd.s32 s7, s4;
	s5 =	sshrl.u32 s5, $0x3  }
0xa: {  	s7 =	simm.s32 $0x1;
	s4 =	sadd.s32 s5, s4;
	s5 =	ssub.s32 s3, s31  }
0xb: {  	v0 =	vimm.f32 $0.0e+00;
	v1 =	vimm.f32 $1.000000000e+00;
	s3 =	sadd.s32 $0x5200, s30;
	s4 =	sadd.s32 $0x18E00, s4;
	s5 =	smax.u32 s5, $0x1  }
.LBB2_1:
0xc: {  	s11 =	simm.s32 $0x40;
	s12 =	simm.s32 $0x0  }
.LBB2_2:
0xd: {  	p0 =	sne.s32 s11, $0x9C00;
	[tilespmem:s12+$0x0] =	vst v0;
	s12 =	smov.u32 s11;
	s11 =	sadd.s32 $0x40, s11  }
.Ltmp0:
0xe: {  	(pc) =	sbr.rel @p0 .LBB2_2-.Ltmp0, $2  }
0xf: {  	_ =	sdelay $0x2  }
0x10: {  	s12 =	sshra.s32 s12, $0x2  }
0x11: {  	[tilespmem:s12+$0x0] =	vst v0;
	s11 =	simm.s32 $0x0  }
0x12: {  	[tilespmem:s6], [sflag:$0x1] =	stream.linear.gather [hbm4b:s3+s11], $0x2710, $0x38;
	[tilespmem:$0x4F00] =	vst v63  }
0x13: {  	_ =	swait.ge [sflag:s7], $0x2710  }
0x14: {  	[sflag:s7] =	ssyncset.done $0x0  }
0x15: {  	s12 =	simm.s32 $0x0;
	s11 =	simm.s32 $0x40;
	[sflag:s7] =	ssyncadd.s32 $0xFFFFD8F0  }
.LBB2_4:
0x16: {  	p0 =	sne.s32 s11, $0x9C00;
	v2 =	vld [tilespmem:s12+$0x2780];
	_ =	sdelay $0x3  }
.Ltmp1:
0x17: {  	(pc) =	sbr.rel @p0 .LBB2_4-.Ltmp1, $2  }
0x18: {  	_ =	sdelay $0x2  }
0x19: {  	s12 =	sshra.s32 s11, $0x2;
	s11 =	sadd.s32 $0x40, s11;
	[tilespmem:v2+s2+$0x0] =	vst.idx.add.f32.msk $0xffff, v1  }
0x1a: {  	v2 =	vld [tilespmem:s12+$0x2780];
	_ =	sdelay $0x5  }
0x1b: {  	s10 =	sadd.s32 $0x1, s10  }
0x1c: {  	p0 =	sne.s32 s10, s5  }
.Ltmp2:
0x1d: {  	[tilespmem:v2+s2+$0x0] =	vst.idx.add.f32.msk $0xffff, v1;
	(pc) =	sbr.rel @p0 .LBB2_1-.Ltmp2, $4  }
0x1e: {  	[hbm4b:s4+s8] =	stream.strided.scatter [tilespmem:s2], [sflag:$0x1], $0x2780, s9, s8, $0x38;
	[tilespmem:$0x4F00] =	vst v63  }
0x1f: {  	_ =	swait.ge [sflag:s7], $0x2780  }
0x20: {  	[sflag:s7] =	ssyncset.done $0x0  }
0x21: {  	[sflag:s7] =	ssyncadd.s32 $0xFFFFD880  }
0x22: {  	_ =	sfence.sel $0x180000  }
0x23: {  	[bflag:$0x0] =	sbarrier.arrive $0xFFFF  }
0x24: {  	p0 =	sne.s32 s0, $0x0;
	_ =	strace $0x90000047  }
0x25: {  	s0 =	sadd.s32 @!p0 $0x100000, s1;
	[bflag:$0x2] =	sbarrier.arrive $0xFFFF  }
0x26: {  	[sflag:s0] =	ssyncadd.tile.s32 @!p0 $0x1;
	_ =	shalt  }
.Lfunc_end2:
_tile_overlayer_lowered:
.L_overlay_start_2:
0x27: {  	(tag) =	ssettag $0x2  }
0x28: {  	s0 =	rddreg [dreg:$0x0];
	s2 =	stileid.u32  }
0x29: {  	s1 =	rddreg [dreg:$0x1];
	p0 =	sne.s32 s2, $0x0  }
0x2a: {  	s3 =	rddreg [dreg:$0x2];
	[bflag:$0x3] =	sbarrier.arrive $0xFFFF;
	s2 =	simm.s32 @!p0 $0x1C01  }
0x2b: {  	[timem:s3], [sflag:s2] =	dma.local @!p0 [hbm:s0], s1  }
0x2c: {  	s0 =	simm.s32 @!p0 $0x1  }
0x2d: {  	_ =	swait.ge @!p0 [sflag:s0], s1  }
0x2e: {  	s1 =	ssub.s32 @!p0 $0x0, s1;
	[sflag:s0] =	ssyncset.done @!p0 $0x0  }
0x2f: {  	[sflag:s0] =	ssyncadd.s32 @!p0 s1  }
0x30: {  	[bflag:$0x3] =	sbarrier.arrive $0xFFFF  }
0x31: {  	_ =	shalt  }

// kernel: kernel.16.cloned.1.call-start
scs
__scs_entry_jumppad:
0x0: {  	(pc) =	sbr.rel $0x88, $3  }
0x1: {  	(tag) =	ssettag $0x0;
	lr =	simm.s32 $0x1  }
0x2: {  	[smem:$0x3F8A] =	sst lr;
	_ =	strace $0xD0000000  }
0x3: {  	_ = 	snop  }
0x4: {  	_ = 	snop  }
0x5: {  	_ = 	snop  }
0x6: {  	_ = 	snop  }
0x7: {  	_ = 	snop  }
__scs_overlays_trampoline_lowered:
0x8: {  	[smem:$0x3F99] =	sst s0  }
0x9: {  	[smem:$0x3F9A] =	sst s1  }
0xa: {  	[smem:$0x3F9B] =	sst s2  }
0xb: {  	[smem:$0x3F9C] =	sst s3  }
0xc: {  	[smem:$0x3F9D] =	sst s4  }
0xd: {  	[smem:$0x3F9E] =	sst s5  }
0xe: {  	[smem:$0x3F9F] =	sst s6  }
0xf: {  	[smem:$0x3FA0] =	sst s7  }
0x10: {  	[smem:$0x3FA1] =	sst s8  }
0x11: {  	[smem:$0x3FA2] =	sst s9;
	s0 =	simm.s32 @!p0 $0x0  }
0x12: {  	s1 =	sld [smem:$0x3F88];
	s0 =	simm.s32 @p0 $0x1  }
0x13: {  	[smem:$0x3FA3] =	sst s0;
	s0 =	simm.s32 @!p1 $0x0  }
0x14: {  	s2 =	sld [smem:$0x3F87];
	s0 =	simm.s32 @p1 $0x1  }
0x15: {  	[smem:$0x3FA4] =	sst s0;
	s0 =	simm.s32 @!p2 $0x0  }
0x16: {  	s3 =	sld [smem:$0x3FDB];
	s0 =	simm.s32 @p2 $0x1  }
0x17: {  	s4 =	simm.s32 $0x1BF5;
	[smem:$0x3FA6] =	sst s0  }
0x18: {  	s0 =	sld [smem:$0x3F89];
	_ =	swait.ge [sflag:s4], $0x0  }
0x19: {  	s7 =	sld [smem:$0x3F8A]  }
0x1a: {  	s8 =	sadd.s32 $0xFFFFE003, lr  }
0x1b: {  	s9 =	sadd.s32 $0xFFFFFEF7, lr;
	s5 =	simm.s32 $0xFFFFFFFF;
	p2 =	slt.u32 s8, $0xFFFFF086  }
0x1c: {  	p1 =	slt.u32 s9, $0xF7A;
	s5 =	simm.s32 @!p2 $0x0  }
0x1d: {  	s5 =	simm.s32 @p1 $0x1;
	p0 =	seq.s32 s7, s2  }
0x1e: {  	s7 =	smul.u32 @!p0 $0xF7A, s2;
	p2 =	seq.s32 @!p0 s5, $0x0  }
0x1f: {  	s9 =	smul.u32 $0xF7A, s1;
	s8 =	simm.s32 @!p0 $0x1BF5;
	p2 =	por !p2, p0  }
0x20: {  	[sflag:s8] =	ssyncset.s32 @!p0 $0xFFFFF086;
	s6 =	sadd.s32 @!p0 s3, s7;
	s7 =	simm.s32 @!p0 $0x108  }
0x21: {  	s3 =	sadd.s32 s3, s9;
	s6 =	sadd.s32 @!p0 $0x88, s6;
	s7 =	simm.s32 @p2 $0x1082  }
0x22: {  	[simem:s7], [sflag:s8] =	dma.local @!p0 [hbm:s6], $0xF7A  }
0x23: {  	s9 =	sor.u32 $0xD0000000, s2;
	s6 =	simm.s32 $0x108;
	_ =	swait.ge @!p0 [sflag:s8], $0x0  }
0x24: {  	s3 =	sadd.s32 $0x88, s3;
	s6 =	simm.s32 @!p1 $0x1082;
	[sflag:s4] =	ssyncset.s32 $0xFFFFF086  }
0x25: {  	[simem:s6], [sflag:s4] =	dma.local [hbm:s3], $0xF7A  }
0x26: {  	[smem:$0x3F8A] =	sst s1;
	(tag) =	ssettag s2;
	_ =	strace s9  }
0x27: {  	s1 =	sld [smem:$0x3F9A]  }
0x28: {  	s2 =	sld [smem:$0x3F9B]  }
0x29: {  	s4 =	sld [smem:$0x3F9D]  }
0x2a: {  	p0 =	seq.s32 s5, $0x0;
	s5 =	sld [smem:$0x3F9E]  }
0x2b: {  	s6 =	sld [smem:$0x3F9F]  }
0x2c: {  	s7 =	sld [smem:$0x3FA0]  }
0x2d: {  	s3 =	simm.s32 $0x108;
	s8 =	sld [smem:$0x3FA1]  }
0x2e: {  	s3 =	simm.s32 @!p0 $0x1082;
	s9 =	sld [smem:$0x3FA2]  }
0x2f: {  	lr =	sadd.s32 s0, s3;
	s0 =	sld [smem:$0x3F99]  }
0x30: {  	s3 =	sld [smem:$0x3F9C]  }
0x31: {  	[smem:$0x3FA5] =	sst s10  }
0x32: {  	s10 =	sld [smem:$0x3FA3];
	_ =	sdelay $0x3  }
0x33: {  	p0 =	seq.s32 s10, $0x1;
	s10 =	sld [smem:$0x3FA5];
	_ =	sdelay $0x3  }
0x34: {  	[smem:$0x3FA5] =	sst s10  }
0x35: {  	s10 =	sld [smem:$0x3FA4];
	_ =	sdelay $0x3  }
0x36: {  	p1 =	seq.s32 s10, $0x1;
	s10 =	sld [smem:$0x3FA5];
	_ =	sdelay $0x3  }
0x37: {  	[smem:$0x3FA5] =	sst s10  }
0x38: {  	s10 =	sld [smem:$0x3FA6]  }
0x39: {  	_ = 	snop;
	(pc) =	sbr.ind lr, $3  }
0x3a: {  	_ = 	snop  }
0x3b: {  	_ = 	snop  }
0x3c: {  	p2 =	seq.s32 s10, $0x1;
	s10 =	sld [smem:$0x3FA5]  }
0x3d: {  	_ =	shalt  }
0x3e: {  	_ =	shalt  }
0x3f: {  	_ =	shalt  }
0x40: {  	_ =	shalt  }
0x41: {  	_ =	shalt  }
0x42: {  	_ =	shalt  }
0x43: {  	_ =	shalt  }
0x44: {  	_ =	shalt  }
0x45: {  	_ =	shalt  }
0x46: {  	_ =	shalt  }
0x47: {  	_ =	shalt  }
0x48: {  	_ =	shalt  }
0x49: {  	_ =	shalt  }
0x4a: {  	_ =	shalt  }
0x4b: {  	_ =	shalt  }
0x4c: {  	_ =	shalt  }
0x4d: {  	_ =	shalt  }
0x4e: {  	_ =	shalt  }
0x4f: {  	_ =	shalt  }
0x50: {  	_ =	shalt  }
0x51: {  	_ =	shalt  }
0x52: {  	_ =	shalt  }
0x53: {  	_ =	shalt  }
0x54: {  	_ =	shalt  }
0x55: {  	_ =	shalt  }
0x56: {  	_ =	shalt  }
0x57: {  	_ =	shalt  }
0x58: {  	_ =	shalt  }
0x59: {  	_ =	shalt  }
0x5a: {  	_ =	shalt  }
0x5b: {  	_ =	shalt  }
0x5c: {  	_ =	shalt  }
0x5d: {  	_ =	shalt  }
0x5e: {  	_ =	shalt  }
0x5f: {  	_ =	shalt  }
0x60: {  	_ =	shalt  }
0x61: {  	_ =	shalt  }
0x62: {  	_ =	shalt  }
0x63: {  	_ =	shalt  }
0x64: {  	_ =	shalt  }
0x65: {  	_ =	shalt  }
0x66: {  	_ =	shalt  }
0x67: {  	_ =	shalt  }
0x68: {  	_ =	shalt  }
0x69: {  	_ =	shalt  }
0x6a: {  	_ =	shalt  }
0x6b: {  	_ =	shalt  }
0x6c: {  	_ =	shalt  }
0x6d: {  	_ =	shalt  }
0x6e: {  	_ =	shalt  }
0x6f: {  	_ =	shalt  }
0x70: {  	_ =	shalt  }
0x71: {  	_ =	shalt  }
0x72: {  	_ =	shalt  }
0x73: {  	_ =	shalt  }
0x74: {  	_ =	shalt  }
0x75: {  	_ =	shalt  }
0x76: {  	_ =	shalt  }
0x77: {  	_ =	shalt  }
0x78: {  	_ =	shalt  }
0x79: {  	_ =	shalt  }
0x7a: {  	_ =	shalt  }
0x7b: {  	_ =	shalt  }
0x7c: {  	_ =	shalt  }
0x7d: {  	_ =	shalt  }
0x7e: {  	_ =	shalt  }
0x7f: {  	_ =	shalt  }
0x80: {  	_ =	shalt  }
0x81: {  	_ =	shalt  }
0x82: {  	_ =	shalt  }
0x83: {  	_ =	shalt  }
0x84: {  	_ =	shalt  }
0x85: {  	_ =	shalt  }
0x86: {  	_ =	shalt  }
0x87: {  	_ =	shalt  }
.Lfunc_end0:
.L_simem_size_0:
called_computation.2_lowered:
.L_overlay_start_0:
0x88: {  	s2 =	sld [smem:$0x3FD9]  }
0x89: {  	s3 =	sld [smem:$0x3FFE];
	_ =	sdelay $0x1  }
0x8a: {  	s1 =	srdreg.scid  }
0x8b: {  	s0 =	sand.u32 $0x1, s1  }
0x8c: {  	s14 =	sshll.u32 s0, $0xA;
	s2 =	sadd.s32 s3, s2  }
0x8d: {  	s2 =	sadd.s32 s2, s14  }
0x8e: {  	[smem:$0x3FB1] =	sst s2  }
0x8f: {  	_ = 	snop  }
0x90: {  	s2 =	sld [smem:$0x3FD0];
	_ =	sdelay $0x2  }
0x91: {  	s15 =	simm.s32 $0xB;
	s4 =	simm.s32 $0x10  }
0x92: {  	[smem:s4], [sflag:s15] =	dma.local [hbm:s2], $0x1  }
0x93: {  	_ =	swait.eq [sflag:s15], $0x1  }
0x94: {  	[sflag:s15] =	ssyncset.done $0x0  }
0x95: {  	[sflag:s15] =	ssyncadd.s32 $0xFFFFFFFF  }
0x96: {  	s16 =	sld [smem:$0x11];
	(tm) =	ssettm $0x1  }
0x97: {  	s17 =	sld [smem:$0x3FFB];
	_ =	sdelay $0x3  }
0x98: {  	_ =	strace s17  }
0x99: {  	s3 =	sld [smem:$0x3FFC];
	_ =	sdelay $0x3  }
0x9a: {  	_ =	strace s3  }
0x9b: {  	s3 =	sld [smem:$0x3FFD];
	_ =	sdelay $0x3  }
0x9c: {  	_ =	strace s3  }
0x9d: {  	_ =	strace $0x8FFFFFFF  }
0x9e: {  	s18 =	sld [smem:$0x3FDB];
	_ =	sdelay $0x1  }
0x9f: {  	s19 =	simm.s32 $_scs_section_size  }
0xa0: {  	s5 =	simm.s32 $_size__tile_overlayer_lowered;
	s6 =	simm.s32 $_tile_overlayer_lowered  }
0xa1: {  	s22 =	simm.s32 $0x1BFF;
	s21 =	sshll.u32 s6, $0x1;
	s3 =	sadd.s32 s19, s18  }
0xa2: {  	s7 =	simm.s32 $0x0;
	s20 =	sshll.u32 s5, $0x1;
	s5 =	sadd.s32 s21, s3  }
0xa3: {  	[timem:s7], [sflag:s22] =	dma.local [hbm:s5], s20  }
0xa4: {  	_ =	swait.ge [sflag:s22], s20  }
0xa5: {  	s4 =	ssub.s32 $0x0, s20;
	[sflag:s22] =	ssyncset.done $0x0  }
0xa6: {  	[sflag:s22] =	ssyncadd.s32 s4;
	_ =	sdelay $0x1  }
0xa7: {  	s23 =	simm.s32 $0x1B8B  }
0xa8: {  	_ =	swait.ge [sflag:s23], $0x1  }
0xa9: {  	[sflag:s23] =	ssyncset.done $0x0  }
0xaa: {  	s25 =	simm.s32 $0x1B8E;
	s24 =	sld [smem:$0x3FFE];
	[sflag:s23] =	ssyncadd.s32 $0xFFFFFFFF  }
0xab: {  	s26 =	simm.s32 $execute0_lowered;
	[smem:$0x3FD2] =	sst s25  }
0xac: {  	s5 =	sshll.u32 s26, $0x1;
	_ =	strace $0x8000004C;
	[dreg:$0x1] =	wrdreg $0xFFFFFFFF  }
0xad: {  	s28 =	simm.s32 $_size_execute0_lowered;
	s3 =	sadd.s32 s3, s5;
	[dreg:$0x0] =	wrdreg $0x0  }
0xae: {  	s5 =	sshll.u32 s28, $0x1;
	[dreg:$0x2] =	wrdreg s3  }
0xaf: {  	[dreg:$0x3] =	wrdreg s5  }
0xb0: {  	[dreg:$0x4] =	wrdreg $0xC0  }
0xb1: {  	_ =	task [dreg:s7], $0x5FFFF  }
0xb2: {  	[dreg:$0x1] =	wrdreg $0xFFFFFFFF  }
0xb3: {  	[dreg:$0x0] =	wrdreg $0x60  }
0xb4: {  	[dreg:$0x2] =	wrdreg s16  }
0xb5: {  	[dreg:$0x3] =	wrdreg s24  }
0xb6: {  	[dreg:$0x4] =	wrdreg $0x0  }
0xb7: {  	[dreg:$0x5] =	wrdreg $0x9  }
0xb8: {  	_ =	task.clear_ibuf [dreg:s7], $0x6FFFF;
	_ =	strace $0x9000004C  }
0xb9: {  	s29 =	simm.s32 $0x9;
	_ =	strace $0x8000004E  }
0xba: {  	_ =	swait.ge [sflag:s29], $0x1  }
0xbb: {  	[sflag:s29] =	ssyncadd.s32 $0xFFFFFFFF  }
0xbc: {  	_ =	strace $0x9000004E  }
0xbd: {  	_ =	sfence  }
0xbe: {  	s30 =	sld [smem:$0x0];
	_ =	sdelay $0x2  }
0xbf: {  	s31 =	sshll.u32 s1, $0xD;
	s1 =	sshrl.u32 s1, $0x2  }
0xc0: {  	s3 =	sand.u32 $0x4000, s31;
	s1 =	sadd.s32 s1, s30  }
0xc1: {  	s0 =	sor.u32 s3, s0;
	s1 =	sshll.u32 s1, $0x11  }
0xc2: {  	s0 =	sor.u32 s1, s0  }
0xc3: {  	s0 =	sadd.s32 $0x8F2B, s0  }
0xc4: {  	[sflag:s0] =	ssyncadd.remote.s32 $0x1  }
0xc5: {  	_ =	sfence.sel $0xFFFF  }
0xc6: {  	[dreg:$0x0] =	wrdreg $0xFFFFFFFF;
	(pc) =	sbr.abs _section_cstart, $3  }
0xc7: {  	[dreg:$0x1] =	wrdreg $0xFFFFFFFF  }
0xc8: {  	_ =	task.clear_ibuf [dreg:s7], $0x2FFFF;
	_ =	strace $0x9FFFFFFF  }
0xc9: {  	(tm) =	ssettm $0x7FFFFFFF  }
tec
execute0_lowered:
.L_overlay_start_1:
0x0: {  	(tag) =	ssettag $0x1  }
0x1: {  	s1 =	rddreg [dreg:$0x0]  }
0x2: {  	s0 =	rddreg [dreg:$0x1]  }
0x3: {  	s2 =	rddreg [dreg:$0x2];
	s4 =	simm.s32 $0x0  }
0x4: {  	s3 =	srdreg.scid;
	s24 =	stileid.u32;
	s28 =	simm.s32 $0x1C780  }
0x5: {  	s29 =	simm.s32 $0x68;
	s30 =	simm.s32 $0x1;
	s31 =	simm.s32 $0x3  }
0x6: {  	[smem:$0x7FF] =	sst s4;
	s3 =	sand.u32 $0x1, s3;
	s6 =	smul.u32 $0x4E000, s24  }
0x7: {  	s12 =	sadd.s32 $0xF000, s0;
	s13 =	sadd.s32 $0x5200, s0;
	s14 =	smul.u32 $0x13800, s24  }
0x8: {  	s0 =	sadd.s32 $0x22C00, s0;
	s22 =	sshll.u32 s24, $0x1;
	s11 =	sadd.s32 $0x138000, s2  }
0x9: {  	p0 =	sne.s32 s24, $0xF;
	s24 =	simm.s32 $0x13880;
	_ =	strace $0x8000004D  }
0xa: {  	s5 =	ssub.s32 $0x2, s3;
	s23 =	sor.u32 s3, s22;
	s3 =	smul.u32 $0x138800, s3  }
0xb: {  	s7 =	sshrl.u32 s5, $0x1;
	s25 =	sshrl.u32 s6, $0x2;
	s16 =	sadd.s32 $0x3400, s14  }
0xc: {  	s17 =	sadd.s32 $0x6800, s14;
	s18 =	sadd.s32 $0x9C00, s14;
	s20 =	sadd.s32 $0xD000, s14  }
0xd: {  	s10 =	smul.u32 $0x2710, s23;
	s21 =	sadd.s32 $0x10400, s14;
	s15 =	ssub.s32 s5, s7  }
0xe: {  	s5 =	sadd.s32 s25, s2;
	s6 =	sadd.s32 s16, s2;
	s7 =	sadd.s32 s17, s2  }
0xf: {  	s8 =	sadd.s32 s18, s2;
	s9 =	sadd.s32 s20, s2;
	s14 =	sadd.s32 s14, s3  }
0x10: {  	s16 =	sadd.s32 s3, s16;
	s25 =	sadd.s32 s3, s20;
	s19 =	sshrl.u32 s10, $0x3  }
0x11: {  	s10 =	sadd.s32 s21, s2;
	s14 =	sshrl.u32 s14, $0x3;
	s22 =	sadd.s32 s12, s19  }
0x12: {  	s26 =	sadd.s32 s13, s19;
	s19 =	sadd.s32 $0x4E0, s19;
	[dreg:$0x4] =	wrdreg s22  }
0x13: {  	[dreg:$0x5] =	wrdreg s26;
	s12 =	sadd.s32 s12, s19;
	s13 =	sadd.s32 s13, s19  }
0x14: {  	s19 =	sadd.s32 s3, s17;
	s22 =	sadd.s32 s3, s18;
	[dreg:$0x6] =	wrdreg s12  }
0x15: {  	s26 =	sadd.s32 s3, s21;
	s3 =	sshrl.u32 s3, $0x3;
	[dreg:$0x7] =	wrdreg s13  }
0x16: {  	s12 =	sadd.s32 s0, s14;
	s13 =	sshrl.u32 s19, $0x3;
	s23 =	sshrl.u32 s22, $0x3  }
0x17: {  	s14 =	simm.s32 $0x0;
	[dreg:$0x8] =	wrdreg s12;
	s12 =	sshrl.u32 s16, $0x3  }
0x18: {  	s18 =	sadd.s32 s0, s13;
	s19 =	sadd.s32 s0, s23;
	s13 =	sshrl.u32 s26, $0x3  }
.Ltmp0:
0x19: {  	s23 =	smax.u32 s15, $0x1;
	s26 =	simm.s32 $0x1A080;
	(pc) =	sbr.rel .LBB2_1-.Ltmp0, $4  }
0x1a: {  	s12 =	sadd.s32 s0, s12;
	s21 =	sadd.s32 s0, s13;
	s13 =	simm.s32 $0x10  }
0x1b: {  	[dreg:$0x9] =	wrdreg s12;
	s12 =	sshrl.u32 s25, $0x3;
	s25 =	simm.s32 $0x5  }
0x1c: {  	s20 =	sadd.s32 s0, s12;
	s0 =	sadd.s32 s0, s3;
	s3 =	simm.s32 $0x2  }
0x1d: {  	v0 =	vimm.f32 $0.0e+00;
	s12 =	simm.s32 $0x4;
	s22 =	sadd.s32 $0x27000, s0;
	s0 =	simm.s32 $0x16C80  }
.LBB2_6:
0x1e: {  	_ =	swait.ge [sflag:s12], $0x3400  }
0x1f: {  	[sflag:s12] =	ssyncset.done $0x0  }
0x20: {  	s15 =	rddreg [dreg:$0x6];
	[sflag:s12] =	ssyncadd.s32 $0xFFFFCC00  }
0x21: {  	[tilespmem:s26], [sflag:$0x5] =	stream.linear.gather [hbm4b:s15+s4], $0x10, $0x38;
	[tilespmem:$0x1EE80] =	vst v63  }
0x22: {  	_ =	swait.ge [sflag:s25], $0x10  }
0x23: {  	[sflag:s25] =	ssyncset.done $0x0  }
0x24: {  	s17 =	rddreg [dreg:$0x7];
	[sflag:s25] =	ssyncadd.s32 $0xFFFFFFF0  }
0x25: {  	[tilespmem:s28], [sflag:$0x5] =	stream.linear.gather [hbm4b:s17+s4], $0x10, $0x38;
	[tilespmem:$0x1EE80] =	vst v63  }
0x26: {  	_ =	swait.ge [sflag:s25], $0x10  }
0x27: {  	[sflag:s25] =	ssyncset.done $0x0  }
0x28: {  	[sflag:s25] =	ssyncadd.s32 $0xFFFFFFF0  }
0x29: {  	[tilespmem:s24], [sflag:$0x1] =	stream.indirect.gather [hbm4b:s1+s13], $0x80, s26, s13, $0xb8;
	[tilespmem:$0x1EE80] =	vst v63  }
0x2a: {  	_ =	swait.ge [sflag:s30], $0x800  }
0x2b: {  	[sflag:s30] =	ssyncset.done $0x0  }
0x2c: {  	[sflag:s30] =	ssyncadd.s32 $0xFFFFF800  }
0x2d: {  	[spmem:s2] =	stream.indirect.scatter.add.f32 [tilespmem:s24], [sflag:$0x5], $0x80, s28, s13, $0xb8;
	[tilespmem:$0x1EE80] =	vst v63  }
0x2e: {  	_ =	swait.ge [sflag:s25], $0x800  }
0x2f: {  	[sflag:s25] =	ssyncset.done $0x0  }
0x30: {  	[sflag:s25] =	ssyncadd.s32 $0xFFFFF800  }
0x31: {  	[bflag:$0x0] =	sbarrier.arrive $0xFFFF  }
0x32: {  	[tilespmem:s24], [sflag:$0x5] =	stream.linear.gather [spmem:s5], $0x3400, $0x38;
	[tilespmem:$0x1EE80] =	vst v63  }
0x33: {  	_ =	swait.ge [sflag:s25], $0x3400  }
0x34: {  	[sflag:s25] =	ssyncset.done $0x0  }
0x35: {  	s16 =	rddreg [dreg:$0x8];
	[sflag:s25] =	ssyncadd.s32 $0xFFFFCC00  }
0x36: {  	[hbm4b:s16+s4] =	stream.linear.scatter [tilespmem:s24], [sflag:$0x5], $0x3400, $0x38;
	[tilespmem:$0x1EE80] =	vst v63  }
0x37: {  	_ =	swait.ge [sflag:s25], $0x3400  }
0x38: {  	[sflag:s25] =	ssyncset.done $0x0  }
0x39: {  	[sflag:s25] =	ssyncadd.s32 $0xFFFFCC00  }
0x3a: {  	[tilespmem:s24], [sflag:$0x5] =	stream.linear.gather [spmem:s6], $0x3400, $0x38;
	[tilespmem:$0x1EE80] =	vst v63  }
0x3b: {  	_ =	swait.ge [sflag:s25], $0x3400  }
0x3c: {  	[sflag:s25] =	ssyncset.done $0x0  }
0x3d: {  	s17 =	rddreg [dreg:$0x9];
	[sflag:s25] =	ssyncadd.s32 $0xFFFFCC00  }
0x3e: {  	[hbm4b:s17+s4] =	stream.linear.scatter [tilespmem:s24], [sflag:$0x5], $0x3400, $0x38;
	[tilespmem:$0x1EE80] =	vst v63  }
0x3f: {  	_ =	swait.ge [sflag:s25], $0x3400  }
0x40: {  	[sflag:s25] =	ssyncset.done $0x0  }
0x41: {  	[sflag:s25] =	ssyncadd.s32 $0xFFFFCC00  }
0x42: {  	[tilespmem:s24], [sflag:$0x5] =	stream.linear.gather [spmem:s7], $0x3400, $0x38;
	[tilespmem:$0x1EE80] =	vst v63  }
0x43: {  	_ =	swait.ge [sflag:s25], $0x3400  }
0x44: {  	[sflag:s25] =	ssyncset.done $0x0  }
0x45: {  	[sflag:s25] =	ssyncadd.s32 $0xFFFFCC00  }
0x46: {  	[hbm4b:s18+s4] =	stream.linear.scatter [tilespmem:s24], [sflag:$0x5], $0x3400, $0x38;
	[tilespmem:$0x1EE80] =	vst v63  }
0x47: {  	_ =	swait.ge [sflag:s25], $0x3400  }
0x48: {  	[sflag:s25] =	ssyncset.done $0x0  }
0x49: {  	[sflag:s25] =	ssyncadd.s32 $0xFFFFCC00  }
0x4a: {  	[tilespmem:s24], [sflag:$0x5] =	stream.linear.gather [spmem:s8], $0x3400, $0x38;
	[tilespmem:$0x1EE80] =	vst v63  }
0x4b: {  	_ =	swait.ge [sflag:s25], $0x3400  }
0x4c: {  	[sflag:s25] =	ssyncset.done $0x0  }
0x4d: {  	[sflag:s25] =	ssyncadd.s32 $0xFFFFCC00  }
0x4e: {  	[hbm4b:s19+s4] =	stream.linear.scatter [tilespmem:s24], [sflag:$0x5], $0x3400, $0x38;
	[tilespmem:$0x1EE80] =	vst v63  }
0x4f: {  	_ =	swait.ge [sflag:s25], $0x3400  }
0x50: {  	[sflag:s25] =	ssyncset.done $0x0  }
0x51: {  	[sflag:s25] =	ssyncadd.s32 $0xFFFFCC00  }
0x52: {  	[tilespmem:s24], [sflag:$0x5] =	stream.linear.gather [spmem:s9], $0x3400, $0x38;
	[tilespmem:$0x1EE80] =	vst v63  }
0x53: {  	_ =	swait.ge [sflag:s25], $0x3400  }
0x54: {  	[sflag:s25] =	ssyncset.done $0x0  }
0x55: {  	[sflag:s25] =	ssyncadd.s32 $0xFFFFCC00  }
0x56: {  	[hbm4b:s20+s4] =	stream.linear.scatter [tilespmem:s24], [sflag:$0x5], $0x3400, $0x38;
	[tilespmem:$0x1EE80] =	vst v63  }
0x57: {  	_ =	swait.ge [sflag:s25], $0x3400  }
0x58: {  	[sflag:s25] =	ssyncset.done $0x0  }
0x59: {  	[sflag:s25] =	ssyncadd.s32 $0xFFFFCC00  }
0x5a: {  	[tilespmem:s24], [sflag:$0x5] =	stream.linear.gather [spmem:s10], $0x3400, $0x38;
	[tilespmem:$0x1EE80] =	vst v63  }
0x5b: {  	_ =	swait.ge [sflag:s25], $0x3400  }
0x5c: {  	[sflag:s25] =	ssyncset.done $0x0  }
0x5d: {  	[sflag:s25] =	ssyncadd.s32 $0xFFFFCC00  }
0x5e: {  	[hbm4b:s21+s4] =	stream.linear.scatter [tilespmem:s24], [sflag:$0x5], $0x3400, $0x38;
	[tilespmem:$0x1EE80] =	vst v63  }
0x5f: {  	_ =	swait.ge [sflag:s25], $0x3400  }
0x60: {  	[sflag:s25] =	ssyncset.done $0x0  }
0x61: {  	s15 =	simm.s32 @!p0 $0x13880;
	s16 =	simm.s32 @!p0 $0x5;
	[sflag:s25] =	ssyncadd.s32 $0xFFFFCC00  }
0x62: {  	[tilespmem:s15], [sflag:$0x5] =	stream.linear.gather @!p0 [spmem:s11], $0x800, $0x38;
	[tilespmem:$0x1EE80] =	vst v63  }
0x63: {  	s14 =	sadd.s32 $0x1, s14;
	_ =	swait.ge @!p0 [sflag:s16], $0x800  }
0x64: {  	p1 =	sne.s32 s14, s23;
	[sflag:s16] =	ssyncset.done @!p0 $0x0  }
.Ltmp1:
0x65: {  	s17 =	simm.s32 @!p0 $0x0;
	[sflag:s16] =	ssyncadd.s32 @!p0 $0xFFFFF800;
	(pc) =	sbr.rel @!p1 .LBB2_7-.Ltmp1, $4  }
0x66: {  	[hbm4b:s22+s17] =	stream.linear.scatter @!p0 [tilespmem:s15], [sflag:$0x5], $0x800, $0x38;
	[tilespmem:$0x1EE80] =	vst v63  }
0x67: {  	_ =	swait.ge @!p0 [sflag:s16], $0x800  }
0x68: {  	[sflag:s16] =	ssyncset.done @!p0 $0x0  }
0x69: {  	[sflag:s16] =	ssyncadd.s32 @!p0 $0xFFFFF800  }
.LBB2_1:
0x6a: {  	s15 =	simm.s32 $0x0;
	s16 =	simm.s32 $0x200  }
.LBB2_2:
0x6b: {  	p1 =	sne.s32 s16, $0xCE00;
	[tilespmem:s15+$0x138F0] =	vst v0  }
0x6c: {  	[tilespmem:s15+$0x13880] =	vst v0  }
0x6d: {  	[tilespmem:s15+$0x13890] =	vst v0  }
.Ltmp2:
0x6e: {  	[tilespmem:s15+$0x138A0] =	vst v0;
	(pc) =	sbr.rel @p1 .LBB2_2-.Ltmp2, $4  }
0x6f: {  	[tilespmem:s15+$0x138B0] =	vst v0  }
0x70: {  	[tilespmem:s15+$0x138C0] =	vst v0  }
0x71: {  	[tilespmem:s15+$0x138D0] =	vst v0  }
0x72: {  	[tilespmem:s15+$0x138E0] =	vst v0;
	s15 =	sshra.s32 s16, $0x2;
	s16 =	sadd.s32 $0x200, s16  }
0x73: {  	[tilespmem:s15+$0x138F0] =	vst v0  }
0x74: {  	[tilespmem:s15+$0x13880] =	vst v0  }
0x75: {  	[tilespmem:s15+$0x13890] =	vst v0  }
0x76: {  	[tilespmem:s15+$0x138A0] =	vst v0  }
0x77: {  	[tilespmem:s15+$0x138B0] =	vst v0  }
0x78: {  	[tilespmem:s15+$0x138C0] =	vst v0  }
0x79: {  	[tilespmem:s15+$0x138D0] =	vst v0  }
0x7a: {  	[tilespmem:s15+$0x138E0] =	vst v0  }
0x7b: {  	[spmem:s5] =	stream.linear.scatter [tilespmem:s24], [sflag:$0x5], $0x3400, $0x38;
	[tilespmem:$0x1EE80] =	vst v63  }
0x7c: {  	_ =	swait.ge [sflag:s25], $0x3400  }
0x7d: {  	[sflag:s25] =	ssyncset.done $0x0  }
0x7e: {  	[sflag:s25] =	ssyncadd.s32 $0xFFFFCC00  }
0x7f: {  	[spmem:s6] =	stream.linear.scatter [tilespmem:s24], [sflag:$0x5], $0x3400, $0x38;
	[tilespmem:$0x1EE80] =	vst v63  }
0x80: {  	_ =	swait.ge [sflag:s25], $0x3400  }
0x81: {  	[sflag:s25] =	ssyncset.done $0x0  }
0x82: {  	[sflag:s25] =	ssyncadd.s32 $0xFFFFCC00  }
0x83: {  	[spmem:s7] =	stream.linear.scatter [tilespmem:s24], [sflag:$0x5], $0x3400, $0x38;
	[tilespmem:$0x1EE80] =	vst v63  }
0x84: {  	_ =	swait.ge [sflag:s25], $0x3400  }
0x85: {  	[sflag:s25] =	ssyncset.done $0x0  }
0x86: {  	[sflag:s25] =	ssyncadd.s32 $0xFFFFCC00  }
0x87: {  	[spmem:s8] =	stream.linear.scatter [tilespmem:s24], [sflag:$0x5], $0x3400, $0x38;
	[tilespmem:$0x1EE80] =	vst v63  }
0x88: {  	_ =	swait.ge [sflag:s25], $0x3400  }
0x89: {  	[sflag:s25] =	ssyncset.done $0x0  }
0x8a: {  	[sflag:s25] =	ssyncadd.s32 $0xFFFFCC00  }
0x8b: {  	[spmem:s9] =	stream.linear.scatter [tilespmem:s24], [sflag:$0x5], $0x3400, $0x38;
	[tilespmem:$0x1EE80] =	vst v63  }
0x8c: {  	_ =	swait.ge [sflag:s25], $0x3400  }
0x8d: {  	[sflag:s25] =	ssyncset.done $0x0  }
0x8e: {  	[sflag:s25] =	ssyncadd.s32 $0xFFFFCC00  }
0x8f: {  	[spmem:s10] =	stream.linear.scatter [tilespmem:s24], [sflag:$0x5], $0x3400, $0x38;
	[tilespmem:$0x1EE80] =	vst v63  }
0x90: {  	_ =	swait.ge [sflag:s25], $0x3400  }
0x91: {  	[sflag:s25] =	ssyncset.done $0x0  }
0x92: {  	s15 =	simm.s32 @!p0 $0x13880;
	[sflag:s25] =	ssyncadd.s32 $0xFFFFCC00  }
0x93: {  	[spmem:s11] =	stream.linear.scatter @!p0 [tilespmem:s15], [sflag:$0x5], $0x800, $0x38;
	[tilespmem:$0x1EE80] =	vst v63  }
0x94: {  	s15 =	simm.s32 @!p0 $0x5  }
0x95: {  	_ =	swait.ge @!p0 [sflag:s15], $0x800  }
0x96: {  	[sflag:s15] =	ssyncset.done @!p0 $0x0  }
0x97: {  	[sflag:s15] =	ssyncadd.s32 @!p0 $0xFFFFF800  }
0x98: {  	[bflag:$0x0] =	sbarrier.arrive $0xFFFF  }
0x99: {  	s17 =	rddreg [dreg:$0x4]  }
0x9a: {  	[tilespmem:s26], [sflag:$0x5] =	stream.linear.gather [hbm4b:s17+s4], $0x2700, $0x38;
	[tilespmem:$0x1EE80] =	vst v63  }
0x9b: {  	_ =	swait.ge [sflag:s25], $0x2700  }
0x9c: {  	[sflag:s25] =	ssyncset.done $0x0  }
0x9d: {  	s16 =	rddreg [dreg:$0x5];
	[sflag:s25] =	ssyncadd.s32 $0xFFFFD900  }
0x9e: {  	[tilespmem:s28], [sflag:$0x5] =	stream.linear.gather [hbm4b:s16+s4], $0x2700, $0x38;
	[tilespmem:$0x1EE80] =	vst v63  }
0x9f: {  	_ =	swait.ge [sflag:s25], $0x2700  }
0xa0: {  	[sflag:s25] =	ssyncset.done $0x0  }
0xa1: {  	[sflag:s25] =	ssyncadd.s32 $0xFFFFD900  }
0xa2: {  	[tilespmem:s24], [sflag:$0x1] =	stream.indirect.gather [hbm4b:s1+s29], $0x80, s26, s29, $0xb8;
	[tilespmem:$0x1EE80] =	vst v63  }
0xa3: {  	_ =	swait.ge [sflag:s30], $0x3400  }
0xa4: {  	[sflag:s30] =	ssyncset.done $0x0  }
0xa5: {  	[sflag:s30] =	ssyncadd.s32 $0xFFFFCC00  }
0xa6: {  	[spmem:s2] =	stream.indirect.scatter.add.f32 [tilespmem:s24], [sflag:$0x3], $0x80, s28, s29, $0xb8;
	[tilespmem:$0x1EE80] =	vst v63  }
0xa7: {  	s17 =	simm.s32 $0x1A0E8  }
0xa8: {  	[tilespmem:s0], [sflag:$0x2] =	stream.indirect.gather [hbm4b:s1+s29], $0x80, s17, s29, $0xb8;
	[tilespmem:$0x1EE80] =	vst v63  }
0xa9: {  	_ =	swait.ge [sflag:s3], $0x3400  }
0xaa: {  	[sflag:s3] =	ssyncset.done $0x0  }
0xab: {  	s16 =	simm.s32 $0x1C7E8;
	[sflag:s3] =	ssyncadd.s32 $0xFFFFCC00  }
0xac: {  	[spmem:s2] =	stream.indirect.scatter.add.f32 [tilespmem:s0], [sflag:$0x4], $0x80, s16, s29, $0xb8;
	[tilespmem:$0x1EE80] =	vst v63  }
0xad: {  	_ =	swait.ge [sflag:s31], $0x3400  }
0xae: {  	[sflag:s31] =	ssyncset.done $0x0  }
0xaf: {  	s15 =	simm.s32 $0xFFFF6A80;
	s17 =	simm.s32 $0x1A150;
	[sflag:s31] =	ssyncadd.s32 $0xFFFFCC00  }
0xb0: {  	[tilespmem:s24], [sflag:$0x1] =	stream.indirect.gather [hbm4b:s1+s29], $0x80, s17, s29, $0xb8;
	[tilespmem:$0x1EE80] =	vst v63  }
.LBB2_4:
0xb1: {  	_ =	swait.ge [sflag:s30], $0x3400  }
0xb2: {  	s16 =	sshra.s32 s15, $0x2;
	[sflag:s30] =	ssyncset.done $0x0  }
0xb3: {  	s17 =	sadd.s32 $0x1EDB0, s16;
	[sflag:s30] =	ssyncadd.s32 $0xFFFFCC00  }
0xb4: {  	[spmem:s2] =	stream.indirect.scatter.add.f32 [tilespmem:s24], [sflag:$0x3], $0x80, s17, s29, $0xb8;
	[tilespmem:$0x1EE80] =	vst v63  }
0xb5: {  	_ =	swait.ge [sflag:s12], $0x3400  }
0xb6: {  	[sflag:s12] =	ssyncset.done $0x0  }
0xb7: {  	s17 =	sadd.s32 $0x1C718, s16;
	[sflag:s12] =	ssyncadd.s32 $0xFFFFCC00  }
0xb8: {  	[tilespmem:s0], [sflag:$0x2] =	stream.indirect.gather [hbm4b:s1+s29], $0x80, s17, s29, $0xb8;
	[tilespmem:$0x1EE80] =	vst v63  }
0xb9: {  	_ =	swait.ge [sflag:s3], $0x3400  }
0xba: {  	p1 =	seq.s32 s15, $0x0;
	[sflag:s3] =	ssyncset.done $0x0  }
.Ltmp3:
0xbb: {  	s17 =	sadd.s32 $0x1EE18, s16;
	[sflag:s3] =	ssyncadd.s32 $0xFFFFCC00;
	(pc) =	sbr.rel @p1 .LBB2_6-.Ltmp3, $4  }
0xbc: {  	[spmem:s2] =	stream.indirect.scatter.add.f32 [tilespmem:s0], [sflag:$0x4], $0x80, s17, s29, $0xb8;
	[tilespmem:$0x1EE80] =	vst v63  }
0xbd: {  	_ =	swait.ge [sflag:s31], $0x3400  }
0xbe: {  	[sflag:s31] =	ssyncset.done $0x0  }
0xbf: {  	[sflag:s31] =	ssyncadd.s32 $0xFFFFCC00  }
.Ltmp4:
0xc0: {  	(pc) =	sbr.rel .LBB2_4-.Ltmp4, $3  }
0xc1: {  	_ =	sdelay $0x1  }
0xc2: {  	s16 =	sadd.s32 $0x1C780, s16;
	s15 =	sadd.s32 $0x340, s15  }
0xc3: {  	[tilespmem:s24], [sflag:$0x1] =	stream.indirect.gather [hbm4b:s1+s29], $0x80, s16, s29, $0xb8;
	[tilespmem:$0x1EE80] =	vst v63  }
.LBB2_7:
0xc4: {  	_ =	sfence.sel $0x180000  }
0xc5: {  	[bflag:$0x0] =	sbarrier.arrive $0xFFFF  }
0xc6: {  	_ =	strace $0x9000004D  }
0xc7: {  	s0 =	stileid.u32;
	[bflag:$0x2] =	sbarrier.arrive $0xFFFF  }
0xc8: {  	p0 =	sne.s32 s0, $0x0;
	s0 =	rddreg [dreg:$0x3]  }
0xc9: {  	s0 =	sadd.s32 @!p0 $0x100000, s0  }
0xca: {  	[sflag:s0] =	ssyncadd.tile.s32 @!p0 $0x1;
	_ =	shalt  }
.Lfunc_end2:
_tile_overlayer_lowered:
.L_overlay_start_2:
0xcb: {  	(tag) =	ssettag $0x2  }
0xcc: {  	s0 =	rddreg [dreg:$0x0];
	s2 =	stileid.u32  }
0xcd: {  	s1 =	rddreg [dreg:$0x1];
	p0 =	sne.s32 s2, $0x0  }
0xce: {  	s3 =	rddreg [dreg:$0x2];
	[bflag:$0x3] =	sbarrier.arrive $0xFFFF;
	s2 =	simm.s32 @!p0 $0x1C05  }
0xcf: {  	[timem:s3], [sflag:s2] =	dma.local @!p0 [hbm:s0], s1  }
0xd0: {  	s0 =	simm.s32 @!p0 $0x5  }
0xd1: {  	_ =	swait.ge @!p0 [sflag:s0], s1  }
0xd2: {  	s1 =	ssub.s32 @!p0 $0x0, s1;
	[sflag:s0] =	ssyncset.done @!p0 $0x0  }
0xd3: {  	[sflag:s0] =	ssyncadd.s32 @!p0 s1  }
0xd4: {  	[bflag:$0x3] =	sbarrier.arrive $0xFFFF  }
0xd5: {  	_ =	shalt  }

// kernel: kernel.19.cloned.1.call-start
scs
__scs_entry_jumppad:
0x0: {  	(pc) =	sbr.rel $0x88, $3  }
0x1: {  	(tag) =	ssettag $0x0;
	lr =	simm.s32 $0x1  }
0x2: {  	[smem:$0x3F8A] =	sst lr;
	_ =	strace $0xD0000000  }
0x3: {  	_ = 	snop  }
0x4: {  	_ = 	snop  }
0x5: {  	_ = 	snop  }
0x6: {  	_ = 	snop  }
0x7: {  	_ = 	snop  }
__scs_overlays_trampoline_lowered:
0x8: {  	[smem:$0x3F99] =	sst s0  }
0x9: {  	[smem:$0x3F9A] =	sst s1  }
0xa: {  	[smem:$0x3F9B] =	sst s2  }
0xb: {  	[smem:$0x3F9C] =	sst s3  }
0xc: {  	[smem:$0x3F9D] =	sst s4  }
0xd: {  	[smem:$0x3F9E] =	sst s5  }
0xe: {  	[smem:$0x3F9F] =	sst s6  }
0xf: {  	[smem:$0x3FA0] =	sst s7  }
0x10: {  	[smem:$0x3FA1] =	sst s8  }
0x11: {  	[smem:$0x3FA2] =	sst s9;
	s0 =	simm.s32 @!p0 $0x0  }
0x12: {  	s1 =	sld [smem:$0x3F88];
	s0 =	simm.s32 @p0 $0x1  }
0x13: {  	[smem:$0x3FA3] =	sst s0;
	s0 =	simm.s32 @!p1 $0x0  }
0x14: {  	s2 =	sld [smem:$0x3F87];
	s0 =	simm.s32 @p1 $0x1  }
0x15: {  	[smem:$0x3FA4] =	sst s0;
	s0 =	simm.s32 @!p2 $0x0  }
0x16: {  	s3 =	sld [smem:$0x3FDB];
	s0 =	simm.s32 @p2 $0x1  }
0x17: {  	s4 =	simm.s32 $0x1BF5;
	[smem:$0x3FA6] =	sst s0  }
0x18: {  	s0 =	sld [smem:$0x3F89];
	_ =	swait.ge [sflag:s4], $0x0  }
0x19: {  	s7 =	sld [smem:$0x3F8A]  }
0x1a: {  	s8 =	sadd.s32 $0xFFFFE003, lr  }
0x1b: {  	s9 =	sadd.s32 $0xFFFFFEF7, lr;
	s5 =	simm.s32 $0xFFFFFFFF;
	p2 =	slt.u32 s8, $0xFFFFF086  }
0x1c: {  	p1 =	slt.u32 s9, $0xF7A;
	s5 =	simm.s32 @!p2 $0x0  }
0x1d: {  	s5 =	simm.s32 @p1 $0x1;
	p0 =	seq.s32 s7, s2  }
0x1e: {  	s7 =	smul.u32 @!p0 $0xF7A, s2;
	p2 =	seq.s32 @!p0 s5, $0x0  }
0x1f: {  	s9 =	smul.u32 $0xF7A, s1;
	s8 =	simm.s32 @!p0 $0x1BF5;
	p2 =	por !p2, p0  }
0x20: {  	[sflag:s8] =	ssyncset.s32 @!p0 $0xFFFFF086;
	s6 =	sadd.s32 @!p0 s3, s7;
	s7 =	simm.s32 @!p0 $0x108  }
0x21: {  	s3 =	sadd.s32 s3, s9;
	s6 =	sadd.s32 @!p0 $0x88, s6;
	s7 =	simm.s32 @p2 $0x1082  }
0x22: {  	[simem:s7], [sflag:s8] =	dma.local @!p0 [hbm:s6], $0xF7A  }
0x23: {  	s9 =	sor.u32 $0xD0000000, s2;
	s6 =	simm.s32 $0x108;
	_ =	swait.ge @!p0 [sflag:s8], $0x0  }
0x24: {  	s3 =	sadd.s32 $0x88, s3;
	s6 =	simm.s32 @!p1 $0x1082;
	[sflag:s4] =	ssyncset.s32 $0xFFFFF086  }
0x25: {  	[simem:s6], [sflag:s4] =	dma.local [hbm:s3], $0xF7A  }
0x26: {  	[smem:$0x3F8A] =	sst s1;
	(tag) =	ssettag s2;
	_ =	strace s9  }
0x27: {  	s1 =	sld [smem:$0x3F9A]  }
0x28: {  	s2 =	sld [smem:$0x3F9B]  }
0x29: {  	s4 =	sld [smem:$0x3F9D]  }
0x2a: {  	p0 =	seq.s32 s5, $0x0;
	s5 =	sld [smem:$0x3F9E]  }
0x2b: {  	s6 =	sld [smem:$0x3F9F]  }
0x2c: {  	s7 =	sld [smem:$0x3FA0]  }
0x2d: {  	s3 =	simm.s32 $0x108;
	s8 =	sld [smem:$0x3FA1]  }
0x2e: {  	s3 =	simm.s32 @!p0 $0x1082;
	s9 =	sld [smem:$0x3FA2]  }
0x2f: {  	lr =	sadd.s32 s0, s3;
	s0 =	sld [smem:$0x3F99]  }
0x30: {  	s3 =	sld [smem:$0x3F9C]  }
0x31: {  	[smem:$0x3FA5] =	sst s10  }
0x32: {  	s10 =	sld [smem:$0x3FA3];
	_ =	sdelay $0x3  }
0x33: {  	p0 =	seq.s32 s10, $0x1;
	s10 =	sld [smem:$0x3FA5];
	_ =	sdelay $0x3  }
0x34: {  	[smem:$0x3FA5] =	sst s10  }
0x35: {  	s10 =	sld [smem:$0x3FA4];
	_ =	sdelay $0x3  }
0x36: {  	p1 =	seq.s32 s10, $0x1;
	s10 =	sld [smem:$0x3FA5];
	_ =	sdelay $0x3  }
0x37: {  	[smem:$0x3FA5] =	sst s10  }
0x38: {  	s10 =	sld [smem:$0x3FA6]  }
0x39: {  	_ = 	snop;
	(pc) =	sbr.ind lr, $3  }
0x3a: {  	_ = 	snop  }
0x3b: {  	_ = 	snop  }
0x3c: {  	p2 =	seq.s32 s10, $0x1;
	s10 =	sld [smem:$0x3FA5]  }
0x3d: {  	_ =	shalt  }
0x3e: {  	_ =	shalt  }
0x3f: {  	_ =	shalt  }
0x40: {  	_ =	shalt  }
0x41: {  	_ =	shalt  }
0x42: {  	_ =	shalt  }
0x43: {  	_ =	shalt  }
0x44: {  	_ =	shalt  }
0x45: {  	_ =	shalt  }
0x46: {  	_ =	shalt  }
0x47: {  	_ =	shalt  }
0x48: {  	_ =	shalt  }
0x49: {  	_ =	shalt  }
0x4a: {  	_ =	shalt  }
0x4b: {  	_ =	shalt  }
0x4c: {  	_ =	shalt  }
0x4d: {  	_ =	shalt  }
0x4e: {  	_ =	shalt  }
0x4f: {  	_ =	shalt  }
0x50: {  	_ =	shalt  }
0x51: {  	_ =	shalt  }
0x52: {  	_ =	shalt  }
0x53: {  	_ =	shalt  }
0x54: {  	_ =	shalt  }
0x55: {  	_ =	shalt  }
0x56: {  	_ =	shalt  }
0x57: {  	_ =	shalt  }
0x58: {  	_ =	shalt  }
0x59: {  	_ =	shalt  }
0x5a: {  	_ =	shalt  }
0x5b: {  	_ =	shalt  }
0x5c: {  	_ =	shalt  }
0x5d: {  	_ =	shalt  }
0x5e: {  	_ =	shalt  }
0x5f: {  	_ =	shalt  }
0x60: {  	_ =	shalt  }
0x61: {  	_ =	shalt  }
0x62: {  	_ =	shalt  }
0x63: {  	_ =	shalt  }
0x64: {  	_ =	shalt  }
0x65: {  	_ =	shalt  }
0x66: {  	_ =	shalt  }
0x67: {  	_ =	shalt  }
0x68: {  	_ =	shalt  }
0x69: {  	_ =	shalt  }
0x6a: {  	_ =	shalt  }
0x6b: {  	_ =	shalt  }
0x6c: {  	_ =	shalt  }
0x6d: {  	_ =	shalt  }
0x6e: {  	_ =	shalt  }
0x6f: {  	_ =	shalt  }
0x70: {  	_ =	shalt  }
0x71: {  	_ =	shalt  }
0x72: {  	_ =	shalt  }
0x73: {  	_ =	shalt  }
0x74: {  	_ =	shalt  }
0x75: {  	_ =	shalt  }
0x76: {  	_ =	shalt  }
0x77: {  	_ =	shalt  }
0x78: {  	_ =	shalt  }
0x79: {  	_ =	shalt  }
0x7a: {  	_ =	shalt  }
0x7b: {  	_ =	shalt  }
0x7c: {  	_ =	shalt  }
0x7d: {  	_ =	shalt  }
0x7e: {  	_ =	shalt  }
0x7f: {  	_ =	shalt  }
0x80: {  	_ =	shalt  }
0x81: {  	_ =	shalt  }
0x82: {  	_ =	shalt  }
0x83: {  	_ =	shalt  }
0x84: {  	_ =	shalt  }
0x85: {  	_ =	shalt  }
0x86: {  	_ =	shalt  }
0x87: {  	_ =	shalt  }
.Lfunc_end0:
.L_simem_size_0:
called_computation.3_lowered:
.L_overlay_start_0:
0x88: {  	s2 =	sld [smem:$0x3FD9]  }
0x89: {  	s3 =	sld [smem:$0x3FFE];
	_ =	sdelay $0x1  }
0x8a: {  	s1 =	srdreg.scid  }
0x8b: {  	s0 =	sand.u32 $0x1, s1  }
0x8c: {  	s14 =	sshll.u32 s0, $0xA;
	s2 =	sadd.s32 s3, s2  }
0x8d: {  	s2 =	sadd.s32 s2, s14  }
0x8e: {  	[smem:$0x3FB1] =	sst s2  }
0x8f: {  	_ = 	snop  }
0x90: {  	s2 =	sld [smem:$0x3FD0];
	_ =	sdelay $0x2  }
0x91: {  	s15 =	simm.s32 $0xB;
	s4 =	simm.s32 $0x10  }
0x92: {  	[smem:s4], [sflag:s15] =	dma.local [hbm:s2], $0x1  }
0x93: {  	_ =	swait.eq [sflag:s15], $0x1  }
0x94: {  	[sflag:s15] =	ssyncset.done $0x0  }
0x95: {  	[sflag:s15] =	ssyncadd.s32 $0xFFFFFFFF  }
0x96: {  	s16 =	sld [smem:$0x11];
	(tm) =	ssettm $0x1  }
0x97: {  	s17 =	sld [smem:$0x3FFB];
	_ =	sdelay $0x3  }
0x98: {  	_ =	strace s17  }
0x99: {  	s3 =	sld [smem:$0x3FFC];
	_ =	sdelay $0x3  }
0x9a: {  	_ =	strace s3  }
0x9b: {  	s3 =	sld [smem:$0x3FFD];
	_ =	sdelay $0x3  }
0x9c: {  	_ =	strace s3  }
0x9d: {  	_ =	strace $0x8FFFFFFF  }
0x9e: {  	s18 =	sld [smem:$0x3FDB];
	_ =	sdelay $0x1  }
0x9f: {  	s19 =	simm.s32 $_scs_section_size  }
0xa0: {  	s5 =	simm.s32 $_size__tile_overlayer_lowered;
	s6 =	simm.s32 $_tile_overlayer_lowered  }
0xa1: {  	s22 =	simm.s32 $0x1BFF;
	s21 =	sshll.u32 s6, $0x1;
	s3 =	sadd.s32 s19, s18  }
0xa2: {  	s7 =	simm.s32 $0x0;
	s20 =	sshll.u32 s5, $0x1;
	s5 =	sadd.s32 s21, s3  }
0xa3: {  	[timem:s7], [sflag:s22] =	dma.local [hbm:s5], s20  }
0xa4: {  	_ =	swait.ge [sflag:s22], s20  }
0xa5: {  	s4 =	ssub.s32 $0x0, s20;
	[sflag:s22] =	ssyncset.done $0x0  }
0xa6: {  	[sflag:s22] =	ssyncadd.s32 s4;
	_ =	sdelay $0x1  }
0xa7: {  	s23 =	simm.s32 $0x1B8B  }
0xa8: {  	_ =	swait.ge [sflag:s23], $0x1  }
0xa9: {  	[sflag:s23] =	ssyncset.done $0x0  }
0xaa: {  	s25 =	simm.s32 $0x1B8E;
	s24 =	sld [smem:$0x3FFE];
	[sflag:s23] =	ssyncadd.s32 $0xFFFFFFFF  }
0xab: {  	s26 =	simm.s32 $execute0_lowered;
	[smem:$0x3FD2] =	sst s25  }
0xac: {  	s5 =	sshll.u32 s26, $0x1;
	_ =	strace $0x8000004F;
	[dreg:$0x1] =	wrdreg $0xFFFFFFFF  }
0xad: {  	s28 =	simm.s32 $_size_execute0_lowered;
	s3 =	sadd.s32 s3, s5;
	[dreg:$0x0] =	wrdreg $0x0  }
0xae: {  	s5 =	sshll.u32 s28, $0x1;
	[dreg:$0x2] =	wrdreg s3  }
0xaf: {  	[dreg:$0x3] =	wrdreg s5  }
0xb0: {  	[dreg:$0x4] =	wrdreg $0xC0  }
0xb1: {  	_ =	task [dreg:s7], $0x5FFFF  }
0xb2: {  	[dreg:$0x1] =	wrdreg $0xFFFFFFFF  }
0xb3: {  	[dreg:$0x0] =	wrdreg $0x60  }
0xb4: {  	[dreg:$0x2] =	wrdreg s16  }
0xb5: {  	[dreg:$0x3] =	wrdreg s24  }
0xb6: {  	[dreg:$0x4] =	wrdreg $0x0  }
0xb7: {  	[dreg:$0x5] =	wrdreg $0x9  }
0xb8: {  	_ =	task.clear_ibuf [dreg:s7], $0x6FFFF;
	_ =	strace $0x9000004F  }
0xb9: {  	s29 =	simm.s32 $0x9;
	_ =	strace $0x80000051  }
0xba: {  	_ =	swait.ge [sflag:s29], $0x1  }
0xbb: {  	[sflag:s29] =	ssyncadd.s32 $0xFFFFFFFF  }
0xbc: {  	_ =	strace $0x90000051  }
0xbd: {  	_ =	sfence  }
0xbe: {  	s30 =	sld [smem:$0x0];
	_ =	sdelay $0x2  }
0xbf: {  	s31 =	sshll.u32 s1, $0xD;
	s1 =	sshrl.u32 s1, $0x2  }
0xc0: {  	s3 =	sand.u32 $0x4000, s31;
	s1 =	sadd.s32 s1, s30  }
0xc1: {  	s0 =	sor.u32 s3, s0;
	s1 =	sshll.u32 s1, $0x11  }
0xc2: {  	s0 =	sor.u32 s1, s0  }
0xc3: {  	s0 =	sadd.s32 $0x8F2B, s0  }
0xc4: {  	[sflag:s0] =	ssyncadd.remote.s32 $0x1  }
0xc5: {  	_ =	sfence.sel $0xFFFF  }
0xc6: {  	[dreg:$0x0] =	wrdreg $0xFFFFFFFF;
	(pc) =	sbr.abs _section_cstart, $3  }
0xc7: {  	[dreg:$0x1] =	wrdreg $0xFFFFFFFF  }
0xc8: {  	_ =	task.clear_ibuf [dreg:s7], $0x2FFFF;
	_ =	strace $0x9FFFFFFF  }
0xc9: {  	(tm) =	ssettm $0x7FFFFFFF  }
tec
execute0_lowered:
.L_overlay_start_1:
0x0: {  	(tag) =	ssettag $0x1  }
0x1: {  	s1 =	rddreg [dreg:$0x0]  }
0x2: {  	s0 =	rddreg [dreg:$0x1]  }
0x3: {  	s2 =	rddreg [dreg:$0x2];
	s4 =	simm.s32 $0x0  }
0x4: {  	s3 =	srdreg.scid;
	s24 =	stileid.u32;
	s28 =	simm.s32 $0x1C780  }
0x5: {  	s29 =	simm.s32 $0x68;
	s30 =	simm.s32 $0x1;
	s31 =	simm.s32 $0x3  }
0x6: {  	[smem:$0x7FF] =	sst s4;
	s3 =	sand.u32 $0x1, s3;
	s6 =	smul.u32 $0x4E000, s24  }
0x7: {  	s12 =	sadd.s32 $0xF000, s0;
	s13 =	sadd.s32 $0x5200, s0;
	s14 =	smul.u32 $0x13800, s24  }
0x8: {  	s0 =	sadd.s32 $0x18E00, s0;
	s22 =	sshll.u32 s24, $0x1;
	s11 =	sadd.s32 $0x138000, s2  }
0x9: {  	p0 =	sne.s32 s24, $0xF;
	s24 =	simm.s32 $0x13880;
	_ =	strace $0x80000050  }
0xa: {  	s5 =	ssub.s32 $0x2, s3;
	s23 =	sor.u32 s3, s22;
	s3 =	smul.u32 $0x138800, s3  }
0xb: {  	s7 =	sshrl.u32 s5, $0x1;
	s25 =	sshrl.u32 s6, $0x2;
	s16 =	sadd.s32 $0x3400, s14  }
0xc: {  	s17 =	sadd.s32 $0x6800, s14;
	s18 =	sadd.s32 $0x9C00, s14;
	s20 =	sadd.s32 $0xD000, s14  }
0xd: {  	s10 =	smul.u32 $0x2710, s23;
	s21 =	sadd.s32 $0x10400, s14;
	s15 =	ssub.s32 s5, s7  }
0xe: {  	s5 =	sadd.s32 s25, s2;
	s6 =	sadd.s32 s16, s2;
	s7 =	sadd.s32 s17, s2  }
0xf: {  	s8 =	sadd.s32 s18, s2;
	s9 =	sadd.s32 s20, s2;
	s14 =	sadd.s32 s14, s3  }
0x10: {  	s16 =	sadd.s32 s3, s16;
	s25 =	sadd.s32 s3, s20;
	s19 =	sshrl.u32 s10, $0x3  }
0x11: {  	s10 =	sadd.s32 s21, s2;
	s14 =	sshrl.u32 s14, $0x3;
	s22 =	sadd.s32 s12, s19  }
0x12: {  	s26 =	sadd.s32 s13, s19;
	s19 =	sadd.s32 $0x4E0, s19;
	[dreg:$0x4] =	wrdreg s22  }
0x13: {  	[dreg:$0x5] =	wrdreg s26;
	s12 =	sadd.s32 s12, s19;
	s13 =	sadd.s32 s13, s19  }
0x14: {  	s19 =	sadd.s32 s3, s17;
	s22 =	sadd.s32 s3, s18;
	[dreg:$0x6] =	wrdreg s12  }
0x15: {  	s26 =	sadd.s32 s3, s21;
	s3 =	sshrl.u32 s3, $0x3;
	[dreg:$0x7] =	wrdreg s13  }
0x16: {  	s12 =	sadd.s32 s0, s14;
	s13 =	sshrl.u32 s19, $0x3;
	s23 =	sshrl.u32 s22, $0x3  }
0x17: {  	s14 =	simm.s32 $0x0;
	[dreg:$0x8] =	wrdreg s12;
	s12 =	sshrl.u32 s16, $0x3  }
0x18: {  	s18 =	sadd.s32 s0, s13;
	s19 =	sadd.s32 s0, s23;
	s13 =	sshrl.u32 s26, $0x3  }
.Ltmp0:
0x19: {  	s23 =	smax.u32 s15, $0x1;
	s26 =	simm.s32 $0x1A080;
	(pc) =	sbr.rel .LBB2_1-.Ltmp0, $4  }
0x1a: {  	s12 =	sadd.s32 s0, s12;
	s21 =	sadd.s32 s0, s13;
	s13 =	simm.s32 $0x10  }
0x1b: {  	[dreg:$0x9] =	wrdreg s12;
	s12 =	sshrl.u32 s25, $0x3;
	s25 =	simm.s32 $0x5  }
0x1c: {  	s20 =	sadd.s32 s0, s12;
	s0 =	sadd.s32 s0, s3;
	s3 =	simm.s32 $0x2  }
0x1d: {  	v0 =	vimm.f32 $0.0e+00;
	s12 =	simm.s32 $0x4;
	s22 =	sadd.s32 $0x27000, s0;
	s0 =	simm.s32 $0x16C80  }
.LBB2_6:
0x1e: {  	_ =	swait.ge [sflag:s12], $0x3400  }
0x1f: {  	[sflag:s12] =	ssyncset.done $0x0  }
0x20: {  	s15 =	rddreg [dreg:$0x6];
	[sflag:s12] =	ssyncadd.s32 $0xFFFFCC00  }
0x21: {  	[tilespmem:s26], [sflag:$0x5] =	stream.linear.gather [hbm4b:s15+s4], $0x10, $0x38;
	[tilespmem:$0x1EE80] =	vst v63  }
0x22: {  	_ =	swait.ge [sflag:s25], $0x10  }
0x23: {  	[sflag:s25] =	ssyncset.done $0x0  }
0x24: {  	s17 =	rddreg [dreg:$0x7];
	[sflag:s25] =	ssyncadd.s32 $0xFFFFFFF0  }
0x25: {  	[tilespmem:s28], [sflag:$0x5] =	stream.linear.gather [hbm4b:s17+s4], $0x10, $0x38;
	[tilespmem:$0x1EE80] =	vst v63  }
0x26: {  	_ =	swait.ge [sflag:s25], $0x10  }
0x27: {  	[sflag:s25] =	ssyncset.done $0x0  }
0x28: {  	[sflag:s25] =	ssyncadd.s32 $0xFFFFFFF0  }
0x29: {  	[tilespmem:s24], [sflag:$0x1] =	stream.indirect.gather [hbm4b:s1+s13], $0x80, s26, s13, $0xb8;
	[tilespmem:$0x1EE80] =	vst v63  }
0x2a: {  	_ =	swait.ge [sflag:s30], $0x800  }
0x2b: {  	[sflag:s30] =	ssyncset.done $0x0  }
0x2c: {  	[sflag:s30] =	ssyncadd.s32 $0xFFFFF800  }
0x2d: {  	[spmem:s2] =	stream.indirect.scatter.add.f32 [tilespmem:s24], [sflag:$0x5], $0x80, s28, s13, $0xb8;
	[tilespmem:$0x1EE80] =	vst v63  }
0x2e: {  	_ =	swait.ge [sflag:s25], $0x800  }
0x2f: {  	[sflag:s25] =	ssyncset.done $0x0  }
0x30: {  	[sflag:s25] =	ssyncadd.s32 $0xFFFFF800  }
0x31: {  	[bflag:$0x0] =	sbarrier.arrive $0xFFFF  }
0x32: {  	[tilespmem:s24], [sflag:$0x5] =	stream.linear.gather [spmem:s5], $0x3400, $0x38;
	[tilespmem:$0x1EE80] =	vst v63  }
0x33: {  	_ =	swait.ge [sflag:s25], $0x3400  }
0x34: {  	[sflag:s25] =	ssyncset.done $0x0  }
0x35: {  	s16 =	rddreg [dreg:$0x8];
	[sflag:s25] =	ssyncadd.s32 $0xFFFFCC00  }
0x36: {  	[hbm4b:s16+s4] =	stream.linear.scatter [tilespmem:s24], [sflag:$0x5], $0x3400, $0x38;
	[tilespmem:$0x1EE80] =	vst v63  }
0x37: {  	_ =	swait.ge [sflag:s25], $0x3400  }
0x38: {  	[sflag:s25] =	ssyncset.done $0x0  }
0x39: {  	[sflag:s25] =	ssyncadd.s32 $0xFFFFCC00  }
0x3a: {  	[tilespmem:s24], [sflag:$0x5] =	stream.linear.gather [spmem:s6], $0x3400, $0x38;
	[tilespmem:$0x1EE80] =	vst v63  }
0x3b: {  	_ =	swait.ge [sflag:s25], $0x3400  }
0x3c: {  	[sflag:s25] =	ssyncset.done $0x0  }
0x3d: {  	s17 =	rddreg [dreg:$0x9];
	[sflag:s25] =	ssyncadd.s32 $0xFFFFCC00  }
0x3e: {  	[hbm4b:s17+s4] =	stream.linear.scatter [tilespmem:s24], [sflag:$0x5], $0x3400, $0x38;
	[tilespmem:$0x1EE80] =	vst v63  }
0x3f: {  	_ =	swait.ge [sflag:s25], $0x3400  }
0x40: {  	[sflag:s25] =	ssyncset.done $0x0  }
0x41: {  	[sflag:s25] =	ssyncadd.s32 $0xFFFFCC00  }
0x42: {  	[tilespmem:s24], [sflag:$0x5] =	stream.linear.gather [spmem:s7], $0x3400, $0x38;
	[tilespmem:$0x1EE80] =	vst v63  }
0x43: {  	_ =	swait.ge [sflag:s25], $0x3400  }
0x44: {  	[sflag:s25] =	ssyncset.done $0x0  }
0x45: {  	[sflag:s25] =	ssyncadd.s32 $0xFFFFCC00  }
0x46: {  	[hbm4b:s18+s4] =	stream.linear.scatter [tilespmem:s24], [sflag:$0x5], $0x3400, $0x38;
	[tilespmem:$0x1EE80] =	vst v63  }
0x47: {  	_ =	swait.ge [sflag:s25], $0x3400  }
0x48: {  	[sflag:s25] =	ssyncset.done $0x0  }
0x49: {  	[sflag:s25] =	ssyncadd.s32 $0xFFFFCC00  }
0x4a: {  	[tilespmem:s24], [sflag:$0x5] =	stream.linear.gather [spmem:s8], $0x3400, $0x38;
	[tilespmem:$0x1EE80] =	vst v63  }
0x4b: {  	_ =	swait.ge [sflag:s25], $0x3400  }
0x4c: {  	[sflag:s25] =	ssyncset.done $0x0  }
0x4d: {  	[sflag:s25] =	ssyncadd.s32 $0xFFFFCC00  }
0x4e: {  	[hbm4b:s19+s4] =	stream.linear.scatter [tilespmem:s24], [sflag:$0x5], $0x3400, $0x38;
	[tilespmem:$0x1EE80] =	vst v63  }
0x4f: {  	_ =	swait.ge [sflag:s25], $0x3400  }
0x50: {  	[sflag:s25] =	ssyncset.done $0x0  }
0x51: {  	[sflag:s25] =	ssyncadd.s32 $0xFFFFCC00  }
0x52: {  	[tilespmem:s24], [sflag:$0x5] =	stream.linear.gather [spmem:s9], $0x3400, $0x38;
	[tilespmem:$0x1EE80] =	vst v63  }
0x53: {  	_ =	swait.ge [sflag:s25], $0x3400  }
0x54: {  	[sflag:s25] =	ssyncset.done $0x0  }
0x55: {  	[sflag:s25] =	ssyncadd.s32 $0xFFFFCC00  }
0x56: {  	[hbm4b:s20+s4] =	stream.linear.scatter [tilespmem:s24], [sflag:$0x5], $0x3400, $0x38;
	[tilespmem:$0x1EE80] =	vst v63  }
0x57: {  	_ =	swait.ge [sflag:s25], $0x3400  }
0x58: {  	[sflag:s25] =	ssyncset.done $0x0  }
0x59: {  	[sflag:s25] =	ssyncadd.s32 $0xFFFFCC00  }
0x5a: {  	[tilespmem:s24], [sflag:$0x5] =	stream.linear.gather [spmem:s10], $0x3400, $0x38;
	[tilespmem:$0x1EE80] =	vst v63  }
0x5b: {  	_ =	swait.ge [sflag:s25], $0x3400  }
0x5c: {  	[sflag:s25] =	ssyncset.done $0x0  }
0x5d: {  	[sflag:s25] =	ssyncadd.s32 $0xFFFFCC00  }
0x5e: {  	[hbm4b:s21+s4] =	stream.linear.scatter [tilespmem:s24], [sflag:$0x5], $0x3400, $0x38;
	[tilespmem:$0x1EE80] =	vst v63  }
0x5f: {  	_ =	swait.ge [sflag:s25], $0x3400  }
0x60: {  	[sflag:s25] =	ssyncset.done $0x0  }
0x61: {  	s15 =	simm.s32 @!p0 $0x13880;
	s16 =	simm.s32 @!p0 $0x5;
	[sflag:s25] =	ssyncadd.s32 $0xFFFFCC00  }
0x62: {  	[tilespmem:s15], [sflag:$0x5] =	stream.linear.gather @!p0 [spmem:s11], $0x800, $0x38;
	[tilespmem:$0x1EE80] =	vst v63  }
0x63: {  	s14 =	sadd.s32 $0x1, s14;
	_ =	swait.ge @!p0 [sflag:s16], $0x800  }
0x64: {  	p1 =	sne.s32 s14, s23;
	[sflag:s16] =	ssyncset.done @!p0 $0x0  }
.Ltmp1:
0x65: {  	s17 =	simm.s32 @!p0 $0x0;
	[sflag:s16] =	ssyncadd.s32 @!p0 $0xFFFFF800;
	(pc) =	sbr.rel @!p1 .LBB2_7-.Ltmp1, $4  }
0x66: {  	[hbm4b:s22+s17] =	stream.linear.scatter @!p0 [tilespmem:s15], [sflag:$0x5], $0x800, $0x38;
	[tilespmem:$0x1EE80] =	vst v63  }
0x67: {  	_ =	swait.ge @!p0 [sflag:s16], $0x800  }
0x68: {  	[sflag:s16] =	ssyncset.done @!p0 $0x0  }
0x69: {  	[sflag:s16] =	ssyncadd.s32 @!p0 $0xFFFFF800  }
.LBB2_1:
0x6a: {  	s15 =	simm.s32 $0x0;
	s16 =	simm.s32 $0x200  }
.LBB2_2:
0x6b: {  	p1 =	sne.s32 s16, $0xCE00;
	[tilespmem:s15+$0x138F0] =	vst v0  }
0x6c: {  	[tilespmem:s15+$0x13880] =	vst v0  }
0x6d: {  	[tilespmem:s15+$0x13890] =	vst v0  }
.Ltmp2:
0x6e: {  	[tilespmem:s15+$0x138A0] =	vst v0;
	(pc) =	sbr.rel @p1 .LBB2_2-.Ltmp2, $4  }
0x6f: {  	[tilespmem:s15+$0x138B0] =	vst v0  }
0x70: {  	[tilespmem:s15+$0x138C0] =	vst v0  }
0x71: {  	[tilespmem:s15+$0x138D0] =	vst v0  }
0x72: {  	[tilespmem:s15+$0x138E0] =	vst v0;
	s15 =	sshra.s32 s16, $0x2;
	s16 =	sadd.s32 $0x200, s16  }
0x73: {  	[tilespmem:s15+$0x138F0] =	vst v0  }
0x74: {  	[tilespmem:s15+$0x13880] =	vst v0  }
0x75: {  	[tilespmem:s15+$0x13890] =	vst v0  }
0x76: {  	[tilespmem:s15+$0x138A0] =	vst v0  }
0x77: {  	[tilespmem:s15+$0x138B0] =	vst v0  }
0x78: {  	[tilespmem:s15+$0x138C0] =	vst v0  }
0x79: {  	[tilespmem:s15+$0x138D0] =	vst v0  }
0x7a: {  	[tilespmem:s15+$0x138E0] =	vst v0  }
0x7b: {  	[spmem:s5] =	stream.linear.scatter [tilespmem:s24], [sflag:$0x5], $0x3400, $0x38;
	[tilespmem:$0x1EE80] =	vst v63  }
0x7c: {  	_ =	swait.ge [sflag:s25], $0x3400  }
0x7d: {  	[sflag:s25] =	ssyncset.done $0x0  }
0x7e: {  	[sflag:s25] =	ssyncadd.s32 $0xFFFFCC00  }
0x7f: {  	[spmem:s6] =	stream.linear.scatter [tilespmem:s24], [sflag:$0x5], $0x3400, $0x38;
	[tilespmem:$0x1EE80] =	vst v63  }
0x80: {  	_ =	swait.ge [sflag:s25], $0x3400  }
0x81: {  	[sflag:s25] =	ssyncset.done $0x0  }
0x82: {  	[sflag:s25] =	ssyncadd.s32 $0xFFFFCC00  }
0x83: {  	[spmem:s7] =	stream.linear.scatter [tilespmem:s24], [sflag:$0x5], $0x3400, $0x38;
	[tilespmem:$0x1EE80] =	vst v63  }
0x84: {  	_ =	swait.ge [sflag:s25], $0x3400  }
0x85: {  	[sflag:s25] =	ssyncset.done $0x0  }
0x86: {  	[sflag:s25] =	ssyncadd.s32 $0xFFFFCC00  }
0x87: {  	[spmem:s8] =	stream.linear.scatter [tilespmem:s24], [sflag:$0x5], $0x3400, $0x38;
	[tilespmem:$0x1EE80] =	vst v63  }
0x88: {  	_ =	swait.ge [sflag:s25], $0x3400  }
0x89: {  	[sflag:s25] =	ssyncset.done $0x0  }
0x8a: {  	[sflag:s25] =	ssyncadd.s32 $0xFFFFCC00  }
0x8b: {  	[spmem:s9] =	stream.linear.scatter [tilespmem:s24], [sflag:$0x5], $0x3400, $0x38;
	[tilespmem:$0x1EE80] =	vst v63  }
0x8c: {  	_ =	swait.ge [sflag:s25], $0x3400  }
0x8d: {  	[sflag:s25] =	ssyncset.done $0x0  }
0x8e: {  	[sflag:s25] =	ssyncadd.s32 $0xFFFFCC00  }
0x8f: {  	[spmem:s10] =	stream.linear.scatter [tilespmem:s24], [sflag:$0x5], $0x3400, $0x38;
	[tilespmem:$0x1EE80] =	vst v63  }
0x90: {  	_ =	swait.ge [sflag:s25], $0x3400  }
0x91: {  	[sflag:s25] =	ssyncset.done $0x0  }
0x92: {  	s15 =	simm.s32 @!p0 $0x13880;
	[sflag:s25] =	ssyncadd.s32 $0xFFFFCC00  }
0x93: {  	[spmem:s11] =	stream.linear.scatter @!p0 [tilespmem:s15], [sflag:$0x5], $0x800, $0x38;
	[tilespmem:$0x1EE80] =	vst v63  }
0x94: {  	s15 =	simm.s32 @!p0 $0x5  }
0x95: {  	_ =	swait.ge @!p0 [sflag:s15], $0x800  }
0x96: {  	[sflag:s15] =	ssyncset.done @!p0 $0x0  }
0x97: {  	[sflag:s15] =	ssyncadd.s32 @!p0 $0xFFFFF800  }
0x98: {  	[bflag:$0x0] =	sbarrier.arrive $0xFFFF  }
0x99: {  	s17 =	rddreg [dreg:$0x4]  }
0x9a: {  	[tilespmem:s26], [sflag:$0x5] =	stream.linear.gather [hbm4b:s17+s4], $0x2700, $0x38;
	[tilespmem:$0x1EE80] =	vst v63  }
0x9b: {  	_ =	swait.ge [sflag:s25], $0x2700  }
0x9c: {  	[sflag:s25] =	ssyncset.done $0x0  }
0x9d: {  	s16 =	rddreg [dreg:$0x5];
	[sflag:s25] =	ssyncadd.s32 $0xFFFFD900  }
0x9e: {  	[tilespmem:s28], [sflag:$0x5] =	stream.linear.gather [hbm4b:s16+s4], $0x2700, $0x38;
	[tilespmem:$0x1EE80] =	vst v63  }
0x9f: {  	_ =	swait.ge [sflag:s25], $0x2700  }
0xa0: {  	[sflag:s25] =	ssyncset.done $0x0  }
0xa1: {  	[sflag:s25] =	ssyncadd.s32 $0xFFFFD900  }
0xa2: {  	[tilespmem:s24], [sflag:$0x1] =	stream.indirect.gather [hbm4b:s1+s29], $0x80, s26, s29, $0xb8;
	[tilespmem:$0x1EE80] =	vst v63  }
0xa3: {  	_ =	swait.ge [sflag:s30], $0x3400  }
0xa4: {  	[sflag:s30] =	ssyncset.done $0x0  }
0xa5: {  	[sflag:s30] =	ssyncadd.s32 $0xFFFFCC00  }
0xa6: {  	[spmem:s2] =	stream.indirect.scatter.add.f32 [tilespmem:s24], [sflag:$0x3], $0x80, s28, s29, $0xb8;
	[tilespmem:$0x1EE80] =	vst v63  }
0xa7: {  	s17 =	simm.s32 $0x1A0E8  }
0xa8: {  	[tilespmem:s0], [sflag:$0x2] =	stream.indirect.gather [hbm4b:s1+s29], $0x80, s17, s29, $0xb8;
	[tilespmem:$0x1EE80] =	vst v63  }
0xa9: {  	_ =	swait.ge [sflag:s3], $0x3400  }
0xaa: {  	[sflag:s3] =	ssyncset.done $0x0  }
0xab: {  	s16 =	simm.s32 $0x1C7E8;
	[sflag:s3] =	ssyncadd.s32 $0xFFFFCC00  }
0xac: {  	[spmem:s2] =	stream.indirect.scatter.add.f32 [tilespmem:s0], [sflag:$0x4], $0x80, s16, s29, $0xb8;
	[tilespmem:$0x1EE80] =	vst v63  }
0xad: {  	_ =	swait.ge [sflag:s31], $0x3400  }
0xae: {  	[sflag:s31] =	ssyncset.done $0x0  }
0xaf: {  	s15 =	simm.s32 $0xFFFF6A80;
	s17 =	simm.s32 $0x1A150;
	[sflag:s31] =	ssyncadd.s32 $0xFFFFCC00  }
0xb0: {  	[tilespmem:s24], [sflag:$0x1] =	stream.indirect.gather [hbm4b:s1+s29], $0x80, s17, s29, $0xb8;
	[tilespmem:$0x1EE80] =	vst v63  }
.LBB2_4:
0xb1: {  	_ =	swait.ge [sflag:s30], $0x3400  }
0xb2: {  	s16 =	sshra.s32 s15, $0x2;
	[sflag:s30] =	ssyncset.done $0x0  }
0xb3: {  	s17 =	sadd.s32 $0x1EDB0, s16;
	[sflag:s30] =	ssyncadd.s32 $0xFFFFCC00  }
0xb4: {  	[spmem:s2] =	stream.indirect.scatter.add.f32 [tilespmem:s24], [sflag:$0x3], $0x80, s17, s29, $0xb8;
	[tilespmem:$0x1EE80] =	vst v63  }
0xb5: {  	_ =	swait.ge [sflag:s12], $0x3400  }
0xb6: {  	[sflag:s12] =	ssyncset.done $0x0  }
0xb7: {  	s17 =	sadd.s32 $0x1C718, s16;
	[sflag:s12] =	ssyncadd.s32 $0xFFFFCC00  }
0xb8: {  	[tilespmem:s0], [sflag:$0x2] =	stream.indirect.gather [hbm4b:s1+s29], $0x80, s17, s29, $0xb8;
	[tilespmem:$0x1EE80] =	vst v63  }
0xb9: {  	_ =	swait.ge [sflag:s3], $0x3400  }
0xba: {  	p1 =	seq.s32 s15, $0x0;
	[sflag:s3] =	ssyncset.done $0x0  }
.Ltmp3:
0xbb: {  	s17 =	sadd.s32 $0x1EE18, s16;
	[sflag:s3] =	ssyncadd.s32 $0xFFFFCC00;
	(pc) =	sbr.rel @p1 .LBB2_6-.Ltmp3, $4  }
0xbc: {  	[spmem:s2] =	stream.indirect.scatter.add.f32 [tilespmem:s0], [sflag:$0x4], $0x80, s17, s29, $0xb8;
	[tilespmem:$0x1EE80] =	vst v63  }
0xbd: {  	_ =	swait.ge [sflag:s31], $0x3400  }
0xbe: {  	[sflag:s31] =	ssyncset.done $0x0  }
0xbf: {  	[sflag:s31] =	ssyncadd.s32 $0xFFFFCC00  }
.Ltmp4:
0xc0: {  	(pc) =	sbr.rel .LBB2_4-.Ltmp4, $3  }
0xc1: {  	_ =	sdelay $0x1  }
0xc2: {  	s16 =	sadd.s32 $0x1C780, s16;
	s15 =	sadd.s32 $0x340, s15  }
0xc3: {  	[tilespmem:s24], [sflag:$0x1] =	stream.indirect.gather [hbm4b:s1+s29], $0x80, s16, s29, $0xb8;
	[tilespmem:$0x1EE80] =	vst v63  }
.LBB2_7:
0xc4: {  	_ =	sfence.sel $0x180000  }
0xc5: {  	[bflag:$0x0] =	sbarrier.arrive $0xFFFF  }
0xc6: {  	_ =	strace $0x90000050  }
0xc7: {  	s0 =	stileid.u32;
	[bflag:$0x2] =	sbarrier.arrive $0xFFFF  }
0xc8: {  	p0 =	sne.s32 s0, $0x0;
	s0 =	rddreg [dreg:$0x3]  }
0xc9: {  	s0 =	sadd.s32 @!p0 $0x100000, s0  }
0xca: {  	[sflag:s0] =	ssyncadd.tile.s32 @!p0 $0x1;
	_ =	shalt  }
.Lfunc_end2:
_tile_overlayer_lowered:
.L_overlay_start_2:
0xcb: {  	(tag) =	ssettag $0x2  }
0xcc: {  	s0 =	rddreg [dreg:$0x0];
	s2 =	stileid.u32  }
0xcd: {  	s1 =	rddreg [dreg:$0x1];
	p0 =	sne.s32 s2, $0x0  }
0xce: {  	s3 =	rddreg [dreg:$0x2];
	[bflag:$0x3] =	sbarrier.arrive $0xFFFF;
	s2 =	simm.s32 @!p0 $0x1C05  }
0xcf: {  	[timem:s3], [sflag:s2] =	dma.local @!p0 [hbm:s0], s1  }
0xd0: {  	s0 =	simm.s32 @!p0 $0x5  }
0xd1: {  	_ =	swait.ge @!p0 [sflag:s0], s1  }
0xd2: {  	s1 =	ssub.s32 @!p0 $0x0, s1;
	[sflag:s0] =	ssyncset.done @!p0 $0x0  }
0xd3: {  	[sflag:s0] =	ssyncadd.s32 @!p0 s1  }
0xd4: {  	[bflag:$0x3] =	sbarrier.arrive $0xFFFF  }
0xd5: {  	_ =	shalt  }

</sc_bundles>
